<compile_context>
chip_gen: v7x
topology: tpu7x:2x2x1
jax: 0.10.2.dev20260603
libtpu: 0.0.44.dev20260713+nightly
codegen_flags: <defaults>
</compile_context>

<pallas_src>
import functools

import jax
import jax.numpy as jnp
from jax import lax
from jax.experimental import pallas as pl
from jax.experimental.pallas import tpu as pltpu
from jax.experimental.pallas import tpu_sc as plsc
from jax._src.pallas import mpmd as _pl_mpmd

N = 131072
D = 32
K = 512

PHASES = (81920, 32768, 16384)
assert sum(PHASES) == N


R = 1024


NC = 2
NS = 16
NW = NC * NS
RPC = 512
GPC = RPC // 16


def _dist_argmin_kernel(xt_ref, c_ref, ids_ref):
    xt = xt_ref[...]
    c = c_ref[...]
    ct = c.T
    cnorm_col = jnp.sum(ct * ct, axis=1, keepdims=True)
    xc2t = jnp.dot(-2.0 * ct, xt, preferred_element_type=jnp.float32)
    dist_t = xc2t + cnorm_col
    ids_ref[...] = jnp.argmin(dist_t, axis=0).astype(jnp.int32)


def _make_dist_argmin(row_off, rows):
    return pl.pallas_call(
        _dist_argmin_kernel,
        grid=(rows // R,),
        in_specs=[
            pl.BlockSpec((D, R), lambda i, o=row_off // R: (0, i + o)),
            pl.BlockSpec((D, K), lambda i: (0, 0)),
        ],
        out_specs=pl.BlockSpec((R,), lambda i: (i,)),
        out_shape=jax.ShapeDtypeStruct((rows,), jnp.int32),
    )


_sc_mesh = plsc.VectorSubcoreMesh(core_axis_name="c", subcore_axis_name="s")


def _make_gather(row_off, rows, aliased):
    rpw = rows // NW
    nch = rpw // RPC

    def _gather_codewords(table_hbm, idx_hbm, *rest):
        if aliased:
            _, out_hbm, table_v, idx_v, out_c = rest
        else:
            out_hbm, table_v, idx_v, out_c = rest
        wid = lax.axis_index("s") * NC + lax.axis_index("c")
        pltpu.sync_copy(table_hbm, table_v)
        pltpu.sync_copy(idx_hbm.at[pl.ds(wid * rpw, rpw)], idx_v)

        def chunk_body(k, carry):
            @plsc.parallel_loop(0, GPC, unroll=2)
            def group_body(g):
                ids16 = idx_v[pl.ds(k * RPC + g * 16, 16)]
                for col in range(D):
                    col_vec = jnp.full((16,), col, jnp.int32)
                    v = plsc.load_gather(table_v, [col_vec, ids16])
                    out_c[col, pl.ds(g * 16, 16)] = v

            col0 = row_off + (wid * nch + k) * RPC
            pltpu.sync_copy(out_c, out_hbm.at[:, pl.ds(col0, RPC)])
            return carry

        lax.fori_loop(0, nch, chunk_body, 0)

    return _pl_mpmd._mpmd_map(
        [(_sc_mesh, _gather_codewords)],
        jax.ShapeDtypeStruct((D, N), jnp.float32),
        input_output_aliases={2: 0} if aliased else {},
        scratch_types=[
            pltpu.VMEM((D, K), jnp.float32),
            pltpu.VMEM((rpw,), jnp.int32),
            pltpu.VMEM((D, RPC), jnp.float32),
        ],
        compiler_params=pltpu.CompilerParams(needs_layout_passes=False),
    )


_offsets = [sum(PHASES[:p]) for p in range(len(PHASES))]
_tc_calls = [_make_dist_argmin(o, n) for o, n in zip(_offsets, PHASES)]
_sc_calls = [_make_gather(o, n, p > 0)
             for p, (o, n) in enumerate(zip(_offsets, PHASES))]


def kernel(x, C):
    xt = x.T
    out_t = None
    for p in range(len(PHASES)):
        ids = _tc_calls[p](xt, C)
        out_t = _sc_calls[p](C, ids) if p == 0 else _sc_calls[p](C, ids, out_t)
    return out_t.T

# --- scband reference (transcript-rebuilt; emitter-appended) ---
"""Pipeline reference for scband-apply-kmeans-63118839382467 (READ-ONLY COPY).

The authoritative reference and input builder live on the scoring server;
editing this copy changes nothing except your own understanding.
"""

import jax, jax.numpy as jnp
import numpy as np


def setup_inputs(seed: int = 0) -> dict:
    key = jax.random.key(seed)
    k1, k2 = jax.random.split(key)
    # forward input: N frames of code_dim features
    x = jax.random.normal(k1, (131072, 32), dtype=jnp.float32)
    # learned parameter: kmeans cluster centers, stored transposed as C [code_dim, K]
    # (stand-in for joblib.load(km_path).cluster_centers_.transpose())
    C = jax.random.normal(k2, (32, 512), dtype=jnp.float32)
    return {"x": x, "C": C}


def reference(x, C):
    # Cnorm [1, K]
    Cnorm = (C ** 2).sum(axis=0, keepdims=True)
    # squared L2 distance expansion: ||x||^2 - 2 x.C + ||c||^2  -> [N, K]
    dist = (x ** 2).sum(axis=1, keepdims=True) - 2.0 * (x @ C) + Cnorm
    cluster_ids = jnp.argmin(dist, axis=1)
    # gather codewords: C.T is [K, code_dim]
    codewords = jnp.take(C.T, cluster_ids, axis=0)
    return codewords

if __name__ == "__main__":
    import jax
    _d = setup_inputs()
    print(jax.jit(kernel)(*tuple(_d.values())))

</pallas_src>

<mosaic_0001>
#map = affine_map<(d0, d1) -> (0, 0)>
#map1 = affine_map<(d0, d1) -> (0)>
module attributes {stable_mosaic.version = 14 : i64} {
  func.func @_gather_codewords(%arg0: i32, %arg1: i32, %arg2: memref<32x512xf32, #tpu.memory_space<hbm>>, %arg3: memref<81920xi32, #tpu.memory_space<hbm>>, %arg4: memref<32x131072xf32, #tpu.memory_space<hbm>>, %arg5: memref<32x512xf32, #tpu.memory_space<vmem>>, %arg6: memref<2560xi32, #tpu.memory_space<vmem>>, %arg7: memref<32x512xf32, #tpu.memory_space<vmem>>) attributes {dimension_semantics = [#tpu.dimension_semantics<core_parallel>, #tpu.dimension_semantics<subcore_parallel>], iteration_bounds = array<i64: 2, 16>, scalar_prefetch = 0 : i64, scratch_operands = 3 : i64, tpu.core_type = #tpu.core_type<sc_vector_subcore>, window_params = [{transform_indices = #map}, {transform_indices = #map1}, {transform_indices = #map}]} {
    %mul3A = arith.constant 2 : i32
    %mul3A_0 = arith.muli %arg1, %mul3A : i32
    %add3A = arith.addi %mul3A_0, %arg0 : i32
    "tpu.region"() ({
      %run_scoped3A = tpu.sem_alloc : memref<!tpu.dma_semaphore, #tpu.memory_space<semaphore_mem>>
      tpu.enqueue_dma source(%arg2 : memref<32x512xf32, #tpu.memory_space<hbm>>) target(%arg5 : memref<32x512xf32, #tpu.memory_space<vmem>>) target_semaphore(%run_scoped3A : memref<!tpu.dma_semaphore, #tpu.memory_space<semaphore_mem>>)
      tpu.wait_dma2 semaphore(%run_scoped3A : memref<!tpu.dma_semaphore, #tpu.memory_space<semaphore_mem>>) src(%arg2 : memref<32x512xf32, #tpu.memory_space<hbm>>) dst(%arg5 : memref<32x512xf32, #tpu.memory_space<vmem>>)
      tpu.yield
    }) : () -> ()
    %mul3A_1 = arith.constant 2560 : i32
    %mul3A_2 = arith.muli %add3A, %mul3A_1 : i32
    "tpu.region"() ({
      %run_scoped3A = tpu.sem_alloc : memref<!tpu.dma_semaphore, #tpu.memory_space<semaphore_mem>>
      %dma_start3A = tpu.memref_slice %arg3[%mul3A_2] : memref<81920xi32, #tpu.memory_space<hbm>> -> memref<2560xi32, #tpu.memory_space<hbm>>
      %dma_start3A_8 = tpu.memref_slice %arg3[%mul3A_2] : memref<81920xi32, #tpu.memory_space<hbm>> -> memref<2560xi32, #tpu.memory_space<hbm>>
      tpu.enqueue_dma source(%dma_start3A_8 : memref<2560xi32, #tpu.memory_space<hbm>>) target(%arg6 : memref<2560xi32, #tpu.memory_space<vmem>>) target_semaphore(%run_scoped3A : memref<!tpu.dma_semaphore, #tpu.memory_space<semaphore_mem>>)
      %dma_wait3A = tpu.memref_slice %arg3[%mul3A_2] : memref<81920xi32, #tpu.memory_space<hbm>> -> memref<2560xi32, #tpu.memory_space<hbm>>
      %dma_wait3A_9 = tpu.memref_slice %arg3[%mul3A_2] : memref<81920xi32, #tpu.memory_space<hbm>> -> memref<2560xi32, #tpu.memory_space<hbm>>
      tpu.wait_dma2 semaphore(%run_scoped3A : memref<!tpu.dma_semaphore, #tpu.memory_space<semaphore_mem>>) src(%dma_wait3A_9 : memref<2560xi32, #tpu.memory_space<hbm>>) dst(%arg6 : memref<2560xi32, #tpu.memory_space<vmem>>)
      tpu.yield
    }) : () -> ()
    %scan3A = arith.constant 0 : i32
    %scan3A_3 = arith.constant 0 : i32
    %scan3A_4 = arith.constant 5 : i32
    %scan3A_5 = arith.addi %scan3A_3, %scan3A_4 : i32
    %scan3A_6 = arith.constant 1 : i32
    scf.for %scan3A_8 = %scan3A_3 to %scan3A_5 step %scan3A_6  : i32 {
      %parallel_loop3A = arith.constant 0 : i32
      %parallel_loop3A_9 = arith.constant 32 : i32
      %parallel_loop3A_10 = arith.constant 1 : i32
      scf.for %parallel_loop3A_18 = %parallel_loop3A to %parallel_loop3A_9 step %parallel_loop3A_10  : i32 {
        %parallel_loop3A_19 = arith.constant 512 : i32
        %parallel_loop3A_20 = arith.muli %scan3A_8, %parallel_loop3A_19 : i32
        %parallel_loop3A_21 = arith.constant 16 : i32
        %parallel_loop3A_22 = arith.muli %parallel_loop3A_18, %parallel_loop3A_21 : i32
        %parallel_loop3A_23 = arith.addi %parallel_loop3A_20, %parallel_loop3A_22 : i32
        %parallel_loop3A_24 = arith.index_cast %parallel_loop3A_23 : i32 to index
        %parallel_loop3A_25 = tpu.vector_load %arg6[%parallel_loop3A_24] {strides = array<i32>} : memref<2560xi32, #tpu.memory_space<vmem>>, vector<16xi32>,
        %parallel_loop3A_26 = arith.constant 0 : i32
        %parallel_loop3A_27 = vector.broadcast %parallel_loop3A_26 : i32 to vector<16xi32>
        %parallel_loop3A_28 = tpu.vector_load_idx %arg5[%parallel_loop3A_27, %parallel_loop3A_25] : memref<32x512xf32, #tpu.memory_space<vmem>>[vector<16xi32>, vector<16xi32>], vector<16xf32>,
        %parallel_loop3A_29 = arith.constant 16 : i32
        %parallel_loop3A_30 = arith.muli %parallel_loop3A_18, %parallel_loop3A_29 : i32
        %parallel_loop3A_31 = arith.constant 0 : i32
        %parallel_loop3A_32 = arith.index_cast %parallel_loop3A_31 : i32 to index
        %parallel_loop3A_33 = arith.index_cast %parallel_loop3A_30 : i32 to index
        %parallel_loop3A_34 = tpu.vector_load %arg7[%parallel_loop3A_32, %parallel_loop3A_33] {strides = array<i32>} : memref<32x512xf32, #tpu.memory_space<vmem>>, vector<16xf32>,
        tpu.vector_store %arg7[%parallel_loop3A_32, %parallel_loop3A_33], %parallel_loop3A_28 {strides = array<i32>} : memref<32x512xf32, #tpu.memory_space<vmem>>, vector<16xf32>,
        %parallel_loop3A_35 = arith.constant 1 : i32
        %parallel_loop3A_36 = vector.broadcast %parallel_loop3A_35 : i32 to vector<16xi32>
        %parallel_loop3A_37 = tpu.vector_load_idx %arg5[%parallel_loop3A_36, %parallel_loop3A_25] : memref<32x512xf32, #tpu.memory_space<vmem>>[vector<16xi32>, vector<16xi32>], vector<16xf32>,
        %parallel_loop3A_38 = arith.constant 16 : i32
        %parallel_loop3A_39 = arith.muli %parallel_loop3A_18, %parallel_loop3A_38 : i32
        %parallel_loop3A_40 = arith.constant 1 : i32
        %parallel_loop3A_41 = arith.index_cast %parallel_loop3A_40 : i32 to index
        %parallel_loop3A_42 = arith.index_cast %parallel_loop3A_39 : i32 to index
        %parallel_loop3A_43 = tpu.vector_load %arg7[%parallel_loop3A_41, %parallel_loop3A_42] {strides = array<i32>} : memref<32x512xf32, #tpu.memory_space<vmem>>, vector<16xf32>,
        tpu.vector_store %arg7[%parallel_loop3A_41, %parallel_loop3A_42], %parallel_loop3A_37 {strides = array<i32>} : memref<32x512xf32, #tpu.memory_space<vmem>>, vector<16xf32>,
        %parallel_loop3A_44 = arith.constant 2 : i32
        %parallel_loop3A_45 = vector.broadcast %parallel_loop3A_44 : i32 to vector<16xi32>
        %parallel_loop3A_46 = tpu.vector_load_idx %arg5[%parallel_loop3A_45, %parallel_loop3A_25] : memref<32x512xf32, #tpu.memory_space<vmem>>[vector<16xi32>, vector<16xi32>], vector<16xf32>,
        %parallel_loop3A_47 = arith.constant 16 : i32
        %parallel_loop3A_48 = arith.muli %parallel_loop3A_18, %parallel_loop3A_47 : i32
        %parallel_loop3A_49 = arith.constant 2 : i32
        %parallel_loop3A_50 = arith.index_cast %parallel_loop3A_49 : i32 to index
        %parallel_loop3A_51 = arith.index_cast %parallel_loop3A_48 : i32 to index
        %parallel_loop3A_52 = tpu.vector_load %arg7[%parallel_loop3A_50, %parallel_loop3A_51] {strides = array<i32>} : memref<32x512xf32, #tpu.memory_space<vmem>>, vector<16xf32>,
        tpu.vector_store %arg7[%parallel_loop3A_50, %parallel_loop3A_51], %parallel_loop3A_46 {strides = array<i32>} : memref<32x512xf32, #tpu.memory_space<vmem>>, vector<16xf32>,
        %parallel_loop3A_53 = arith.constant 3 : i32
        %parallel_loop3A_54 = vector.broadcast %parallel_loop3A_53 : i32 to vector<16xi32>
        %parallel_loop3A_55 = tpu.vector_load_idx %arg5[%parallel_loop3A_54, %parallel_loop3A_25] : memref<32x512xf32, #tpu.memory_space<vmem>>[vector<16xi32>, vector<16xi32>], vector<16xf32>,
        %parallel_loop3A_56 = arith.constant 16 : i32
        %parallel_loop3A_57 = arith.muli %parallel_loop3A_18, %parallel_loop3A_56 : i32
        %parallel_loop3A_58 = arith.constant 3 : i32
        %parallel_loop3A_59 = arith.index_cast %parallel_loop3A_58 : i32 to index
        %parallel_loop3A_60 = arith.index_cast %parallel_loop3A_57 : i32 to index
        %parallel_loop3A_61 = tpu.vector_load %arg7[%parallel_loop3A_59, %parallel_loop3A_60] {strides = array<i32>} : memref<32x512xf32, #tpu.memory_space<vmem>>, vector<16xf32>,
        tpu.vector_store %arg7[%parallel_loop3A_59, %parallel_loop3A_60], %parallel_loop3A_55 {strides = array<i32>} : memref<32x512xf32, #tpu.memory_space<vmem>>, vector<16xf32>,
        %parallel_loop3A_62 = arith.constant 4 : i32
        %parallel_loop3A_63 = vector.broadcast %parallel_loop3A_62 : i32 to vector<16xi32>
        %parallel_loop3A_64 = tpu.vector_load_idx %arg5[%parallel_loop3A_63, %parallel_loop3A_25] : memref<32x512xf32, #tpu.memory_space<vmem>>[vector<16xi32>, vector<16xi32>], vector<16xf32>,
        %parallel_loop3A_65 = arith.constant 16 : i32
        %parallel_loop3A_66 = arith.muli %parallel_loop3A_18, %parallel_loop3A_65 : i32
        %parallel_loop3A_67 = arith.constant 4 : i32
        %parallel_loop3A_68 = arith.index_cast %parallel_loop3A_67 : i32 to index
        %parallel_loop3A_69 = arith.index_cast %parallel_loop3A_66 : i32 to index
        %parallel_loop3A_70 = tpu.vector_load %arg7[%parallel_loop3A_68, %parallel_loop3A_69] {strides = array<i32>} : memref<32x512xf32, #tpu.memory_space<vmem>>, vector<16xf32>,
        tpu.vector_store %arg7[%parallel_loop3A_68, %parallel_loop3A_69], %parallel_loop3A_64 {strides = array<i32>} : memref<32x512xf32, #tpu.memory_space<vmem>>, vector<16xf32>,
        %parallel_loop3A_71 = arith.constant 5 : i32
        %parallel_loop3A_72 = vector.broadcast %parallel_loop3A_71 : i32 to vector<16xi32>
        %parallel_loop3A_73 = tpu.vector_load_idx %arg5[%parallel_loop3A_72, %parallel_loop3A_25] : memref<32x512xf32, #tpu.memory_space<vmem>>[vector<16xi32>, vector<16xi32>], vector<16xf32>,
        %parallel_loop3A_74 = arith.constant 16 : i32
        %parallel_loop3A_75 = arith.muli %parallel_loop3A_18, %parallel_loop3A_74 : i32
        %parallel_loop3A_76 = arith.constant 5 : i32
        %parallel_loop3A_77 = arith.index_cast %parallel_loop3A_76 : i32 to index
        %parallel_loop3A_78 = arith.index_cast %parallel_loop3A_75 : i32 to index
        %parallel_loop3A_79 = tpu.vector_load %arg7[%parallel_loop3A_77, %parallel_loop3A_78] {strides = array<i32>} : memref<32x512xf32, #tpu.memory_space<vmem>>, vector<16xf32>,
        tpu.vector_store %arg7[%parallel_loop3A_77, %parallel_loop3A_78], %parallel_loop3A_73 {strides = array<i32>} : memref<32x512xf32, #tpu.memory_space<vmem>>, vector<16xf32>,
        %parallel_loop3A_80 = arith.constant 6 : i32
        %parallel_loop3A_81 = vector.broadcast %parallel_loop3A_80 : i32 to vector<16xi32>
        %parallel_loop3A_82 = tpu.vector_load_idx %arg5[%parallel_loop3A_81, %parallel_loop3A_25] : memref<32x512xf32, #tpu.memory_space<vmem>>[vector<16xi32>, vector<16xi32>], vector<16xf32>,
        %parallel_loop3A_83 = arith.constant 16 : i32
        %parallel_loop3A_84 = arith.muli %parallel_loop3A_18, %parallel_loop3A_83 : i32
        %parallel_loop3A_85 = arith.constant 6 : i32
        %parallel_loop3A_86 = arith.index_cast %parallel_loop3A_85 : i32 to index
        %parallel_loop3A_87 = arith.index_cast %parallel_loop3A_84 : i32 to index
        %parallel_loop3A_88 = tpu.vector_load %arg7[%parallel_loop3A_86, %parallel_loop3A_87] {strides = array<i32>} : memref<32x512xf32, #tpu.memory_space<vmem>>, vector<16xf32>,
        tpu.vector_store %arg7[%parallel_loop3A_86, %parallel_loop3A_87], %parallel_loop3A_82 {strides = array<i32>} : memref<32x512xf32, #tpu.memory_space<vmem>>, vector<16xf32>,
        %parallel_loop3A_89 = arith.constant 7 : i32
        %parallel_loop3A_90 = vector.broadcast %parallel_loop3A_89 : i32 to vector<16xi32>
        %parallel_loop3A_91 = tpu.vector_load_idx %arg5[%parallel_loop3A_90, %parallel_loop3A_25] : memref<32x512xf32, #tpu.memory_space<vmem>>[vector<16xi32>, vector<16xi32>], vector<16xf32>,
        %parallel_loop3A_92 = arith.constant 16 : i32
        %parallel_loop3A_93 = arith.muli %parallel_loop3A_18, %parallel_loop3A_92 : i32
        %parallel_loop3A_94 = arith.constant 7 : i32
        %parallel_loop3A_95 = arith.index_cast %parallel_loop3A_94 : i32 to index
        %parallel_loop3A_96 = arith.index_cast %parallel_loop3A_93 : i32 to index
        %parallel_loop3A_97 = tpu.vector_load %arg7[%parallel_loop3A_95, %parallel_loop3A_96] {strides = array<i32>} : memref<32x512xf32, #tpu.memory_space<vmem>>, vector<16xf32>,
        tpu.vector_store %arg7[%parallel_loop3A_95, %parallel_loop3A_96], %parallel_loop3A_91 {strides = array<i32>} : memref<32x512xf32, #tpu.memory_space<vmem>>, vector<16xf32>,
        %parallel_loop3A_98 = arith.constant 8 : i32
        %parallel_loop3A_99 = vector.broadcast %parallel_loop3A_98 : i32 to vector<16xi32>
        %parallel_loop3A_100 = tpu.vector_load_idx %arg5[%parallel_loop3A_99, %parallel_loop3A_25] : memref<32x512xf32, #tpu.memory_space<vmem>>[vector<16xi32>, vector<16xi32>], vector<16xf32>,
        %parallel_loop3A_101 = arith.constant 16 : i32
        %parallel_loop3A_102 = arith.muli %parallel_loop3A_18, %parallel_loop3A_101 : i32
        %parallel_loop3A_103 = arith.constant 8 : i32
        %parallel_loop3A_104 = arith.index_cast %parallel_loop3A_103 : i32 to index
        %parallel_loop3A_105 = arith.index_cast %parallel_loop3A_102 : i32 to index
        %parallel_loop3A_106 = tpu.vector_load %arg7[%parallel_loop3A_104, %parallel_loop3A_105] {strides = array<i32>} : memref<32x512xf32, #tpu.memory_space<vmem>>, vector<16xf32>,
        tpu.vector_store %arg7[%parallel_loop3A_104, %parallel_loop3A_105], %parallel_loop3A_100 {strides = array<i32>} : memref<32x512xf32, #tpu.memory_space<vmem>>, vector<16xf32>,
        %parallel_loop3A_107 = arith.constant 9 : i32
        %parallel_loop3A_108 = vector.broadcast %parallel_loop3A_107 : i32 to vector<16xi32>
        %parallel_loop3A_109 = tpu.vector_load_idx %arg5[%parallel_loop3A_108, %parallel_loop3A_25] : memref<32x512xf32, #tpu.memory_space<vmem>>[vector<16xi32>, vector<16xi32>], vector<16xf32>,
        %parallel_loop3A_110 = arith.constant 16 : i32
        %parallel_loop3A_111 = arith.muli %parallel_loop3A_18, %parallel_loop3A_110 : i32
        %parallel_loop3A_112 = arith.constant 9 : i32
        %parallel_loop3A_113 = arith.index_cast %parallel_loop3A_112 : i32 to index
        %parallel_loop3A_114 = arith.index_cast %parallel_loop3A_111 : i32 to index
        %parallel_loop3A_115 = tpu.vector_load %arg7[%parallel_loop3A_113, %parallel_loop3A_114] {strides = array<i32>} : memref<32x512xf32, #tpu.memory_space<vmem>>, vector<16xf32>,
        tpu.vector_store %arg7[%parallel_loop3A_113, %parallel_loop3A_114], %parallel_loop3A_109 {strides = array<i32>} : memref<32x512xf32, #tpu.memory_space<vmem>>, vector<16xf32>,
        %parallel_loop3A_116 = arith.constant 10 : i32
        %parallel_loop3A_117 = vector.broadcast %parallel_loop3A_116 : i32 to vector<16xi32>
        %parallel_loop3A_118 = tpu.vector_load_idx %arg5[%parallel_loop3A_117, %parallel_loop3A_25] : memref<32x512xf32, #tpu.memory_space<vmem>>[vector<16xi32>, vector<16xi32>], vector<16xf32>,
        %parallel_loop3A_119 = arith.constant 16 : i32
        %parallel_loop3A_120 = arith.muli %parallel_loop3A_18, %parallel_loop3A_119 : i32
        %parallel_loop3A_121 = arith.constant 10 : i32
        %parallel_loop3A_122 = arith.index_cast %parallel_loop3A_121 : i32 to index
        %parallel_loop3A_123 = arith.index_cast %parallel_loop3A_120 : i32 to index
        %parallel_loop3A_124 = tpu.vector_load %arg7[%parallel_loop3A_122, %parallel_loop3A_123] {strides = array<i32>} : memref<32x512xf32, #tpu.memory_space<vmem>>, vector<16xf32>,
        tpu.vector_store %arg7[%parallel_loop3A_122, %parallel_loop3A_123], %parallel_loop3A_118 {strides = array<i32>} : memref<32x512xf32, #tpu.memory_space<vmem>>, vector<16xf32>,
        %parallel_loop3A_125 = arith.constant 11 : i32
        %parallel_loop3A_126 = vector.broadcast %parallel_loop3A_125 : i32 to vector<16xi32>
        %parallel_loop3A_127 = tpu.vector_load_idx %arg5[%parallel_loop3A_126, %parallel_loop3A_25] : memref<32x512xf32, #tpu.memory_space<vmem>>[vector<16xi32>, vector<16xi32>], vector<16xf32>,
        %parallel_loop3A_128 = arith.constant 16 : i32
        %parallel_loop3A_129 = arith.muli %parallel_loop3A_18, %parallel_loop3A_128 : i32
        %parallel_loop3A_130 = arith.constant 11 : i32
        %parallel_loop3A_131 = arith.index_cast %parallel_loop3A_130 : i32 to index
        %parallel_loop3A_132 = arith.index_cast %parallel_loop3A_129 : i32 to index
        %parallel_loop3A_133 = tpu.vector_load %arg7[%parallel_loop3A_131, %parallel_loop3A_132] {strides = array<i32>} : memref<32x512xf32, #tpu.memory_space<vmem>>, vector<16xf32>,
        tpu.vector_store %arg7[%parallel_loop3A_131, %parallel_loop3A_132], %parallel_loop3A_127 {strides = array<i32>} : memref<32x512xf32, #tpu.memory_space<vmem>>, vector<16xf32>,
        %parallel_loop3A_134 = arith.constant 12 : i32
        %parallel_loop3A_135 = vector.broadcast %parallel_loop3A_134 : i32 to vector<16xi32>
        %parallel_loop3A_136 = tpu.vector_load_idx %arg5[%parallel_loop3A_135, %parallel_loop3A_25] : memref<32x512xf32, #tpu.memory_space<vmem>>[vector<16xi32>, vector<16xi32>], vector<16xf32>,
        %parallel_loop3A_137 = arith.constant 16 : i32
        %parallel_loop3A_138 = arith.muli %parallel_loop3A_18, %parallel_loop3A_137 : i32
        %parallel_loop3A_139 = arith.constant 12 : i32
        %parallel_loop3A_140 = arith.index_cast %parallel_loop3A_139 : i32 to index
        %parallel_loop3A_141 = arith.index_cast %parallel_loop3A_138 : i32 to index
        %parallel_loop3A_142 = tpu.vector_load %arg7[%parallel_loop3A_140, %parallel_loop3A_141] {strides = array<i32>} : memref<32x512xf32, #tpu.memory_space<vmem>>, vector<16xf32>,
        tpu.vector_store %arg7[%parallel_loop3A_140, %parallel_loop3A_141], %parallel_loop3A_136 {strides = array<i32>} : memref<32x512xf32, #tpu.memory_space<vmem>>, vector<16xf32>,
        %parallel_loop3A_143 = arith.constant 13 : i32
        %parallel_loop3A_144 = vector.broadcast %parallel_loop3A_143 : i32 to vector<16xi32>
        %parallel_loop3A_145 = tpu.vector_load_idx %arg5[%parallel_loop3A_144, %parallel_loop3A_25] : memref<32x512xf32, #tpu.memory_space<vmem>>[vector<16xi32>, vector<16xi32>], vector<16xf32>,
        %parallel_loop3A_146 = arith.constant 16 : i32
        %parallel_loop3A_147 = arith.muli %parallel_loop3A_18, %parallel_loop3A_146 : i32
        %parallel_loop3A_148 = arith.constant 13 : i32
        %parallel_loop3A_149 = arith.index_cast %parallel_loop3A_148 : i32 to index
        %parallel_loop3A_150 = arith.index_cast %parallel_loop3A_147 : i32 to index
        %parallel_loop3A_151 = tpu.vector_load %arg7[%parallel_loop3A_149, %parallel_loop3A_150] {strides = array<i32>} : memref<32x512xf32, #tpu.memory_space<vmem>>, vector<16xf32>,
        tpu.vector_store %arg7[%parallel_loop3A_149, %parallel_loop3A_150], %parallel_loop3A_145 {strides = array<i32>} : memref<32x512xf32, #tpu.memory_space<vmem>>, vector<16xf32>,
        %parallel_loop3A_152 = arith.constant 14 : i32
        %parallel_loop3A_153 = vector.broadcast %parallel_loop3A_152 : i32 to vector<16xi32>
        %parallel_loop3A_154 = tpu.vector_load_idx %arg5[%parallel_loop3A_153, %parallel_loop3A_25] : memref<32x512xf32, #tpu.memory_space<vmem>>[vector<16xi32>, vector<16xi32>], vector<16xf32>,
        %parallel_loop3A_155 = arith.constant 16 : i32
        %parallel_loop3A_156 = arith.muli %parallel_loop3A_18, %parallel_loop3A_155 : i32
        %parallel_loop3A_157 = arith.constant 14 : i32
        %parallel_loop3A_158 = arith.index_cast %parallel_loop3A_157 : i32 to index
        %parallel_loop3A_159 = arith.index_cast %parallel_loop3A_156 : i32 to index
        %parallel_loop3A_160 = tpu.vector_load %arg7[%parallel_loop3A_158, %parallel_loop3A_159] {strides = array<i32>} : memref<32x512xf32, #tpu.memory_space<vmem>>, vector<16xf32>,
        tpu.vector_store %arg7[%parallel_loop3A_158, %parallel_loop3A_159], %parallel_loop3A_154 {strides = array<i32>} : memref<32x512xf32, #tpu.memory_space<vmem>>, vector<16xf32>,
        %parallel_loop3A_161 = arith.constant 15 : i32
        %parallel_loop3A_162 = vector.broadcast %parallel_loop3A_161 : i32 to vector<16xi32>
        %parallel_loop3A_163 = tpu.vector_load_idx %arg5[%parallel_loop3A_162, %parallel_loop3A_25] : memref<32x512xf32, #tpu.memory_space<vmem>>[vector<16xi32>, vector<16xi32>], vector<16xf32>,
        %parallel_loop3A_164 = arith.constant 16 : i32
        %parallel_loop3A_165 = arith.muli %parallel_loop3A_18, %parallel_loop3A_164 : i32
        %parallel_loop3A_166 = arith.constant 15 : i32
        %parallel_loop3A_167 = arith.index_cast %parallel_loop3A_166 : i32 to index
        %parallel_loop3A_168 = arith.index_cast %parallel_loop3A_165 : i32 to index
        %parallel_loop3A_169 = tpu.vector_load %arg7[%parallel_loop3A_167, %parallel_loop3A_168] {strides = array<i32>} : memref<32x512xf32, #tpu.memory_space<vmem>>, vector<16xf32>,
        tpu.vector_store %arg7[%parallel_loop3A_167, %parallel_loop3A_168], %parallel_loop3A_163 {strides = array<i32>} : memref<32x512xf32, #tpu.memory_space<vmem>>, vector<16xf32>,
        %parallel_loop3A_170 = arith.constant 16 : i32
        %parallel_loop3A_171 = vector.broadcast %parallel_loop3A_170 : i32 to vector<16xi32>
        %parallel_loop3A_172 = tpu.vector_load_idx %arg5[%parallel_loop3A_171, %parallel_loop3A_25] : memref<32x512xf32, #tpu.memory_space<vmem>>[vector<16xi32>, vector<16xi32>], vector<16xf32>,
        %parallel_loop3A_173 = arith.constant 16 : i32
        %parallel_loop3A_174 = arith.muli %parallel_loop3A_18, %parallel_loop3A_173 : i32
        %parallel_loop3A_175 = arith.constant 16 : i32
        %parallel_loop3A_176 = arith.index_cast %parallel_loop3A_175 : i32 to index
        %parallel_loop3A_177 = arith.index_cast %parallel_loop3A_174 : i32 to index
        %parallel_loop3A_178 = tpu.vector_load %arg7[%parallel_loop3A_176, %parallel_loop3A_177] {strides = array<i32>} : memref<32x512xf32, #tpu.memory_space<vmem>>, vector<16xf32>,
        tpu.vector_store %arg7[%parallel_loop3A_176, %parallel_loop3A_177], %parallel_loop3A_172 {strides = array<i32>} : memref<32x512xf32, #tpu.memory_space<vmem>>, vector<16xf32>,
        %parallel_loop3A_179 = arith.constant 17 : i32
        %parallel_loop3A_180 = vector.broadcast %parallel_loop3A_179 : i32 to vector<16xi32>
        %parallel_loop3A_181 = tpu.vector_load_idx %arg5[%parallel_loop3A_180, %parallel_loop3A_25] : memref<32x512xf32, #tpu.memory_space<vmem>>[vector<16xi32>, vector<16xi32>], vector<16xf32>,
        %parallel_loop3A_182 = arith.constant 16 : i32
        %parallel_loop3A_183 = arith.muli %parallel_loop3A_18, %parallel_loop3A_182 : i32
        %parallel_loop3A_184 = arith.constant 17 : i32
        %parallel_loop3A_185 = arith.index_cast %parallel_loop3A_184 : i32 to index
        %parallel_loop3A_186 = arith.index_cast %parallel_loop3A_183 : i32 to index
        %parallel_loop3A_187 = tpu.vector_load %arg7[%parallel_loop3A_185, %parallel_loop3A_186] {strides = array<i32>} : memref<32x512xf32, #tpu.memory_space<vmem>>, vector<16xf32>,
        tpu.vector_store %arg7[%parallel_loop3A_185, %parallel_loop3A_186], %parallel_loop3A_181 {strides = array<i32>} : memref<32x512xf32, #tpu.memory_space<vmem>>, vector<16xf32>,
        %parallel_loop3A_188 = arith.constant 18 : i32
        %parallel_loop3A_189 = vector.broadcast %parallel_loop3A_188 : i32 to vector<16xi32>
        %parallel_loop3A_190 = tpu.vector_load_idx %arg5[%parallel_loop3A_189, %parallel_loop3A_25] : memref<32x512xf32, #tpu.memory_space<vmem>>[vector<16xi32>, vector<16xi32>], vector<16xf32>,
        %parallel_loop3A_191 = arith.constant 16 : i32
        %parallel_loop3A_192 = arith.muli %parallel_loop3A_18, %parallel_loop3A_191 : i32
        %parallel_loop3A_193 = arith.constant 18 : i32
        %parallel_loop3A_194 = arith.index_cast %parallel_loop3A_193 : i32 to index
        %parallel_loop3A_195 = arith.index_cast %parallel_loop3A_192 : i32 to index
        %parallel_loop3A_196 = tpu.vector_load %arg7[%parallel_loop3A_194, %parallel_loop3A_195] {strides = array<i32>} : memref<32x512xf32, #tpu.memory_space<vmem>>, vector<16xf32>,
        tpu.vector_store %arg7[%parallel_loop3A_194, %parallel_loop3A_195], %parallel_loop3A_190 {strides = array<i32>} : memref<32x512xf32, #tpu.memory_space<vmem>>, vector<16xf32>,
        %parallel_loop3A_197 = arith.constant 19 : i32
        %parallel_loop3A_198 = vector.broadcast %parallel_loop3A_197 : i32 to vector<16xi32>
        %parallel_loop3A_199 = tpu.vector_load_idx %arg5[%parallel_loop3A_198, %parallel_loop3A_25] : memref<32x512xf32, #tpu.memory_space<vmem>>[vector<16xi32>, vector<16xi32>], vector<16xf32>,
        %parallel_loop3A_200 = arith.constant 16 : i32
        %parallel_loop3A_201 = arith.muli %parallel_loop3A_18, %parallel_loop3A_200 : i32
        %parallel_loop3A_202 = arith.constant 19 : i32
        %parallel_loop3A_203 = arith.index_cast %parallel_loop3A_202 : i32 to index
        %parallel_loop3A_204 = arith.index_cast %parallel_loop3A_201 : i32 to index
        %parallel_loop3A_205 = tpu.vector_load %arg7[%parallel_loop3A_203, %parallel_loop3A_204] {strides = array<i32>} : memref<32x512xf32, #tpu.memory_space<vmem>>, vector<16xf32>,
        tpu.vector_store %arg7[%parallel_loop3A_203, %parallel_loop3A_204], %parallel_loop3A_199 {strides = array<i32>} : memref<32x512xf32, #tpu.memory_space<vmem>>, vector<16xf32>,
        %parallel_loop3A_206 = arith.constant 20 : i32
        %parallel_loop3A_207 = vector.broadcast %parallel_loop3A_206 : i32 to vector<16xi32>
        %parallel_loop3A_208 = tpu.vector_load_idx %arg5[%parallel_loop3A_207, %parallel_loop3A_25] : memref<32x512xf32, #tpu.memory_space<vmem>>[vector<16xi32>, vector<16xi32>], vector<16xf32>,
        %parallel_loop3A_209 = arith.constant 16 : i32
        %parallel_loop3A_210 = arith.muli %parallel_loop3A_18, %parallel_loop3A_209 : i32
        %parallel_loop3A_211 = arith.constant 20 : i32
        %parallel_loop3A_212 = arith.index_cast %parallel_loop3A_211 : i32 to index
        %parallel_loop3A_213 = arith.index_cast %parallel_loop3A_210 : i32 to index
        %parallel_loop3A_214 = tpu.vector_load %arg7[%parallel_loop3A_212, %parallel_loop3A_213] {strides = array<i32>} : memref<32x512xf32, #tpu.memory_space<vmem>>, vector<16xf32>,
        tpu.vector_store %arg7[%parallel_loop3A_212, %parallel_loop3A_213], %parallel_loop3A_208 {strides = array<i32>} : memref<32x512xf32, #tpu.memory_space<vmem>>, vector<16xf32>,
        %parallel_loop3A_215 = arith.constant 21 : i32
        %parallel_loop3A_216 = vector.broadcast %parallel_loop3A_215 : i32 to vector<16xi32>
        %parallel_loop3A_217 = tpu.vector_load_idx %arg5[%parallel_loop3A_216, %parallel_loop3A_25] : memref<32x512xf32, #tpu.memory_space<vmem>>[vector<16xi32>, vector<16xi32>], vector<16xf32>,
        %parallel_loop3A_218 = arith.constant 16 : i32
        %parallel_loop3A_219 = arith.muli %parallel_loop3A_18, %parallel_loop3A_218 : i32
        %parallel_loop3A_220 = arith.constant 21 : i32
        %parallel_loop3A_221 = arith.index_cast %parallel_loop3A_220 : i32 to index
        %parallel_loop3A_222 = arith.index_cast %parallel_loop3A_219 : i32 to index
        %parallel_loop3A_223 = tpu.vector_load %arg7[%parallel_loop3A_221, %parallel_loop3A_222] {strides = array<i32>} : memref<32x512xf32, #tpu.memory_space<vmem>>, vector<16xf32>,
        tpu.vector_store %arg7[%parallel_loop3A_221, %parallel_loop3A_222], %parallel_loop3A_217 {strides = array<i32>} : memref<32x512xf32, #tpu.memory_space<vmem>>, vector<16xf32>,
        %parallel_loop3A_224 = arith.constant 22 : i32
        %parallel_loop3A_225 = vector.broadcast %parallel_loop3A_224 : i32 to vector<16xi32>
        %parallel_loop3A_226 = tpu.vector_load_idx %arg5[%parallel_loop3A_225, %parallel_loop3A_25] : memref<32x512xf32, #tpu.memory_space<vmem>>[vector<16xi32>, vector<16xi32>], vector<16xf32>,
        %parallel_loop3A_227 = arith.constant 16 : i32
        %parallel_loop3A_228 = arith.muli %parallel_loop3A_18, %parallel_loop3A_227 : i32
        %parallel_loop3A_229 = arith.constant 22 : i32
        %parallel_loop3A_230 = arith.index_cast %parallel_loop3A_229 : i32 to index
        %parallel_loop3A_231 = arith.index_cast %parallel_loop3A_228 : i32 to index
        %parallel_loop3A_232 = tpu.vector_load %arg7[%parallel_loop3A_230, %parallel_loop3A_231] {strides = array<i32>} : memref<32x512xf32, #tpu.memory_space<vmem>>, vector<16xf32>,
        tpu.vector_store %arg7[%parallel_loop3A_230, %parallel_loop3A_231], %parallel_loop3A_226 {strides = array<i32>} : memref<32x512xf32, #tpu.memory_space<vmem>>, vector<16xf32>,
        %parallel_loop3A_233 = arith.constant 23 : i32
        %parallel_loop3A_234 = vector.broadcast %parallel_loop3A_233 : i32 to vector<16xi32>
        %parallel_loop3A_235 = tpu.vector_load_idx %arg5[%parallel_loop3A_234, %parallel_loop3A_25] : memref<32x512xf32, #tpu.memory_space<vmem>>[vector<16xi32>, vector<16xi32>], vector<16xf32>,
        %parallel_loop3A_236 = arith.constant 16 : i32
        %parallel_loop3A_237 = arith.muli %parallel_loop3A_18, %parallel_loop3A_236 : i32
        %parallel_loop3A_238 = arith.constant 23 : i32
        %parallel_loop3A_239 = arith.index_cast %parallel_loop3A_238 : i32 to index
        %parallel_loop3A_240 = arith.index_cast %parallel_loop3A_237 : i32 to index
        %parallel_loop3A_241 = tpu.vector_load %arg7[%parallel_loop3A_239, %parallel_loop3A_240] {strides = array<i32>} : memref<32x512xf32, #tpu.memory_space<vmem>>, vector<16xf32>,
        tpu.vector_store %arg7[%parallel_loop3A_239, %parallel_loop3A_240], %parallel_loop3A_235 {strides = array<i32>} : memref<32x512xf32, #tpu.memory_space<vmem>>, vector<16xf32>,
        %parallel_loop3A_242 = arith.constant 24 : i32
        %parallel_loop3A_243 = vector.broadcast %parallel_loop3A_242 : i32 to vector<16xi32>
        %parallel_loop3A_244 = tpu.vector_load_idx %arg5[%parallel_loop3A_243, %parallel_loop3A_25] : memref<32x512xf32, #tpu.memory_space<vmem>>[vector<16xi32>, vector<16xi32>], vector<16xf32>,
        %parallel_loop3A_245 = arith.constant 16 : i32
        %parallel_loop3A_246 = arith.muli %parallel_loop3A_18, %parallel_loop3A_245 : i32
        %parallel_loop3A_247 = arith.constant 24 : i32
        %parallel_loop3A_248 = arith.index_cast %parallel_loop3A_247 : i32 to index
        %parallel_loop3A_249 = arith.index_cast %parallel_loop3A_246 : i32 to index
        %parallel_loop3A_250 = tpu.vector_load %arg7[%parallel_loop3A_248, %parallel_loop3A_249] {strides = array<i32>} : memref<32x512xf32, #tpu.memory_space<vmem>>, vector<16xf32>,
        tpu.vector_store %arg7[%parallel_loop3A_248, %parallel_loop3A_249], %parallel_loop3A_244 {strides = array<i32>} : memref<32x512xf32, #tpu.memory_space<vmem>>, vector<16xf32>,
        %parallel_loop3A_251 = arith.constant 25 : i32
        %parallel_loop3A_252 = vector.broadcast %parallel_loop3A_251 : i32 to vector<16xi32>
        %parallel_loop3A_253 = tpu.vector_load_idx %arg5[%parallel_loop3A_252, %parallel_loop3A_25] : memref<32x512xf32, #tpu.memory_space<vmem>>[vector<16xi32>, vector<16xi32>], vector<16xf32>,
        %parallel_loop3A_254 = arith.constant 16 : i32
        %parallel_loop3A_255 = arith.muli %parallel_loop3A_18, %parallel_loop3A_254 : i32
        %parallel_loop3A_256 = arith.constant 25 : i32
        %parallel_loop3A_257 = arith.index_cast %parallel_loop3A_256 : i32 to index
        %parallel_loop3A_258 = arith.index_cast %parallel_loop3A_255 : i32 to index
        %parallel_loop3A_259 = tpu.vector_load %arg7[%parallel_loop3A_257, %parallel_loop3A_258] {strides = array<i32>} : memref<32x512xf32, #tpu.memory_space<vmem>>, vector<16xf32>,
        tpu.vector_store %arg7[%parallel_loop3A_257, %parallel_loop3A_258], %parallel_loop3A_253 {strides = array<i32>} : memref<32x512xf32, #tpu.memory_space<vmem>>, vector<16xf32>,
        %parallel_loop3A_260 = arith.constant 26 : i32
        %parallel_loop3A_261 = vector.broadcast %parallel_loop3A_260 : i32 to vector<16xi32>
        %parallel_loop3A_262 = tpu.vector_load_idx %arg5[%parallel_loop3A_261, %parallel_loop3A_25] : memref<32x512xf32, #tpu.memory_space<vmem>>[vector<16xi32>, vector<16xi32>], vector<16xf32>,
        %parallel_loop3A_263 = arith.constant 16 : i32
        %parallel_loop3A_264 = arith.muli %parallel_loop3A_18, %parallel_loop3A_263 : i32
        %parallel_loop3A_265 = arith.constant 26 : i32
        %parallel_loop3A_266 = arith.index_cast %parallel_loop3A_265 : i32 to index
        %parallel_loop3A_267 = arith.index_cast %parallel_loop3A_264 : i32 to index
        %parallel_loop3A_268 = tpu.vector_load %arg7[%parallel_loop3A_266, %parallel_loop3A_267] {strides = array<i32>} : memref<32x512xf32, #tpu.memory_space<vmem>>, vector<16xf32>,
        tpu.vector_store %arg7[%parallel_loop3A_266, %parallel_loop3A_267], %parallel_loop3A_262 {strides = array<i32>} : memref<32x512xf32, #tpu.memory_space<vmem>>, vector<16xf32>,
        %parallel_loop3A_269 = arith.constant 27 : i32
        %parallel_loop3A_270 = vector.broadcast %parallel_loop3A_269 : i32 to vector<16xi32>
        %parallel_loop3A_271 = tpu.vector_load_idx %arg5[%parallel_loop3A_270, %parallel_loop3A_25] : memref<32x512xf32, #tpu.memory_space<vmem>>[vector<16xi32>, vector<16xi32>], vector<16xf32>,
        %parallel_loop3A_272 = arith.constant 16 : i32
        %parallel_loop3A_273 = arith.muli %parallel_loop3A_18, %parallel_loop3A_272 : i32
        %parallel_loop3A_274 = arith.constant 27 : i32
        %parallel_loop3A_275 = arith.index_cast %parallel_loop3A_274 : i32 to index
        %parallel_loop3A_276 = arith.index_cast %parallel_loop3A_273 : i32 to index
        %parallel_loop3A_277 = tpu.vector_load %arg7[%parallel_loop3A_275, %parallel_loop3A_276] {strides = array<i32>} : memref<32x512xf32, #tpu.memory_space<vmem>>, vector<16xf32>,
        tpu.vector_store %arg7[%parallel_loop3A_275, %parallel_loop3A_276], %parallel_loop3A_271 {strides = array<i32>} : memref<32x512xf32, #tpu.memory_space<vmem>>, vector<16xf32>,
        %parallel_loop3A_278 = arith.constant 28 : i32
        %parallel_loop3A_279 = vector.broadcast %parallel_loop3A_278 : i32 to vector<16xi32>
        %parallel_loop3A_280 = tpu.vector_load_idx %arg5[%parallel_loop3A_279, %parallel_loop3A_25] : memref<32x512xf32, #tpu.memory_space<vmem>>[vector<16xi32>, vector<16xi32>], vector<16xf32>,
        %parallel_loop3A_281 = arith.constant 16 : i32
        %parallel_loop3A_282 = arith.muli %parallel_loop3A_18, %parallel_loop3A_281 : i32
        %parallel_loop3A_283 = arith.constant 28 : i32
        %parallel_loop3A_284 = arith.index_cast %parallel_loop3A_283 : i32 to index
        %parallel_loop3A_285 = arith.index_cast %parallel_loop3A_282 : i32 to index
        %parallel_loop3A_286 = tpu.vector_load %arg7[%parallel_loop3A_284, %parallel_loop3A_285] {strides = array<i32>} : memref<32x512xf32, #tpu.memory_space<vmem>>, vector<16xf32>,
        tpu.vector_store %arg7[%parallel_loop3A_284, %parallel_loop3A_285], %parallel_loop3A_280 {strides = array<i32>} : memref<32x512xf32, #tpu.memory_space<vmem>>, vector<16xf32>,
        %parallel_loop3A_287 = arith.constant 29 : i32
        %parallel_loop3A_288 = vector.broadcast %parallel_loop3A_287 : i32 to vector<16xi32>
        %parallel_loop3A_289 = tpu.vector_load_idx %arg5[%parallel_loop3A_288, %parallel_loop3A_25] : memref<32x512xf32, #tpu.memory_space<vmem>>[vector<16xi32>, vector<16xi32>], vector<16xf32>,
        %parallel_loop3A_290 = arith.constant 16 : i32
        %parallel_loop3A_291 = arith.muli %parallel_loop3A_18, %parallel_loop3A_290 : i32
        %parallel_loop3A_292 = arith.constant 29 : i32
        %parallel_loop3A_293 = arith.index_cast %parallel_loop3A_292 : i32 to index
        %parallel_loop3A_294 = arith.index_cast %parallel_loop3A_291 : i32 to index
        %parallel_loop3A_295 = tpu.vector_load %arg7[%parallel_loop3A_293, %parallel_loop3A_294] {strides = array<i32>} : memref<32x512xf32, #tpu.memory_space<vmem>>, vector<16xf32>,
        tpu.vector_store %arg7[%parallel_loop3A_293, %parallel_loop3A_294], %parallel_loop3A_289 {strides = array<i32>} : memref<32x512xf32, #tpu.memory_space<vmem>>, vector<16xf32>,
        %parallel_loop3A_296 = arith.constant 30 : i32
        %parallel_loop3A_297 = vector.broadcast %parallel_loop3A_296 : i32 to vector<16xi32>
        %parallel_loop3A_298 = tpu.vector_load_idx %arg5[%parallel_loop3A_297, %parallel_loop3A_25] : memref<32x512xf32, #tpu.memory_space<vmem>>[vector<16xi32>, vector<16xi32>], vector<16xf32>,
        %parallel_loop3A_299 = arith.constant 16 : i32
        %parallel_loop3A_300 = arith.muli %parallel_loop3A_18, %parallel_loop3A_299 : i32
        %parallel_loop3A_301 = arith.constant 30 : i32
        %parallel_loop3A_302 = arith.index_cast %parallel_loop3A_301 : i32 to index
        %parallel_loop3A_303 = arith.index_cast %parallel_loop3A_300 : i32 to index
        %parallel_loop3A_304 = tpu.vector_load %arg7[%parallel_loop3A_302, %parallel_loop3A_303] {strides = array<i32>} : memref<32x512xf32, #tpu.memory_space<vmem>>, vector<16xf32>,
        tpu.vector_store %arg7[%parallel_loop3A_302, %parallel_loop3A_303], %parallel_loop3A_298 {strides = array<i32>} : memref<32x512xf32, #tpu.memory_space<vmem>>, vector<16xf32>,
        %parallel_loop3A_305 = arith.constant 31 : i32
        %parallel_loop3A_306 = vector.broadcast %parallel_loop3A_305 : i32 to vector<16xi32>
        %parallel_loop3A_307 = tpu.vector_load_idx %arg5[%parallel_loop3A_306, %parallel_loop3A_25] : memref<32x512xf32, #tpu.memory_space<vmem>>[vector<16xi32>, vector<16xi32>], vector<16xf32>,
        %parallel_loop3A_308 = arith.constant 16 : i32
        %parallel_loop3A_309 = arith.muli %parallel_loop3A_18, %parallel_loop3A_308 : i32
        %parallel_loop3A_310 = arith.constant 31 : i32
        %parallel_loop3A_311 = arith.index_cast %parallel_loop3A_310 : i32 to index
        %parallel_loop3A_312 = arith.index_cast %parallel_loop3A_309 : i32 to index
        %parallel_loop3A_313 = tpu.vector_load %arg7[%parallel_loop3A_311, %parallel_loop3A_312] {strides = array<i32>} : memref<32x512xf32, #tpu.memory_space<vmem>>, vector<16xf32>,
        tpu.vector_store %arg7[%parallel_loop3A_311, %parallel_loop3A_312], %parallel_loop3A_307 {strides = array<i32>} : memref<32x512xf32, #tpu.memory_space<vmem>>, vector<16xf32>,
      } {sc.loop_unroll_factor = 2 : i64, sc.parallel_access}
      %mul3A_11 = arith.constant 5 : i32
      %mul3A_12 = arith.muli %add3A, %mul3A_11 : i32
      %add3A_13 = arith.addi %mul3A_12, %scan3A_8 : i32
      %mul3A_14 = arith.constant 512 : i32
      %mul3A_15 = arith.muli %add3A_13, %mul3A_14 : i32
      %add3A_16 = arith.constant 0 : i32
      %add3A_17 = arith.addi %add3A_16, %mul3A_15 : i32
      "tpu.region"() ({
        %run_scoped3A = tpu.sem_alloc : memref<!tpu.dma_semaphore, #tpu.memory_space<semaphore_mem>>
        %dma_start3A = arith.constant 0 : i32
        %dma_start3A_18 = tpu.memref_slice %arg4[%dma_start3A, %add3A_17] : memref<32x131072xf32, #tpu.memory_space<hbm>> -> memref<32x512xf32, #tpu.memory_space<hbm>>
        %dma_start3A_19 = arith.constant 0 : i32
        %dma_start3A_20 = tpu.memref_slice %arg4[%dma_start3A_19, %add3A_17] : memref<32x131072xf32, #tpu.memory_space<hbm>> -> memref<32x512xf32, #tpu.memory_space<hbm>>
        tpu.enqueue_dma source(%arg7 : memref<32x512xf32, #tpu.memory_space<vmem>>) target(%dma_start3A_20 : memref<32x512xf32, #tpu.memory_space<hbm>>) target_semaphore(%run_scoped3A : memref<!tpu.dma_semaphore, #tpu.memory_space<semaphore_mem>>)
        %dma_wait3A = arith.constant 0 : i32
        %dma_wait3A_21 = tpu.memref_slice %arg4[%dma_wait3A, %add3A_17] : memref<32x131072xf32, #tpu.memory_space<hbm>> -> memref<32x512xf32, #tpu.memory_space<hbm>>
        %dma_wait3A_22 = arith.constant 0 : i32
        %dma_wait3A_23 = tpu.memref_slice %arg4[%dma_wait3A_22, %add3A_17] : memref<32x131072xf32, #tpu.memory_space<hbm>> -> memref<32x512xf32, #tpu.memory_space<hbm>>
        tpu.wait_dma2 semaphore(%run_scoped3A : memref<!tpu.dma_semaphore, #tpu.memory_space<semaphore_mem>>) src(%arg7 : memref<32x512xf32, #tpu.memory_space<vmem>>) dst(%dma_wait3A_23 : memref<32x512xf32, #tpu.memory_space<hbm>>)
        tpu.yield
      }) : () -> ()
    }
    %scan3A_7 = arith.constant 5 : i32
    return
  }
}

#map = affine_map<(d0, d1) -> (0, 0)>
#map1 = affine_map<(d0, d1) -> (0)>
module attributes {stable_mosaic.version = 14 : i64} {
  func.func @_gather_codewords(%arg0: i32, %arg1: i32, %arg2: memref<32x512xf32, #tpu.memory_space<hbm>>, %arg3: memref<16384xi32, #tpu.memory_space<hbm>>, %arg4: memref<32x131072xf32, #tpu.memory_space<hbm>>, %arg5: memref<32x131072xf32, #tpu.memory_space<hbm>>, %arg6: memref<32x512xf32, #tpu.memory_space<vmem>>, %arg7: memref<512xi32, #tpu.memory_space<vmem>>, %arg8: memref<32x512xf32, #tpu.memory_space<vmem>>) attributes {dimension_semantics = [#tpu.dimension_semantics<core_parallel>, #tpu.dimension_semantics<subcore_parallel>], iteration_bounds = array<i64: 2, 16>, scalar_prefetch = 0 : i64, scratch_operands = 3 : i64, tpu.core_type = #tpu.core_type<sc_vector_subcore>, window_params = [{transform_indices = #map}, {transform_indices = #map1}, {transform_indices = #map}, {transform_indices = #map}]} {
    %mul3A = arith.constant 2 : i32
    %mul3A_0 = arith.muli %arg1, %mul3A : i32
    %add3A = arith.addi %mul3A_0, %arg0 : i32
    "tpu.region"() ({
      %run_scoped3A = tpu.sem_alloc : memref<!tpu.dma_semaphore, #tpu.memory_space<semaphore_mem>>
      tpu.enqueue_dma source(%arg2 : memref<32x512xf32, #tpu.memory_space<hbm>>) target(%arg6 : memref<32x512xf32, #tpu.memory_space<vmem>>) target_semaphore(%run_scoped3A : memref<!tpu.dma_semaphore, #tpu.memory_space<semaphore_mem>>)
      tpu.wait_dma2 semaphore(%run_scoped3A : memref<!tpu.dma_semaphore, #tpu.memory_space<semaphore_mem>>) src(%arg2 : memref<32x512xf32, #tpu.memory_space<hbm>>) dst(%arg6 : memref<32x512xf32, #tpu.memory_space<vmem>>)
      tpu.yield
    }) : () -> ()
    %mul3A_1 = arith.constant 512 : i32
    %mul3A_2 = arith.muli %add3A, %mul3A_1 : i32
    "tpu.region"() ({
      %run_scoped3A = tpu.sem_alloc : memref<!tpu.dma_semaphore, #tpu.memory_space<semaphore_mem>>
      %dma_start3A = tpu.memref_slice %arg3[%mul3A_2] : memref<16384xi32, #tpu.memory_space<hbm>> -> memref<512xi32, #tpu.memory_space<hbm>>
      %dma_start3A_14 = tpu.memref_slice %arg3[%mul3A_2] : memref<16384xi32, #tpu.memory_space<hbm>> -> memref<512xi32, #tpu.memory_space<hbm>>
      tpu.enqueue_dma source(%dma_start3A_14 : memref<512xi32, #tpu.memory_space<hbm>>) target(%arg7 : memref<512xi32, #tpu.memory_space<vmem>>) target_semaphore(%run_scoped3A : memref<!tpu.dma_semaphore, #tpu.memory_space<semaphore_mem>>)
      %dma_wait3A = tpu.memref_slice %arg3[%mul3A_2] : memref<16384xi32, #tpu.memory_space<hbm>> -> memref<512xi32, #tpu.memory_space<hbm>>
      %dma_wait3A_15 = tpu.memref_slice %arg3[%mul3A_2] : memref<16384xi32, #tpu.memory_space<hbm>> -> memref<512xi32, #tpu.memory_space<hbm>>
      tpu.wait_dma2 semaphore(%run_scoped3A : memref<!tpu.dma_semaphore, #tpu.memory_space<semaphore_mem>>) src(%dma_wait3A_15 : memref<512xi32, #tpu.memory_space<hbm>>) dst(%arg7 : memref<512xi32, #tpu.memory_space<vmem>>)
      tpu.yield
    }) : () -> ()
    %scan3A = arith.constant 0 : i32
    %scan3A_3 = arith.constant 0 : i32
    %parallel_loop3A = arith.constant 0 : i32
    %parallel_loop3A_4 = arith.constant 32 : i32
    %parallel_loop3A_5 = arith.constant 1 : i32
    scf.for %parallel_loop3A_14 = %parallel_loop3A to %parallel_loop3A_4 step %parallel_loop3A_5  : i32 {
      %parallel_loop3A_15 = arith.constant 512 : i32
      %parallel_loop3A_16 = arith.muli %scan3A_3, %parallel_loop3A_15 : i32
      %parallel_loop3A_17 = arith.constant 16 : i32
      %parallel_loop3A_18 = arith.muli %parallel_loop3A_14, %parallel_loop3A_17 : i32
      %parallel_loop3A_19 = arith.addi %parallel_loop3A_16, %parallel_loop3A_18 : i32
      %parallel_loop3A_20 = arith.index_cast %parallel_loop3A_19 : i32 to index
      %parallel_loop3A_21 = tpu.vector_load %arg7[%parallel_loop3A_20] {strides = array<i32>} : memref<512xi32, #tpu.memory_space<vmem>>, vector<16xi32>,
      %parallel_loop3A_22 = arith.constant 0 : i32
      %parallel_loop3A_23 = vector.broadcast %parallel_loop3A_22 : i32 to vector<16xi32>
      %parallel_loop3A_24 = tpu.vector_load_idx %arg6[%parallel_loop3A_23, %parallel_loop3A_21] : memref<32x512xf32, #tpu.memory_space<vmem>>[vector<16xi32>, vector<16xi32>], vector<16xf32>,
      %parallel_loop3A_25 = arith.constant 16 : i32
      %parallel_loop3A_26 = arith.muli %parallel_loop3A_14, %parallel_loop3A_25 : i32
      %parallel_loop3A_27 = arith.constant 0 : i32
      %parallel_loop3A_28 = arith.index_cast %parallel_loop3A_27 : i32 to index
      %parallel_loop3A_29 = arith.index_cast %parallel_loop3A_26 : i32 to index
      %parallel_loop3A_30 = tpu.vector_load %arg8[%parallel_loop3A_28, %parallel_loop3A_29] {strides = array<i32>} : memref<32x512xf32, #tpu.memory_space<vmem>>, vector<16xf32>,
      tpu.vector_store %arg8[%parallel_loop3A_28, %parallel_loop3A_29], %parallel_loop3A_24 {strides = array<i32>} : memref<32x512xf32, #tpu.memory_space<vmem>>, vector<16xf32>,
      %parallel_loop3A_31 = arith.constant 1 : i32
      %parallel_loop3A_32 = vector.broadcast %parallel_loop3A_31 : i32 to vector<16xi32>
      %parallel_loop3A_33 = tpu.vector_load_idx %arg6[%parallel_loop3A_32, %parallel_loop3A_21] : memref<32x512xf32, #tpu.memory_space<vmem>>[vector<16xi32>, vector<16xi32>], vector<16xf32>,
      %parallel_loop3A_34 = arith.constant 16 : i32
      %parallel_loop3A_35 = arith.muli %parallel_loop3A_14, %parallel_loop3A_34 : i32
      %parallel_loop3A_36 = arith.constant 1 : i32
      %parallel_loop3A_37 = arith.index_cast %parallel_loop3A_36 : i32 to index
      %parallel_loop3A_38 = arith.index_cast %parallel_loop3A_35 : i32 to index
      %parallel_loop3A_39 = tpu.vector_load %arg8[%parallel_loop3A_37, %parallel_loop3A_38] {strides = array<i32>} : memref<32x512xf32, #tpu.memory_space<vmem>>, vector<16xf32>,
      tpu.vector_store %arg8[%parallel_loop3A_37, %parallel_loop3A_38], %parallel_loop3A_33 {strides = array<i32>} : memref<32x512xf32, #tpu.memory_space<vmem>>, vector<16xf32>,
      %parallel_loop3A_40 = arith.constant 2 : i32
      %parallel_loop3A_41 = vector.broadcast %parallel_loop3A_40 : i32 to vector<16xi32>
      %parallel_loop3A_42 = tpu.vector_load_idx %arg6[%parallel_loop3A_41, %parallel_loop3A_21] : memref<32x512xf32, #tpu.memory_space<vmem>>[vector<16xi32>, vector<16xi32>], vector<16xf32>,
      %parallel_loop3A_43 = arith.constant 16 : i32
      %parallel_loop3A_44 = arith.muli %parallel_loop3A_14, %parallel_loop3A_43 : i32
      %parallel_loop3A_45 = arith.constant 2 : i32
      %parallel_loop3A_46 = arith.index_cast %parallel_loop3A_45 : i32 to index
      %parallel_loop3A_47 = arith.index_cast %parallel_loop3A_44 : i32 to index
      %parallel_loop3A_48 = tpu.vector_load %arg8[%parallel_loop3A_46, %parallel_loop3A_47] {strides = array<i32>} : memref<32x512xf32, #tpu.memory_space<vmem>>, vector<16xf32>,
      tpu.vector_store %arg8[%parallel_loop3A_46, %parallel_loop3A_47], %parallel_loop3A_42 {strides = array<i32>} : memref<32x512xf32, #tpu.memory_space<vmem>>, vector<16xf32>,
      %parallel_loop3A_49 = arith.constant 3 : i32
      %parallel_loop3A_50 = vector.broadcast %parallel_loop3A_49 : i32 to vector<16xi32>
      %parallel_loop3A_51 = tpu.vector_load_idx %arg6[%parallel_loop3A_50, %parallel_loop3A_21] : memref<32x512xf32, #tpu.memory_space<vmem>>[vector<16xi32>, vector<16xi32>], vector<16xf32>,
      %parallel_loop3A_52 = arith.constant 16 : i32
      %parallel_loop3A_53 = arith.muli %parallel_loop3A_14, %parallel_loop3A_52 : i32
      %parallel_loop3A_54 = arith.constant 3 : i32
      %parallel_loop3A_55 = arith.index_cast %parallel_loop3A_54 : i32 to index
      %parallel_loop3A_56 = arith.index_cast %parallel_loop3A_53 : i32 to index
      %parallel_loop3A_57 = tpu.vector_load %arg8[%parallel_loop3A_55, %parallel_loop3A_56] {strides = array<i32>} : memref<32x512xf32, #tpu.memory_space<vmem>>, vector<16xf32>,
      tpu.vector_store %arg8[%parallel_loop3A_55, %parallel_loop3A_56], %parallel_loop3A_51 {strides = array<i32>} : memref<32x512xf32, #tpu.memory_space<vmem>>, vector<16xf32>,
      %parallel_loop3A_58 = arith.constant 4 : i32
      %parallel_loop3A_59 = vector.broadcast %parallel_loop3A_58 : i32 to vector<16xi32>
      %parallel_loop3A_60 = tpu.vector_load_idx %arg6[%parallel_loop3A_59, %parallel_loop3A_21] : memref<32x512xf32, #tpu.memory_space<vmem>>[vector<16xi32>, vector<16xi32>], vector<16xf32>,
      %parallel_loop3A_61 = arith.constant 16 : i32
      %parallel_loop3A_62 = arith.muli %parallel_loop3A_14, %parallel_loop3A_61 : i32
      %parallel_loop3A_63 = arith.constant 4 : i32
      %parallel_loop3A_64 = arith.index_cast %parallel_loop3A_63 : i32 to index
      %parallel_loop3A_65 = arith.index_cast %parallel_loop3A_62 : i32 to index
      %parallel_loop3A_66 = tpu.vector_load %arg8[%parallel_loop3A_64, %parallel_loop3A_65] {strides = array<i32>} : memref<32x512xf32, #tpu.memory_space<vmem>>, vector<16xf32>,
      tpu.vector_store %arg8[%parallel_loop3A_64, %parallel_loop3A_65], %parallel_loop3A_60 {strides = array<i32>} : memref<32x512xf32, #tpu.memory_space<vmem>>, vector<16xf32>,
      %parallel_loop3A_67 = arith.constant 5 : i32
      %parallel_loop3A_68 = vector.broadcast %parallel_loop3A_67 : i32 to vector<16xi32>
      %parallel_loop3A_69 = tpu.vector_load_idx %arg6[%parallel_loop3A_68, %parallel_loop3A_21] : memref<32x512xf32, #tpu.memory_space<vmem>>[vector<16xi32>, vector<16xi32>], vector<16xf32>,
      %parallel_loop3A_70 = arith.constant 16 : i32
      %parallel_loop3A_71 = arith.muli %parallel_loop3A_14, %parallel_loop3A_70 : i32
      %parallel_loop3A_72 = arith.constant 5 : i32
      %parallel_loop3A_73 = arith.index_cast %parallel_loop3A_72 : i32 to index
      %parallel_loop3A_74 = arith.index_cast %parallel_loop3A_71 : i32 to index
      %parallel_loop3A_75 = tpu.vector_load %arg8[%parallel_loop3A_73, %parallel_loop3A_74] {strides = array<i32>} : memref<32x512xf32, #tpu.memory_space<vmem>>, vector<16xf32>,
      tpu.vector_store %arg8[%parallel_loop3A_73, %parallel_loop3A_74], %parallel_loop3A_69 {strides = array<i32>} : memref<32x512xf32, #tpu.memory_space<vmem>>, vector<16xf32>,
      %parallel_loop3A_76 = arith.constant 6 : i32
      %parallel_loop3A_77 = vector.broadcast %parallel_loop3A_76 : i32 to vector<16xi32>
      %parallel_loop3A_78 = tpu.vector_load_idx %arg6[%parallel_loop3A_77, %parallel_loop3A_21] : memref<32x512xf32, #tpu.memory_space<vmem>>[vector<16xi32>, vector<16xi32>], vector<16xf32>,
      %parallel_loop3A_79 = arith.constant 16 : i32
      %parallel_loop3A_80 = arith.muli %parallel_loop3A_14, %parallel_loop3A_79 : i32
      %parallel_loop3A_81 = arith.constant 6 : i32
      %parallel_loop3A_82 = arith.index_cast %parallel_loop3A_81 : i32 to index
      %parallel_loop3A_83 = arith.index_cast %parallel_loop3A_80 : i32 to index
      %parallel_loop3A_84 = tpu.vector_load %arg8[%parallel_loop3A_82, %parallel_loop3A_83] {strides = array<i32>} : memref<32x512xf32, #tpu.memory_space<vmem>>, vector<16xf32>,
      tpu.vector_store %arg8[%parallel_loop3A_82, %parallel_loop3A_83], %parallel_loop3A_78 {strides = array<i32>} : memref<32x512xf32, #tpu.memory_space<vmem>>, vector<16xf32>,
      %parallel_loop3A_85 = arith.constant 7 : i32
      %parallel_loop3A_86 = vector.broadcast %parallel_loop3A_85 : i32 to vector<16xi32>
      %parallel_loop3A_87 = tpu.vector_load_idx %arg6[%parallel_loop3A_86, %parallel_loop3A_21] : memref<32x512xf32, #tpu.memory_space<vmem>>[vector<16xi32>, vector<16xi32>], vector<16xf32>,
      %parallel_loop3A_88 = arith.constant 16 : i32
      %parallel_loop3A_89 = arith.muli %parallel_loop3A_14, %parallel_loop3A_88 : i32
      %parallel_loop3A_90 = arith.constant 7 : i32
      %parallel_loop3A_91 = arith.index_cast %parallel_loop3A_90 : i32 to index
      %parallel_loop3A_92 = arith.index_cast %parallel_loop3A_89 : i32 to index
      %parallel_loop3A_93 = tpu.vector_load %arg8[%parallel_loop3A_91, %parallel_loop3A_92] {strides = array<i32>} : memref<32x512xf32, #tpu.memory_space<vmem>>, vector<16xf32>,
      tpu.vector_store %arg8[%parallel_loop3A_91, %parallel_loop3A_92], %parallel_loop3A_87 {strides = array<i32>} : memref<32x512xf32, #tpu.memory_space<vmem>>, vector<16xf32>,
      %parallel_loop3A_94 = arith.constant 8 : i32
      %parallel_loop3A_95 = vector.broadcast %parallel_loop3A_94 : i32 to vector<16xi32>
      %parallel_loop3A_96 = tpu.vector_load_idx %arg6[%parallel_loop3A_95, %parallel_loop3A_21] : memref<32x512xf32, #tpu.memory_space<vmem>>[vector<16xi32>, vector<16xi32>], vector<16xf32>,
      %parallel_loop3A_97 = arith.constant 16 : i32
      %parallel_loop3A_98 = arith.muli %parallel_loop3A_14, %parallel_loop3A_97 : i32
      %parallel_loop3A_99 = arith.constant 8 : i32
      %parallel_loop3A_100 = arith.index_cast %parallel_loop3A_99 : i32 to index
      %parallel_loop3A_101 = arith.index_cast %parallel_loop3A_98 : i32 to index
      %parallel_loop3A_102 = tpu.vector_load %arg8[%parallel_loop3A_100, %parallel_loop3A_101] {strides = array<i32>} : memref<32x512xf32, #tpu.memory_space<vmem>>, vector<16xf32>,
      tpu.vector_store %arg8[%parallel_loop3A_100, %parallel_loop3A_101], %parallel_loop3A_96 {strides = array<i32>} : memref<32x512xf32, #tpu.memory_space<vmem>>, vector<16xf32>,
      %parallel_loop3A_103 = arith.constant 9 : i32
      %parallel_loop3A_104 = vector.broadcast %parallel_loop3A_103 : i32 to vector<16xi32>
      %parallel_loop3A_105 = tpu.vector_load_idx %arg6[%parallel_loop3A_104, %parallel_loop3A_21] : memref<32x512xf32, #tpu.memory_space<vmem>>[vector<16xi32>, vector<16xi32>], vector<16xf32>,
      %parallel_loop3A_106 = arith.constant 16 : i32
      %parallel_loop3A_107 = arith.muli %parallel_loop3A_14, %parallel_loop3A_106 : i32
      %parallel_loop3A_108 = arith.constant 9 : i32
      %parallel_loop3A_109 = arith.index_cast %parallel_loop3A_108 : i32 to index
      %parallel_loop3A_110 = arith.index_cast %parallel_loop3A_107 : i32 to index
      %parallel_loop3A_111 = tpu.vector_load %arg8[%parallel_loop3A_109, %parallel_loop3A_110] {strides = array<i32>} : memref<32x512xf32, #tpu.memory_space<vmem>>, vector<16xf32>,
      tpu.vector_store %arg8[%parallel_loop3A_109, %parallel_loop3A_110], %parallel_loop3A_105 {strides = array<i32>} : memref<32x512xf32, #tpu.memory_space<vmem>>, vector<16xf32>,
      %parallel_loop3A_112 = arith.constant 10 : i32
      %parallel_loop3A_113 = vector.broadcast %parallel_loop3A_112 : i32 to vector<16xi32>
      %parallel_loop3A_114 = tpu.vector_load_idx %arg6[%parallel_loop3A_113, %parallel_loop3A_21] : memref<32x512xf32, #tpu.memory_space<vmem>>[vector<16xi32>, vector<16xi32>], vector<16xf32>,
      %parallel_loop3A_115 = arith.constant 16 : i32
      %parallel_loop3A_116 = arith.muli %parallel_loop3A_14, %parallel_loop3A_115 : i32
      %parallel_loop3A_117 = arith.constant 10 : i32
      %parallel_loop3A_118 = arith.index_cast %parallel_loop3A_117 : i32 to index
      %parallel_loop3A_119 = arith.index_cast %parallel_loop3A_116 : i32 to index
      %parallel_loop3A_120 = tpu.vector_load %arg8[%parallel_loop3A_118, %parallel_loop3A_119] {strides = array<i32>} : memref<32x512xf32, #tpu.memory_space<vmem>>, vector<16xf32>,
      tpu.vector_store %arg8[%parallel_loop3A_118, %parallel_loop3A_119], %parallel_loop3A_114 {strides = array<i32>} : memref<32x512xf32, #tpu.memory_space<vmem>>, vector<16xf32>,
      %parallel_loop3A_121 = arith.constant 11 : i32
      %parallel_loop3A_122 = vector.broadcast %parallel_loop3A_121 : i32 to vector<16xi32>
      %parallel_loop3A_123 = tpu.vector_load_idx %arg6[%parallel_loop3A_122, %parallel_loop3A_21] : memref<32x512xf32, #tpu.memory_space<vmem>>[vector<16xi32>, vector<16xi32>], vector<16xf32>,
      %parallel_loop3A_124 = arith.constant 16 : i32
      %parallel_loop3A_125 = arith.muli %parallel_loop3A_14, %parallel_loop3A_124 : i32
      %parallel_loop3A_126 = arith.constant 11 : i32
      %parallel_loop3A_127 = arith.index_cast %parallel_loop3A_126 : i32 to index
      %parallel_loop3A_128 = arith.index_cast %parallel_loop3A_125 : i32 to index
      %parallel_loop3A_129 = tpu.vector_load %arg8[%parallel_loop3A_127, %parallel_loop3A_128] {strides = array<i32>} : memref<32x512xf32, #tpu.memory_space<vmem>>, vector<16xf32>,
      tpu.vector_store %arg8[%parallel_loop3A_127, %parallel_loop3A_128], %parallel_loop3A_123 {strides = array<i32>} : memref<32x512xf32, #tpu.memory_space<vmem>>, vector<16xf32>,
      %parallel_loop3A_130 = arith.constant 12 : i32
      %parallel_loop3A_131 = vector.broadcast %parallel_loop3A_130 : i32 to vector<16xi32>
      %parallel_loop3A_132 = tpu.vector_load_idx %arg6[%parallel_loop3A_131, %parallel_loop3A_21] : memref<32x512xf32, #tpu.memory_space<vmem>>[vector<16xi32>, vector<16xi32>], vector<16xf32>,
      %parallel_loop3A_133 = arith.constant 16 : i32
      %parallel_loop3A_134 = arith.muli %parallel_loop3A_14, %parallel_loop3A_133 : i32
      %parallel_loop3A_135 = arith.constant 12 : i32
      %parallel_loop3A_136 = arith.index_cast %parallel_loop3A_135 : i32 to index
      %parallel_loop3A_137 = arith.index_cast %parallel_loop3A_134 : i32 to index
      %parallel_loop3A_138 = tpu.vector_load %arg8[%parallel_loop3A_136, %parallel_loop3A_137] {strides = array<i32>} : memref<32x512xf32, #tpu.memory_space<vmem>>, vector<16xf32>,
      tpu.vector_store %arg8[%parallel_loop3A_136, %parallel_loop3A_137], %parallel_loop3A_132 {strides = array<i32>} : memref<32x512xf32, #tpu.memory_space<vmem>>, vector<16xf32>,
      %parallel_loop3A_139 = arith.constant 13 : i32
      %parallel_loop3A_140 = vector.broadcast %parallel_loop3A_139 : i32 to vector<16xi32>
      %parallel_loop3A_141 = tpu.vector_load_idx %arg6[%parallel_loop3A_140, %parallel_loop3A_21] : memref<32x512xf32, #tpu.memory_space<vmem>>[vector<16xi32>, vector<16xi32>], vector<16xf32>,
      %parallel_loop3A_142 = arith.constant 16 : i32
      %parallel_loop3A_143 = arith.muli %parallel_loop3A_14, %parallel_loop3A_142 : i32
      %parallel_loop3A_144 = arith.constant 13 : i32
      %parallel_loop3A_145 = arith.index_cast %parallel_loop3A_144 : i32 to index
      %parallel_loop3A_146 = arith.index_cast %parallel_loop3A_143 : i32 to index
      %parallel_loop3A_147 = tpu.vector_load %arg8[%parallel_loop3A_145, %parallel_loop3A_146] {strides = array<i32>} : memref<32x512xf32, #tpu.memory_space<vmem>>, vector<16xf32>,
      tpu.vector_store %arg8[%parallel_loop3A_145, %parallel_loop3A_146], %parallel_loop3A_141 {strides = array<i32>} : memref<32x512xf32, #tpu.memory_space<vmem>>, vector<16xf32>,
      %parallel_loop3A_148 = arith.constant 14 : i32
      %parallel_loop3A_149 = vector.broadcast %parallel_loop3A_148 : i32 to vector<16xi32>
      %parallel_loop3A_150 = tpu.vector_load_idx %arg6[%parallel_loop3A_149, %parallel_loop3A_21] : memref<32x512xf32, #tpu.memory_space<vmem>>[vector<16xi32>, vector<16xi32>], vector<16xf32>,
      %parallel_loop3A_151 = arith.constant 16 : i32
      %parallel_loop3A_152 = arith.muli %parallel_loop3A_14, %parallel_loop3A_151 : i32
      %parallel_loop3A_153 = arith.constant 14 : i32
      %parallel_loop3A_154 = arith.index_cast %parallel_loop3A_153 : i32 to index
      %parallel_loop3A_155 = arith.index_cast %parallel_loop3A_152 : i32 to index
      %parallel_loop3A_156 = tpu.vector_load %arg8[%parallel_loop3A_154, %parallel_loop3A_155] {strides = array<i32>} : memref<32x512xf32, #tpu.memory_space<vmem>>, vector<16xf32>,
      tpu.vector_store %arg8[%parallel_loop3A_154, %parallel_loop3A_155], %parallel_loop3A_150 {strides = array<i32>} : memref<32x512xf32, #tpu.memory_space<vmem>>, vector<16xf32>,
      %parallel_loop3A_157 = arith.constant 15 : i32
      %parallel_loop3A_158 = vector.broadcast %parallel_loop3A_157 : i32 to vector<16xi32>
      %parallel_loop3A_159 = tpu.vector_load_idx %arg6[%parallel_loop3A_158, %parallel_loop3A_21] : memref<32x512xf32, #tpu.memory_space<vmem>>[vector<16xi32>, vector<16xi32>], vector<16xf32>,
      %parallel_loop3A_160 = arith.constant 16 : i32
      %parallel_loop3A_161 = arith.muli %parallel_loop3A_14, %parallel_loop3A_160 : i32
      %parallel_loop3A_162 = arith.constant 15 : i32
      %parallel_loop3A_163 = arith.index_cast %parallel_loop3A_162 : i32 to index
      %parallel_loop3A_164 = arith.index_cast %parallel_loop3A_161 : i32 to index
      %parallel_loop3A_165 = tpu.vector_load %arg8[%parallel_loop3A_163, %parallel_loop3A_164] {strides = array<i32>} : memref<32x512xf32, #tpu.memory_space<vmem>>, vector<16xf32>,
      tpu.vector_store %arg8[%parallel_loop3A_163, %parallel_loop3A_164], %parallel_loop3A_159 {strides = array<i32>} : memref<32x512xf32, #tpu.memory_space<vmem>>, vector<16xf32>,
      %parallel_loop3A_166 = arith.constant 16 : i32
      %parallel_loop3A_167 = vector.broadcast %parallel_loop3A_166 : i32 to vector<16xi32>
      %parallel_loop3A_168 = tpu.vector_load_idx %arg6[%parallel_loop3A_167, %parallel_loop3A_21] : memref<32x512xf32, #tpu.memory_space<vmem>>[vector<16xi32>, vector<16xi32>], vector<16xf32>,
      %parallel_loop3A_169 = arith.constant 16 : i32
      %parallel_loop3A_170 = arith.muli %parallel_loop3A_14, %parallel_loop3A_169 : i32
      %parallel_loop3A_171 = arith.constant 16 : i32
      %parallel_loop3A_172 = arith.index_cast %parallel_loop3A_171 : i32 to index
      %parallel_loop3A_173 = arith.index_cast %parallel_loop3A_170 : i32 to index
      %parallel_loop3A_174 = tpu.vector_load %arg8[%parallel_loop3A_172, %parallel_loop3A_173] {strides = array<i32>} : memref<32x512xf32, #tpu.memory_space<vmem>>, vector<16xf32>,
      tpu.vector_store %arg8[%parallel_loop3A_172, %parallel_loop3A_173], %parallel_loop3A_168 {strides = array<i32>} : memref<32x512xf32, #tpu.memory_space<vmem>>, vector<16xf32>,
      %parallel_loop3A_175 = arith.constant 17 : i32
      %parallel_loop3A_176 = vector.broadcast %parallel_loop3A_175 : i32 to vector<16xi32>
      %parallel_loop3A_177 = tpu.vector_load_idx %arg6[%parallel_loop3A_176, %parallel_loop3A_21] : memref<32x512xf32, #tpu.memory_space<vmem>>[vector<16xi32>, vector<16xi32>], vector<16xf32>,
      %parallel_loop3A_178 = arith.constant 16 : i32
      %parallel_loop3A_179 = arith.muli %parallel_loop3A_14, %parallel_loop3A_178 : i32
      %parallel_loop3A_180 = arith.constant 17 : i32
      %parallel_loop3A_181 = arith.index_cast %parallel_loop3A_180 : i32 to index
      %parallel_loop3A_182 = arith.index_cast %parallel_loop3A_179 : i32 to index
      %parallel_loop3A_183 = tpu.vector_load %arg8[%parallel_loop3A_181, %parallel_loop3A_182] {strides = array<i32>} : memref<32x512xf32, #tpu.memory_space<vmem>>, vector<16xf32>,
      tpu.vector_store %arg8[%parallel_loop3A_181, %parallel_loop3A_182], %parallel_loop3A_177 {strides = array<i32>} : memref<32x512xf32, #tpu.memory_space<vmem>>, vector<16xf32>,
      %parallel_loop3A_184 = arith.constant 18 : i32
      %parallel_loop3A_185 = vector.broadcast %parallel_loop3A_184 : i32 to vector<16xi32>
      %parallel_loop3A_186 = tpu.vector_load_idx %arg6[%parallel_loop3A_185, %parallel_loop3A_21] : memref<32x512xf32, #tpu.memory_space<vmem>>[vector<16xi32>, vector<16xi32>], vector<16xf32>,
      %parallel_loop3A_187 = arith.constant 16 : i32
      %parallel_loop3A_188 = arith.muli %parallel_loop3A_14, %parallel_loop3A_187 : i32
      %parallel_loop3A_189 = arith.constant 18 : i32
      %parallel_loop3A_190 = arith.index_cast %parallel_loop3A_189 : i32 to index
      %parallel_loop3A_191 = arith.index_cast %parallel_loop3A_188 : i32 to index
      %parallel_loop3A_192 = tpu.vector_load %arg8[%parallel_loop3A_190, %parallel_loop3A_191] {strides = array<i32>} : memref<32x512xf32, #tpu.memory_space<vmem>>, vector<16xf32>,
      tpu.vector_store %arg8[%parallel_loop3A_190, %parallel_loop3A_191], %parallel_loop3A_186 {strides = array<i32>} : memref<32x512xf32, #tpu.memory_space<vmem>>, vector<16xf32>,
      %parallel_loop3A_193 = arith.constant 19 : i32
      %parallel_loop3A_194 = vector.broadcast %parallel_loop3A_193 : i32 to vector<16xi32>
      %parallel_loop3A_195 = tpu.vector_load_idx %arg6[%parallel_loop3A_194, %parallel_loop3A_21] : memref<32x512xf32, #tpu.memory_space<vmem>>[vector<16xi32>, vector<16xi32>], vector<16xf32>,
      %parallel_loop3A_196 = arith.constant 16 : i32
      %parallel_loop3A_197 = arith.muli %parallel_loop3A_14, %parallel_loop3A_196 : i32
      %parallel_loop3A_198 = arith.constant 19 : i32
      %parallel_loop3A_199 = arith.index_cast %parallel_loop3A_198 : i32 to index
      %parallel_loop3A_200 = arith.index_cast %parallel_loop3A_197 : i32 to index
      %parallel_loop3A_201 = tpu.vector_load %arg8[%parallel_loop3A_199, %parallel_loop3A_200] {strides = array<i32>} : memref<32x512xf32, #tpu.memory_space<vmem>>, vector<16xf32>,
      tpu.vector_store %arg8[%parallel_loop3A_199, %parallel_loop3A_200], %parallel_loop3A_195 {strides = array<i32>} : memref<32x512xf32, #tpu.memory_space<vmem>>, vector<16xf32>,
      %parallel_loop3A_202 = arith.constant 20 : i32
      %parallel_loop3A_203 = vector.broadcast %parallel_loop3A_202 : i32 to vector<16xi32>
      %parallel_loop3A_204 = tpu.vector_load_idx %arg6[%parallel_loop3A_203, %parallel_loop3A_21] : memref<32x512xf32, #tpu.memory_space<vmem>>[vector<16xi32>, vector<16xi32>], vector<16xf32>,
      %parallel_loop3A_205 = arith.constant 16 : i32
      %parallel_loop3A_206 = arith.muli %parallel_loop3A_14, %parallel_loop3A_205 : i32
      %parallel_loop3A_207 = arith.constant 20 : i32
      %parallel_loop3A_208 = arith.index_cast %parallel_loop3A_207 : i32 to index
      %parallel_loop3A_209 = arith.index_cast %parallel_loop3A_206 : i32 to index
      %parallel_loop3A_210 = tpu.vector_load %arg8[%parallel_loop3A_208, %parallel_loop3A_209] {strides = array<i32>} : memref<32x512xf32, #tpu.memory_space<vmem>>, vector<16xf32>,
      tpu.vector_store %arg8[%parallel_loop3A_208, %parallel_loop3A_209], %parallel_loop3A_204 {strides = array<i32>} : memref<32x512xf32, #tpu.memory_space<vmem>>, vector<16xf32>,
      %parallel_loop3A_211 = arith.constant 21 : i32
      %parallel_loop3A_212 = vector.broadcast %parallel_loop3A_211 : i32 to vector<16xi32>
      %parallel_loop3A_213 = tpu.vector_load_idx %arg6[%parallel_loop3A_212, %parallel_loop3A_21] : memref<32x512xf32, #tpu.memory_space<vmem>>[vector<16xi32>, vector<16xi32>], vector<16xf32>,
      %parallel_loop3A_214 = arith.constant 16 : i32
      %parallel_loop3A_215 = arith.muli %parallel_loop3A_14, %parallel_loop3A_214 : i32
      %parallel_loop3A_216 = arith.constant 21 : i32
      %parallel_loop3A_217 = arith.index_cast %parallel_loop3A_216 : i32 to index
      %parallel_loop3A_218 = arith.index_cast %parallel_loop3A_215 : i32 to index
      %parallel_loop3A_219 = tpu.vector_load %arg8[%parallel_loop3A_217, %parallel_loop3A_218] {strides = array<i32>} : memref<32x512xf32, #tpu.memory_space<vmem>>, vector<16xf32>,
      tpu.vector_store %arg8[%parallel_loop3A_217, %parallel_loop3A_218], %parallel_loop3A_213 {strides = array<i32>} : memref<32x512xf32, #tpu.memory_space<vmem>>, vector<16xf32>,
      %parallel_loop3A_220 = arith.constant 22 : i32
      %parallel_loop3A_221 = vector.broadcast %parallel_loop3A_220 : i32 to vector<16xi32>
      %parallel_loop3A_222 = tpu.vector_load_idx %arg6[%parallel_loop3A_221, %parallel_loop3A_21] : memref<32x512xf32, #tpu.memory_space<vmem>>[vector<16xi32>, vector<16xi32>], vector<16xf32>,
      %parallel_loop3A_223 = arith.constant 16 : i32
      %parallel_loop3A_224 = arith.muli %parallel_loop3A_14, %parallel_loop3A_223 : i32
      %parallel_loop3A_225 = arith.constant 22 : i32
      %parallel_loop3A_226 = arith.index_cast %parallel_loop3A_225 : i32 to index
      %parallel_loop3A_227 = arith.index_cast %parallel_loop3A_224 : i32 to index
      %parallel_loop3A_228 = tpu.vector_load %arg8[%parallel_loop3A_226, %parallel_loop3A_227] {strides = array<i32>} : memref<32x512xf32, #tpu.memory_space<vmem>>, vector<16xf32>,
      tpu.vector_store %arg8[%parallel_loop3A_226, %parallel_loop3A_227], %parallel_loop3A_222 {strides = array<i32>} : memref<32x512xf32, #tpu.memory_space<vmem>>, vector<16xf32>,
      %parallel_loop3A_229 = arith.constant 23 : i32
      %parallel_loop3A_230 = vector.broadcast %parallel_loop3A_229 : i32 to vector<16xi32>
      %parallel_loop3A_231 = tpu.vector_load_idx %arg6[%parallel_loop3A_230, %parallel_loop3A_21] : memref<32x512xf32, #tpu.memory_space<vmem>>[vector<16xi32>, vector<16xi32>], vector<16xf32>,
      %parallel_loop3A_232 = arith.constant 16 : i32
      %parallel_loop3A_233 = arith.muli %parallel_loop3A_14, %parallel_loop3A_232 : i32
      %parallel_loop3A_234 = arith.constant 23 : i32
      %parallel_loop3A_235 = arith.index_cast %parallel_loop3A_234 : i32 to index
      %parallel_loop3A_236 = arith.index_cast %parallel_loop3A_233 : i32 to index
      %parallel_loop3A_237 = tpu.vector_load %arg8[%parallel_loop3A_235, %parallel_loop3A_236] {strides = array<i32>} : memref<32x512xf32, #tpu.memory_space<vmem>>, vector<16xf32>,
      tpu.vector_store %arg8[%parallel_loop3A_235, %parallel_loop3A_236], %parallel_loop3A_231 {strides = array<i32>} : memref<32x512xf32, #tpu.memory_space<vmem>>, vector<16xf32>,
      %parallel_loop3A_238 = arith.constant 24 : i32
      %parallel_loop3A_239 = vector.broadcast %parallel_loop3A_238 : i32 to vector<16xi32>
      %parallel_loop3A_240 = tpu.vector_load_idx %arg6[%parallel_loop3A_239, %parallel_loop3A_21] : memref<32x512xf32, #tpu.memory_space<vmem>>[vector<16xi32>, vector<16xi32>], vector<16xf32>,
      %parallel_loop3A_241 = arith.constant 16 : i32
      %parallel_loop3A_242 = arith.muli %parallel_loop3A_14, %parallel_loop3A_241 : i32
      %parallel_loop3A_243 = arith.constant 24 : i32
      %parallel_loop3A_244 = arith.index_cast %parallel_loop3A_243 : i32 to index
      %parallel_loop3A_245 = arith.index_cast %parallel_loop3A_242 : i32 to index
      %parallel_loop3A_246 = tpu.vector_load %arg8[%parallel_loop3A_244, %parallel_loop3A_245] {strides = array<i32>} : memref<32x512xf32, #tpu.memory_space<vmem>>, vector<16xf32>,
      tpu.vector_store %arg8[%parallel_loop3A_244, %parallel_loop3A_245], %parallel_loop3A_240 {strides = array<i32>} : memref<32x512xf32, #tpu.memory_space<vmem>>, vector<16xf32>,
      %parallel_loop3A_247 = arith.constant 25 : i32
      %parallel_loop3A_248 = vector.broadcast %parallel_loop3A_247 : i32 to vector<16xi32>
      %parallel_loop3A_249 = tpu.vector_load_idx %arg6[%parallel_loop3A_248, %parallel_loop3A_21] : memref<32x512xf32, #tpu.memory_space<vmem>>[vector<16xi32>, vector<16xi32>], vector<16xf32>,
      %parallel_loop3A_250 = arith.constant 16 : i32
      %parallel_loop3A_251 = arith.muli %parallel_loop3A_14, %parallel_loop3A_250 : i32
      %parallel_loop3A_252 = arith.constant 25 : i32
      %parallel_loop3A_253 = arith.index_cast %parallel_loop3A_252 : i32 to index
      %parallel_loop3A_254 = arith.index_cast %parallel_loop3A_251 : i32 to index
      %parallel_loop3A_255 = tpu.vector_load %arg8[%parallel_loop3A_253, %parallel_loop3A_254] {strides = array<i32>} : memref<32x512xf32, #tpu.memory_space<vmem>>, vector<16xf32>,
      tpu.vector_store %arg8[%parallel_loop3A_253, %parallel_loop3A_254], %parallel_loop3A_249 {strides = array<i32>} : memref<32x512xf32, #tpu.memory_space<vmem>>, vector<16xf32>,
      %parallel_loop3A_256 = arith.constant 26 : i32
      %parallel_loop3A_257 = vector.broadcast %parallel_loop3A_256 : i32 to vector<16xi32>
      %parallel_loop3A_258 = tpu.vector_load_idx %arg6[%parallel_loop3A_257, %parallel_loop3A_21] : memref<32x512xf32, #tpu.memory_space<vmem>>[vector<16xi32>, vector<16xi32>], vector<16xf32>,
      %parallel_loop3A_259 = arith.constant 16 : i32
      %parallel_loop3A_260 = arith.muli %parallel_loop3A_14, %parallel_loop3A_259 : i32
      %parallel_loop3A_261 = arith.constant 26 : i32
      %parallel_loop3A_262 = arith.index_cast %parallel_loop3A_261 : i32 to index
      %parallel_loop3A_263 = arith.index_cast %parallel_loop3A_260 : i32 to index
      %parallel_loop3A_264 = tpu.vector_load %arg8[%parallel_loop3A_262, %parallel_loop3A_263] {strides = array<i32>} : memref<32x512xf32, #tpu.memory_space<vmem>>, vector<16xf32>,
      tpu.vector_store %arg8[%parallel_loop3A_262, %parallel_loop3A_263], %parallel_loop3A_258 {strides = array<i32>} : memref<32x512xf32, #tpu.memory_space<vmem>>, vector<16xf32>,
      %parallel_loop3A_265 = arith.constant 27 : i32
      %parallel_loop3A_266 = vector.broadcast %parallel_loop3A_265 : i32 to vector<16xi32>
      %parallel_loop3A_267 = tpu.vector_load_idx %arg6[%parallel_loop3A_266, %parallel_loop3A_21] : memref<32x512xf32, #tpu.memory_space<vmem>>[vector<16xi32>, vector<16xi32>], vector<16xf32>,
      %parallel_loop3A_268 = arith.constant 16 : i32
      %parallel_loop3A_269 = arith.muli %parallel_loop3A_14, %parallel_loop3A_268 : i32
      %parallel_loop3A_270 = arith.constant 27 : i32
      %parallel_loop3A_271 = arith.index_cast %parallel_loop3A_270 : i32 to index
      %parallel_loop3A_272 = arith.index_cast %parallel_loop3A_269 : i32 to index
      %parallel_loop3A_273 = tpu.vector_load %arg8[%parallel_loop3A_271, %parallel_loop3A_272] {strides = array<i32>} : memref<32x512xf32, #tpu.memory_space<vmem>>, vector<16xf32>,
      tpu.vector_store %arg8[%parallel_loop3A_271, %parallel_loop3A_272], %parallel_loop3A_267 {strides = array<i32>} : memref<32x512xf32, #tpu.memory_space<vmem>>, vector<16xf32>,
      %parallel_loop3A_274 = arith.constant 28 : i32
      %parallel_loop3A_275 = vector.broadcast %parallel_loop3A_274 : i32 to vector<16xi32>
      %parallel_loop3A_276 = tpu.vector_load_idx %arg6[%parallel_loop3A_275, %parallel_loop3A_21] : memref<32x512xf32, #tpu.memory_space<vmem>>[vector<16xi32>, vector<16xi32>], vector<16xf32>,
      %parallel_loop3A_277 = arith.constant 16 : i32
      %parallel_loop3A_278 = arith.muli %parallel_loop3A_14, %parallel_loop3A_277 : i32
      %parallel_loop3A_279 = arith.constant 28 : i32
      %parallel_loop3A_280 = arith.index_cast %parallel_loop3A_279 : i32 to index
      %parallel_loop3A_281 = arith.index_cast %parallel_loop3A_278 : i32 to index
      %parallel_loop3A_282 = tpu.vector_load %arg8[%parallel_loop3A_280, %parallel_loop3A_281] {strides = array<i32>} : memref<32x512xf32, #tpu.memory_space<vmem>>, vector<16xf32>,
      tpu.vector_store %arg8[%parallel_loop3A_280, %parallel_loop3A_281], %parallel_loop3A_276 {strides = array<i32>} : memref<32x512xf32, #tpu.memory_space<vmem>>, vector<16xf32>,
      %parallel_loop3A_283 = arith.constant 29 : i32
      %parallel_loop3A_284 = vector.broadcast %parallel_loop3A_283 : i32 to vector<16xi32>
      %parallel_loop3A_285 = tpu.vector_load_idx %arg6[%parallel_loop3A_284, %parallel_loop3A_21] : memref<32x512xf32, #tpu.memory_space<vmem>>[vector<16xi32>, vector<16xi32>], vector<16xf32>,
      %parallel_loop3A_286 = arith.constant 16 : i32
      %parallel_loop3A_287 = arith.muli %parallel_loop3A_14, %parallel_loop3A_286 : i32
      %parallel_loop3A_288 = arith.constant 29 : i32
      %parallel_loop3A_289 = arith.index_cast %parallel_loop3A_288 : i32 to index
      %parallel_loop3A_290 = arith.index_cast %parallel_loop3A_287 : i32 to index
      %parallel_loop3A_291 = tpu.vector_load %arg8[%parallel_loop3A_289, %parallel_loop3A_290] {strides = array<i32>} : memref<32x512xf32, #tpu.memory_space<vmem>>, vector<16xf32>,
      tpu.vector_store %arg8[%parallel_loop3A_289, %parallel_loop3A_290], %parallel_loop3A_285 {strides = array<i32>} : memref<32x512xf32, #tpu.memory_space<vmem>>, vector<16xf32>,
      %parallel_loop3A_292 = arith.constant 30 : i32
      %parallel_loop3A_293 = vector.broadcast %parallel_loop3A_292 : i32 to vector<16xi32>
      %parallel_loop3A_294 = tpu.vector_load_idx %arg6[%parallel_loop3A_293, %parallel_loop3A_21] : memref<32x512xf32, #tpu.memory_space<vmem>>[vector<16xi32>, vector<16xi32>], vector<16xf32>,
      %parallel_loop3A_295 = arith.constant 16 : i32
      %parallel_loop3A_296 = arith.muli %parallel_loop3A_14, %parallel_loop3A_295 : i32
      %parallel_loop3A_297 = arith.constant 30 : i32
      %parallel_loop3A_298 = arith.index_cast %parallel_loop3A_297 : i32 to index
      %parallel_loop3A_299 = arith.index_cast %parallel_loop3A_296 : i32 to index
      %parallel_loop3A_300 = tpu.vector_load %arg8[%parallel_loop3A_298, %parallel_loop3A_299] {strides = array<i32>} : memref<32x512xf32, #tpu.memory_space<vmem>>, vector<16xf32>,
      tpu.vector_store %arg8[%parallel_loop3A_298, %parallel_loop3A_299], %parallel_loop3A_294 {strides = array<i32>} : memref<32x512xf32, #tpu.memory_space<vmem>>, vector<16xf32>,
      %parallel_loop3A_301 = arith.constant 31 : i32
      %parallel_loop3A_302 = vector.broadcast %parallel_loop3A_301 : i32 to vector<16xi32>
      %parallel_loop3A_303 = tpu.vector_load_idx %arg6[%parallel_loop3A_302, %parallel_loop3A_21] : memref<32x512xf32, #tpu.memory_space<vmem>>[vector<16xi32>, vector<16xi32>], vector<16xf32>,
      %parallel_loop3A_304 = arith.constant 16 : i32
      %parallel_loop3A_305 = arith.muli %parallel_loop3A_14, %parallel_loop3A_304 : i32
      %parallel_loop3A_306 = arith.constant 31 : i32
      %parallel_loop3A_307 = arith.index_cast %parallel_loop3A_306 : i32 to index
      %parallel_loop3A_308 = arith.index_cast %parallel_loop3A_305 : i32 to index
      %parallel_loop3A_309 = tpu.vector_load %arg8[%parallel_loop3A_307, %parallel_loop3A_308] {strides = array<i32>} : memref<32x512xf32, #tpu.memory_space<vmem>>, vector<16xf32>,
      tpu.vector_store %arg8[%parallel_loop3A_307, %parallel_loop3A_308], %parallel_loop3A_303 {strides = array<i32>} : memref<32x512xf32, #tpu.memory_space<vmem>>, vector<16xf32>,
    } {sc.loop_unroll_factor = 2 : i64, sc.parallel_access}
    %mul3A_6 = arith.constant 1 : i32
    %mul3A_7 = arith.muli %add3A, %mul3A_6 : i32
    %add3A_8 = arith.addi %mul3A_7, %scan3A_3 : i32
    %mul3A_9 = arith.constant 512 : i32
    %mul3A_10 = arith.muli %add3A_8, %mul3A_9 : i32
    %add3A_11 = arith.constant 114688 : i32
    %add3A_12 = arith.addi %add3A_11, %mul3A_10 : i32
    "tpu.region"() ({
      %run_scoped3A = tpu.sem_alloc : memref<!tpu.dma_semaphore, #tpu.memory_space<semaphore_mem>>
      %dma_start3A = arith.constant 0 : i32
      %dma_start3A_14 = tpu.memref_slice %arg5[%dma_start3A, %add3A_12] : memref<32x131072xf32, #tpu.memory_space<hbm>> -> memref<32x512xf32, #tpu.memory_space<hbm>>
      %dma_start3A_15 = arith.constant 0 : i32
      %dma_start3A_16 = tpu.memref_slice %arg5[%dma_start3A_15, %add3A_12] : memref<32x131072xf32, #tpu.memory_space<hbm>> -> memref<32x512xf32, #tpu.memory_space<hbm>>
      tpu.enqueue_dma source(%arg8 : memref<32x512xf32, #tpu.memory_space<vmem>>) target(%dma_start3A_16 : memref<32x512xf32, #tpu.memory_space<hbm>>) target_semaphore(%run_scoped3A : memref<!tpu.dma_semaphore, #tpu.memory_space<semaphore_mem>>)
      %dma_wait3A = arith.constant 0 : i32
      %dma_wait3A_17 = tpu.memref_slice %arg5[%dma_wait3A, %add3A_12] : memref<32x131072xf32, #tpu.memory_space<hbm>> -> memref<32x512xf32, #tpu.memory_space<hbm>>
      %dma_wait3A_18 = arith.constant 0 : i32
      %dma_wait3A_19 = tpu.memref_slice %arg5[%dma_wait3A_18, %add3A_12] : memref<32x131072xf32, #tpu.memory_space<hbm>> -> memref<32x512xf32, #tpu.memory_space<hbm>>
      tpu.wait_dma2 semaphore(%run_scoped3A : memref<!tpu.dma_semaphore, #tpu.memory_space<semaphore_mem>>) src(%arg8 : memref<32x512xf32, #tpu.memory_space<vmem>>) dst(%dma_wait3A_19 : memref<32x512xf32, #tpu.memory_space<hbm>>)
      tpu.yield
    }) : () -> ()
    %scan3A_13 = arith.constant 1 : i32
    return
  }
}

#map = affine_map<(d0, d1) -> (0, 0)>
#map1 = affine_map<(d0, d1) -> (0)>
module attributes {stable_mosaic.version = 14 : i64} {
  func.func @_gather_codewords(%arg0: i32, %arg1: i32, %arg2: memref<32x512xf32, #tpu.memory_space<hbm>>, %arg3: memref<32768xi32, #tpu.memory_space<hbm>>, %arg4: memref<32x131072xf32, #tpu.memory_space<hbm>>, %arg5: memref<32x131072xf32, #tpu.memory_space<hbm>>, %arg6: memref<32x512xf32, #tpu.memory_space<vmem>>, %arg7: memref<1024xi32, #tpu.memory_space<vmem>>, %arg8: memref<32x512xf32, #tpu.memory_space<vmem>>) attributes {dimension_semantics = [#tpu.dimension_semantics<core_parallel>, #tpu.dimension_semantics<subcore_parallel>], iteration_bounds = array<i64: 2, 16>, scalar_prefetch = 0 : i64, scratch_operands = 3 : i64, tpu.core_type = #tpu.core_type<sc_vector_subcore>, window_params = [{transform_indices = #map}, {transform_indices = #map1}, {transform_indices = #map}, {transform_indices = #map}]} {
    %mul3A = arith.constant 2 : i32
    %mul3A_0 = arith.muli %arg1, %mul3A : i32
    %add3A = arith.addi %mul3A_0, %arg0 : i32
    "tpu.region"() ({
      %run_scoped3A = tpu.sem_alloc : memref<!tpu.dma_semaphore, #tpu.memory_space<semaphore_mem>>
      tpu.enqueue_dma source(%arg2 : memref<32x512xf32, #tpu.memory_space<hbm>>) target(%arg6 : memref<32x512xf32, #tpu.memory_space<vmem>>) target_semaphore(%run_scoped3A : memref<!tpu.dma_semaphore, #tpu.memory_space<semaphore_mem>>)
      tpu.wait_dma2 semaphore(%run_scoped3A : memref<!tpu.dma_semaphore, #tpu.memory_space<semaphore_mem>>) src(%arg2 : memref<32x512xf32, #tpu.memory_space<hbm>>) dst(%arg6 : memref<32x512xf32, #tpu.memory_space<vmem>>)
      tpu.yield
    }) : () -> ()
    %mul3A_1 = arith.constant 1024 : i32
    %mul3A_2 = arith.muli %add3A, %mul3A_1 : i32
    "tpu.region"() ({
      %run_scoped3A = tpu.sem_alloc : memref<!tpu.dma_semaphore, #tpu.memory_space<semaphore_mem>>
      %dma_start3A = tpu.memref_slice %arg3[%mul3A_2] : memref<32768xi32, #tpu.memory_space<hbm>> -> memref<1024xi32, #tpu.memory_space<hbm>>
      %dma_start3A_8 = tpu.memref_slice %arg3[%mul3A_2] : memref<32768xi32, #tpu.memory_space<hbm>> -> memref<1024xi32, #tpu.memory_space<hbm>>
      tpu.enqueue_dma source(%dma_start3A_8 : memref<1024xi32, #tpu.memory_space<hbm>>) target(%arg7 : memref<1024xi32, #tpu.memory_space<vmem>>) target_semaphore(%run_scoped3A : memref<!tpu.dma_semaphore, #tpu.memory_space<semaphore_mem>>)
      %dma_wait3A = tpu.memref_slice %arg3[%mul3A_2] : memref<32768xi32, #tpu.memory_space<hbm>> -> memref<1024xi32, #tpu.memory_space<hbm>>
      %dma_wait3A_9 = tpu.memref_slice %arg3[%mul3A_2] : memref<32768xi32, #tpu.memory_space<hbm>> -> memref<1024xi32, #tpu.memory_space<hbm>>
      tpu.wait_dma2 semaphore(%run_scoped3A : memref<!tpu.dma_semaphore, #tpu.memory_space<semaphore_mem>>) src(%dma_wait3A_9 : memref<1024xi32, #tpu.memory_space<hbm>>) dst(%arg7 : memref<1024xi32, #tpu.memory_space<vmem>>)
      tpu.yield
    }) : () -> ()
    %scan3A = arith.constant 0 : i32
    %scan3A_3 = arith.constant 0 : i32
    %scan3A_4 = arith.constant 2 : i32
    %scan3A_5 = arith.addi %scan3A_3, %scan3A_4 : i32
    %scan3A_6 = arith.constant 1 : i32
    scf.for %scan3A_8 = %scan3A_3 to %scan3A_5 step %scan3A_6  : i32 {
      %parallel_loop3A = arith.constant 0 : i32
      %parallel_loop3A_9 = arith.constant 32 : i32
      %parallel_loop3A_10 = arith.constant 1 : i32
      scf.for %parallel_loop3A_18 = %parallel_loop3A to %parallel_loop3A_9 step %parallel_loop3A_10  : i32 {
        %parallel_loop3A_19 = arith.constant 512 : i32
        %parallel_loop3A_20 = arith.muli %scan3A_8, %parallel_loop3A_19 : i32
        %parallel_loop3A_21 = arith.constant 16 : i32
        %parallel_loop3A_22 = arith.muli %parallel_loop3A_18, %parallel_loop3A_21 : i32
        %parallel_loop3A_23 = arith.addi %parallel_loop3A_20, %parallel_loop3A_22 : i32
        %parallel_loop3A_24 = arith.index_cast %parallel_loop3A_23 : i32 to index
        %parallel_loop3A_25 = tpu.vector_load %arg7[%parallel_loop3A_24] {strides = array<i32>} : memref<1024xi32, #tpu.memory_space<vmem>>, vector<16xi32>,
        %parallel_loop3A_26 = arith.constant 0 : i32
        %parallel_loop3A_27 = vector.broadcast %parallel_loop3A_26 : i32 to vector<16xi32>
        %parallel_loop3A_28 = tpu.vector_load_idx %arg6[%parallel_loop3A_27, %parallel_loop3A_25] : memref<32x512xf32, #tpu.memory_space<vmem>>[vector<16xi32>, vector<16xi32>], vector<16xf32>,
        %parallel_loop3A_29 = arith.constant 16 : i32
        %parallel_loop3A_30 = arith.muli %parallel_loop3A_18, %parallel_loop3A_29 : i32
        %parallel_loop3A_31 = arith.constant 0 : i32
        %parallel_loop3A_32 = arith.index_cast %parallel_loop3A_31 : i32 to index
        %parallel_loop3A_33 = arith.index_cast %parallel_loop3A_30 : i32 to index
        %parallel_loop3A_34 = tpu.vector_load %arg8[%parallel_loop3A_32, %parallel_loop3A_33] {strides = array<i32>} : memref<32x512xf32, #tpu.memory_space<vmem>>, vector<16xf32>,
        tpu.vector_store %arg8[%parallel_loop3A_32, %parallel_loop3A_33], %parallel_loop3A_28 {strides = array<i32>} : memref<32x512xf32, #tpu.memory_space<vmem>>, vector<16xf32>,
        %parallel_loop3A_35 = arith.constant 1 : i32
        %parallel_loop3A_36 = vector.broadcast %parallel_loop3A_35 : i32 to vector<16xi32>
        %parallel_loop3A_37 = tpu.vector_load_idx %arg6[%parallel_loop3A_36, %parallel_loop3A_25] : memref<32x512xf32, #tpu.memory_space<vmem>>[vector<16xi32>, vector<16xi32>], vector<16xf32>,
        %parallel_loop3A_38 = arith.constant 16 : i32
        %parallel_loop3A_39 = arith.muli %parallel_loop3A_18, %parallel_loop3A_38 : i32
        %parallel_loop3A_40 = arith.constant 1 : i32
        %parallel_loop3A_41 = arith.index_cast %parallel_loop3A_40 : i32 to index
        %parallel_loop3A_42 = arith.index_cast %parallel_loop3A_39 : i32 to index
        %parallel_loop3A_43 = tpu.vector_load %arg8[%parallel_loop3A_41, %parallel_loop3A_42] {strides = array<i32>} : memref<32x512xf32, #tpu.memory_space<vmem>>, vector<16xf32>,
        tpu.vector_store %arg8[%parallel_loop3A_41, %parallel_loop3A_42], %parallel_loop3A_37 {strides = array<i32>} : memref<32x512xf32, #tpu.memory_space<vmem>>, vector<16xf32>,
        %parallel_loop3A_44 = arith.constant 2 : i32
        %parallel_loop3A_45 = vector.broadcast %parallel_loop3A_44 : i32 to vector<16xi32>
        %parallel_loop3A_46 = tpu.vector_load_idx %arg6[%parallel_loop3A_45, %parallel_loop3A_25] : memref<32x512xf32, #tpu.memory_space<vmem>>[vector<16xi32>, vector<16xi32>], vector<16xf32>,
        %parallel_loop3A_47 = arith.constant 16 : i32
        %parallel_loop3A_48 = arith.muli %parallel_loop3A_18, %parallel_loop3A_47 : i32
        %parallel_loop3A_49 = arith.constant 2 : i32
        %parallel_loop3A_50 = arith.index_cast %parallel_loop3A_49 : i32 to index
        %parallel_loop3A_51 = arith.index_cast %parallel_loop3A_48 : i32 to index
        %parallel_loop3A_52 = tpu.vector_load %arg8[%parallel_loop3A_50, %parallel_loop3A_51] {strides = array<i32>} : memref<32x512xf32, #tpu.memory_space<vmem>>, vector<16xf32>,
        tpu.vector_store %arg8[%parallel_loop3A_50, %parallel_loop3A_51], %parallel_loop3A_46 {strides = array<i32>} : memref<32x512xf32, #tpu.memory_space<vmem>>, vector<16xf32>,
        %parallel_loop3A_53 = arith.constant 3 : i32
        %parallel_loop3A_54 = vector.broadcast %parallel_loop3A_53 : i32 to vector<16xi32>
        %parallel_loop3A_55 = tpu.vector_load_idx %arg6[%parallel_loop3A_54, %parallel_loop3A_25] : memref<32x512xf32, #tpu.memory_space<vmem>>[vector<16xi32>, vector<16xi32>], vector<16xf32>,
        %parallel_loop3A_56 = arith.constant 16 : i32
        %parallel_loop3A_57 = arith.muli %parallel_loop3A_18, %parallel_loop3A_56 : i32
        %parallel_loop3A_58 = arith.constant 3 : i32
        %parallel_loop3A_59 = arith.index_cast %parallel_loop3A_58 : i32 to index
        %parallel_loop3A_60 = arith.index_cast %parallel_loop3A_57 : i32 to index
        %parallel_loop3A_61 = tpu.vector_load %arg8[%parallel_loop3A_59, %parallel_loop3A_60] {strides = array<i32>} : memref<32x512xf32, #tpu.memory_space<vmem>>, vector<16xf32>,
        tpu.vector_store %arg8[%parallel_loop3A_59, %parallel_loop3A_60], %parallel_loop3A_55 {strides = array<i32>} : memref<32x512xf32, #tpu.memory_space<vmem>>, vector<16xf32>,
        %parallel_loop3A_62 = arith.constant 4 : i32
        %parallel_loop3A_63 = vector.broadcast %parallel_loop3A_62 : i32 to vector<16xi32>
        %parallel_loop3A_64 = tpu.vector_load_idx %arg6[%parallel_loop3A_63, %parallel_loop3A_25] : memref<32x512xf32, #tpu.memory_space<vmem>>[vector<16xi32>, vector<16xi32>], vector<16xf32>,
        %parallel_loop3A_65 = arith.constant 16 : i32
        %parallel_loop3A_66 = arith.muli %parallel_loop3A_18, %parallel_loop3A_65 : i32
        %parallel_loop3A_67 = arith.constant 4 : i32
        %parallel_loop3A_68 = arith.index_cast %parallel_loop3A_67 : i32 to index
        %parallel_loop3A_69 = arith.index_cast %parallel_loop3A_66 : i32 to index
        %parallel_loop3A_70 = tpu.vector_load %arg8[%parallel_loop3A_68, %parallel_loop3A_69] {strides = array<i32>} : memref<32x512xf32, #tpu.memory_space<vmem>>, vector<16xf32>,
        tpu.vector_store %arg8[%parallel_loop3A_68, %parallel_loop3A_69], %parallel_loop3A_64 {strides = array<i32>} : memref<32x512xf32, #tpu.memory_space<vmem>>, vector<16xf32>,
        %parallel_loop3A_71 = arith.constant 5 : i32
        %parallel_loop3A_72 = vector.broadcast %parallel_loop3A_71 : i32 to vector<16xi32>
        %parallel_loop3A_73 = tpu.vector_load_idx %arg6[%parallel_loop3A_72, %parallel_loop3A_25] : memref<32x512xf32, #tpu.memory_space<vmem>>[vector<16xi32>, vector<16xi32>], vector<16xf32>,
        %parallel_loop3A_74 = arith.constant 16 : i32
        %parallel_loop3A_75 = arith.muli %parallel_loop3A_18, %parallel_loop3A_74 : i32
        %parallel_loop3A_76 = arith.constant 5 : i32
        %parallel_loop3A_77 = arith.index_cast %parallel_loop3A_76 : i32 to index
        %parallel_loop3A_78 = arith.index_cast %parallel_loop3A_75 : i32 to index
        %parallel_loop3A_79 = tpu.vector_load %arg8[%parallel_loop3A_77, %parallel_loop3A_78] {strides = array<i32>} : memref<32x512xf32, #tpu.memory_space<vmem>>, vector<16xf32>,
        tpu.vector_store %arg8[%parallel_loop3A_77, %parallel_loop3A_78], %parallel_loop3A_73 {strides = array<i32>} : memref<32x512xf32, #tpu.memory_space<vmem>>, vector<16xf32>,
        %parallel_loop3A_80 = arith.constant 6 : i32
        %parallel_loop3A_81 = vector.broadcast %parallel_loop3A_80 : i32 to vector<16xi32>
        %parallel_loop3A_82 = tpu.vector_load_idx %arg6[%parallel_loop3A_81, %parallel_loop3A_25] : memref<32x512xf32, #tpu.memory_space<vmem>>[vector<16xi32>, vector<16xi32>], vector<16xf32>,
        %parallel_loop3A_83 = arith.constant 16 : i32
        %parallel_loop3A_84 = arith.muli %parallel_loop3A_18, %parallel_loop3A_83 : i32
        %parallel_loop3A_85 = arith.constant 6 : i32
        %parallel_loop3A_86 = arith.index_cast %parallel_loop3A_85 : i32 to index
        %parallel_loop3A_87 = arith.index_cast %parallel_loop3A_84 : i32 to index
        %parallel_loop3A_88 = tpu.vector_load %arg8[%parallel_loop3A_86, %parallel_loop3A_87] {strides = array<i32>} : memref<32x512xf32, #tpu.memory_space<vmem>>, vector<16xf32>,
        tpu.vector_store %arg8[%parallel_loop3A_86, %parallel_loop3A_87], %parallel_loop3A_82 {strides = array<i32>} : memref<32x512xf32, #tpu.memory_space<vmem>>, vector<16xf32>,
        %parallel_loop3A_89 = arith.constant 7 : i32
        %parallel_loop3A_90 = vector.broadcast %parallel_loop3A_89 : i32 to vector<16xi32>
        %parallel_loop3A_91 = tpu.vector_load_idx %arg6[%parallel_loop3A_90, %parallel_loop3A_25] : memref<32x512xf32, #tpu.memory_space<vmem>>[vector<16xi32>, vector<16xi32>], vector<16xf32>,
        %parallel_loop3A_92 = arith.constant 16 : i32
        %parallel_loop3A_93 = arith.muli %parallel_loop3A_18, %parallel_loop3A_92 : i32
        %parallel_loop3A_94 = arith.constant 7 : i32
        %parallel_loop3A_95 = arith.index_cast %parallel_loop3A_94 : i32 to index
        %parallel_loop3A_96 = arith.index_cast %parallel_loop3A_93 : i32 to index
        %parallel_loop3A_97 = tpu.vector_load %arg8[%parallel_loop3A_95, %parallel_loop3A_96] {strides = array<i32>} : memref<32x512xf32, #tpu.memory_space<vmem>>, vector<16xf32>,
        tpu.vector_store %arg8[%parallel_loop3A_95, %parallel_loop3A_96], %parallel_loop3A_91 {strides = array<i32>} : memref<32x512xf32, #tpu.memory_space<vmem>>, vector<16xf32>,
        %parallel_loop3A_98 = arith.constant 8 : i32
        %parallel_loop3A_99 = vector.broadcast %parallel_loop3A_98 : i32 to vector<16xi32>
        %parallel_loop3A_100 = tpu.vector_load_idx %arg6[%parallel_loop3A_99, %parallel_loop3A_25] : memref<32x512xf32, #tpu.memory_space<vmem>>[vector<16xi32>, vector<16xi32>], vector<16xf32>,
        %parallel_loop3A_101 = arith.constant 16 : i32
        %parallel_loop3A_102 = arith.muli %parallel_loop3A_18, %parallel_loop3A_101 : i32
        %parallel_loop3A_103 = arith.constant 8 : i32
        %parallel_loop3A_104 = arith.index_cast %parallel_loop3A_103 : i32 to index
        %parallel_loop3A_105 = arith.index_cast %parallel_loop3A_102 : i32 to index
        %parallel_loop3A_106 = tpu.vector_load %arg8[%parallel_loop3A_104, %parallel_loop3A_105] {strides = array<i32>} : memref<32x512xf32, #tpu.memory_space<vmem>>, vector<16xf32>,
        tpu.vector_store %arg8[%parallel_loop3A_104, %parallel_loop3A_105], %parallel_loop3A_100 {strides = array<i32>} : memref<32x512xf32, #tpu.memory_space<vmem>>, vector<16xf32>,
        %parallel_loop3A_107 = arith.constant 9 : i32
        %parallel_loop3A_108 = vector.broadcast %parallel_loop3A_107 : i32 to vector<16xi32>
        %parallel_loop3A_109 = tpu.vector_load_idx %arg6[%parallel_loop3A_108, %parallel_loop3A_25] : memref<32x512xf32, #tpu.memory_space<vmem>>[vector<16xi32>, vector<16xi32>], vector<16xf32>,
        %parallel_loop3A_110 = arith.constant 16 : i32
        %parallel_loop3A_111 = arith.muli %parallel_loop3A_18, %parallel_loop3A_110 : i32
        %parallel_loop3A_112 = arith.constant 9 : i32
        %parallel_loop3A_113 = arith.index_cast %parallel_loop3A_112 : i32 to index
        %parallel_loop3A_114 = arith.index_cast %parallel_loop3A_111 : i32 to index
        %parallel_loop3A_115 = tpu.vector_load %arg8[%parallel_loop3A_113, %parallel_loop3A_114] {strides = array<i32>} : memref<32x512xf32, #tpu.memory_space<vmem>>, vector<16xf32>,
        tpu.vector_store %arg8[%parallel_loop3A_113, %parallel_loop3A_114], %parallel_loop3A_109 {strides = array<i32>} : memref<32x512xf32, #tpu.memory_space<vmem>>, vector<16xf32>,
        %parallel_loop3A_116 = arith.constant 10 : i32
        %parallel_loop3A_117 = vector.broadcast %parallel_loop3A_116 : i32 to vector<16xi32>
        %parallel_loop3A_118 = tpu.vector_load_idx %arg6[%parallel_loop3A_117, %parallel_loop3A_25] : memref<32x512xf32, #tpu.memory_space<vmem>>[vector<16xi32>, vector<16xi32>], vector<16xf32>,
        %parallel_loop3A_119 = arith.constant 16 : i32
        %parallel_loop3A_120 = arith.muli %parallel_loop3A_18, %parallel_loop3A_119 : i32
        %parallel_loop3A_121 = arith.constant 10 : i32
        %parallel_loop3A_122 = arith.index_cast %parallel_loop3A_121 : i32 to index
        %parallel_loop3A_123 = arith.index_cast %parallel_loop3A_120 : i32 to index
        %parallel_loop3A_124 = tpu.vector_load %arg8[%parallel_loop3A_122, %parallel_loop3A_123] {strides = array<i32>} : memref<32x512xf32, #tpu.memory_space<vmem>>, vector<16xf32>,
        tpu.vector_store %arg8[%parallel_loop3A_122, %parallel_loop3A_123], %parallel_loop3A_118 {strides = array<i32>} : memref<32x512xf32, #tpu.memory_space<vmem>>, vector<16xf32>,
        %parallel_loop3A_125 = arith.constant 11 : i32
        %parallel_loop3A_126 = vector.broadcast %parallel_loop3A_125 : i32 to vector<16xi32>
        %parallel_loop3A_127 = tpu.vector_load_idx %arg6[%parallel_loop3A_126, %parallel_loop3A_25] : memref<32x512xf32, #tpu.memory_space<vmem>>[vector<16xi32>, vector<16xi32>], vector<16xf32>,
        %parallel_loop3A_128 = arith.constant 16 : i32
        %parallel_loop3A_129 = arith.muli %parallel_loop3A_18, %parallel_loop3A_128 : i32
        %parallel_loop3A_130 = arith.constant 11 : i32
        %parallel_loop3A_131 = arith.index_cast %parallel_loop3A_130 : i32 to index
        %parallel_loop3A_132 = arith.index_cast %parallel_loop3A_129 : i32 to index
        %parallel_loop3A_133 = tpu.vector_load %arg8[%parallel_loop3A_131, %parallel_loop3A_132] {strides = array<i32>} : memref<32x512xf32, #tpu.memory_space<vmem>>, vector<16xf32>,
        tpu.vector_store %arg8[%parallel_loop3A_131, %parallel_loop3A_132], %parallel_loop3A_127 {strides = array<i32>} : memref<32x512xf32, #tpu.memory_space<vmem>>, vector<16xf32>,
        %parallel_loop3A_134 = arith.constant 12 : i32
        %parallel_loop3A_135 = vector.broadcast %parallel_loop3A_134 : i32 to vector<16xi32>
        %parallel_loop3A_136 = tpu.vector_load_idx %arg6[%parallel_loop3A_135, %parallel_loop3A_25] : memref<32x512xf32, #tpu.memory_space<vmem>>[vector<16xi32>, vector<16xi32>], vector<16xf32>,
        %parallel_loop3A_137 = arith.constant 16 : i32
        %parallel_loop3A_138 = arith.muli %parallel_loop3A_18, %parallel_loop3A_137 : i32
        %parallel_loop3A_139 = arith.constant 12 : i32
        %parallel_loop3A_140 = arith.index_cast %parallel_loop3A_139 : i32 to index
        %parallel_loop3A_141 = arith.index_cast %parallel_loop3A_138 : i32 to index
        %parallel_loop3A_142 = tpu.vector_load %arg8[%parallel_loop3A_140, %parallel_loop3A_141] {strides = array<i32>} : memref<32x512xf32, #tpu.memory_space<vmem>>, vector<16xf32>,
        tpu.vector_store %arg8[%parallel_loop3A_140, %parallel_loop3A_141], %parallel_loop3A_136 {strides = array<i32>} : memref<32x512xf32, #tpu.memory_space<vmem>>, vector<16xf32>,
        %parallel_loop3A_143 = arith.constant 13 : i32
        %parallel_loop3A_144 = vector.broadcast %parallel_loop3A_143 : i32 to vector<16xi32>
        %parallel_loop3A_145 = tpu.vector_load_idx %arg6[%parallel_loop3A_144, %parallel_loop3A_25] : memref<32x512xf32, #tpu.memory_space<vmem>>[vector<16xi32>, vector<16xi32>], vector<16xf32>,
        %parallel_loop3A_146 = arith.constant 16 : i32
        %parallel_loop3A_147 = arith.muli %parallel_loop3A_18, %parallel_loop3A_146 : i32
        %parallel_loop3A_148 = arith.constant 13 : i32
        %parallel_loop3A_149 = arith.index_cast %parallel_loop3A_148 : i32 to index
        %parallel_loop3A_150 = arith.index_cast %parallel_loop3A_147 : i32 to index
        %parallel_loop3A_151 = tpu.vector_load %arg8[%parallel_loop3A_149, %parallel_loop3A_150] {strides = array<i32>} : memref<32x512xf32, #tpu.memory_space<vmem>>, vector<16xf32>,
        tpu.vector_store %arg8[%parallel_loop3A_149, %parallel_loop3A_150], %parallel_loop3A_145 {strides = array<i32>} : memref<32x512xf32, #tpu.memory_space<vmem>>, vector<16xf32>,
        %parallel_loop3A_152 = arith.constant 14 : i32
        %parallel_loop3A_153 = vector.broadcast %parallel_loop3A_152 : i32 to vector<16xi32>
        %parallel_loop3A_154 = tpu.vector_load_idx %arg6[%parallel_loop3A_153, %parallel_loop3A_25] : memref<32x512xf32, #tpu.memory_space<vmem>>[vector<16xi32>, vector<16xi32>], vector<16xf32>,
        %parallel_loop3A_155 = arith.constant 16 : i32
        %parallel_loop3A_156 = arith.muli %parallel_loop3A_18, %parallel_loop3A_155 : i32
        %parallel_loop3A_157 = arith.constant 14 : i32
        %parallel_loop3A_158 = arith.index_cast %parallel_loop3A_157 : i32 to index
        %parallel_loop3A_159 = arith.index_cast %parallel_loop3A_156 : i32 to index
        %parallel_loop3A_160 = tpu.vector_load %arg8[%parallel_loop3A_158, %parallel_loop3A_159] {strides = array<i32>} : memref<32x512xf32, #tpu.memory_space<vmem>>, vector<16xf32>,
        tpu.vector_store %arg8[%parallel_loop3A_158, %parallel_loop3A_159], %parallel_loop3A_154 {strides = array<i32>} : memref<32x512xf32, #tpu.memory_space<vmem>>, vector<16xf32>,
        %parallel_loop3A_161 = arith.constant 15 : i32
        %parallel_loop3A_162 = vector.broadcast %parallel_loop3A_161 : i32 to vector<16xi32>
        %parallel_loop3A_163 = tpu.vector_load_idx %arg6[%parallel_loop3A_162, %parallel_loop3A_25] : memref<32x512xf32, #tpu.memory_space<vmem>>[vector<16xi32>, vector<16xi32>], vector<16xf32>,
        %parallel_loop3A_164 = arith.constant 16 : i32
        %parallel_loop3A_165 = arith.muli %parallel_loop3A_18, %parallel_loop3A_164 : i32
        %parallel_loop3A_166 = arith.constant 15 : i32
        %parallel_loop3A_167 = arith.index_cast %parallel_loop3A_166 : i32 to index
        %parallel_loop3A_168 = arith.index_cast %parallel_loop3A_165 : i32 to index
        %parallel_loop3A_169 = tpu.vector_load %arg8[%parallel_loop3A_167, %parallel_loop3A_168] {strides = array<i32>} : memref<32x512xf32, #tpu.memory_space<vmem>>, vector<16xf32>,
        tpu.vector_store %arg8[%parallel_loop3A_167, %parallel_loop3A_168], %parallel_loop3A_163 {strides = array<i32>} : memref<32x512xf32, #tpu.memory_space<vmem>>, vector<16xf32>,
        %parallel_loop3A_170 = arith.constant 16 : i32
        %parallel_loop3A_171 = vector.broadcast %parallel_loop3A_170 : i32 to vector<16xi32>
        %parallel_loop3A_172 = tpu.vector_load_idx %arg6[%parallel_loop3A_171, %parallel_loop3A_25] : memref<32x512xf32, #tpu.memory_space<vmem>>[vector<16xi32>, vector<16xi32>], vector<16xf32>,
        %parallel_loop3A_173 = arith.constant 16 : i32
        %parallel_loop3A_174 = arith.muli %parallel_loop3A_18, %parallel_loop3A_173 : i32
        %parallel_loop3A_175 = arith.constant 16 : i32
        %parallel_loop3A_176 = arith.index_cast %parallel_loop3A_175 : i32 to index
        %parallel_loop3A_177 = arith.index_cast %parallel_loop3A_174 : i32 to index
        %parallel_loop3A_178 = tpu.vector_load %arg8[%parallel_loop3A_176, %parallel_loop3A_177] {strides = array<i32>} : memref<32x512xf32, #tpu.memory_space<vmem>>, vector<16xf32>,
        tpu.vector_store %arg8[%parallel_loop3A_176, %parallel_loop3A_177], %parallel_loop3A_172 {strides = array<i32>} : memref<32x512xf32, #tpu.memory_space<vmem>>, vector<16xf32>,
        %parallel_loop3A_179 = arith.constant 17 : i32
        %parallel_loop3A_180 = vector.broadcast %parallel_loop3A_179 : i32 to vector<16xi32>
        %parallel_loop3A_181 = tpu.vector_load_idx %arg6[%parallel_loop3A_180, %parallel_loop3A_25] : memref<32x512xf32, #tpu.memory_space<vmem>>[vector<16xi32>, vector<16xi32>], vector<16xf32>,
        %parallel_loop3A_182 = arith.constant 16 : i32
        %parallel_loop3A_183 = arith.muli %parallel_loop3A_18, %parallel_loop3A_182 : i32
        %parallel_loop3A_184 = arith.constant 17 : i32
        %parallel_loop3A_185 = arith.index_cast %parallel_loop3A_184 : i32 to index
        %parallel_loop3A_186 = arith.index_cast %parallel_loop3A_183 : i32 to index
        %parallel_loop3A_187 = tpu.vector_load %arg8[%parallel_loop3A_185, %parallel_loop3A_186] {strides = array<i32>} : memref<32x512xf32, #tpu.memory_space<vmem>>, vector<16xf32>,
        tpu.vector_store %arg8[%parallel_loop3A_185, %parallel_loop3A_186], %parallel_loop3A_181 {strides = array<i32>} : memref<32x512xf32, #tpu.memory_space<vmem>>, vector<16xf32>,
        %parallel_loop3A_188 = arith.constant 18 : i32
        %parallel_loop3A_189 = vector.broadcast %parallel_loop3A_188 : i32 to vector<16xi32>
        %parallel_loop3A_190 = tpu.vector_load_idx %arg6[%parallel_loop3A_189, %parallel_loop3A_25] : memref<32x512xf32, #tpu.memory_space<vmem>>[vector<16xi32>, vector<16xi32>], vector<16xf32>,
        %parallel_loop3A_191 = arith.constant 16 : i32
        %parallel_loop3A_192 = arith.muli %parallel_loop3A_18, %parallel_loop3A_191 : i32
        %parallel_loop3A_193 = arith.constant 18 : i32
        %parallel_loop3A_194 = arith.index_cast %parallel_loop3A_193 : i32 to index
        %parallel_loop3A_195 = arith.index_cast %parallel_loop3A_192 : i32 to index
        %parallel_loop3A_196 = tpu.vector_load %arg8[%parallel_loop3A_194, %parallel_loop3A_195] {strides = array<i32>} : memref<32x512xf32, #tpu.memory_space<vmem>>, vector<16xf32>,
        tpu.vector_store %arg8[%parallel_loop3A_194, %parallel_loop3A_195], %parallel_loop3A_190 {strides = array<i32>} : memref<32x512xf32, #tpu.memory_space<vmem>>, vector<16xf32>,
        %parallel_loop3A_197 = arith.constant 19 : i32
        %parallel_loop3A_198 = vector.broadcast %parallel_loop3A_197 : i32 to vector<16xi32>
        %parallel_loop3A_199 = tpu.vector_load_idx %arg6[%parallel_loop3A_198, %parallel_loop3A_25] : memref<32x512xf32, #tpu.memory_space<vmem>>[vector<16xi32>, vector<16xi32>], vector<16xf32>,
        %parallel_loop3A_200 = arith.constant 16 : i32
        %parallel_loop3A_201 = arith.muli %parallel_loop3A_18, %parallel_loop3A_200 : i32
        %parallel_loop3A_202 = arith.constant 19 : i32
        %parallel_loop3A_203 = arith.index_cast %parallel_loop3A_202 : i32 to index
        %parallel_loop3A_204 = arith.index_cast %parallel_loop3A_201 : i32 to index
        %parallel_loop3A_205 = tpu.vector_load %arg8[%parallel_loop3A_203, %parallel_loop3A_204] {strides = array<i32>} : memref<32x512xf32, #tpu.memory_space<vmem>>, vector<16xf32>,
        tpu.vector_store %arg8[%parallel_loop3A_203, %parallel_loop3A_204], %parallel_loop3A_199 {strides = array<i32>} : memref<32x512xf32, #tpu.memory_space<vmem>>, vector<16xf32>,
        %parallel_loop3A_206 = arith.constant 20 : i32
        %parallel_loop3A_207 = vector.broadcast %parallel_loop3A_206 : i32 to vector<16xi32>
        %parallel_loop3A_208 = tpu.vector_load_idx %arg6[%parallel_loop3A_207, %parallel_loop3A_25] : memref<32x512xf32, #tpu.memory_space<vmem>>[vector<16xi32>, vector<16xi32>], vector<16xf32>,
        %parallel_loop3A_209 = arith.constant 16 : i32
        %parallel_loop3A_210 = arith.muli %parallel_loop3A_18, %parallel_loop3A_209 : i32
        %parallel_loop3A_211 = arith.constant 20 : i32
        %parallel_loop3A_212 = arith.index_cast %parallel_loop3A_211 : i32 to index
        %parallel_loop3A_213 = arith.index_cast %parallel_loop3A_210 : i32 to index
        %parallel_loop3A_214 = tpu.vector_load %arg8[%parallel_loop3A_212, %parallel_loop3A_213] {strides = array<i32>} : memref<32x512xf32, #tpu.memory_space<vmem>>, vector<16xf32>,
        tpu.vector_store %arg8[%parallel_loop3A_212, %parallel_loop3A_213], %parallel_loop3A_208 {strides = array<i32>} : memref<32x512xf32, #tpu.memory_space<vmem>>, vector<16xf32>,
        %parallel_loop3A_215 = arith.constant 21 : i32
        %parallel_loop3A_216 = vector.broadcast %parallel_loop3A_215 : i32 to vector<16xi32>
        %parallel_loop3A_217 = tpu.vector_load_idx %arg6[%parallel_loop3A_216, %parallel_loop3A_25] : memref<32x512xf32, #tpu.memory_space<vmem>>[vector<16xi32>, vector<16xi32>], vector<16xf32>,
        %parallel_loop3A_218 = arith.constant 16 : i32
        %parallel_loop3A_219 = arith.muli %parallel_loop3A_18, %parallel_loop3A_218 : i32
        %parallel_loop3A_220 = arith.constant 21 : i32
        %parallel_loop3A_221 = arith.index_cast %parallel_loop3A_220 : i32 to index
        %parallel_loop3A_222 = arith.index_cast %parallel_loop3A_219 : i32 to index
        %parallel_loop3A_223 = tpu.vector_load %arg8[%parallel_loop3A_221, %parallel_loop3A_222] {strides = array<i32>} : memref<32x512xf32, #tpu.memory_space<vmem>>, vector<16xf32>,
        tpu.vector_store %arg8[%parallel_loop3A_221, %parallel_loop3A_222], %parallel_loop3A_217 {strides = array<i32>} : memref<32x512xf32, #tpu.memory_space<vmem>>, vector<16xf32>,
        %parallel_loop3A_224 = arith.constant 22 : i32
        %parallel_loop3A_225 = vector.broadcast %parallel_loop3A_224 : i32 to vector<16xi32>
        %parallel_loop3A_226 = tpu.vector_load_idx %arg6[%parallel_loop3A_225, %parallel_loop3A_25] : memref<32x512xf32, #tpu.memory_space<vmem>>[vector<16xi32>, vector<16xi32>], vector<16xf32>,
        %parallel_loop3A_227 = arith.constant 16 : i32
        %parallel_loop3A_228 = arith.muli %parallel_loop3A_18, %parallel_loop3A_227 : i32
        %parallel_loop3A_229 = arith.constant 22 : i32
        %parallel_loop3A_230 = arith.index_cast %parallel_loop3A_229 : i32 to index
        %parallel_loop3A_231 = arith.index_cast %parallel_loop3A_228 : i32 to index
        %parallel_loop3A_232 = tpu.vector_load %arg8[%parallel_loop3A_230, %parallel_loop3A_231] {strides = array<i32>} : memref<32x512xf32, #tpu.memory_space<vmem>>, vector<16xf32>,
        tpu.vector_store %arg8[%parallel_loop3A_230, %parallel_loop3A_231], %parallel_loop3A_226 {strides = array<i32>} : memref<32x512xf32, #tpu.memory_space<vmem>>, vector<16xf32>,
        %parallel_loop3A_233 = arith.constant 23 : i32
        %parallel_loop3A_234 = vector.broadcast %parallel_loop3A_233 : i32 to vector<16xi32>
        %parallel_loop3A_235 = tpu.vector_load_idx %arg6[%parallel_loop3A_234, %parallel_loop3A_25] : memref<32x512xf32, #tpu.memory_space<vmem>>[vector<16xi32>, vector<16xi32>], vector<16xf32>,
        %parallel_loop3A_236 = arith.constant 16 : i32
        %parallel_loop3A_237 = arith.muli %parallel_loop3A_18, %parallel_loop3A_236 : i32
        %parallel_loop3A_238 = arith.constant 23 : i32
        %parallel_loop3A_239 = arith.index_cast %parallel_loop3A_238 : i32 to index
        %parallel_loop3A_240 = arith.index_cast %parallel_loop3A_237 : i32 to index
        %parallel_loop3A_241 = tpu.vector_load %arg8[%parallel_loop3A_239, %parallel_loop3A_240] {strides = array<i32>} : memref<32x512xf32, #tpu.memory_space<vmem>>, vector<16xf32>,
        tpu.vector_store %arg8[%parallel_loop3A_239, %parallel_loop3A_240], %parallel_loop3A_235 {strides = array<i32>} : memref<32x512xf32, #tpu.memory_space<vmem>>, vector<16xf32>,
        %parallel_loop3A_242 = arith.constant 24 : i32
        %parallel_loop3A_243 = vector.broadcast %parallel_loop3A_242 : i32 to vector<16xi32>
        %parallel_loop3A_244 = tpu.vector_load_idx %arg6[%parallel_loop3A_243, %parallel_loop3A_25] : memref<32x512xf32, #tpu.memory_space<vmem>>[vector<16xi32>, vector<16xi32>], vector<16xf32>,
        %parallel_loop3A_245 = arith.constant 16 : i32
        %parallel_loop3A_246 = arith.muli %parallel_loop3A_18, %parallel_loop3A_245 : i32
        %parallel_loop3A_247 = arith.constant 24 : i32
        %parallel_loop3A_248 = arith.index_cast %parallel_loop3A_247 : i32 to index
        %parallel_loop3A_249 = arith.index_cast %parallel_loop3A_246 : i32 to index
        %parallel_loop3A_250 = tpu.vector_load %arg8[%parallel_loop3A_248, %parallel_loop3A_249] {strides = array<i32>} : memref<32x512xf32, #tpu.memory_space<vmem>>, vector<16xf32>,
        tpu.vector_store %arg8[%parallel_loop3A_248, %parallel_loop3A_249], %parallel_loop3A_244 {strides = array<i32>} : memref<32x512xf32, #tpu.memory_space<vmem>>, vector<16xf32>,
        %parallel_loop3A_251 = arith.constant 25 : i32
        %parallel_loop3A_252 = vector.broadcast %parallel_loop3A_251 : i32 to vector<16xi32>
        %parallel_loop3A_253 = tpu.vector_load_idx %arg6[%parallel_loop3A_252, %parallel_loop3A_25] : memref<32x512xf32, #tpu.memory_space<vmem>>[vector<16xi32>, vector<16xi32>], vector<16xf32>,
        %parallel_loop3A_254 = arith.constant 16 : i32
        %parallel_loop3A_255 = arith.muli %parallel_loop3A_18, %parallel_loop3A_254 : i32
        %parallel_loop3A_256 = arith.constant 25 : i32
        %parallel_loop3A_257 = arith.index_cast %parallel_loop3A_256 : i32 to index
        %parallel_loop3A_258 = arith.index_cast %parallel_loop3A_255 : i32 to index
        %parallel_loop3A_259 = tpu.vector_load %arg8[%parallel_loop3A_257, %parallel_loop3A_258] {strides = array<i32>} : memref<32x512xf32, #tpu.memory_space<vmem>>, vector<16xf32>,
        tpu.vector_store %arg8[%parallel_loop3A_257, %parallel_loop3A_258], %parallel_loop3A_253 {strides = array<i32>} : memref<32x512xf32, #tpu.memory_space<vmem>>, vector<16xf32>,
        %parallel_loop3A_260 = arith.constant 26 : i32
        %parallel_loop3A_261 = vector.broadcast %parallel_loop3A_260 : i32 to vector<16xi32>
        %parallel_loop3A_262 = tpu.vector_load_idx %arg6[%parallel_loop3A_261, %parallel_loop3A_25] : memref<32x512xf32, #tpu.memory_space<vmem>>[vector<16xi32>, vector<16xi32>], vector<16xf32>,
        %parallel_loop3A_263 = arith.constant 16 : i32
        %parallel_loop3A_264 = arith.muli %parallel_loop3A_18, %parallel_loop3A_263 : i32
        %parallel_loop3A_265 = arith.constant 26 : i32
        %parallel_loop3A_266 = arith.index_cast %parallel_loop3A_265 : i32 to index
        %parallel_loop3A_267 = arith.index_cast %parallel_loop3A_264 : i32 to index
        %parallel_loop3A_268 = tpu.vector_load %arg8[%parallel_loop3A_266, %parallel_loop3A_267] {strides = array<i32>} : memref<32x512xf32, #tpu.memory_space<vmem>>, vector<16xf32>,
        tpu.vector_store %arg8[%parallel_loop3A_266, %parallel_loop3A_267], %parallel_loop3A_262 {strides = array<i32>} : memref<32x512xf32, #tpu.memory_space<vmem>>, vector<16xf32>,
        %parallel_loop3A_269 = arith.constant 27 : i32
        %parallel_loop3A_270 = vector.broadcast %parallel_loop3A_269 : i32 to vector<16xi32>
        %parallel_loop3A_271 = tpu.vector_load_idx %arg6[%parallel_loop3A_270, %parallel_loop3A_25] : memref<32x512xf32, #tpu.memory_space<vmem>>[vector<16xi32>, vector<16xi32>], vector<16xf32>,
        %parallel_loop3A_272 = arith.constant 16 : i32
        %parallel_loop3A_273 = arith.muli %parallel_loop3A_18, %parallel_loop3A_272 : i32
        %parallel_loop3A_274 = arith.constant 27 : i32
        %parallel_loop3A_275 = arith.index_cast %parallel_loop3A_274 : i32 to index
        %parallel_loop3A_276 = arith.index_cast %parallel_loop3A_273 : i32 to index
        %parallel_loop3A_277 = tpu.vector_load %arg8[%parallel_loop3A_275, %parallel_loop3A_276] {strides = array<i32>} : memref<32x512xf32, #tpu.memory_space<vmem>>, vector<16xf32>,
        tpu.vector_store %arg8[%parallel_loop3A_275, %parallel_loop3A_276], %parallel_loop3A_271 {strides = array<i32>} : memref<32x512xf32, #tpu.memory_space<vmem>>, vector<16xf32>,
        %parallel_loop3A_278 = arith.constant 28 : i32
        %parallel_loop3A_279 = vector.broadcast %parallel_loop3A_278 : i32 to vector<16xi32>
        %parallel_loop3A_280 = tpu.vector_load_idx %arg6[%parallel_loop3A_279, %parallel_loop3A_25] : memref<32x512xf32, #tpu.memory_space<vmem>>[vector<16xi32>, vector<16xi32>], vector<16xf32>,
        %parallel_loop3A_281 = arith.constant 16 : i32
        %parallel_loop3A_282 = arith.muli %parallel_loop3A_18, %parallel_loop3A_281 : i32
        %parallel_loop3A_283 = arith.constant 28 : i32
        %parallel_loop3A_284 = arith.index_cast %parallel_loop3A_283 : i32 to index
        %parallel_loop3A_285 = arith.index_cast %parallel_loop3A_282 : i32 to index
        %parallel_loop3A_286 = tpu.vector_load %arg8[%parallel_loop3A_284, %parallel_loop3A_285] {strides = array<i32>} : memref<32x512xf32, #tpu.memory_space<vmem>>, vector<16xf32>,
        tpu.vector_store %arg8[%parallel_loop3A_284, %parallel_loop3A_285], %parallel_loop3A_280 {strides = array<i32>} : memref<32x512xf32, #tpu.memory_space<vmem>>, vector<16xf32>,
        %parallel_loop3A_287 = arith.constant 29 : i32
        %parallel_loop3A_288 = vector.broadcast %parallel_loop3A_287 : i32 to vector<16xi32>
        %parallel_loop3A_289 = tpu.vector_load_idx %arg6[%parallel_loop3A_288, %parallel_loop3A_25] : memref<32x512xf32, #tpu.memory_space<vmem>>[vector<16xi32>, vector<16xi32>], vector<16xf32>,
        %parallel_loop3A_290 = arith.constant 16 : i32
        %parallel_loop3A_291 = arith.muli %parallel_loop3A_18, %parallel_loop3A_290 : i32
        %parallel_loop3A_292 = arith.constant 29 : i32
        %parallel_loop3A_293 = arith.index_cast %parallel_loop3A_292 : i32 to index
        %parallel_loop3A_294 = arith.index_cast %parallel_loop3A_291 : i32 to index
        %parallel_loop3A_295 = tpu.vector_load %arg8[%parallel_loop3A_293, %parallel_loop3A_294] {strides = array<i32>} : memref<32x512xf32, #tpu.memory_space<vmem>>, vector<16xf32>,
        tpu.vector_store %arg8[%parallel_loop3A_293, %parallel_loop3A_294], %parallel_loop3A_289 {strides = array<i32>} : memref<32x512xf32, #tpu.memory_space<vmem>>, vector<16xf32>,
        %parallel_loop3A_296 = arith.constant 30 : i32
        %parallel_loop3A_297 = vector.broadcast %parallel_loop3A_296 : i32 to vector<16xi32>
        %parallel_loop3A_298 = tpu.vector_load_idx %arg6[%parallel_loop3A_297, %parallel_loop3A_25] : memref<32x512xf32, #tpu.memory_space<vmem>>[vector<16xi32>, vector<16xi32>], vector<16xf32>,
        %parallel_loop3A_299 = arith.constant 16 : i32
        %parallel_loop3A_300 = arith.muli %parallel_loop3A_18, %parallel_loop3A_299 : i32
        %parallel_loop3A_301 = arith.constant 30 : i32
        %parallel_loop3A_302 = arith.index_cast %parallel_loop3A_301 : i32 to index
        %parallel_loop3A_303 = arith.index_cast %parallel_loop3A_300 : i32 to index
        %parallel_loop3A_304 = tpu.vector_load %arg8[%parallel_loop3A_302, %parallel_loop3A_303] {strides = array<i32>} : memref<32x512xf32, #tpu.memory_space<vmem>>, vector<16xf32>,
        tpu.vector_store %arg8[%parallel_loop3A_302, %parallel_loop3A_303], %parallel_loop3A_298 {strides = array<i32>} : memref<32x512xf32, #tpu.memory_space<vmem>>, vector<16xf32>,
        %parallel_loop3A_305 = arith.constant 31 : i32
        %parallel_loop3A_306 = vector.broadcast %parallel_loop3A_305 : i32 to vector<16xi32>
        %parallel_loop3A_307 = tpu.vector_load_idx %arg6[%parallel_loop3A_306, %parallel_loop3A_25] : memref<32x512xf32, #tpu.memory_space<vmem>>[vector<16xi32>, vector<16xi32>], vector<16xf32>,
        %parallel_loop3A_308 = arith.constant 16 : i32
        %parallel_loop3A_309 = arith.muli %parallel_loop3A_18, %parallel_loop3A_308 : i32
        %parallel_loop3A_310 = arith.constant 31 : i32
        %parallel_loop3A_311 = arith.index_cast %parallel_loop3A_310 : i32 to index
        %parallel_loop3A_312 = arith.index_cast %parallel_loop3A_309 : i32 to index
        %parallel_loop3A_313 = tpu.vector_load %arg8[%parallel_loop3A_311, %parallel_loop3A_312] {strides = array<i32>} : memref<32x512xf32, #tpu.memory_space<vmem>>, vector<16xf32>,
        tpu.vector_store %arg8[%parallel_loop3A_311, %parallel_loop3A_312], %parallel_loop3A_307 {strides = array<i32>} : memref<32x512xf32, #tpu.memory_space<vmem>>, vector<16xf32>,
      } {sc.loop_unroll_factor = 2 : i64, sc.parallel_access}
      %mul3A_11 = arith.constant 2 : i32
      %mul3A_12 = arith.muli %add3A, %mul3A_11 : i32
      %add3A_13 = arith.addi %mul3A_12, %scan3A_8 : i32
      %mul3A_14 = arith.constant 512 : i32
      %mul3A_15 = arith.muli %add3A_13, %mul3A_14 : i32
      %add3A_16 = arith.constant 81920 : i32
      %add3A_17 = arith.addi %add3A_16, %mul3A_15 : i32
      "tpu.region"() ({
        %run_scoped3A = tpu.sem_alloc : memref<!tpu.dma_semaphore, #tpu.memory_space<semaphore_mem>>
        %dma_start3A = arith.constant 0 : i32
        %dma_start3A_18 = tpu.memref_slice %arg5[%dma_start3A, %add3A_17] : memref<32x131072xf32, #tpu.memory_space<hbm>> -> memref<32x512xf32, #tpu.memory_space<hbm>>
        %dma_start3A_19 = arith.constant 0 : i32
        %dma_start3A_20 = tpu.memref_slice %arg5[%dma_start3A_19, %add3A_17] : memref<32x131072xf32, #tpu.memory_space<hbm>> -> memref<32x512xf32, #tpu.memory_space<hbm>>
        tpu.enqueue_dma source(%arg8 : memref<32x512xf32, #tpu.memory_space<vmem>>) target(%dma_start3A_20 : memref<32x512xf32, #tpu.memory_space<hbm>>) target_semaphore(%run_scoped3A : memref<!tpu.dma_semaphore, #tpu.memory_space<semaphore_mem>>)
        %dma_wait3A = arith.constant 0 : i32
        %dma_wait3A_21 = tpu.memref_slice %arg5[%dma_wait3A, %add3A_17] : memref<32x131072xf32, #tpu.memory_space<hbm>> -> memref<32x512xf32, #tpu.memory_space<hbm>>
        %dma_wait3A_22 = arith.constant 0 : i32
        %dma_wait3A_23 = tpu.memref_slice %arg5[%dma_wait3A_22, %add3A_17] : memref<32x131072xf32, #tpu.memory_space<hbm>> -> memref<32x512xf32, #tpu.memory_space<hbm>>
        tpu.wait_dma2 semaphore(%run_scoped3A : memref<!tpu.dma_semaphore, #tpu.memory_space<semaphore_mem>>) src(%arg8 : memref<32x512xf32, #tpu.memory_space<vmem>>) dst(%dma_wait3A_23 : memref<32x512xf32, #tpu.memory_space<hbm>>)
        tpu.yield
      }) : () -> ()
    }
    %scan3A_7 = arith.constant 2 : i32
    return
  }
}

module attributes {stable_mosaic.version = 14 : i64} {
  func.func @_dist_argmin_kernel(%arg0: i32, %arg1: memref<32x1024xf32, #tpu.memory_space<vmem>>, %arg2: memref<32x512xf32, #tpu.memory_space<vmem>>, %arg3: memref<1024xi32, #tpu.memory_space<vmem>>) attributes {dimension_semantics = [#tpu.dimension_semantics<arbitrary>], iteration_bounds = array<i64: 16>, scalar_prefetch = 0 : i64, scratch_operands = 0 : i64, tpu.core_type = #tpu.core_type<tc>, window_params = [{transform_indices = @transform_0, window_bounds = array<i64: 32, 1024>}, {pipeline_mode = #tpu.pipeline_mode<synchronous>, transform_indices = @transform_1, window_bounds = array<i64: 32, 512>}, {transform_indices = @transform_2, window_bounds = array<i64: 1024>}]} {
    %get3A = arith.constant 0 : index
    %get3A_0 = arith.constant 0 : index
    %get3A_1 = vector.load %arg1[%get3A, %get3A_0] : memref<32x1024xf32, #tpu.memory_space<vmem>>, vector<32x1024xf32>
    %get3A_2 = arith.constant 0 : index
    %get3A_3 = arith.constant 0 : index
    %get3A_4 = vector.load %arg2[%get3A_2, %get3A_3] : memref<32x512xf32, #tpu.memory_space<vmem>>, vector<32x512xf32>
    %transpose3A = tpu.transpose %get3A_4, [1, 0] : vector<32x512xf32> -> vector<512x32xf32>
    %mul3A = arith.mulf %transpose3A, %transpose3A : vector<512x32xf32>
    %reduce_sum3A = arith.constant dense<0.000000e+00> : vector<512xf32>
    %reduce_sum3A_5 = vector.multi_reduction <add>, %mul3A, %reduce_sum3A [1] : vector<512x32xf32> to vector<512xf32>
    %broadcast_in_dim3A = vector.shape_cast %reduce_sum3A_5 : vector<512xf32> to vector<512x1xf32>
    %mul3A_6 = arith.constant -2.000000e+00 : f32
    %mul3A_7 = vector.broadcast %mul3A_6 : f32 to vector<512x32xf32>
    %mul3A_8 = arith.mulf %mul3A_7, %transpose3A : vector<512x32xf32>
    %dot_general3A = arith.constant dense<0.000000e+00> : vector<512x1024xf32>
    %dot_general3A_9 = tpu.matmul %mul3A_8, %get3A_1, %dot_general3A {dimension_numbers = #tpu.dot_dimension_numbers<[1], [0], [0], [1], [0, 0, 1, 1], [], []>, transpose_lhs_hint = false} : vector<512x32xf32>, vector<32x1024xf32>, vector<512x1024xf32> -> vector<512x1024xf32>
    %add3A = vector.broadcast %broadcast_in_dim3A : vector<512x1xf32> to vector<512x1024xf32>
    %add3A_10 = arith.addf %dot_general3A_9, %add3A : vector<512x1024xf32>
    %argmin3A = tpu.reduce_index %add3A_10 {axis = 0 : i32, kind = #tpu.reduction_kind<arg_min>} : vector<512x1024xf32> -> vector<1024xi32>
    %swap3A = arith.constant 0 : index
    %swap3A_11 = vector.load %arg3[%swap3A] : memref<1024xi32, #tpu.memory_space<vmem>>, vector<1024xi32>
    tpu.vector_store %arg3[%swap3A], %argmin3A {strides = array<i32>} : memref<1024xi32, #tpu.memory_space<vmem>>, vector<1024xi32>,
    return
  }
  func.func @transform_0(%arg0: i32) -> (i32, i32) {
    %add3A = arith.constant 112 : i32
    %add3A_0 = arith.addi %arg0, %add3A : i32
    %c0_i32 = arith.constant 0 : i32
    %c0_i32_1 = arith.constant 0 : i32
    return %c0_i32, %add3A_0 : i32, i32
  }
  func.func @transform_1(%arg0: i32) -> (i32, i32) {
    %c0_i32 = arith.constant 0 : i32
    %c0_i32_0 = arith.constant 0 : i32
    %c0_i32_1 = arith.constant 0 : i32
    return %c0_i32, %c0_i32_0 : i32, i32
  }
  func.func @transform_2(%arg0: i32) -> i32 {
    %c0_i32 = arith.constant 0 : i32
    return %arg0 : i32
  }
}

module attributes {stable_mosaic.version = 14 : i64} {
  func.func @_dist_argmin_kernel(%arg0: i32, %arg1: memref<32x1024xf32, #tpu.memory_space<vmem>>, %arg2: memref<32x512xf32, #tpu.memory_space<vmem>>, %arg3: memref<1024xi32, #tpu.memory_space<vmem>>) attributes {dimension_semantics = [#tpu.dimension_semantics<arbitrary>], iteration_bounds = array<i64: 80>, scalar_prefetch = 0 : i64, scratch_operands = 0 : i64, tpu.core_type = #tpu.core_type<tc>, window_params = [{transform_indices = @transform_0, window_bounds = array<i64: 32, 1024>}, {pipeline_mode = #tpu.pipeline_mode<synchronous>, transform_indices = @transform_1, window_bounds = array<i64: 32, 512>}, {transform_indices = @transform_2, window_bounds = array<i64: 1024>}]} {
    %get3A = arith.constant 0 : index
    %get3A_0 = arith.constant 0 : index
    %get3A_1 = vector.load %arg1[%get3A, %get3A_0] : memref<32x1024xf32, #tpu.memory_space<vmem>>, vector<32x1024xf32>
    %get3A_2 = arith.constant 0 : index
    %get3A_3 = arith.constant 0 : index
    %get3A_4 = vector.load %arg2[%get3A_2, %get3A_3] : memref<32x512xf32, #tpu.memory_space<vmem>>, vector<32x512xf32>
    %transpose3A = tpu.transpose %get3A_4, [1, 0] : vector<32x512xf32> -> vector<512x32xf32>
    %mul3A = arith.mulf %transpose3A, %transpose3A : vector<512x32xf32>
    %reduce_sum3A = arith.constant dense<0.000000e+00> : vector<512xf32>
    %reduce_sum3A_5 = vector.multi_reduction <add>, %mul3A, %reduce_sum3A [1] : vector<512x32xf32> to vector<512xf32>
    %broadcast_in_dim3A = vector.shape_cast %reduce_sum3A_5 : vector<512xf32> to vector<512x1xf32>
    %mul3A_6 = arith.constant -2.000000e+00 : f32
    %mul3A_7 = vector.broadcast %mul3A_6 : f32 to vector<512x32xf32>
    %mul3A_8 = arith.mulf %mul3A_7, %transpose3A : vector<512x32xf32>
    %dot_general3A = arith.constant dense<0.000000e+00> : vector<512x1024xf32>
    %dot_general3A_9 = tpu.matmul %mul3A_8, %get3A_1, %dot_general3A {dimension_numbers = #tpu.dot_dimension_numbers<[1], [0], [0], [1], [0, 0, 1, 1], [], []>, transpose_lhs_hint = false} : vector<512x32xf32>, vector<32x1024xf32>, vector<512x1024xf32> -> vector<512x1024xf32>
    %add3A = vector.broadcast %broadcast_in_dim3A : vector<512x1xf32> to vector<512x1024xf32>
    %add3A_10 = arith.addf %dot_general3A_9, %add3A : vector<512x1024xf32>
    %argmin3A = tpu.reduce_index %add3A_10 {axis = 0 : i32, kind = #tpu.reduction_kind<arg_min>} : vector<512x1024xf32> -> vector<1024xi32>
    %swap3A = arith.constant 0 : index
    %swap3A_11 = vector.load %arg3[%swap3A] : memref<1024xi32, #tpu.memory_space<vmem>>, vector<1024xi32>
    tpu.vector_store %arg3[%swap3A], %argmin3A {strides = array<i32>} : memref<1024xi32, #tpu.memory_space<vmem>>, vector<1024xi32>,
    return
  }
  func.func @transform_0(%arg0: i32) -> (i32, i32) {
    %add3A = arith.constant 0 : i32
    %add3A_0 = arith.addi %arg0, %add3A : i32
    %c0_i32 = arith.constant 0 : i32
    %c0_i32_1 = arith.constant 0 : i32
    return %c0_i32, %add3A_0 : i32, i32
  }
  func.func @transform_1(%arg0: i32) -> (i32, i32) {
    %c0_i32 = arith.constant 0 : i32
    %c0_i32_0 = arith.constant 0 : i32
    %c0_i32_1 = arith.constant 0 : i32
    return %c0_i32, %c0_i32_0 : i32, i32
  }
  func.func @transform_2(%arg0: i32) -> i32 {
    %c0_i32 = arith.constant 0 : i32
    return %arg0 : i32
  }
}

module attributes {stable_mosaic.version = 14 : i64} {
  func.func @_dist_argmin_kernel(%arg0: i32, %arg1: memref<32x1024xf32, #tpu.memory_space<vmem>>, %arg2: memref<32x512xf32, #tpu.memory_space<vmem>>, %arg3: memref<1024xi32, #tpu.memory_space<vmem>>) attributes {dimension_semantics = [#tpu.dimension_semantics<arbitrary>], iteration_bounds = array<i64: 32>, scalar_prefetch = 0 : i64, scratch_operands = 0 : i64, tpu.core_type = #tpu.core_type<tc>, window_params = [{transform_indices = @transform_0, window_bounds = array<i64: 32, 1024>}, {pipeline_mode = #tpu.pipeline_mode<synchronous>, transform_indices = @transform_1, window_bounds = array<i64: 32, 512>}, {transform_indices = @transform_2, window_bounds = array<i64: 1024>}]} {
    %get3A = arith.constant 0 : index
    %get3A_0 = arith.constant 0 : index
    %get3A_1 = vector.load %arg1[%get3A, %get3A_0] : memref<32x1024xf32, #tpu.memory_space<vmem>>, vector<32x1024xf32>
    %get3A_2 = arith.constant 0 : index
    %get3A_3 = arith.constant 0 : index
    %get3A_4 = vector.load %arg2[%get3A_2, %get3A_3] : memref<32x512xf32, #tpu.memory_space<vmem>>, vector<32x512xf32>
    %transpose3A = tpu.transpose %get3A_4, [1, 0] : vector<32x512xf32> -> vector<512x32xf32>
    %mul3A = arith.mulf %transpose3A, %transpose3A : vector<512x32xf32>
    %reduce_sum3A = arith.constant dense<0.000000e+00> : vector<512xf32>
    %reduce_sum3A_5 = vector.multi_reduction <add>, %mul3A, %reduce_sum3A [1] : vector<512x32xf32> to vector<512xf32>
    %broadcast_in_dim3A = vector.shape_cast %reduce_sum3A_5 : vector<512xf32> to vector<512x1xf32>
    %mul3A_6 = arith.constant -2.000000e+00 : f32
    %mul3A_7 = vector.broadcast %mul3A_6 : f32 to vector<512x32xf32>
    %mul3A_8 = arith.mulf %mul3A_7, %transpose3A : vector<512x32xf32>
    %dot_general3A = arith.constant dense<0.000000e+00> : vector<512x1024xf32>
    %dot_general3A_9 = tpu.matmul %mul3A_8, %get3A_1, %dot_general3A {dimension_numbers = #tpu.dot_dimension_numbers<[1], [0], [0], [1], [0, 0, 1, 1], [], []>, transpose_lhs_hint = false} : vector<512x32xf32>, vector<32x1024xf32>, vector<512x1024xf32> -> vector<512x1024xf32>
    %add3A = vector.broadcast %broadcast_in_dim3A : vector<512x1xf32> to vector<512x1024xf32>
    %add3A_10 = arith.addf %dot_general3A_9, %add3A : vector<512x1024xf32>
    %argmin3A = tpu.reduce_index %add3A_10 {axis = 0 : i32, kind = #tpu.reduction_kind<arg_min>} : vector<512x1024xf32> -> vector<1024xi32>
    %swap3A = arith.constant 0 : index
    %swap3A_11 = vector.load %arg3[%swap3A] : memref<1024xi32, #tpu.memory_space<vmem>>, vector<1024xi32>
    tpu.vector_store %arg3[%swap3A], %argmin3A {strides = array<i32>} : memref<1024xi32, #tpu.memory_space<vmem>>, vector<1024xi32>,
    return
  }
  func.func @transform_0(%arg0: i32) -> (i32, i32) {
    %add3A = arith.constant 80 : i32
    %add3A_0 = arith.addi %arg0, %add3A : i32
    %c0_i32 = arith.constant 0 : i32
    %c0_i32_1 = arith.constant 0 : i32
    return %c0_i32, %add3A_0 : i32, i32
  }
  func.func @transform_1(%arg0: i32) -> (i32, i32) {
    %c0_i32 = arith.constant 0 : i32
    %c0_i32_0 = arith.constant 0 : i32
    %c0_i32_1 = arith.constant 0 : i32
    return %c0_i32, %c0_i32_0 : i32, i32
  }
  func.func @transform_2(%arg0: i32) -> i32 {
    %c0_i32 = arith.constant 0 : i32
    return %arg0 : i32
  }
}

</mosaic_0001>

<sc_bundles>
// kernel: kernel.11.cloned.1.call-start
scs
__scs_entry_jumppad:
0x0: {  	(pc) =	sbr.rel $0x88, $3  }
0x1: {  	(tag) =	ssettag $0x0;
	lr =	simm.s32 $0x1  }
0x2: {  	[smem:$0x3F9F] =	sst lr;
	_ =	strace $0xD0000000  }
0x3: {  	_ = 	snop  }
0x4: {  	_ = 	snop  }
0x5: {  	_ = 	snop  }
0x6: {  	_ = 	snop  }
0x7: {  	_ = 	snop  }
__scs_overlays_trampoline_lowered:
0x8: {  	[smem:$0x3FAE] =	sst s0  }
0x9: {  	[smem:$0x3FAF] =	sst s1  }
0xa: {  	[smem:$0x3FB0] =	sst s2  }
0xb: {  	[smem:$0x3FB1] =	sst s3  }
0xc: {  	[smem:$0x3FB2] =	sst s4  }
0xd: {  	[smem:$0x3FB3] =	sst s5  }
0xe: {  	[smem:$0x3FB4] =	sst s6  }
0xf: {  	[smem:$0x3FB5] =	sst s7  }
0x10: {  	[smem:$0x3FB6] =	sst s8  }
0x11: {  	[smem:$0x3FB7] =	sst s9;
	s0 =	simm.s32 @!p0 $0x0  }
0x12: {  	s1 =	sld [smem:$0x3F9D];
	s0 =	simm.s32 @p0 $0x1  }
0x13: {  	[smem:$0x3FB8] =	sst s0;
	s0 =	simm.s32 @!p1 $0x0  }
0x14: {  	s2 =	sld [smem:$0x3F9C];
	s0 =	simm.s32 @p1 $0x1  }
0x15: {  	[smem:$0x3FB9] =	sst s0;
	s0 =	simm.s32 @!p2 $0x0  }
0x16: {  	s3 =	sld [smem:$0x3FDB];
	s0 =	simm.s32 @p2 $0x1  }
0x17: {  	s4 =	simm.s32 $0x1BF5;
	[smem:$0x3FBB] =	sst s0  }
0x18: {  	s0 =	sld [smem:$0x3F9E];
	_ =	swait.ge [sflag:s4], $0x0  }
0x19: {  	s7 =	sld [smem:$0x3F9F]  }
0x1a: {  	s8 =	sadd.s32 $0xFFFFE003, lr  }
0x1b: {  	s9 =	sadd.s32 $0xFFFFFEF7, lr;
	s5 =	simm.s32 $0xFFFFFFFF;
	p2 =	slt.u32 s8, $0xFFFFF086  }
0x1c: {  	p1 =	slt.u32 s9, $0xF7A;
	s5 =	simm.s32 @!p2 $0x0  }
0x1d: {  	s5 =	simm.s32 @p1 $0x1;
	p0 =	seq.s32 s7, s2  }
0x1e: {  	s7 =	smul.u32 @!p0 $0xF7A, s2;
	p2 =	seq.s32 @!p0 s5, $0x0  }
0x1f: {  	s9 =	smul.u32 $0xF7A, s1;
	s8 =	simm.s32 @!p0 $0x1BF5;
	p2 =	por !p2, p0  }
0x20: {  	[sflag:s8] =	ssyncset.s32 @!p0 $0xFFFFF086;
	s6 =	sadd.s32 @!p0 s3, s7;
	s7 =	simm.s32 @!p0 $0x108  }
0x21: {  	s3 =	sadd.s32 s3, s9;
	s6 =	sadd.s32 @!p0 $0x88, s6;
	s7 =	simm.s32 @p2 $0x1082  }
0x22: {  	[simem:s7], [sflag:s8] =	dma.local @!p0 [hbm:s6], $0xF7A  }
0x23: {  	s9 =	sor.u32 $0xD0000000, s2;
	s6 =	simm.s32 $0x108;
	_ =	swait.ge @!p0 [sflag:s8], $0x0  }
0x24: {  	s3 =	sadd.s32 $0x88, s3;
	s6 =	simm.s32 @!p1 $0x1082;
	[sflag:s4] =	ssyncset.s32 $0xFFFFF086  }
0x25: {  	[simem:s6], [sflag:s4] =	dma.local [hbm:s3], $0xF7A  }
0x26: {  	[smem:$0x3F9F] =	sst s1;
	(tag) =	ssettag s2;
	_ =	strace s9  }
0x27: {  	s1 =	sld [smem:$0x3FAF]  }
0x28: {  	s2 =	sld [smem:$0x3FB0]  }
0x29: {  	s4 =	sld [smem:$0x3FB2]  }
0x2a: {  	p0 =	seq.s32 s5, $0x0;
	s5 =	sld [smem:$0x3FB3]  }
0x2b: {  	s6 =	sld [smem:$0x3FB4]  }
0x2c: {  	s7 =	sld [smem:$0x3FB5]  }
0x2d: {  	s3 =	simm.s32 $0x108;
	s8 =	sld [smem:$0x3FB6]  }
0x2e: {  	s3 =	simm.s32 @!p0 $0x1082;
	s9 =	sld [smem:$0x3FB7]  }
0x2f: {  	lr =	sadd.s32 s0, s3;
	s0 =	sld [smem:$0x3FAE]  }
0x30: {  	s3 =	sld [smem:$0x3FB1]  }
0x31: {  	[smem:$0x3FBA] =	sst s10  }
0x32: {  	s10 =	sld [smem:$0x3FB8];
	_ =	sdelay $0x3  }
0x33: {  	p0 =	seq.s32 s10, $0x1;
	s10 =	sld [smem:$0x3FBA];
	_ =	sdelay $0x3  }
0x34: {  	[smem:$0x3FBA] =	sst s10  }
0x35: {  	s10 =	sld [smem:$0x3FB9];
	_ =	sdelay $0x3  }
0x36: {  	p1 =	seq.s32 s10, $0x1;
	s10 =	sld [smem:$0x3FBA];
	_ =	sdelay $0x3  }
0x37: {  	[smem:$0x3FBA] =	sst s10  }
0x38: {  	s10 =	sld [smem:$0x3FBB]  }
0x39: {  	_ = 	snop;
	(pc) =	sbr.ind lr, $3  }
0x3a: {  	_ = 	snop  }
0x3b: {  	_ = 	snop  }
0x3c: {  	p2 =	seq.s32 s10, $0x1;
	s10 =	sld [smem:$0x3FBA]  }
0x3d: {  	_ =	shalt  }
0x3e: {  	_ =	shalt  }
0x3f: {  	_ =	shalt  }
0x40: {  	_ =	shalt  }
0x41: {  	_ =	shalt  }
0x42: {  	_ =	shalt  }
0x43: {  	_ =	shalt  }
0x44: {  	_ =	shalt  }
0x45: {  	_ =	shalt  }
0x46: {  	_ =	shalt  }
0x47: {  	_ =	shalt  }
0x48: {  	_ =	shalt  }
0x49: {  	_ =	shalt  }
0x4a: {  	_ =	shalt  }
0x4b: {  	_ =	shalt  }
0x4c: {  	_ =	shalt  }
0x4d: {  	_ =	shalt  }
0x4e: {  	_ =	shalt  }
0x4f: {  	_ =	shalt  }
0x50: {  	_ =	shalt  }
0x51: {  	_ =	shalt  }
0x52: {  	_ =	shalt  }
0x53: {  	_ =	shalt  }
0x54: {  	_ =	shalt  }
0x55: {  	_ =	shalt  }
0x56: {  	_ =	shalt  }
0x57: {  	_ =	shalt  }
0x58: {  	_ =	shalt  }
0x59: {  	_ =	shalt  }
0x5a: {  	_ =	shalt  }
0x5b: {  	_ =	shalt  }
0x5c: {  	_ =	shalt  }
0x5d: {  	_ =	shalt  }
0x5e: {  	_ =	shalt  }
0x5f: {  	_ =	shalt  }
0x60: {  	_ =	shalt  }
0x61: {  	_ =	shalt  }
0x62: {  	_ =	shalt  }
0x63: {  	_ =	shalt  }
0x64: {  	_ =	shalt  }
0x65: {  	_ =	shalt  }
0x66: {  	_ =	shalt  }
0x67: {  	_ =	shalt  }
0x68: {  	_ =	shalt  }
0x69: {  	_ =	shalt  }
0x6a: {  	_ =	shalt  }
0x6b: {  	_ =	shalt  }
0x6c: {  	_ =	shalt  }
0x6d: {  	_ =	shalt  }
0x6e: {  	_ =	shalt  }
0x6f: {  	_ =	shalt  }
0x70: {  	_ =	shalt  }
0x71: {  	_ =	shalt  }
0x72: {  	_ =	shalt  }
0x73: {  	_ =	shalt  }
0x74: {  	_ =	shalt  }
0x75: {  	_ =	shalt  }
0x76: {  	_ =	shalt  }
0x77: {  	_ =	shalt  }
0x78: {  	_ =	shalt  }
0x79: {  	_ =	shalt  }
0x7a: {  	_ =	shalt  }
0x7b: {  	_ =	shalt  }
0x7c: {  	_ =	shalt  }
0x7d: {  	_ =	shalt  }
0x7e: {  	_ =	shalt  }
0x7f: {  	_ =	shalt  }
0x80: {  	_ =	shalt  }
0x81: {  	_ =	shalt  }
0x82: {  	_ =	shalt  }
0x83: {  	_ =	shalt  }
0x84: {  	_ =	shalt  }
0x85: {  	_ =	shalt  }
0x86: {  	_ =	shalt  }
0x87: {  	_ =	shalt  }
.Lfunc_end0:
.L_simem_size_0:
called_computation.1_lowered:
.L_overlay_start_0:
0x88: {  	s2 =	sld [smem:$0x3FD9]  }
0x89: {  	s3 =	sld [smem:$0x3FFE];
	_ =	sdelay $0x1  }
0x8a: {  	s1 =	srdreg.scid  }
0x8b: {  	s0 =	sand.u32 $0x1, s1  }
0x8c: {  	s17 =	sshll.u32 s0, $0xA;
	s2 =	sadd.s32 s3, s2  }
0x8d: {  	s2 =	sadd.s32 s2, s17  }
0x8e: {  	[smem:$0x3FC6] =	sst s2  }
0x8f: {  	_ = 	snop  }
0x90: {  	s2 =	sld [smem:$0x3FC8]  }
0x91: {  	s18 =	sld [smem:$0x3FD0];
	(tm) =	ssettm $0x1  }
0x92: {  	s4 =	sld [smem:$0x3FFB];
	_ =	sdelay $0x3  }
0x93: {  	_ =	strace s4  }
0x94: {  	s4 =	sld [smem:$0x3FFC];
	_ =	sdelay $0x3  }
0x95: {  	_ =	strace s4  }
0x96: {  	s4 =	sld [smem:$0x3FFD];
	_ =	sdelay $0x3  }
0x97: {  	_ =	strace s4  }
0x98: {  	_ =	strace $0x8FFFFFFF  }
0x99: {  	s19 =	sld [smem:$0x3FDB];
	_ =	sdelay $0x1  }
0x9a: {  	s5 =	simm.s32 $_scs_section_size  }
0x9b: {  	s6 =	simm.s32 $_size__tile_overlayer_lowered;
	s7 =	simm.s32 $_tile_overlayer_lowered  }
0x9c: {  	s22 =	simm.s32 $0x1BFF;
	s21 =	sshll.u32 s7, $0x1;
	s4 =	sadd.s32 s5, s19  }
0x9d: {  	s8 =	simm.s32 $0x0;
	s20 =	sshll.u32 s6, $0x1;
	s6 =	sadd.s32 s21, s4  }
0x9e: {  	[timem:s8], [sflag:s22] =	dma.local [hbm:s6], s20  }
0x9f: {  	_ =	swait.ge [sflag:s22], s20  }
0xa0: {  	s5 =	ssub.s32 $0x0, s20;
	[sflag:s22] =	ssyncset.done $0x0  }
0xa1: {  	[sflag:s22] =	ssyncadd.s32 s5;
	_ =	sdelay $0x1  }
0xa2: {  	s23 =	simm.s32 $0x1B8B  }
0xa3: {  	_ =	swait.ge [sflag:s23], $0x1  }
0xa4: {  	[sflag:s23] =	ssyncset.done $0x0  }
0xa5: {  	s25 =	simm.s32 $0x1B8E;
	s24 =	sld [smem:$0x3FFE];
	[sflag:s23] =	ssyncadd.s32 $0xFFFFFFFF  }
0xa6: {  	s26 =	simm.s32 $execute0_lowered;
	[smem:$0x3FD2] =	sst s25  }
0xa7: {  	s6 =	sshll.u32 s26, $0x1;
	_ =	strace $0x80000049;
	[dreg:$0x1] =	wrdreg $0xFFFFFFFF  }
0xa8: {  	s28 =	simm.s32 $_size_execute0_lowered;
	s4 =	sadd.s32 s4, s6;
	[dreg:$0x0] =	wrdreg $0x0  }
0xa9: {  	s6 =	sshll.u32 s28, $0x1;
	[dreg:$0x2] =	wrdreg s4  }
0xaa: {  	[dreg:$0x3] =	wrdreg s6  }
0xab: {  	[dreg:$0x4] =	wrdreg $0xC0  }
0xac: {  	_ =	task [dreg:s8], $0x5FFFF  }
0xad: {  	[dreg:$0x1] =	wrdreg $0xFFFFFFFF  }
0xae: {  	[dreg:$0x0] =	wrdreg $0x60  }
0xaf: {  	[dreg:$0x2] =	wrdreg s2  }
0xb0: {  	[dreg:$0x3] =	wrdreg s24  }
0xb1: {  	[dreg:$0x4] =	wrdreg s18  }
0xb2: {  	[dreg:$0x5] =	wrdreg $0x9  }
0xb3: {  	_ =	task.clear_ibuf [dreg:s8], $0x6FFFF;
	_ =	strace $0x90000049  }
0xb4: {  	s29 =	simm.s32 $0x9;
	_ =	strace $0x8000004B  }
0xb5: {  	_ =	swait.ge [sflag:s29], $0x1  }
0xb6: {  	[sflag:s29] =	ssyncadd.s32 $0xFFFFFFFF  }
0xb7: {  	_ =	strace $0x9000004B  }
0xb8: {  	_ =	sfence  }
0xb9: {  	s30 =	sld [smem:$0x0];
	_ =	sdelay $0x2  }
0xba: {  	s31 =	sshll.u32 s1, $0xD;
	s1 =	sshrl.u32 s1, $0x2  }
0xbb: {  	s3 =	sand.u32 $0x4000, s31;
	s1 =	sadd.s32 s1, s30  }
0xbc: {  	s0 =	sor.u32 s3, s0;
	s1 =	sshll.u32 s1, $0x11  }
0xbd: {  	s0 =	sor.u32 s1, s0  }
0xbe: {  	s0 =	sadd.s32 $0x8F2B, s0  }
0xbf: {  	[sflag:s0] =	ssyncadd.remote.s32 $0x1  }
0xc0: {  	_ =	sfence.sel $0xFFFF  }
0xc1: {  	[dreg:$0x0] =	wrdreg $0xFFFFFFFF;
	(pc) =	sbr.abs _section_cstart, $3  }
0xc2: {  	[dreg:$0x1] =	wrdreg $0xFFFFFFFF  }
0xc3: {  	_ =	task.clear_ibuf [dreg:s8], $0x2FFFF;
	_ =	strace $0x9FFFFFFF  }
0xc4: {  	(tm) =	ssettm $0x7FFFFFFF  }
0xc5: {  	_ =	shalt  }
tec
execute0_lowered:
.L_overlay_start_1:
0x0: {  	(tag) =	ssettag $0x1  }
0x1: {  	s0 =	rddreg [dreg:$0x1]  }
0x2: {  	s2 =	srdreg.scid;
	s4 =	stileid.u32  }
0x3: {  	s3 =	simm.s32 $0x0;
	s2 =	sand.u32 $0x1, s2;
	s4 =	sshll.u32 s4, $0x1  }
0x4: {  	[smem:$0x7FF] =	sst s3;
	s4 =	sor.u32 s2, s4  }
0x5: {  	s1 =	rddreg [dreg:$0x2];
	_ =	strace $0x8000004A;
	s5 =	sshll.u32 s4, $0x7  }
0x6: {  	s2 =	ssub.s32 $0x2, s2;
	s4 =	sshll.u32 s4, $0xA;
	s0 =	sadd.s32 s5, s0  }
0x7: {  	s6 =	sshrl.u32 s2, $0x1;
	s1 =	sadd.s32 s4, s1;
	s0 =	sadd.s32 $0x4200, s0  }
0x8: {  	s2 =	ssub.s32 s2, s6;
	s30 =	sadd.s32 $0x14000, s1;
	[dreg:$0x8] =	wrdreg s0  }
0x9: {  	s31 =	smax.u32 s2, $0x1;
	[dreg:$0x9] =	wrdreg s30  }
0xa: {  	s1 =	simm.s32 $0x0;
	[dreg:$0xa] =	wrdreg s31  }
.LBB2_1:
0xb: {  	[dreg:$0xb] =	wrdreg s1  }
0xc: {  	s0 =	rddreg [dreg:$0x0];
	s30 =	simm.s32 $0x1  }
0xd: {  	[tilespmem:s3], [sflag:$0x1] =	stream.linear.gather [hbm4b:s0+s3], $0x4000, $0x38;
	[tilespmem:$0x8400] =	vst v63  }
0xe: {  	_ =	swait.ge [sflag:s30], $0x4000  }
0xf: {  	[sflag:s30] =	ssyncset.done $0x0  }
0x10: {  	s2 =	simm.s32 $0x4000;
	s31 =	rddreg [dreg:$0x8];
	[sflag:s30] =	ssyncadd.s32 $0xFFFFC000  }
0x11: {  	[tilespmem:s2], [sflag:$0x1] =	stream.linear.gather [hbm4b:s31+s3], $0x400, $0x38;
	[tilespmem:$0x8400] =	vst v63  }
0x12: {  	_ =	swait.ge [sflag:s30], $0x400  }
0x13: {  	[sflag:s30] =	ssyncset.done $0x0  }
0x14: {  	p0 =	por $0x1, $0x1;
	s0 =	simm.s32 $0x0;
	[sflag:s30] =	ssyncadd.s32 $0xFFFFFC00  }
.LBB2_2:
0x15: {  	s0 =	sshll.u32 s0, $0x9  }
0x16: {  	[dreg:$0xc] =	wrdreg s0;
	s0 =	sand.u32 $0x3FFFFE00, s0  }
0x17: {  	s0 =	sadd.s32 $0x4000, s0  }
0x18: {  	s2 =	simm.s32 $0x0;
	[dreg:$0x4] =	wrdreg s0  }
0x19: {  	s4 =	simm.s32 $0x10;
	s1 =	sand.u32 $0x180, s2;
	s0 =	rddreg [dreg:$0x4]  }
0x1a: {  	s22 =	sand.u32 $0x70, s4;
	s0 =	sadd.s32 s1, s0  }
0x1b: {  	s1 =	sadd.s32 s22, s0  }
0x1c: {  	v0 =	vld [tilespmem:s1+$0x0];
	_ =	sdelay $0x4  }
0x1d: {  	v1 =	vshll.u32 v0, $0x3  }
0x1e: {  	v0 =	vand.u32 $0x7F, v0;
	v1 =	vand.u32 $0xFFFFFC00, v1  }
0x1f: {  	v2 =	vor.u32 v0, v1  }
0x20: {  	s23 =	sand.u32 $0x60, s2  }
0x21: {  	s0 =	sadd.s32 s23, s0  }
0x22: {  	v0 =	vld [tilespmem:s0+$0x0];
	_ =	sdelay $0x1  }
0x23: {  	v1 =	vld.idx.msk [tilespmem:v2+s3+$0x0], $0xffff  }
0x24: {  	v4 =	vor.u32 $0x80, v2  }
0x25: {  	s28 =	sand.u32 $0xC00, s2  }
0x26: {  	s8 =	sadd.s32 $0x4400, s28;
	v3 =	vshll.u32 v0, $0x3  }
0x27: {  	s9 =	sor.u32 s22, s8;
	v0 =	vand.u32 $0x7F, v0;
	v3 =	vand.u32 $0xFFFFFC00, v3  }
0x28: {  	v3 =	vor.u32 v0, v3;
	[tilespmem:s9+$0x0] =	vst v1  }
0x29: {  	v0 =	vld.idx.msk [tilespmem:v4+s3+$0x0], $0xffff  }
0x2a: {  	v1 =	vor.u32 $0x100, v2;
	_ =	sdelay $0x2  }
0x2b: {  	v4 =	vld.idx.msk [tilespmem:v3+s3+$0x0], $0xffff  }
0x2c: {  	v5 =	vor.u32 $0x80, v3;
	[tilespmem:s9+$0x80] =	vst v0  }
0x2d: {  	v0 =	vld.idx.msk [tilespmem:v1+s3+$0x0], $0xffff  }
0x2e: {  	v1 =	vor.u32 $0x180, v2  }
0x2f: {  	s5 =	sor.u32 s23, s8  }
0x30: {  	[tilespmem:s5+$0x0] =	vst v4  }
0x31: {  	v4 =	vld.idx.msk [tilespmem:v5+s3+$0x0], $0xffff  }
0x32: {  	v5 =	vor.u32 $0x100, v3;
	[tilespmem:s9+$0x100] =	vst v0  }
0x33: {  	v0 =	vld.idx.msk [tilespmem:v1+s3+$0x0], $0xffff  }
0x34: {  	v1 =	vor.u32 $0x200, v2;
	_ =	sdelay $0x1  }
0x35: {  	[tilespmem:s5+$0x80] =	vst v4  }
0x36: {  	v4 =	vld.idx.msk [tilespmem:v5+s3+$0x0], $0xffff  }
0x37: {  	v5 =	vor.u32 $0x180, v3;
	[tilespmem:s9+$0x180] =	vst v0  }
0x38: {  	v0 =	vld.idx.msk [tilespmem:v1+s3+$0x0], $0xffff  }
0x39: {  	v1 =	vor.u32 $0x280, v2;
	_ =	sdelay $0x1  }
0x3a: {  	[tilespmem:s5+$0x100] =	vst v4  }
0x3b: {  	v4 =	vld.idx.msk [tilespmem:v5+s3+$0x0], $0xffff  }
0x3c: {  	v5 =	vor.u32 $0x200, v3;
	[tilespmem:s9+$0x200] =	vst v0  }
0x3d: {  	v0 =	vld.idx.msk [tilespmem:v1+s3+$0x0], $0xffff  }
0x3e: {  	v1 =	vor.u32 $0x300, v2;
	_ =	sdelay $0x1  }
0x3f: {  	[tilespmem:s5+$0x180] =	vst v4  }
0x40: {  	v4 =	vld.idx.msk [tilespmem:v5+s3+$0x0], $0xffff  }
0x41: {  	v5 =	vor.u32 $0x280, v3;
	[tilespmem:s9+$0x280] =	vst v0  }
0x42: {  	s10 =	sand.u32 $0x7, s2;
	v0 =	vld.idx.msk [tilespmem:v1+s3+$0x0], $0xffff  }
0x43: {  	s0 =	sshll.u32 s10, $0x4;
	v1 =	vor.u32 $0x380, v2  }
0x44: {  	s0 =	sadd.s32 $0x0, s0  }
0x45: {  	s0 =	sadd.s32 $0x10, s0;
	[tilespmem:s5+$0x200] =	vst v4  }
0x46: {  	s0 =	sor.u32 $0x300, s0;
	v4 =	vld.idx.msk [tilespmem:v5+s3+$0x0], $0xffff  }
0x47: {  	v5 =	vor.u32 $0x300, v3;
	[tilespmem:s0+$0x4400] =	vst v0;
	s0 =	simm.s32 $0x20  }
0x48: {  	s6 =	rddreg [dreg:$0x4];
	s1 =	simm.s32 $0x30;
	v0 =	vld.idx.msk [tilespmem:v1+s3+$0x0], $0xffff;
	s7 =	sand.u32 $0x180, s0  }
0x49: {  	s25 =	sand.u32 $0x70, s1;
	v1 =	vadd.s32 $0x1000, v2;
	s6 =	sadd.s32 s7, s6  }
0x4a: {  	s7 =	sadd.s32 s25, s6  }
0x4b: {  	s4 =	sor.u32 s4, s2;
	[tilespmem:s5+$0x280] =	vst v4;
	v4 =	vld [tilespmem:s7+$0x0]  }
0x4c: {  	s4 =	sor.u32 $0x380, s4;
	v5 =	vld.idx.msk [tilespmem:v5+s3+$0x0], $0xffff  }
0x4d: {  	s11 =	sand.u32 $0x3, s2;
	v6 =	vor.u32 $0x380, v3;
	[tilespmem:s4+$0x4400] =	vst v0  }
0x4e: {  	s12 =	sshll.u32 s11, $0x5;
	s24 =	sand.u32 $0x60, s0;
	v0 =	vld.idx.msk [tilespmem:v1+s3+$0x0], $0xffff  }
0x4f: {  	s13 =	sadd.s32 s24, s6;
	s4 =	sadd.s32 $0x0, s12;
	v1 =	vadd.s32 $0x1080, v2  }
0x50: {  	v7 =	vld [tilespmem:s13+$0x0];
	s4 =	sor.u32 $0x300, s4;
	v8 =	vshll.u32 v4, $0x3  }
0x51: {  	s14 =	sadd.s32 $0x5400, s28;
	[tilespmem:s4+$0x4400] =	vst v5;
	v4 =	vand.u32 $0x7F, v4;
	v5 =	vand.u32 $0xFFFFFC00, v8  }
0x52: {  	s15 =	sor.u32 s22, s14;
	v6 =	vld.idx.msk [tilespmem:v6+s3+$0x0], $0xffff;
	v5 =	vor.u32 v4, v5  }
0x53: {  	v8 =	vadd.s32 $0x1000, v3;
	[tilespmem:s15+$0x0] =	vst v0  }
0x54: {  	v0 =	vld.idx.msk [tilespmem:v1+s3+$0x0], $0xffff  }
0x55: {  	s2 =	sor.u32 s2, s2;
	v9 =	vadd.s32 $0x1100, v2;
	v1 =	vshll.u32 v7, $0x3  }
0x56: {  	s2 =	sor.u32 $0x380, s2;
	v4 =	vand.u32 $0x7F, v7;
	v1 =	vand.u32 $0xFFFFFC00, v1  }
0x57: {  	s16 =	sadd.s32 $0x5480, s28;
	[tilespmem:s2+$0x4400] =	vst v6;
	v4 =	vor.u32 v4, v1;
	v1 =	vld.idx.msk [tilespmem:v5+s3+$0x0], $0xffff  }
0x58: {  	s17 =	sor.u32 s22, s16;
	s5 =	simm.s32 $0x100;
	v7 =	vor.u32 $0x80, v5;
	v6 =	vld.idx.msk [tilespmem:v8+s3+$0x0], $0xffff  }
0x59: {  	s26 =	sand.u32 $0xC00, s5;
	v8 =	vadd.s32 $0x1080, v3;
	[tilespmem:s17+$0x0] =	vst v0  }
0x5a: {  	s18 =	sadd.s32 $0x4400, s26;
	v0 =	vld.idx.msk [tilespmem:v9+s3+$0x0], $0xffff  }
0x5b: {  	s19 =	sor.u32 s25, s18;
	v9 =	vadd.s32 $0x1180, v2  }
0x5c: {  	s6 =	sor.u32 s23, s14;
	v10 =	vld.idx.msk [tilespmem:v4+s3+$0x0], $0xffff;
	[tilespmem:s19+$0x0] =	vst v1  }
0x5d: {  	s20 =	sadd.s32 $0x5500, s28;
	[tilespmem:s6+$0x0] =	vst v6;
	v1 =	vor.u32 $0x80, v4;
	v6 =	vld.idx.msk [tilespmem:v7+s3+$0x0], $0xffff  }
0x5e: {  	s8 =	sor.u32 s22, s20;
	v7 =	vld.idx.msk [tilespmem:v8+s3+$0x0], $0xffff;
	v8 =	vor.u32 $0x100, v5  }
0x5f: {  	v11 =	vadd.s32 $0x1100, v3;
	[tilespmem:s8+$0x0] =	vst v0  }
0x60: {  	s2 =	sor.u32 s24, s18;
	v0 =	vld.idx.msk [tilespmem:v9+s3+$0x0], $0xffff  }
0x61: {  	[tilespmem:s2+$0x0] =	vst v10;
	v9 =	vadd.s32 $0x1200, v2  }
0x62: {  	s7 =	sor.u32 s23, s16;
	v1 =	vld.idx.msk [tilespmem:v1+s3+$0x0], $0xffff;
	[tilespmem:s19+$0x80] =	vst v6  }
0x63: {  	s21 =	sadd.s32 $0x5580, s28;
	v6 =	vor.u32 $0x100, v4;
	[tilespmem:s7+$0x0] =	vst v7;
	v7 =	vld.idx.msk [tilespmem:v8+s3+$0x0], $0xffff  }
0x64: {  	s9 =	sor.u32 s22, s21;
	v10 =	vor.u32 $0x180, v5;
	v8 =	vld.idx.msk [tilespmem:v11+s3+$0x0], $0xffff  }
0x65: {  	v11 =	vadd.s32 $0x1180, v3;
	[tilespmem:s9+$0x0] =	vst v0  }
0x66: {  	v0 =	vld.idx.msk [tilespmem:v9+s3+$0x0], $0xffff  }
0x67: {  	[tilespmem:s2+$0x80] =	vst v1;
	v1 =	vadd.s32 $0x1280, v2  }
0x68: {  	s6 =	sor.u32 s23, s20;
	v6 =	vld.idx.msk [tilespmem:v6+s3+$0x0], $0xffff;
	[tilespmem:s19+$0x100] =	vst v7  }
0x69: {  	s10 =	sadd.s32 $0x5600, s28;
	v7 =	vor.u32 $0x180, v4;
	[tilespmem:s6+$0x0] =	vst v8;
	v8 =	vld.idx.msk [tilespmem:v10+s3+$0x0], $0xffff  }
0x6a: {  	s11 =	sor.u32 s22, s10;
	v9 =	vld.idx.msk [tilespmem:v11+s3+$0x0], $0xffff;
	v10 =	vor.u32 $0x200, v5  }
0x6b: {  	v11 =	vadd.s32 $0x1200, v3;
	[tilespmem:s11+$0x0] =	vst v0  }
0x6c: {  	v0 =	vld.idx.msk [tilespmem:v1+s3+$0x0], $0xffff  }
0x6d: {  	[tilespmem:s2+$0x100] =	vst v6;
	v1 =	vadd.s32 $0x1300, v2  }
0x6e: {  	s7 =	sor.u32 s23, s21;
	v6 =	vld.idx.msk [tilespmem:v7+s3+$0x0], $0xffff;
	[tilespmem:s19+$0x180] =	vst v8  }
0x6f: {  	s12 =	sadd.s32 $0x5680, s28;
	v7 =	vor.u32 $0x200, v4;
	[tilespmem:s7+$0x0] =	vst v9;
	v8 =	vld.idx.msk [tilespmem:v10+s3+$0x0], $0xffff  }
0x70: {  	s13 =	sor.u32 s22, s12;
	v9 =	vld.idx.msk [tilespmem:v11+s3+$0x0], $0xffff;
	v10 =	vor.u32 $0x280, v5  }
0x71: {  	v11 =	vadd.s32 $0x1280, v3;
	[tilespmem:s13+$0x0] =	vst v0  }
0x72: {  	v0 =	vld.idx.msk [tilespmem:v1+s3+$0x0], $0xffff  }
0x73: {  	[tilespmem:s2+$0x180] =	vst v6;
	v1 =	vadd.s32 $0x1380, v2  }
0x74: {  	s6 =	sor.u32 s23, s10;
	v6 =	vld.idx.msk [tilespmem:v7+s3+$0x0], $0xffff;
	[tilespmem:s19+$0x200] =	vst v8  }
0x75: {  	s14 =	sadd.s32 $0x5700, s28;
	v7 =	vor.u32 $0x280, v4;
	[tilespmem:s6+$0x0] =	vst v9;
	v8 =	vld.idx.msk [tilespmem:v10+s3+$0x0], $0xffff  }
0x76: {  	s15 =	sor.u32 s22, s14;
	v9 =	vld.idx.msk [tilespmem:v11+s3+$0x0], $0xffff;
	v10 =	vor.u32 $0x300, v5  }
0x77: {  	v11 =	vadd.s32 $0x1300, v3;
	[tilespmem:s15+$0x0] =	vst v0  }
0x78: {  	v0 =	vld.idx.msk [tilespmem:v1+s3+$0x0], $0xffff  }
0x79: {  	s16 =	simm.s32 $0x2;
	[tilespmem:s2+$0x200] =	vst v6;
	v1 =	vadd.s32 $0x2000, v2  }
0x7a: {  	s4 =	sand.u32 $0x7, s16;
	s7 =	sor.u32 s23, s12;
	v6 =	vld.idx.msk [tilespmem:v7+s3+$0x0], $0xffff;
	[tilespmem:s19+$0x280] =	vst v8  }
0x7b: {  	s4 =	sshll.u32 s4, $0x4;
	s17 =	sadd.s32 $0x5780, s28;
	v7 =	vor.u32 $0x300, v4;
	[tilespmem:s7+$0x0] =	vst v9;
	v8 =	vld.idx.msk [tilespmem:v10+s3+$0x0], $0xffff  }
0x7c: {  	s4 =	sadd.s32 $0x100, s4;
	s18 =	sor.u32 s22, s17;
	v9 =	vld.idx.msk [tilespmem:v11+s3+$0x0], $0xffff;
	v10 =	vor.u32 $0x380, v5  }
0x7d: {  	s4 =	sadd.s32 $0x10, s4;
	v11 =	vadd.s32 $0x1380, v3;
	[tilespmem:s18+$0x0] =	vst v0  }
0x7e: {  	s4 =	sor.u32 $0x300, s4;
	s20 =	sadd.s32 $0x6400, s28;
	v0 =	vld.idx.msk [tilespmem:v1+s3+$0x0], $0xffff  }
0x7f: {  	s9 =	rddreg [dreg:$0x4];
	s6 =	sor.u32 s23, s14;
	[tilespmem:s2+$0x280] =	vst v6;
	v1 =	vadd.s32 $0x2080, v2;
	s2 =	simm.s32 $0x40  }
0x80: {  	s19 =	simm.s32 $0x1;
	v6 =	vld.idx.msk [tilespmem:v7+s3+$0x0], $0xffff;
	s10 =	sand.u32 $0x180, s2;
	[tilespmem:s4+$0x4400] =	vst v8;
	s4 =	simm.s32 $0x50  }
0x81: {  	s8 =	sand.u32 $0x3, s19;
	v7 =	vor.u32 $0x380, v4;
	[tilespmem:s6+$0x0] =	vst v9;
	s9 =	sadd.s32 s10, s9;
	v8 =	vld.idx.msk [tilespmem:v10+s3+$0x0], $0xffff;
	s15 =	sand.u32 $0x70, s4  }
0x82: {  	s21 =	sor.u32 s22, s20;
	s8 =	sshll.u32 s8, $0x5;
	v9 =	vld.idx.msk [tilespmem:v11+s3+$0x0], $0xffff;
	v10 =	vadd.s32 $0x1000, v5;
	s11 =	sadd.s32 s15, s9  }
0x83: {  	s8 =	sadd.s32 $0x100, s8;
	s14 =	sand.u32 $0x60, s2;
	v11 =	vadd.s32 $0x2000, v3;
	[tilespmem:s21+$0x0] =	vst v0;
	v0 =	vld [tilespmem:s11+$0x0]  }
0x84: {  	s1 =	sor.u32 s1, s5;
	s8 =	sor.u32 $0x300, s8;
	s9 =	sadd.s32 s14, s9;
	v1 =	vld.idx.msk [tilespmem:v1+s3+$0x0], $0xffff  }
0x85: {  	v12 =	vadd.s32 $0x2100, v2;
	s1 =	sor.u32 $0x380, s1;
	[tilespmem:s8+$0x4400] =	vst v6;
	v6 =	vld [tilespmem:s9+$0x0]  }
0x86: {  	s7 =	sor.u32 s23, s17;
	v7 =	vld.idx.msk [tilespmem:v7+s3+$0x0], $0xffff;
	[tilespmem:s1+$0x4400] =	vst v8  }
0x87: {  	s12 =	sadd.s32 $0x6480, s28;
	v8 =	vadd.s32 $0x1000, v4;
	[tilespmem:s7+$0x0] =	vst v9;
	v9 =	vld.idx.msk [tilespmem:v10+s3+$0x0], $0xffff  }
0x88: {  	s13 =	sor.u32 s22, s12;
	v10 =	vld.idx.msk [tilespmem:v11+s3+$0x0], $0xffff;
	v11 =	vadd.s32 $0x1080, v5;
	v13 =	vshll.u32 v0, $0x3  }
0x89: {  	v14 =	vadd.s32 $0x2080, v3;
	s0 =	sor.u32 s0, s5;
	v0 =	vand.u32 $0x7F, v0;
	[tilespmem:s13+$0x0] =	vst v1;
	v1 =	vand.u32 $0xFFFFFC00, v13  }
0x8a: {  	s0 =	sor.u32 $0x380, s0;
	s16 =	sadd.s32 $0x5400, s26;
	v13 =	vshll.u32 v6, $0x3;
	v12 =	vld.idx.msk [tilespmem:v12+s3+$0x0], $0xffff;
	v0 =	vor.u32 v0, v1  }
0x8b: {  	s17 =	sor.u32 s25, s16;
	[tilespmem:s0+$0x4400] =	vst v7;
	v1 =	vand.u32 $0x7F, v6;
	v6 =	vand.u32 $0xFFFFFC00, v13;
	v7 =	vadd.s32 $0x2180, v2  }
0x8c: {  	s6 =	sor.u32 s23, s20;
	v8 =	vld.idx.msk [tilespmem:v8+s3+$0x0], $0xffff;
	v6 =	vor.u32 v1, v6;
	[tilespmem:s17+$0x0] =	vst v9  }
0x8d: {  	s18 =	sadd.s32 $0x6500, s28;
	v1 =	vadd.s32 $0x1080, v4;
	[tilespmem:s6+$0x0] =	vst v10;
	v9 =	vld.idx.msk [tilespmem:v11+s3+$0x0], $0xffff  }
0x8e: {  	s19 =	sor.u32 s22, s18;
	v10 =	vld.idx.msk [tilespmem:v14+s3+$0x0], $0xffff;
	v11 =	vadd.s32 $0x1100, v5  }
0x8f: {  	v13 =	vadd.s32 $0x2100, v3;
	v14 =	vld.idx.msk [tilespmem:v0+s3+$0x0], $0xffff;
	[tilespmem:s19+$0x0] =	vst v12  }
0x90: {  	s20 =	sor.u32 s24, s16;
	s21 =	sadd.s32 $0x5480, s26;
	s6 =	simm.s32 $0x200;
	v12 =	vor.u32 $0x80, v0;
	v7 =	vld.idx.msk [tilespmem:v7+s3+$0x0], $0xffff  }
0x91: {  	v15 =	vadd.s32 $0x2200, v2;
	s8 =	sor.u32 s25, s21;
	s16 =	sand.u32 $0xC00, s6;
	[tilespmem:s20+$0x0] =	vst v8;
	v8 =	vld.idx.msk [tilespmem:v6+s3+$0x0], $0xffff  }
0x92: {  	s1 =	sor.u32 s23, s12;
	v16 =	vor.u32 $0x80, v6;
	s9 =	sadd.s32 $0x4400, s16;
	v1 =	vld.idx.msk [tilespmem:v1+s3+$0x0], $0xffff;
	[tilespmem:s8+$0x0] =	vst v9  }
0x93: {  	s10 =	sadd.s32 $0x6580, s28;
	v9 =	vadd.s32 $0x1100, v4;
	[tilespmem:s1+$0x0] =	vst v10;
	s1 =	sor.u32 s15, s9;
	v10 =	vld.idx.msk [tilespmem:v11+s3+$0x0], $0xffff  }
0x94: {  	s11 =	sor.u32 s22, s10;
	v11 =	vld.idx.msk [tilespmem:v13+s3+$0x0], $0xffff;
	v13 =	vadd.s32 $0x1180, v5;
	[tilespmem:s1+$0x0] =	vst v14  }
0x95: {  	s0 =	sor.u32 s14, s9;
	v14 =	vadd.s32 $0x2180, v3;
	v12 =	vld.idx.msk [tilespmem:v12+s3+$0x0], $0xffff;
	[tilespmem:s11+$0x0] =	vst v7  }
0x96: {  	s5 =	sor.u32 s24, s21;
	s12 =	sadd.s32 $0x5500, s26;
	[tilespmem:s0+$0x0] =	vst v8;
	v8 =	vor.u32 $0x100, v0;
	v7 =	vld.idx.msk [tilespmem:v15+s3+$0x0], $0xffff  }
0x97: {  	s13 =	sor.u32 s25, s12;
	v15 =	vld.idx.msk [tilespmem:v16+s3+$0x0], $0xffff;
	[tilespmem:s5+$0x0] =	vst v1;
	v1 =	vadd.s32 $0x2280, v2  }
0x98: {  	s7 =	sor.u32 s23, s18;
	v16 =	vor.u32 $0x100, v6;
	v9 =	vld.idx.msk [tilespmem:v9+s3+$0x0], $0xffff;
	[tilespmem:s13+$0x0] =	vst v10  }
0x99: {  	s17 =	sadd.s32 $0x6600, s28;
	v10 =	vadd.s32 $0x1180, v4;
	[tilespmem:s7+$0x0] =	vst v11;
	v13 =	vld.idx.msk [tilespmem:v13+s3+$0x0], $0xffff  }
0x9a: {  	s18 =	sor.u32 s22, s17;
	v11 =	vadd.s32 $0x1200, v5;
	[tilespmem:s1+$0x80] =	vst v12;
	v12 =	vld.idx.msk [tilespmem:v14+s3+$0x0], $0xffff  }
0x9b: {  	v14 =	vadd.s32 $0x2200, v3;
	v8 =	vld.idx.msk [tilespmem:v8+s3+$0x0], $0xffff;
	[tilespmem:s18+$0x0] =	vst v7  }
0x9c: {  	s19 =	sor.u32 s24, s12;
	s20 =	sadd.s32 $0x5580, s26;
	[tilespmem:s0+$0x80] =	vst v15;
	v7 =	vor.u32 $0x180, v0;
	v1 =	vld.idx.msk [tilespmem:v1+s3+$0x0], $0xffff  }
0x9d: {  	s21 =	sor.u32 s25, s20;
	v15 =	vld.idx.msk [tilespmem:v16+s3+$0x0], $0xffff;
	[tilespmem:s19+$0x0] =	vst v9;
	v9 =	vadd.s32 $0x2300, v2  }
0x9e: {  	s8 =	sor.u32 s23, s10;
	v16 =	vor.u32 $0x180, v6;
	v10 =	vld.idx.msk [tilespmem:v10+s3+$0x0], $0xffff;
	[tilespmem:s21+$0x0] =	vst v13  }
0x9f: {  	s7 =	sadd.s32 $0x6680, s28;
	v13 =	vadd.s32 $0x1200, v4;
	v11 =	vld.idx.msk [tilespmem:v11+s3+$0x0], $0xffff;
	[tilespmem:s8+$0x0] =	vst v12  }
0xa0: {  	s10 =	sor.u32 s22, s7;
	[tilespmem:s1+$0x100] =	vst v8;
	v8 =	vadd.s32 $0x1280, v5;
	v12 =	vld.idx.msk [tilespmem:v14+s3+$0x0], $0xffff  }
0xa1: {  	v14 =	vadd.s32 $0x2280, v3;
	v7 =	vld.idx.msk [tilespmem:v7+s3+$0x0], $0xffff;
	[tilespmem:s10+$0x0] =	vst v1  }
0xa2: {  	s12 =	sadd.s32 $0x5600, s26;
	s11 =	sor.u32 s24, s20;
	[tilespmem:s0+$0x100] =	vst v15;
	v1 =	vld.idx.msk [tilespmem:v9+s3+$0x0], $0xffff;
	v9 =	vor.u32 $0x200, v0  }
0xa3: {  	s13 =	sor.u32 s25, s12;
	v15 =	vld.idx.msk [tilespmem:v16+s3+$0x0], $0xffff;
	[tilespmem:s11+$0x0] =	vst v10;
	v10 =	vadd.s32 $0x2380, v2  }
0xa4: {  	s5 =	sor.u32 s23, s17;
	v16 =	vor.u32 $0x200, v6;
	v13 =	vld.idx.msk [tilespmem:v13+s3+$0x0], $0xffff;
	[tilespmem:s13+$0x0] =	vst v11  }
0xa5: {  	s17 =	sadd.s32 $0x6700, s28;
	v11 =	vadd.s32 $0x1280, v4;
	v8 =	vld.idx.msk [tilespmem:v8+s3+$0x0], $0xffff;
	[tilespmem:s5+$0x0] =	vst v12  }
0xa6: {  	s18 =	sor.u32 s22, s17;
	[tilespmem:s1+$0x180] =	vst v7;
	v7 =	vadd.s32 $0x1300, v5;
	v12 =	vld.idx.msk [tilespmem:v14+s3+$0x0], $0xffff  }
0xa7: {  	v14 =	vadd.s32 $0x2300, v3;
	v9 =	vld.idx.msk [tilespmem:v9+s3+$0x0], $0xffff;
	[tilespmem:s18+$0x0] =	vst v1  }
0xa8: {  	s20 =	sadd.s32 $0x5680, s26;
	s19 =	sor.u32 s24, s12;
	[tilespmem:s0+$0x180] =	vst v15;
	v1 =	vld.idx.msk [tilespmem:v10+s3+$0x0], $0xffff;
	v10 =	vor.u32 $0x280, v0  }
0xa9: {  	s21 =	sor.u32 s25, s20;
	v15 =	vld.idx.msk [tilespmem:v16+s3+$0x0], $0xffff;
	[tilespmem:s19+$0x0] =	vst v13;
	v13 =	vadd.s32 $0x3000, v2  }
0xaa: {  	s7 =	sor.u32 s23, s7;
	v16 =	vor.u32 $0x280, v6;
	v11 =	vld.idx.msk [tilespmem:v11+s3+$0x0], $0xffff;
	[tilespmem:s21+$0x0] =	vst v8  }
0xab: {  	v8 =	vadd.s32 $0x1300, v4;
	v7 =	vld.idx.msk [tilespmem:v7+s3+$0x0], $0xffff;
	[tilespmem:s7+$0x0] =	vst v12;
	s7 =	sadd.s32 $0x6780, s28  }
0xac: {  	[tilespmem:s1+$0x200] =	vst v9;
	v9 =	vadd.s32 $0x1380, v5;
	v12 =	vld.idx.msk [tilespmem:v14+s3+$0x0], $0xffff;
	s10 =	sor.u32 s22, s7  }
0xad: {  	v14 =	vadd.s32 $0x2380, v3;
	v10 =	vld.idx.msk [tilespmem:v10+s3+$0x0], $0xffff;
	[tilespmem:s10+$0x0] =	vst v1  }
0xae: {  	s12 =	sadd.s32 $0x5700, s26;
	s11 =	sor.u32 s24, s20;
	[tilespmem:s0+$0x200] =	vst v15;
	v1 =	vld.idx.msk [tilespmem:v13+s3+$0x0], $0xffff;
	v13 =	vor.u32 $0x300, v0  }
0xaf: {  	s13 =	sor.u32 s25, s12;
	v15 =	vld.idx.msk [tilespmem:v16+s3+$0x0], $0xffff;
	[tilespmem:s11+$0x0] =	vst v11;
	v11 =	vadd.s32 $0x3080, v2  }
0xb0: {  	s5 =	sor.u32 s23, s17;
	v16 =	vor.u32 $0x300, v6;
	v8 =	vld.idx.msk [tilespmem:v8+s3+$0x0], $0xffff;
	[tilespmem:s13+$0x0] =	vst v7  }
0xb1: {  	v7 =	vadd.s32 $0x1380, v4;
	v9 =	vld.idx.msk [tilespmem:v9+s3+$0x0], $0xffff;
	[tilespmem:s5+$0x0] =	vst v12;
	s5 =	sadd.s32 $0x7400, s28  }
0xb2: {  	s18 =	simm.s32 $0x4;
	[tilespmem:s1+$0x280] =	vst v10;
	v10 =	vadd.s32 $0x2000, v5;
	v12 =	vld.idx.msk [tilespmem:v14+s3+$0x0], $0xffff;
	s17 =	sor.u32 s22, s5  }
0xb3: {  	s19 =	sand.u32 $0x7, s18;
	v14 =	vadd.s32 $0x3000, v3;
	v13 =	vld.idx.msk [tilespmem:v13+s3+$0x0], $0xffff;
	[tilespmem:s17+$0x0] =	vst v1  }
0xb4: {  	s20 =	sor.u32 s24, s12;
	s21 =	sadd.s32 $0x5780, s26;
	s11 =	sshll.u32 s19, $0x4;
	[tilespmem:s0+$0x280] =	vst v15;
	v1 =	vld.idx.msk [tilespmem:v11+s3+$0x0], $0xffff;
	v11 =	vor.u32 $0x380, v0  }
0xb5: {  	s12 =	simm.s32 $0x2;
	s13 =	sor.u32 s25, s21;
	s0 =	sadd.s32 $0x200, s11;
	v15 =	vld.idx.msk [tilespmem:v16+s3+$0x0], $0xffff;
	[tilespmem:s20+$0x0] =	vst v8;
	v8 =	vadd.s32 $0x3100, v2  }
0xb6: {  	s7 =	sor.u32 s23, s7;
	s1 =	sand.u32 $0x3, s12;
	v16 =	vor.u32 $0x380, v6;
	s0 =	sadd.s32 $0x10, s0;
	v7 =	vld.idx.msk [tilespmem:v7+s3+$0x0], $0xffff;
	[tilespmem:s13+$0x0] =	vst v9  }
0xb7: {  	s9 =	sadd.s32 $0x7480, s28;
	s1 =	sshll.u32 s1, $0x5;
	s0 =	sor.u32 $0x300, s0;
	v9 =	vadd.s32 $0x2000, v4;
	v10 =	vld.idx.msk [tilespmem:v10+s3+$0x0], $0xffff;
	[tilespmem:s7+$0x0] =	vst v12  }
0xb8: {  	s17 =	sor.u32 s22, s9;
	s1 =	sadd.s32 $0x200, s1;
	[tilespmem:s0+$0x4400] =	vst v13;
	v12 =	vld.idx.msk [tilespmem:v14+s3+$0x0], $0xffff  }
0xb9: {  	s18 =	rddreg [dreg:$0x4];
	s1 =	sor.u32 $0x300, s1;
	v13 =	vadd.s32 $0x2080, v5;
	s0 =	simm.s32 $0x60;
	v11 =	vld.idx.msk [tilespmem:v11+s3+$0x0], $0xffff;
	[tilespmem:s17+$0x0] =	vst v1  }
0xba: {  	s19 =	sor.u32 s24, s21;
	[tilespmem:s1+$0x4400] =	vst v15;
	s20 =	sand.u32 $0x180, s0;
	s1 =	simm.s32 $0x70;
	v1 =	vld.idx.msk [tilespmem:v8+s3+$0x0], $0xffff  }
0xbb: {  	s21 =	sadd.s32 $0x6400, s26;
	v14 =	vadd.s32 $0x1000, v0;
	v8 =	vld.idx.msk [tilespmem:v16+s3+$0x0], $0xffff;
	[tilespmem:s19+$0x0] =	vst v7;
	s7 =	sadd.s32 s20, s18;
	s18 =	sand.u32 $0x70, s1  }
0xbc: {  	s12 =	sor.u32 s25, s21;
	v7 =	vld.idx.msk [tilespmem:v9+s3+$0x0], $0xffff;
	v9 =	vadd.s32 $0x3180, v2;
	s10 =	sadd.s32 s18, s7  }
0xbd: {  	s4 =	sor.u32 s4, s6;
	v15 =	vadd.s32 $0x1000, v6;
	s17 =	sand.u32 $0x60, s0;
	[tilespmem:s12+$0x0] =	vst v10;
	v10 =	vld [tilespmem:s10+$0x0]  }
0xbe: {  	s4 =	sor.u32 $0x380, s4;
	v16 =	vadd.s32 $0x2080, v4;
	s13 =	sadd.s32 s17, s7;
	s7 =	sadd.s32 $0x7500, s28;
	v13 =	vld.idx.msk [tilespmem:v13+s3+$0x0], $0xffff  }
0xbf: {  	s2 =	sor.u32 s2, s6;
	v17 =	vld [tilespmem:s13+$0x0];
	s19 =	sor.u32 s22, s7;
	[tilespmem:s4+$0x4400] =	vst v11;
	v11 =	vadd.s32 $0x2100, v5  }
0xc0: {  	v18 =	vadd.s32 $0x3080, v3;
	s2 =	sor.u32 $0x380, s2;
	v14 =	vld.idx.msk [tilespmem:v14+s3+$0x0], $0xffff;
	[tilespmem:s19+$0x0] =	vst v1  }
0xc1: {  	s20 =	sor.u32 s24, s21;
	s21 =	sadd.s32 $0x6480, s26;
	[tilespmem:s2+$0x4400] =	vst v8;
	v8 =	vld.idx.msk [tilespmem:v9+s3+$0x0], $0xffff;
	v9 =	vadd.s32 $0x1080, v0  }
0xc2: {  	s6 =	sor.u32 s25, s21;
	v19 =	vld.idx.msk [tilespmem:v15+s3+$0x0], $0xffff;
	[tilespmem:s20+$0x0] =	vst v7;
	v7 =	vadd.s32 $0x3200, v2;
	v1 =	vshll.u32 v10, $0x3  }
0xc3: {  	v20 =	vadd.s32 $0x1080, v6;
	s8 =	sadd.s32 $0x5400, s16;
	s5 =	sor.u32 s23, s5;
	v16 =	vld.idx.msk [tilespmem:v16+s3+$0x0], $0xffff;
	v10 =	vand.u32 $0x7F, v10;
	[tilespmem:s6+$0x0] =	vst v13;
	v1 =	vand.u32 $0xFFFFFC00, v1  }
0xc4: {  	s10 =	sor.u32 s15, s8;
	[tilespmem:s5+$0x0] =	vst v12;
	s5 =	sadd.s32 $0x7580, s28;
	v12 =	vshll.u32 v17, $0x3;
	v11 =	vld.idx.msk [tilespmem:v11+s3+$0x0], $0xffff;
	v1 =	vor.u32 v10, v1  }
0xc5: {  	s11 =	sor.u32 s22, s5;
	v12 =	vand.u32 $0xFFFFFC00, v12;
	v13 =	vld.idx.msk [tilespmem:v18+s3+$0x0], $0xffff;
	v10 =	vand.u32 $0x7F, v17;
	[tilespmem:s10+$0x0] =	vst v14;
	v14 =	vadd.s32 $0x2180, v5  }
0xc6: {  	s4 =	sor.u32 s14, s8;
	v15 =	vor.u32 v10, v12;
	v9 =	vld.idx.msk [tilespmem:v9+s3+$0x0], $0xffff;
	[tilespmem:s11+$0x0] =	vst v8  }
0xc7: {  	v8 =	vadd.s32 $0x2100, v4;
	[tilespmem:s4+$0x0] =	vst v19;
	s11 =	sadd.s32 $0x6500, s26;
	v7 =	vld.idx.msk [tilespmem:v7+s3+$0x0], $0xffff  }
0xc8: {  	v12 =	vadd.s32 $0x1100, v0;
	v10 =	vld.idx.msk [tilespmem:v20+s3+$0x0], $0xffff;
	s12 =	sor.u32 s25, s11  }
0xc9: {  	s2 =	sor.u32 s24, s21;
	v17 =	vld.idx.msk [tilespmem:v1+s3+$0x0], $0xffff;
	[tilespmem:s12+$0x0] =	vst v11;
	v11 =	vadd.s32 $0x3280, v2  }
0xca: {  	s9 =	sor.u32 s23, s9;
	v18 =	vadd.s32 $0x3100, v3;
	s6 =	sadd.s32 $0x5480, s16;
	[tilespmem:s2+$0x0] =	vst v16;
	v14 =	vld.idx.msk [tilespmem:v14+s3+$0x0], $0xffff  }
0xcb: {  	s8 =	sadd.s32 $0x7600, s28;
	s13 =	sor.u32 s15, s6;
	v19 =	vor.u32 $0x80, v1;
	s4 =	simm.s32 $0x300;
	[tilespmem:s9+$0x0] =	vst v13;
	v16 =	vld.idx.msk [tilespmem:v15+s3+$0x0], $0xffff  }
0xcc: {  	s20 =	sor.u32 s22, s8;
	s19 =	sand.u32 $0xC00, s4;
	[tilespmem:s13+$0x0] =	vst v9;
	v8 =	vld.idx.msk [tilespmem:v8+s3+$0x0], $0xffff;
	v9 =	vadd.s32 $0x2200, v5  }
0xcd: {  	v20 =	vor.u32 $0x80, v15;
	s12 =	sadd.s32 $0x4400, s19;
	v12 =	vld.idx.msk [tilespmem:v12+s3+$0x0], $0xffff;
	[tilespmem:s20+$0x0] =	vst v7;
	s20 =	sor.u32 s14, s6  }
0xce: {  	s10 =	sor.u32 s18, s12;
	s13 =	sadd.s32 $0x6580, s26;
	v7 =	vadd.s32 $0x1100, v6;
	[tilespmem:s20+$0x0] =	vst v10;
	v11 =	vld.idx.msk [tilespmem:v11+s3+$0x0], $0xffff  }
0xcf: {  	v13 =	vadd.s32 $0x1180, v0;
	s21 =	sor.u32 s25, s13;
	[tilespmem:s10+$0x0] =	vst v17;
	v17 =	vld.idx.msk [tilespmem:v18+s3+$0x0], $0xffff  }
0xd0: {  	s9 =	sor.u32 s17, s12;
	v18 =	vld.idx.msk [tilespmem:v19+s3+$0x0], $0xffff;
	[tilespmem:s21+$0x0] =	vst v14;
	v14 =	vadd.s32 $0x3300, v2  }
0xd1: {  	s11 =	sor.u32 s24, s11;
	s12 =	sadd.s32 $0x5500, s16;
	v19 =	vadd.s32 $0x2180, v4;
	[tilespmem:s9+$0x0] =	vst v16;
	v9 =	vld.idx.msk [tilespmem:v9+s3+$0x0], $0xffff  }
0xd2: {  	s6 =	sadd.s32 $0x7680, s28;
	s21 =	sor.u32 s15, s12;
	v16 =	vld.idx.msk [tilespmem:v20+s3+$0x0], $0xffff;
	v20 =	vor.u32 $0x100, v1;
	[tilespmem:s11+$0x0] =	vst v8  }
0xd3: {  	v10 =	vadd.s32 $0x2280, v5;
	s20 =	sor.u32 s22, s6;
	v7 =	vld.idx.msk [tilespmem:v7+s3+$0x0], $0xffff;
	[tilespmem:s21+$0x0] =	vst v12  }
0xd4: {  	s7 =	sor.u32 s23, s7;
	v12 =	vor.u32 $0x100, v15;
	v13 =	vld.idx.msk [tilespmem:v13+s3+$0x0], $0xffff;
	[tilespmem:s20+$0x0] =	vst v11  }
0xd5: {  	s11 =	sadd.s32 $0x6600, s26;
	v11 =	vadd.s32 $0x1180, v6;
	[tilespmem:s7+$0x0] =	vst v17;
	v8 =	vld.idx.msk [tilespmem:v14+s3+$0x0], $0xffff  }
0xd6: {  	s21 =	sor.u32 s25, s11;
	[tilespmem:s10+$0x80] =	vst v18;
	v14 =	vadd.s32 $0x1200, v0;
	v18 =	vld.idx.msk [tilespmem:v19+s3+$0x0], $0xffff  }
0xd7: {  	v2 =	vadd.s32 $0x3380, v2;
	v19 =	vld.idx.msk [tilespmem:v20+s3+$0x0], $0xffff;
	[tilespmem:s21+$0x0] =	vst v9  }
0xd8: {  	s20 =	sor.u32 s14, s12;
	s12 =	sadd.s32 $0x5580, s16;
	v9 =	vadd.s32 $0x2200, v4;
	[tilespmem:s9+$0x80] =	vst v16;
	v10 =	vld.idx.msk [tilespmem:v10+s3+$0x0], $0xffff  }
0xd9: {  	s2 =	sadd.s32 $0x7700, s28;
	v16 =	vor.u32 $0x180, v1;
	v12 =	vld.idx.msk [tilespmem:v12+s3+$0x0], $0xffff;
	[tilespmem:s20+$0x0] =	vst v7;
	s20 =	sor.u32 s15, s12  }
0xda: {  	s21 =	sor.u32 s22, s2;
	[tilespmem:s20+$0x0] =	vst v13;
	v13 =	vadd.s32 $0x2300, v5;
	v11 =	vld.idx.msk [tilespmem:v11+s3+$0x0], $0xffff  }
0xdb: {  	s13 =	sor.u32 s24, s13;
	[tilespmem:s21+$0x0] =	vst v8;
	v8 =	vor.u32 $0x180, v15;
	v14 =	vld.idx.msk [tilespmem:v14+s3+$0x0], $0xffff  }
0xdc: {  	v20 =	vadd.s32 $0x1200, v6;
	[tilespmem:s13+$0x0] =	vst v18;
	s13 =	sadd.s32 $0x6680, s26;
	v7 =	vld.idx.msk [tilespmem:v2+s3+$0x0], $0xffff  }
0xdd: {  	[tilespmem:s10+$0x100] =	vst v19;
	v2 =	vadd.s32 $0x1280, v0;
	v9 =	vld.idx.msk [tilespmem:v9+s3+$0x0], $0xffff;
	s21 =	sor.u32 s25, s13  }
0xde: {  	[tilespmem:s21+$0x0] =	vst v10;
	v10 =	vadd.s32 $0x2280, v4;
	v16 =	vld.idx.msk [tilespmem:v16+s3+$0x0], $0xffff  }
0xdf: {  	s12 =	sor.u32 s14, s12;
	s20 =	sadd.s32 $0x5600, s16;
	[tilespmem:s9+$0x100] =	vst v12;
	v12 =	vld.idx.msk [tilespmem:v13+s3+$0x0], $0xffff;
	v13 =	vor.u32 $0x200, v1  }
0xe0: {  	s21 =	sor.u32 s15, s20;
	[tilespmem:s12+$0x0] =	vst v11;
	v11 =	vadd.s32 $0x2380, v5;
	v8 =	vld.idx.msk [tilespmem:v8+s3+$0x0], $0xffff  }
0xe1: {  	s11 =	sor.u32 s24, s11;
	[tilespmem:s21+$0x0] =	vst v14;
	v14 =	vor.u32 $0x200, v15;
	v18 =	vld.idx.msk [tilespmem:v20+s3+$0x0], $0xffff  }
0xe2: {  	v19 =	vadd.s32 $0x1280, v6;
	v2 =	vld.idx.msk [tilespmem:v2+s3+$0x0], $0xffff;
	[tilespmem:s11+$0x0] =	vst v9;
	s11 =	sadd.s32 $0x6700, s26  }
0xe3: {  	v9 =	vadd.s32 $0x1300, v0;
	[tilespmem:s10+$0x180] =	vst v16;
	v10 =	vld.idx.msk [tilespmem:v10+s3+$0x0], $0xffff;
	s21 =	sor.u32 s25, s11  }
0xe4: {  	[tilespmem:s21+$0x0] =	vst v12;
	v12 =	vadd.s32 $0x3180, v3;
	v13 =	vld.idx.msk [tilespmem:v13+s3+$0x0], $0xffff  }
0xe5: {  	v16 =	vadd.s32 $0x2300, v4;
	s21 =	sor.u32 s14, s20;
	s20 =	sadd.s32 $0x5680, s16;
	[tilespmem:s9+$0x180] =	vst v8;
	v8 =	vld.idx.msk [tilespmem:v11+s3+$0x0], $0xffff  }
0xe6: {  	[tilespmem:s21+$0x0] =	vst v18;
	s21 =	sor.u32 s15, s20;
	v11 =	vld.idx.msk [tilespmem:v14+s3+$0x0], $0xffff;
	v14 =	vor.u32 $0x280, v1  }
0xe7: {  	v18 =	vadd.s32 $0x3000, v5;
	[tilespmem:s21+$0x0] =	vst v2;
	v2 =	vld.idx.msk [tilespmem:v19+s3+$0x0], $0xffff;
	s21 =	sor.u32 s24, s13  }
0xe8: {  	s7 =	sadd.s32 $0x6780, s26;
	v19 =	vor.u32 $0x280, v15;
	v9 =	vld.idx.msk [tilespmem:v9+s3+$0x0], $0xffff;
	[tilespmem:s21+$0x0] =	vst v10  }
0xe9: {  	v17 =	vadd.s32 $0x1300, v6;
	s13 =	sor.u32 s25, s7;
	v10 =	vld.idx.msk [tilespmem:v12+s3+$0x0], $0xffff;
	[tilespmem:s10+$0x200] =	vst v13  }
0xea: {  	v12 =	vadd.s32 $0x1380, v0;
	v13 =	vld.idx.msk [tilespmem:v16+s3+$0x0], $0xffff;
	[tilespmem:s13+$0x0] =	vst v8  }
0xeb: {  	s20 =	sor.u32 s14, s20;
	v16 =	vadd.s32 $0x3200, v3;
	s13 =	sadd.s32 $0x5700, s16;
	v14 =	vld.idx.msk [tilespmem:v14+s3+$0x0], $0xffff;
	[tilespmem:s9+$0x200] =	vst v11  }
0xec: {  	v8 =	vadd.s32 $0x2380, v4;
	v11 =	vld.idx.msk [tilespmem:v18+s3+$0x0], $0xffff;
	[tilespmem:s20+$0x0] =	vst v2;
	s21 =	sor.u32 s15, s13  }
0xed: {  	s5 =	sor.u32 s23, s5;
	v18 =	vld.idx.msk [tilespmem:v19+s3+$0x0], $0xffff;
	v19 =	vor.u32 $0x300, v1;
	[tilespmem:s21+$0x0] =	vst v9  }
0xee: {  	s11 =	sor.u32 s24, s11;
	v2 =	vld.idx.msk [tilespmem:v17+s3+$0x0], $0xffff;
	v9 =	vadd.s32 $0x3080, v5;
	[tilespmem:s5+$0x0] =	vst v10  }
0xef: {  	v17 =	vor.u32 $0x300, v15;
	v12 =	vld.idx.msk [tilespmem:v12+s3+$0x0], $0xffff;
	[tilespmem:s11+$0x0] =	vst v13;
	s11 =	sadd.s32 $0x7400, s26  }
0xf0: {  	v10 =	vadd.s32 $0x1380, v6;
	v13 =	vld.idx.msk [tilespmem:v16+s3+$0x0], $0xffff;
	s20 =	sor.u32 s25, s11;
	[tilespmem:s10+$0x280] =	vst v14  }
0xf1: {  	v16 =	vadd.s32 $0x3280, v3;
	v8 =	vld.idx.msk [tilespmem:v8+s3+$0x0], $0xffff;
	[tilespmem:s20+$0x0] =	vst v11  }
0xf2: {  	s12 =	sor.u32 s14, s13;
	s21 =	simm.s32 $0x6;
	v14 =	vadd.s32 $0x2000, v0;
	v19 =	vld.idx.msk [tilespmem:v19+s3+$0x0], $0xffff;
	[tilespmem:s9+$0x280] =	vst v18;
	s9 =	sadd.s32 $0x5780, s16  }
0xf3: {  	v11 =	vadd.s32 $0x3000, v4;
	s10 =	sand.u32 $0x7, s21;
	v9 =	vld.idx.msk [tilespmem:v9+s3+$0x0], $0xffff;
	[tilespmem:s12+$0x0] =	vst v2;
	s20 =	sor.u32 s15, s9  }
0xf4: {  	s8 =	sor.u32 s23, s8;
	s10 =	sshll.u32 s10, $0x4;
	v18 =	vor.u32 $0x380, v1;
	v17 =	vld.idx.msk [tilespmem:v17+s3+$0x0], $0xffff;
	[tilespmem:s20+$0x0] =	vst v12  }
0xf5: {  	s13 =	simm.s32 $0x3;
	s21 =	sor.u32 s24, s7;
	s10 =	sadd.s32 $0x300, s10;
	v2 =	vld.idx.msk [tilespmem:v10+s3+$0x0], $0xffff;
	v10 =	vadd.s32 $0x3100, v5;
	[tilespmem:s8+$0x0] =	vst v13  }
0xf6: {  	s30 =	simm.s32 $0x90;
	s12 =	sand.u32 $0x3, s13;
	v12 =	vor.u32 $0x380, v15;
	s10 =	sadd.s32 $0x10, s10;
	[tilespmem:s21+$0x0] =	vst v8;
	v8 =	vld.idx.msk [tilespmem:v16+s3+$0x0], $0xffff  }
0xf7: {  	s5 =	sadd.s32 $0x7480, s26;
	s12 =	sshll.u32 s12, $0x5;
	s7 =	sor.u32 $0x300, s10;
	v14 =	vld.idx.msk [tilespmem:v14+s3+$0x0], $0xffff  }
0xf8: {  	s13 =	sor.u32 s25, s5;
	v13 =	vadd.s32 $0x2000, v6;
	s12 =	sadd.s32 $0x300, s12;
	s20 =	simm.s32 $0x80;
	v11 =	vld.idx.msk [tilespmem:v11+s3+$0x0], $0xffff;
	[tilespmem:s7+$0x4400] =	vst v19  }
0xf9: {  	s8 =	rddreg [dreg:$0x4];
	s10 =	sor.u32 $0x300, s12;
	v16 =	vadd.s32 $0x2080, v0;
	s21 =	sand.u32 $0x180, s20;
	[tilespmem:s13+$0x0] =	vst v9;
	v18 =	vld.idx.msk [tilespmem:v18+s3+$0x0], $0xffff  }
0xfa: {  	s20 =	sand.u32 $0x70, s30;
	s7 =	sadd.s32 s21, s8;
	[tilespmem:s10+$0x4400] =	vst v17;
	v9 =	vld.idx.msk [tilespmem:v10+s3+$0x0], $0xffff  }
0xfb: {  	s10 =	sor.u32 s14, s9;
	s9 =	sadd.s32 $0x6400, s16;
	s13 =	sadd.s32 s20, s7;
	v10 =	vld.idx.msk [tilespmem:v12+s3+$0x0], $0xffff;
	v12 =	vadd.s32 $0x1000, v1  }
0xfc: {  	s1 =	sor.u32 s1, s4;
	s12 =	simm.s32 $0x80;
	v17 =	vadd.s32 $0x3180, v5;
	[tilespmem:s10+$0x0] =	vst v2;
	v2 =	vld [tilespmem:s13+$0x0];
	s21 =	sor.u32 s15, s9  }
0xfd: {  	v19 =	vadd.s32 $0x1000, v15;
	s13 =	sor.u32 s14, s9;
	s9 =	sor.u32 s24, s11;
	v13 =	vld.idx.msk [tilespmem:v13+s3+$0x0], $0xffff;
	[tilespmem:s21+$0x0] =	vst v14;
	s21 =	sand.u32 $0x60, s12  }
0xfe: {  	s1 =	sor.u32 $0x380, s1;
	v14 =	vadd.s32 $0x2080, v6;
	[tilespmem:s9+$0x0] =	vst v11;
	s10 =	sadd.s32 s21, s7;
	v16 =	vld.idx.msk [tilespmem:v16+s3+$0x0], $0xffff;
	s7 =	sadd.s32 $0x7500, s26  }
0xff: {  	v21 =	vadd.s32 $0x3080, v4;
	s0 =	sor.u32 s0, s4;
	v20 =	vld [tilespmem:s10+$0x0];
	[tilespmem:s1+$0x4400] =	vst v18;
	s12 =	sor.u32 s25, s7  }
0x100: {  	s0 =	sor.u32 $0x380, s0;
	v18 =	vadd.s32 $0x2100, v0;
	v12 =	vld.idx.msk [tilespmem:v12+s3+$0x0], $0xffff;
	[tilespmem:s12+$0x0] =	vst v9  }
0x101: {  	v9 =	vadd.s32 $0x3300, v3;
	[tilespmem:s0+$0x4400] =	vst v10;
	v10 =	vld.idx.msk [tilespmem:v17+s3+$0x0], $0xffff  }
0x102: {  	s4 =	sadd.s32 $0x6480, s16;
	s10 =	sor.u32 s23, s6;
	v17 =	vld.idx.msk [tilespmem:v19+s3+$0x0], $0xffff;
	v19 =	vadd.s32 $0x1080, v1;
	[tilespmem:s13+$0x0] =	vst v13;
	v13 =	vshll.u32 v2, $0x3  }
0x103: {  	v22 =	vadd.s32 $0x1080, v15;
	s8 =	sor.u32 s15, s4;
	s1 =	sadd.s32 $0x7780, s28;
	[tilespmem:s10+$0x0] =	vst v8;
	v2 =	vand.u32 $0x7F, v2;
	v14 =	vld.idx.msk [tilespmem:v14+s3+$0x0], $0xffff;
	v11 =	vand.u32 $0xFFFFFC00, v13  }
0x104: {  	s11 =	sadd.s32 $0x5400, s19;
	s22 =	sor.u32 s22, s1;
	[tilespmem:s8+$0x0] =	vst v16;
	v16 =	vadd.s32 $0x3200, v5;
	v2 =	vor.u32 v2, v11;
	v11 =	vld.idx.msk [tilespmem:v21+s3+$0x0], $0xffff  }
0x105: {  	s12 =	sor.u32 s18, s11;
	[tilespmem:s22+$0x0] =	vst v7;
	v13 =	vld.idx.msk [tilespmem:v18+s3+$0x0], $0xffff;
	v8 =	vshll.u32 v20, $0x3  }
0x106: {  	s6 =	sor.u32 s17, s11;
	s0 =	sadd.s32 $0x7580, s26;
	v18 =	vand.u32 $0x7F, v20;
	v8 =	vand.u32 $0xFFFFFC00, v8;
	[tilespmem:s12+$0x0] =	vst v12;
	v12 =	vadd.s32 $0x2180, v0;
	v9 =	vld.idx.msk [tilespmem:v9+s3+$0x0], $0xffff  }
0x107: {  	s13 =	sor.u32 s25, s0;
	v54 =	vor.u32 v18, v8;
	v8 =	vld.idx.msk [tilespmem:v19+s3+$0x0], $0xffff;
	[tilespmem:s6+$0x0] =	vst v17  }
0x108: {  	s4 =	sor.u32 s14, s4;
	s9 =	sadd.s32 $0x6500, s16;
	[tilespmem:s13+$0x0] =	vst v10;
	v10 =	vadd.s32 $0x2100, v6;
	v7 =	vld.idx.msk [tilespmem:v22+s3+$0x0], $0xffff  }
0x109: {  	s8 =	sor.u32 s15, s9;
	v17 =	vadd.s32 $0x1100, v1;
	[tilespmem:s4+$0x0] =	vst v14;
	v16 =	vld.idx.msk [tilespmem:v16+s3+$0x0], $0xffff  }
0x10a: {  	s5 =	sor.u32 s24, s5;
	v19 =	vadd.s32 $0x3100, v4;
	v18 =	vld.idx.msk [tilespmem:v2+s3+$0x0], $0xffff;
	[tilespmem:s8+$0x0] =	vst v13  }
0x10b: {  	s2 =	sor.u32 s23, s2;
	s28 =	simm.s32 $0x400;
	[tilespmem:s5+$0x0] =	vst v11;
	v13 =	vadd.s32 $0x3280, v5;
	s8 =	sadd.s32 $0x5480, s19;
	v12 =	vld.idx.msk [tilespmem:v12+s3+$0x0], $0xffff  }
0x10c: {  	s22 =	sand.u32 $0xC00, s28;
	s6 =	sadd.s32 $0x7600, s26;
	v14 =	vor.u32 $0x80, v2;
	s10 =	sor.u32 s18, s8;
	[tilespmem:s2+$0x0] =	vst v9;
	v11 =	vld.idx.msk [tilespmem:v54+s3+$0x0], $0xffff  }
0x10d: {  	s12 =	sadd.s32 $0x4400, s22;
	s11 =	sor.u32 s25, s6;
	[tilespmem:s10+$0x0] =	vst v8;
	v8 =	vld.idx.msk [tilespmem:v10+s3+$0x0], $0xffff;
	v10 =	vadd.s32 $0x2200, v0  }
0x10e: {  	v20 =	vor.u32 $0x80, v54;
	s2 =	sor.u32 s20, s12;
	v17 =	vld.idx.msk [tilespmem:v17+s3+$0x0], $0xffff;
	[tilespmem:s11+$0x0] =	vst v16  }
0x10f: {  	s10 =	sadd.s32 $0x6580, s16;
	v16 =	vadd.s32 $0x1100, v15;
	[tilespmem:s2+$0x0] =	vst v18;
	v18 =	vld.idx.msk [tilespmem:v19+s3+$0x0], $0xffff;
	s11 =	sor.u32 s17, s8  }
0x110: {  	s13 =	sor.u32 s15, s10;
	v19 =	vadd.s32 $0x2180, v6;
	v9 =	vld.idx.msk [tilespmem:v13+s3+$0x0], $0xffff;
	[tilespmem:s11+$0x0] =	vst v7  }
0x111: {  	s4 =	sor.u32 s21, s12;
	v13 =	vadd.s32 $0x1180, v1;
	[tilespmem:s13+$0x0] =	vst v12;
	v12 =	vld.idx.msk [tilespmem:v14+s3+$0x0], $0xffff  }
0x112: {  	s9 =	sor.u32 s14, s9;
	s8 =	sadd.s32 $0x5500, s19;
	v14 =	vadd.s32 $0x3300, v5;
	[tilespmem:s4+$0x0] =	vst v11;
	v10 =	vld.idx.msk [tilespmem:v10+s3+$0x0], $0xffff  }
0x113: {  	s5 =	sadd.s32 $0x7680, s26;
	s12 =	sor.u32 s18, s8;
	v11 =	vor.u32 $0x100, v2;
	[tilespmem:s9+$0x0] =	vst v8;
	v7 =	vld.idx.msk [tilespmem:v20+s3+$0x0], $0xffff  }
0x114: {  	s13 =	sor.u32 s25, s5;
	[tilespmem:s12+$0x0] =	vst v17;
	v17 =	vadd.s32 $0x2280, v0;
	v16 =	vld.idx.msk [tilespmem:v16+s3+$0x0], $0xffff  }
0x115: {  	s12 =	sadd.s32 $0x6600, s16;
	v19 =	vld.idx.msk [tilespmem:v19+s3+$0x0], $0xffff;
	[tilespmem:s13+$0x0] =	vst v9;
	v9 =	vor.u32 $0x100, v54  }
0x116: {  	v8 =	vadd.s32 $0x1180, v15;
	s11 =	sor.u32 s15, s12;
	v13 =	vld.idx.msk [tilespmem:v13+s3+$0x0], $0xffff;
	[tilespmem:s2+$0x80] =	vst v12  }
0x117: {  	v14 =	vld.idx.msk [tilespmem:v14+s3+$0x0], $0xffff;
	v12 =	vadd.s32 $0x1200, v1;
	[tilespmem:s11+$0x0] =	vst v10  }
0x118: {  	s8 =	sor.u32 s17, s8;
	v5 =	vadd.s32 $0x3380, v5;
	v10 =	vld.idx.msk [tilespmem:v11+s3+$0x0], $0xffff;
	[tilespmem:s4+$0x80] =	vst v7  }
0x119: {  	s10 =	sor.u32 s14, s10;
	s9 =	sadd.s32 $0x5580, s19;
	v11 =	vadd.s32 $0x2200, v6;
	v7 =	vld.idx.msk [tilespmem:v17+s3+$0x0], $0xffff;
	[tilespmem:s8+$0x0] =	vst v16  }
0x11a: {  	s13 =	sor.u32 s18, s9;
	v16 =	vor.u32 $0x180, v2;
	s8 =	sadd.s32 $0x7700, s26;
	[tilespmem:s10+$0x0] =	vst v19;
	v9 =	vld.idx.msk [tilespmem:v9+s3+$0x0], $0xffff  }
0x11b: {  	[tilespmem:s13+$0x0] =	vst v13;
	v8 =	vld.idx.msk [tilespmem:v8+s3+$0x0], $0xffff;
	v13 =	vadd.s32 $0x2300, v0;
	s13 =	sor.u32 s25, s8  }
0x11c: {  	s11 =	sadd.s32 $0x6680, s16;
	[tilespmem:s13+$0x0] =	vst v14;
	v14 =	vor.u32 $0x180, v54;
	v12 =	vld.idx.msk [tilespmem:v12+s3+$0x0], $0xffff  }
0x11d: {  	v17 =	vadd.s32 $0x1200, v15;
	s13 =	sor.u32 s15, s11;
	v5 =	vld.idx.msk [tilespmem:v5+s3+$0x0], $0xffff;
	[tilespmem:s2+$0x100] =	vst v10  }
0x11e: {  	v10 =	vadd.s32 $0x1280, v1;
	v11 =	vld.idx.msk [tilespmem:v11+s3+$0x0], $0xffff;
	[tilespmem:s13+$0x0] =	vst v7  }
0x11f: {  	s9 =	sor.u32 s17, s9;
	v7 =	vadd.s32 $0x3380, v3;
	s13 =	sadd.s32 $0x5600, s19;
	v16 =	vld.idx.msk [tilespmem:v16+s3+$0x0], $0xffff;
	[tilespmem:s4+$0x100] =	vst v9  }
0x120: {  	v19 =	vadd.s32 $0x2280, v6;
	v9 =	vld.idx.msk [tilespmem:v13+s3+$0x0], $0xffff;
	[tilespmem:s9+$0x0] =	vst v8;
	s9 =	sadd.s32 $0x7780, s26;
	s26 =	sor.u32 s18, s13  }
0x121: {  	v13 =	vor.u32 $0x200, v2;
	v8 =	vld.idx.msk [tilespmem:v14+s3+$0x0], $0xffff;
	[tilespmem:s26+$0x0] =	vst v12;
	s26 =	sor.u32 s25, s9  }
0x122: {  	v20 =	vld.idx.msk [tilespmem:v17+s3+$0x0], $0xffff;
	s25 =	sor.u32 s14, s12;
	[tilespmem:s26+$0x0] =	vst v5  }
0x123: {  	v21 =	vadd.s32 $0x2380, v0;
	s10 =	sadd.s32 $0x6700, s16;
	v10 =	vld.idx.msk [tilespmem:v10+s3+$0x0], $0xffff;
	[tilespmem:s25+$0x0] =	vst v11  }
0x124: {  	v22 =	vor.u32 $0x200, v54;
	s26 =	sor.u32 s15, s10;
	v42 =	vld.idx.msk [tilespmem:v7+s3+$0x0], $0xffff;
	[tilespmem:s2+$0x180] =	vst v16  }
0x125: {  	v12 =	vadd.s32 $0x3100, v6;
	v19 =	vld.idx.msk [tilespmem:v19+s3+$0x0], $0xffff;
	v16 =	vadd.s32 $0x1300, v1;
	[tilespmem:s26+$0x0] =	vst v9  }
0x126: {  	v24 =	vadd.s32 $0x1280, v15;
	v13 =	vld.idx.msk [tilespmem:v13+s3+$0x0], $0xffff;
	[tilespmem:$0x1FF70] =	vst v12  }
0x127: {  	s13 =	sor.u32 s17, s13;
	s25 =	sadd.s32 $0x5680, s19;
	[tilespmem:s4+$0x180] =	vst v8  }
0x128: {  	v23 =	vadd.s32 $0x3200, v4;
	v5 =	vadd.s32 $0x3180, v4;
	s26 =	sor.u32 s18, s25;
	v8 =	vld.idx.msk [tilespmem:v21+s3+$0x0], $0xffff;
	[tilespmem:s13+$0x0] =	vst v20  }
0x129: {  	v25 =	vadd.s32 $0x3000, v0;
	v27 =	vadd.s32 $0x3080, v6;
	v61 =	vadd.s32 $0x3180, v6;
	s7 =	sor.u32 s24, s7;
	[tilespmem:s26+$0x0] =	vst v10;
	v21 =	vld.idx.msk [tilespmem:v22+s3+$0x0], $0xffff  }
0x12a: {  	v28 =	vadd.s32 $0x3200, v6;
	v7 =	vadd.s32 $0x2300, v6;
	[tilespmem:s7+$0x0] =	vst v18;
	v32 =	vld.idx.msk [tilespmem:v16+s3+$0x0], $0xffff;
	v16 =	vadd.s32 $0x2180, v15  }
0x12b: {  	v30 =	vor.u32 $0x280, v54;
	s11 =	sor.u32 s14, s11;
	v3 =	vadd.s32 $0x3280, v4;
	v20 =	vor.u32 $0x280, v2;
	v10 =	vld.idx.msk [tilespmem:v24+s3+$0x0], $0xffff;
	[tilespmem:$0x1FF80] =	vst v16  }
0x12c: {  	v17 =	vadd.s32 $0x3380, v4;
	v14 =	vadd.s32 $0x3280, v6;
	v16 =	vadd.s32 $0x2200, v15;
	[tilespmem:s11+$0x0] =	vst v19  }
0x12d: {  	v11 =	vadd.s32 $0x3300, v4;
	v4 =	vadd.s32 $0x3000, v6;
	v9 =	vadd.s32 $0x2380, v6;
	s7 =	sadd.s32 $0x6780, s16;
	v5 =	vld.idx.msk [tilespmem:v5+s3+$0x0], $0xffff;
	[tilespmem:$0x1FF90] =	vst v16  }
0x12e: {  	v12 =	vadd.s32 $0x3300, v6;
	v22 =	vadd.s32 $0x3380, v6;
	v6 =	vadd.s32 $0x1300, v15;
	s12 =	sor.u32 s15, s7;
	[tilespmem:s2+$0x200] =	vst v13  }
0x12f: {  	v19 =	vadd.s32 $0x1380, v1;
	v7 =	vld.idx.msk [tilespmem:v7+s3+$0x0], $0xffff;
	[tilespmem:s12+$0x0] =	vst v8  }
0x130: {  	s13 =	sor.u32 s17, s25;
	[tilespmem:s4+$0x200] =	vst v21;
	s12 =	sadd.s32 $0x5700, s19;
	v8 =	vld.idx.msk [tilespmem:v20+s3+$0x0], $0xffff  }
0x131: {  	[tilespmem:s13+$0x0] =	vst v10;
	v21 =	vld.idx.msk [tilespmem:v25+s3+$0x0], $0xffff;
	s25 =	sor.u32 s18, s12  }
0x132: {  	v26 =	vadd.s32 $0x1380, v15;
	v39 =	vadd.s32 $0x2000, v15;
	s0 =	sor.u32 s24, s0;
	v25 =	vld.idx.msk [tilespmem:v30+s3+$0x0], $0xffff;
	[tilespmem:s25+$0x0] =	vst v32  }
0x133: {  	v37 =	vadd.s32 $0x2080, v15;
	v33 =	vadd.s32 $0x2100, v15;
	v10 =	vadd.s32 $0x1100, v54;
	v6 =	vld.idx.msk [tilespmem:v6+s3+$0x0], $0xffff;
	[tilespmem:s0+$0x0] =	vst v5  }
0x134: {  	v41 =	vadd.s32 $0x2280, v15;
	v36 =	vadd.s32 $0x2300, v15;
	v5 =	vld.idx.msk [tilespmem:v19+s3+$0x0], $0xffff;
	[tilespmem:$0x1FFA0] =	vst v10;
	v10 =	vadd.s32 $0x1180, v54  }
0x135: {  	v34 =	vadd.s32 $0x2380, v15;
	v31 =	vadd.s32 $0x3000, v15;
	s10 =	sor.u32 s14, s10;
	v30 =	vor.u32 $0x300, v2;
	[tilespmem:$0x1FFB0] =	vst v10  }
0x136: {  	v29 =	vadd.s32 $0x3080, v15;
	v35 =	vadd.s32 $0x3100, v15;
	[tilespmem:s10+$0x0] =	vst v7;
	v7 =	vadd.s32 $0x1200, v54  }
0x137: {  	v18 =	vadd.s32 $0x3280, v15;
	v24 =	vadd.s32 $0x3180, v15;
	v16 =	vadd.s32 $0x3380, v15;
	s25 =	sor.u32 s24, s5;
	s5 =	sadd.s32 $0x7400, s16;
	v19 =	vld.idx.msk [tilespmem:v23+s3+$0x0], $0xffff;
	[tilespmem:$0x1FFC0] =	vst v7  }
0x138: {  	v13 =	vadd.s32 $0x3300, v15;
	v20 =	vadd.s32 $0x3200, v15;
	v15 =	vadd.s32 $0x3080, v0;
	s11 =	sor.u32 s15, s5;
	[tilespmem:s2+$0x280] =	vst v8  }
0x139: {  	v63 =	vor.u32 $0x300, v54;
	v7 =	vadd.s32 $0x2180, v54;
	v9 =	vld.idx.msk [tilespmem:v9+s3+$0x0], $0xffff;
	[tilespmem:s11+$0x0] =	vst v21  }
0x13a: {  	s31 =	simm.s32 $0x4;
	v55 =	vld.idx.msk [tilespmem:v30+s3+$0x0], $0xffff;
	[tilespmem:$0x1FFD0] =	vst v7  }
0x13b: {  	p1 =	por p0, p0;
	s6 =	sor.u32 s24, s6;
	s12 =	sor.u32 s17, s12;
	[tilespmem:s4+$0x280] =	vst v25  }
0x13c: {  	s29 =	sor.u32 s24, s8;
	s24 =	sor.u32 s24, s9;
	s9 =	sadd.s32 $0x5780, s19;
	[tilespmem:s12+$0x0] =	vst v6;
	v6 =	vadd.s32 $0x2200, v54  }
0x13d: {  	v53 =	vor.u32 $0x380, v54;
	v51 =	vadd.s32 $0x1000, v54;
	s26 =	sand.u32 $0x3, s31;
	s7 =	sor.u32 s14, s7;
	s10 =	sor.u32 s18, s9;
	v8 =	vadd.s32 $0x2000, v1;
	v56 =	vld.idx.msk [tilespmem:v15+s3+$0x0], $0xffff;
	[tilespmem:$0x1FFE0] =	vst v6  }
0x13e: {  	v46 =	vadd.s32 $0x1080, v54;
	v48 =	vadd.s32 $0x1280, v54;
	v49 =	vadd.s32 $0x1300, v54;
	s13 =	sor.u32 s23, s1;
	s2 =	simm.s32 $0x8;
	s12 =	simm.s32 $0x80;
	v7 =	vld.idx.msk [tilespmem:v63+s3+$0x0], $0xffff;
	[tilespmem:s10+$0x0] =	vst v5  }
0x13f: {  	v52 =	vadd.s32 $0x2000, v54;
	v50 =	vadd.s32 $0x2080, v54;
	v44 =	vadd.s32 $0x2100, v54;
	s1 =	sshll.u32 s26, $0x5;
	s23 =	sand.u32 $0x7, s2;
	v6 =	vld.idx.msk [tilespmem:v26+s3+$0x0], $0xffff;
	[dreg:$0x6] =	wrdreg s12  }
0x140: {  	v43 =	vadd.s32 $0x2280, v54;
	v38 =	vadd.s32 $0x2300, v54;
	s1 =	sadd.s32 $0x400, s1;
	s0 =	simm.s32 $0x8;
	s26 =	sshll.u32 s23, $0x4;
	v5 =	vadd.s32 $0x3100, v54;
	[tilespmem:s6+$0x0] =	vst v19  }
0x141: {  	v40 =	vadd.s32 $0x3080, v54;
	v32 =	vadd.s32 $0x2380, v54;
	v10 =	vadd.s32 $0x1380, v54;
	s4 =	sor.u32 $0x300, s1;
	s23 =	simm.s32 $0x80;
	s11 =	sadd.s32 $0x400, s26;
	[tilespmem:$0x1FFF0] =	vst v5  }
0x142: {  	v23 =	vadd.s32 $0x3180, v54;
	v21 =	vadd.s32 $0x3200, v54;
	v30 =	vadd.s32 $0x3000, v54;
	s8 =	sor.u32 s23, s28;
	s26 =	sadd.s32 $0x7480, s16;
	s1 =	sadd.s32 $0x10, s11;
	v5 =	vld.idx.msk [tilespmem:v8+s3+$0x0], $0xffff  }
0x143: {  	v25 =	vadd.s32 $0x3300, v54;
	v15 =	vadd.s32 $0x3380, v54;
	s8 =	sor.u32 $0x380, s8;
	s1 =	sor.u32 $0x300, s1;
	v19 =	vadd.s32 $0x3280, v54;
	s6 =	sor.u32 s14, s5;
	[tilespmem:s7+$0x0] =	vst v9;
	v54 =	vld.idx.msk [tilespmem:v3+s3+$0x0], $0xffff  }
0x144: {  	v58 =	vadd.s32 $0x3100, v0;
	s5 =	sor.u32 s17, s9;
	v8 =	vor.u32 $0x380, v2;
	[tilespmem:s1+$0x4400] =	vst v55;
	v3 =	vadd.s32 $0x2080, v1;
	s1 =	sor.u32 s14, s26;
	s7 =	sor.u32 s15, s26;
	v55 =	vld.idx.msk [tilespmem:v4+s3+$0x0], $0xffff  }
.LBB2_3:
0x145: {  	_ =	sdelay $0x2  }
0x146: {  	[tilespmem:$0x1FEB0] =	vst v32  }
0x147: {  	v4 =	vld.idx.msk [tilespmem:v8+s3+$0x0], $0xffff;
	[tilespmem:s7+$0x0] =	vst v56  }
0x148: {  	[tilespmem:s4+$0x4400] =	vst v7;
	s23 =	rddreg [dreg:$0x6];
	s4 =	sadd.s32 $0x6400, s19  }
0x149: {  	[tilespmem:$0x1FEE0] =	vst v10;
	s23 =	sadd.s32 $0x20, s23;
	v7 =	vld.idx.msk [tilespmem:v58+s3+$0x0], $0xffff;
	s26 =	sor.u32 s18, s4  }
0x14a: {  	s10 =	rddreg [dreg:$0x4];
	v9 =	vadd.s32 $0x1000, v2;
	v8 =	vld.idx.msk [tilespmem:v53+s3+$0x0], $0xffff;
	s12 =	sand.u32 $0x180, s23;
	s11 =	sadd.s32 $0x10, s23;
	[tilespmem:s26+$0x0] =	vst v5  }
0x14b: {  	[tilespmem:s5+$0x0] =	vst v6;
	s9 =	sand.u32 $0x60, s23;
	s7 =	sadd.s32 s12, s10;
	s12 =	sand.u32 $0x70, s11;
	v3 =	vld.idx.msk [tilespmem:v3+s3+$0x0], $0xffff  }
0x14c: {  	v5 =	vadd.s32 $0x3180, v0;
	s26 =	sor.u32 s30, s28;
	v6 =	vld.idx.msk [tilespmem:v39+s3+$0x0], $0xffff;
	s5 =	sadd.s32 s9, s7;
	s7 =	sadd.s32 s12, s7;
	[tilespmem:s25+$0x0] =	vst v54  }
0x14d: {  	s25 =	sor.u32 $0x380, s26;
	s26 =	sadd.s32 $0x7500, s16;
	v60 =	vld [tilespmem:s7+$0x0];
	[tilespmem:s6+$0x0] =	vst v55  }
0x14e: {  	[tilespmem:s25+$0x4400] =	vst v4;
	s7 =	sor.u32 s15, s26;
	v62 =	vld [tilespmem:s5+$0x0]  }
0x14f: {  	s10 =	sadd.s32 $0x6480, s19;
	v4 =	vadd.s32 $0x2100, v1;
	v9 =	vld.idx.msk [tilespmem:v9+s3+$0x0], $0xffff;
	[tilespmem:s7+$0x0] =	vst v7  }
0x150: {  	[tilespmem:s8+$0x4400] =	vst v8;
	s5 =	sor.u32 s18, s10  }
0x151: {  	s4 =	sor.u32 s17, s4;
	v5 =	vld.idx.msk [tilespmem:v5+s3+$0x0], $0xffff;
	[tilespmem:s5+$0x0] =	vst v3  }
0x152: {  	v63 =	vadd.s32 $0x1080, v2;
	v7 =	vmovc v50;
	v8 =	vld.idx.msk [tilespmem:v51+s3+$0x0], $0xffff;
	v3 =	vadd.s32 $0x3200, v0;
	[tilespmem:s4+$0x0] =	vst v6;
	v6 =	vshll.u32 v60, $0x3  }
0x153: {  	s6 =	sor.u32 s14, s26;
	[tilespmem:$0x1FEA0] =	vst v7;
	v55 =	vld.idx.msk [tilespmem:v37+s3+$0x0], $0xffff;
	v32 =	vand.u32 $0x7F, v60;
	v7 =	vshll.u32 v62, $0x3;
	v6 =	vand.u32 $0xFFFFFC00, v6  }
0x154: {  	v26 =	vmov v40;
	[dreg:$0x7] =	wrdreg s6;
	s6 =	smov.u32 s11;
	s11 =	sadd.s32 $0x5400, s22;
	v4 =	vld.idx.msk [tilespmem:v4+s3+$0x0], $0xffff;
	[tilespmem:s13+$0x0] =	vst v42;
	v39 =	vand.u32 $0xFFFFFC00, v7;
	v7 =	vor.u32 v32, v6  }
0x155: {  	[tilespmem:$0x1FF30] =	vst v26;
	s26 =	sadd.s32 $0x7580, s16;
	s5 =	sor.u32 s20, s11;
	v47 =	vld.idx.msk [tilespmem:v11+s3+$0x0], $0xffff  }
0x156: {  	s25 =	sor.u32 s21, s11;
	s11 =	sor.u32 s15, s26;
	s13 =	smov.u32 s24;
	[tilespmem:s5+$0x0] =	vst v9;
	v6 =	vld.idx.msk [tilespmem:v27+s3+$0x0], $0xffff  }
0x157: {  	v10 =	vmov v52;
	v45 =	vadd.s32 $0x2180, v1;
	[dreg:$0x5] =	wrdreg s13;
	s13 =	sadd.s32 $0x6500, s19;
	v57 =	vld.idx.msk [tilespmem:v63+s3+$0x0], $0xffff;
	[tilespmem:s11+$0x0] =	vst v5  }
0x158: {  	[tilespmem:s25+$0x0] =	vst v8;
	v8 =	vadd.s32 $0x1100, v2;
	s25 =	sor.u32 s18, s13;
	v3 =	vld.idx.msk [tilespmem:v3+s3+$0x0], $0xffff  }
0x159: {  	s31 =	sadd.s32 $0x1, s31;
	s7 =	sor.u32 s14, s26;
	v26 =	vld.idx.msk [tilespmem:v7+s3+$0x0], $0xffff;
	[tilespmem:s25+$0x0] =	vst v4;
	v4 =	vadd.s32 $0x3280, v0  }
0x15a: {  	[tilespmem:$0x1FE90] =	vst v10;
	v10 =	vmov v29;
	s26 =	sand.u32 $0x3, s31;
	s4 =	sor.u32 s17, s10;
	s10 =	sadd.s32 $0x5480, s22  }
0x15b: {  	[tilespmem:$0x1FF40] =	vst v10;
	s8 =	sshll.u32 s26, $0x5;
	s26 =	sadd.s32 $0x7600, s16;
	v37 =	vand.u32 $0x7F, v62;
	v11 =	vmov v12;
	s11 =	sor.u32 s20, s10;
	v12 =	vld.idx.msk [tilespmem:v46+s3+$0x0], $0xffff  }
0x15c: {  	s24 =	sor.u32 s17, s13;
	s13 =	sor.u32 s15, s26;
	v59 =	vld.idx.msk [tilespmem:v45+s3+$0x0], $0xffff;
	[tilespmem:s11+$0x0] =	vst v57  }
0x15d: {  	v10 =	vor.u32 v37, v39;
	v46 =	vmov v34;
	v34 =	vmov v20;
	v20 =	vld.idx.msk [tilespmem:v8+s3+$0x0], $0xffff;
	[tilespmem:s13+$0x0] =	vst v3  }
0x15e: {  	v37 =	vmov v21;
	v21 =	vld.idx.msk [tilespmem:v4+s3+$0x0], $0xffff  }
0x15f: {  	v4 =	vld [tilespmem:$0x1FF70]  }
0x160: {  	[tilespmem:s4+$0x0] =	vst v55  }
0x161: {  	[tilespmem:s1+$0x0] =	vst v6  }
0x162: {  	v63 =	vld.idx.msk [tilespmem:v10+s3+$0x0], $0xffff  }
0x163: {  	s28 =	sadd.s32 $0x100, s28;
	[tilespmem:$0x1FED0] =	vst v11;
	v11 =	vor.u32 $0x80, v10  }
0x164: {  	[tilespmem:$0x1FF60] =	vst v30;
	s5 =	sand.u32 $0xC00, s28  }
0x165: {  	v6 =	vadd.s32 $0x1380, v10;
	s25 =	sadd.s32 $0x4400, s5;
	[tilespmem:s29+$0x0] =	vst v47  }
0x166: {  	v30 =	vmov v28;
	v28 =	vmov v16;
	[tilespmem:$0x1FEF0] =	vst v6;
	s1 =	sor.u32 s9, s25;
	v16 =	vld.idx.msk [tilespmem:v33+s3+$0x0], $0xffff  }
0x167: {  	v6 =	vld.idx.msk [tilespmem:v4+s3+$0x0], $0xffff;
	[tilespmem:s1+$0x0] =	vst v63  }
0x168: {  	[tilespmem:$0x1FF50] =	vst v31;
	v31 =	vmov v15;
	s30 =	sor.u32 s21, s10;
	v15 =	vor.u32 $0x80, v7;
	v11 =	vld.idx.msk [tilespmem:v11+s3+$0x0], $0xffff  }
0x169: {  	v45 =	vmovc v43;
	v43 =	vmov v41;
	v41 =	vmov v17;
	v17 =	vadd.s32 $0x2200, v1;
	s11 =	sor.u32 s12, s25;
	[tilespmem:s30+$0x0] =	vst v12;
	v12 =	vld [tilespmem:$0x1FFA0]  }
0x16a: {  	[dreg:$0x6] =	wrdreg s23;
	s4 =	sadd.s32 s8, s28;
	[tilespmem:s11+$0x0] =	vst v26;
	v26 =	vmov v22;
	v22 =	vadd.s32 $0x1180, v2  }
0x16b: {  	s8 =	sadd.s32 $0x6580, s19;
	s29 =	sor.u32 $0x300, s4;
	s4 =	sor.u32 s23, s28  }
0x16c: {  	s23 =	sor.u32 s18, s8;
	s13 =	sor.u32 s17, s8;
	s8 =	sadd.s32 $0x5500, s22  }
0x16d: {  	v39 =	vmov v23;
	v23 =	vadd.s32 $0x3300, v0;
	s25 =	sor.u32 s20, s8;
	v15 =	vld.idx.msk [tilespmem:v15+s3+$0x0], $0xffff;
	[tilespmem:s23+$0x0] =	vst v59  }
0x16e: {  	v9 =	vmov v13;
	v13 =	vadd.s32 $0x1100, v10;
	v17 =	vld.idx.msk [tilespmem:v17+s3+$0x0], $0xffff;
	[tilespmem:s25+$0x0] =	vst v20;
	s30 =	sadd.s32 $0x7680, s16  }
0x16f: {  	s10 =	sor.u32 s14, s26;
	v54 =	vmov v13;
	v13 =	vld.idx.msk [tilespmem:v22+s3+$0x0], $0xffff;
	s26 =	sor.u32 s15, s30  }
0x170: {  	[tilespmem:s26+$0x0] =	vst v21;
	v21 =	vld [tilespmem:$0x1FF80]  }
0x171: {  	v12 =	vld.idx.msk [tilespmem:v12+s3+$0x0], $0xffff  }
0x172: {  	[tilespmem:s24+$0x0] =	vst v16;
	v16 =	vld.idx.msk [tilespmem:v23+s3+$0x0], $0xffff  }
0x173: {  	v23 =	vld [tilespmem:$0x1FFD0];
	_ =	sdelay $0x2  }
0x174: {  	v4 =	vmov v35;
	v35 =	vmov v24;
	v24 =	vor.u32 $0x100, v7  }
0x175: {  	[tilespmem:$0x1FF00] =	vst v9;
	v9 =	vor.u32 $0x100, v10  }
0x176: {  	[tilespmem:s11+$0x80] =	vst v15;
	v22 =	vmov v23  }
0x177: {  	v20 =	vadd.s32 $0x2280, v1;
	s25 =	sadd.s32 $0x6600, s19;
	v21 =	vld.idx.msk [tilespmem:v21+s3+$0x0], $0xffff;
	[tilespmem:s1+$0x80] =	vst v11  }
0x178: {  	v27 =	vmov v18;
	v18 =	vadd.s32 $0x2180, v10;
	v15 =	vadd.s32 $0x1200, v2;
	s24 =	sor.u32 s18, s25;
	[tilespmem:$0x1FF80] =	vst v22  }
0x179: {  	v22 =	vmov v18;
	v18 =	vld.idx.msk [tilespmem:v24+s3+$0x0], $0xffff;
	[tilespmem:s24+$0x0] =	vst v17;
	v17 =	vadd.s32 $0x3380, v0  }
0x17a: {  	[tilespmem:$0x1FF20] =	vst v14;
	s23 =	sor.u32 s21, s8;
	s8 =	sor.u32 s14, s30;
	s26 =	sadd.s32 $0x5580, s22;
	v9 =	vld.idx.msk [tilespmem:v9+s3+$0x0], $0xffff  }
0x17b: {  	s30 =	sor.u32 s17, s25;
	s25 =	sadd.s32 $0x7700, s16;
	[tilespmem:s23+$0x0] =	vst v12;
	v12 =	vld [tilespmem:$0x1FFB0];
	s24 =	sor.u32 s20, s26  }
0x17c: {  	v14 =	vadd.s32 $0x1180, v10;
	v0 =	vmovc v1;
	v1 =	vmov v2;
	v2 =	vmov v7;
	v7 =	vld.idx.msk [tilespmem:v20+s3+$0x0], $0xffff;
	[tilespmem:s24+$0x0] =	vst v13;
	s24 =	sor.u32 s15, s25  }
0x17d: {  	v20 =	vmov v14;
	v14 =	vld.idx.msk [tilespmem:v15+s3+$0x0], $0xffff;
	[tilespmem:s24+$0x0] =	vst v16  }
0x17e: {  	v15 =	vld.idx.msk [tilespmem:v17+s3+$0x0], $0xffff  }
0x17f: {  	v17 =	vld [tilespmem:$0x1FF90];
	_ =	sdelay $0x3  }
0x180: {  	v5 =	vmov v25;
	v42 =	vor.u32 $0x180, v10;
	[tilespmem:$0x1FF70] =	vst v4;
	v4 =	vld [tilespmem:$0x1FFF0]  }
0x181: {  	[tilespmem:$0x1FF10] =	vst v5;
	v12 =	vld.idx.msk [tilespmem:v12+s3+$0x0], $0xffff  }
0x182: {  	[tilespmem:$0x1FFB0] =	vst v20;
	v20 =	vld [tilespmem:$0x1FFE0]  }
0x183: {  	[tilespmem:s13+$0x0] =	vst v21  }
0x184: {  	v5 =	vor.u32 $0x300, v10;
	v11 =	vor.u32 $0x180, v2;
	v17 =	vld.idx.msk [tilespmem:v17+s3+$0x0], $0xffff;
	[tilespmem:s1+$0x100] =	vst v9  }
0x185: {  	[tilespmem:$0x1FEC0] =	vst v5;
	s23 =	sor.u32 s21, s26;
	v9 =	vld.idx.msk [tilespmem:v42+s3+$0x0], $0xffff  }
0x186: {  	v32 =	vmovc v61;
	v61 =	vor.u32 $0x200, v10;
	v55 =	vmov v44;
	v13 =	vadd.s32 $0x2300, v0;
	[tilespmem:s23+$0x0] =	vst v12;
	v12 =	vld [tilespmem:$0x1FFC0]  }
0x187: {  	v44 =	vmovc v38;
	v38 =	vmovc v36;
	v36 =	vmov v4;
	v4 =	vadd.s32 $0x3100, v10;
	s24 =	sadd.s32 $0x6680, s19;
	[tilespmem:s11+$0x100] =	vst v18;
	v18 =	vmov v20  }
0x188: {  	v56 =	vor.u32 $0x280, v10;
	v53 =	vor.u32 $0x380, v10;
	[tilespmem:$0x1FFF0] =	vst v4;
	v16 =	vadd.s32 $0x1280, v1;
	s13 =	sor.u32 s17, s24;
	s24 =	sor.u32 s18, s24  }
0x189: {  	v51 =	vadd.s32 $0x1000, v10;
	v29 =	vadd.s32 $0x1080, v10;
	v33 =	vmovc v19;
	v19 =	vadd.s32 $0x2200, v10;
	v11 =	vld.idx.msk [tilespmem:v11+s3+$0x0], $0xffff;
	[tilespmem:s24+$0x0] =	vst v7;
	s24 =	sadd.s32 $0x5600, s22  }
0x18a: {  	v62 =	vadd.s32 $0x1280, v10;
	v58 =	vadd.s32 $0x1300, v10;
	v52 =	vadd.s32 $0x2000, v10;
	s16 =	sadd.s32 $0x7780, s16;
	[tilespmem:$0x1FF90] =	vst v18;
	v18 =	vmovc v19;
	s23 =	sor.u32 s21, s24;
	s24 =	sor.u32 s20, s24  }
0x18b: {  	v50 =	vadd.s32 $0x2080, v10;
	v60 =	vadd.s32 $0x2380, v10;
	s26 =	sor.u32 s14, s25;
	v7 =	vld.idx.msk [tilespmem:v13+s3+$0x0], $0xffff;
	v13 =	vor.u32 $0x200, v2;
	[tilespmem:s24+$0x0] =	vst v14;
	s24 =	sor.u32 s14, s16  }
0x18c: {  	v40 =	vadd.s32 $0x3080, v10;
	v25 =	vadd.s32 $0x3300, v10;
	v5 =	vadd.s32 $0x1200, v10;
	[tilespmem:$0x1FFE0] =	vst v18;
	s16 =	sor.u32 s15, s16;
	s14 =	smov.u32 s17;
	s17 =	smov.u32 s21  }
0x18d: {  	v47 =	vadd.s32 $0x2100, v10;
	v57 =	vadd.s32 $0x3000, v10;
	v18 =	vmovc v5;
	v14 =	vadd.s32 $0x2380, v0;
	s21 =	smov.u32 s9;
	s15 =	smov.u32 s18;
	v5 =	vld.idx.msk [tilespmem:v16+s3+$0x0], $0xffff;
	[tilespmem:s16+$0x0] =	vst v15;
	s16 =	sadd.s32 $0x6700, s19  }
0x18e: {  	v8 =	vadd.s32 $0x2280, v10;
	v3 =	vadd.s32 $0x2300, v10;
	v59 =	vadd.s32 $0x3280, v10;
	s18 =	smov.u32 s20;
	s20 =	smov.u32 s12;
	s12 =	sor.u32 s14, s16;
	v12 =	vld.idx.msk [tilespmem:v12+s3+$0x0], $0xffff;
	[tilespmem:s30+$0x0] =	vst v17  }
0x18f: {  	v63 =	vadd.s32 $0x3200, v10;
	v4 =	vadd.s32 $0x3180, v10;
	v10 =	vadd.s32 $0x3380, v10;
	[tilespmem:s11+$0x180] =	vst v11;
	s9 =	sor.u32 s15, s16;
	s16 =	smov.u32 s19;
	s19 =	smov.u32 s22;
	v11 =	vld.idx.msk [tilespmem:v43+s3+$0x0], $0xffff  }
0x190: {  	v15 =	vmov v10;
	v10 =	vadd.s32 $0x1300, v1;
	s30 =	smov.u32 s6;
	s6 =	sadd.s32 $0x5680, s19;
	v43 =	vmov v8;
	v8 =	vld.idx.msk [tilespmem:v13+s3+$0x0], $0xffff;
	[tilespmem:s9+$0x0] =	vst v7  }
0x191: {  	s22 =	smov.u32 s5;
	v42 =	vld.idx.msk [tilespmem:v41+s3+$0x0], $0xffff;
	[tilespmem:s1+$0x180] =	vst v9;
	s5 =	sor.u32 s18, s6  }
0x192: {  	v13 =	vor.u32 $0x280, v2;
	v7 =	vld.idx.msk [tilespmem:v14+s3+$0x0], $0xffff;
	[tilespmem:s5+$0x0] =	vst v5  }
0x193: {  	s9 =	rddreg [dreg:$0x7];
	v9 =	vld.idx.msk [tilespmem:v61+s3+$0x0], $0xffff;
	[tilespmem:s23+$0x0] =	vst v12  }
0x194: {  	v5 =	vadd.s32 $0x3000, v0;
	v12 =	vld.idx.msk [tilespmem:v48+s3+$0x0], $0xffff;
	[tilespmem:s9+$0x0] =	vst v6  }
0x195: {  	v10 =	vld.idx.msk [tilespmem:v10+s3+$0x0], $0xffff;
	s23 =	sor.u32 s17, s6;
	s6 =	sadd.s32 $0x6780, s16;
	[tilespmem:s13+$0x0] =	vst v11  }
0x196: {  	[tilespmem:s11+$0x200] =	vst v8;
	s5 =	sor.u32 s15, s6;
	v8 =	vld.idx.msk [tilespmem:v38+s3+$0x0], $0xffff  }
0x197: {  	v23 =	vmov v4;
	v4 =	vadd.s32 $0x1380, v1;
	v38 =	vmov v3;
	v3 =	vld.idx.msk [tilespmem:v13+s3+$0x0], $0xffff;
	[tilespmem:s5+$0x0] =	vst v7  }
0x198: {  	v6 =	vld.idx.msk [tilespmem:v32+s3+$0x0], $0xffff;
	[tilespmem:s1+$0x200] =	vst v9;
	v9 =	vor.u32 $0x300, v2  }
0x199: {  	s13 =	sadd.s32 $0x5700, s19;
	v5 =	vld.idx.msk [tilespmem:v5+s3+$0x0], $0xffff  }
0x19a: {  	s4 =	sor.u32 $0x380, s4;
	s5 =	sor.u32 s18, s13  }
0x19b: {  	s25 =	smov.u32 s8;
	s8 =	smov.u32 s4;
	[tilespmem:s5+$0x0] =	vst v10  }
0x19c: {  	s4 =	smov.u32 s29;
	s29 =	smov.u32 s26;
	s26 =	sadd.s32 $0x7400, s16;
	v4 =	vld.idx.msk [tilespmem:v4+s3+$0x0], $0xffff;
	[tilespmem:s11+$0x280] =	vst v3  }
0x19d: {  	s5 =	sor.u32 s15, s26;
	v9 =	vld.idx.msk [tilespmem:v9+s3+$0x0], $0xffff  }
0x19e: {  	[tilespmem:s5+$0x0] =	vst v5;
	v5 =	vld [tilespmem:$0x1FEC0]  }
0x19f: {  	v7 =	vld.idx.msk [tilespmem:v56+s3+$0x0], $0xffff;
	v10 =	vadd.s32 $0x3080, v0;
	[tilespmem:s23+$0x0] =	vst v12  }
0x1a0: {  	v11 =	vld.idx.msk [tilespmem:v49+s3+$0x0], $0xffff;
	[tilespmem:s7+$0x0] =	vst v6  }
0x1a1: {  	[tilespmem:s12+$0x0] =	vst v8  }
0x1a2: {  	v12 =	vld.idx.msk [tilespmem:v30+s3+$0x0], $0xffff  }
0x1a3: {  	s11 =	sadd.s32 $0x5780, s19;
	v13 =	vld.idx.msk [tilespmem:v46+s3+$0x0], $0xffff  }
0x1a4: {  	[tilespmem:s1+$0x280] =	vst v7;
	v56 =	vld.idx.msk [tilespmem:v10+s3+$0x0], $0xffff;
	s1 =	sor.u32 s18, s11  }
0x1a5: {  	[tilespmem:s1+$0x0] =	vst v4;
	v4 =	vld [tilespmem:$0x1FEF0]  }
0x1a6: {  	v7 =	vld.idx.msk [tilespmem:v5+s3+$0x0], $0xffff  }
0x1a7: {  	v5 =	vld [tilespmem:$0x1FEE0];
	_ =	sdelay $0x2  }
0x1a8: {  	v6 =	vld [tilespmem:$0x1FEB0]  }
0x1a9: {  	v3 =	vadd.s32 $0x2000, v1;
	v10 =	vmov v4;
	v4 =	vld [tilespmem:$0x1FF50];
	_ =	sdelay $0x1  }
0x1aa: {  	v24 =	vmov v39;
	v39 =	vld [tilespmem:$0x1FE90];
	s23 =	sor.u32 s17, s13  }
0x1ab: {  	v20 =	vmov v37;
	v37 =	vld [tilespmem:$0x1FEA0];
	[tilespmem:s23+$0x0] =	vst v11  }
0x1ac: {  	[tilespmem:$0x1FFD0] =	vst v22;
	v22 =	vmov v28;
	v28 =	vmov v34;
	v34 =	vmov v6;
	v6 =	vld.idx.msk [tilespmem:v5+s3+$0x0], $0xffff  }
0x1ad: {  	v5 =	vld.idx.msk [tilespmem:v3+s3+$0x0], $0xffff  }
0x1ae: {  	s9 =	sor.u32 s14, s6;
	[tilespmem:s10+$0x0] =	vst v12;
	v3 =	vld [tilespmem:$0x1FF20]  }
0x1af: {  	v14 =	vmov v27;
	v27 =	vld [tilespmem:$0x1FF40];
	[tilespmem:s9+$0x0] =	vst v13  }
0x1b0: {  	s0 =	sadd.s32 $0x2, s0;
	s2 =	sadd.s32 $0x2, s2;
	[tilespmem:$0x1FFC0] =	vst v18;
	v18 =	vmov v33;
	v33 =	vmov v55;
	v55 =	vld.idx.msk [tilespmem:v4+s3+$0x0], $0xffff  }
0x1b1: {  	p0 =	slt.u32 s0, $0x1E;
	s7 =	sand.u32 $0x7, s2;
	v4 =	vld [tilespmem:$0x1FF60]  }
.Ltmp0:
0x1b2: {  	s12 =	sshll.u32 s7, $0x4;
	v46 =	vmov v29;
	v29 =	vld [tilespmem:$0x1FF30];
	(pc) =	sbr.rel @p0 .LBB2_3-.Ltmp0, $4  }
0x1b3: {  	v21 =	vmov v63;
	v19 =	vmov v59;
	s7 =	sadd.s32 s28, s12;
	v11 =	vld [tilespmem:$0x1FED0]  }
0x1b4: {  	v16 =	vmovc v31;
	v17 =	vmovc v26;
	v41 =	vmov v45;
	v61 =	vmov v35;
	v35 =	vmov v36;
	s6 =	sor.u32 s14, s26;
	s23 =	sadd.s32 $0x10, s7;
	v12 =	vld [tilespmem:$0x1FF00]  }
0x1b5: {  	[tilespmem:$0x1FFA0] =	vst v54;
	v36 =	vmovc v44;
	v44 =	vmovc v47;
	v48 =	vmov v62;
	v32 =	vmov v60;
	s26 =	sadd.s32 $0x7480, s16;
	s13 =	rddreg [dreg:$0x5];
	v49 =	vmov v58;
	s1 =	sor.u32 $0x300, s23;
	v13 =	vld [tilespmem:$0x1FF10]  }
0x1b6: {  	v58 =	vadd.s32 $0x3100, v0;
	v8 =	vor.u32 $0x380, v2;
	s5 =	sor.u32 s17, s11;
	v30 =	vmovc v57;
	s7 =	sor.u32 s15, s26;
	[tilespmem:s1+$0x4400] =	vst v9;
	s1 =	sor.u32 s14, s26;
	v31 =	vmovc v4;
	v54 =	vld.idx.msk [tilespmem:v3+s3+$0x0], $0xffff;
	v3 =	vadd.s32 $0x2080, v1  }
0x1b7: {  	_ =	sdelay $0x3  }
0x1b8: {  	v4 =	vld.idx.msk [tilespmem:v8+s3+$0x0], $0xffff;
	[tilespmem:s4+$0x4400] =	vst v7  }
0x1b9: {  	v62 =	vadd.s32 $0x1000, v2;
	v63 =	vld.idx.msk [tilespmem:v53+s3+$0x0], $0xffff;
	_ =	sdelay $0x1  }
0x1ba: {  	s0 =	sor.u32 s30, s28  }
0x1bb: {  	s0 =	sor.u32 $0x380, s0  }
0x1bc: {  	[tilespmem:s0+$0x4400] =	vst v4  }
0x1bd: {  	v4 =	vld.idx.msk [tilespmem:v62+s3+$0x0], $0xffff;
	[tilespmem:s8+$0x4400] =	vst v63  }
0x1be: {  	v26 =	vadd.s32 $0x1080, v2;
	v8 =	vld.idx.msk [tilespmem:v51+s3+$0x0], $0xffff;
	_ =	sdelay $0x1  }
0x1bf: {  	s26 =	sadd.s32 $0x5400, s22  }
0x1c0: {  	s2 =	sor.u32 s20, s26  }
0x1c1: {  	s0 =	sor.u32 s21, s26;
	[tilespmem:s2+$0x0] =	vst v4  }
0x1c2: {  	v4 =	vld.idx.msk [tilespmem:v26+s3+$0x0], $0xffff;
	[tilespmem:s0+$0x0] =	vst v8  }
0x1c3: {  	v8 =	vld.idx.msk [tilespmem:v46+s3+$0x0], $0xffff;
	_ =	sdelay $0x1  }
0x1c4: {  	s28 =	sadd.s32 $0x5480, s22  }
0x1c5: {  	s30 =	sor.u32 s20, s28  }
0x1c6: {  	s0 =	sor.u32 s21, s28;
	[tilespmem:s30+$0x0] =	vst v4  }
0x1c7: {  	[tilespmem:s0+$0x0] =	vst v8  }
0x1c8: {  	v8 =	vld [tilespmem:$0x1FFA0];
	_ =	sdelay $0x1  }
0x1c9: {  	v45 =	vadd.s32 $0x1100, v2;
	_ =	sdelay $0x4  }
0x1ca: {  	v4 =	vld.idx.msk [tilespmem:v45+s3+$0x0], $0xffff  }
0x1cb: {  	v8 =	vld.idx.msk [tilespmem:v8+s3+$0x0], $0xffff;
	_ =	sdelay $0x1  }
0x1cc: {  	s31 =	sadd.s32 $0x5500, s22  }
0x1cd: {  	s4 =	sor.u32 s20, s31  }
0x1ce: {  	s0 =	sor.u32 s21, s31;
	[tilespmem:s4+$0x0] =	vst v4  }
0x1cf: {  	[tilespmem:s0+$0x0] =	vst v8  }
0x1d0: {  	v8 =	vld [tilespmem:$0x1FFB0];
	_ =	sdelay $0x1  }
0x1d1: {  	v46 =	vadd.s32 $0x1180, v2;
	_ =	sdelay $0x4  }
0x1d2: {  	v4 =	vld.idx.msk [tilespmem:v46+s3+$0x0], $0xffff  }
0x1d3: {  	v8 =	vld.idx.msk [tilespmem:v8+s3+$0x0], $0xffff;
	_ =	sdelay $0x1  }
0x1d4: {  	s8 =	sadd.s32 $0x5580, s22  }
0x1d5: {  	s9 =	sor.u32 s20, s8  }
0x1d6: {  	s0 =	sor.u32 s21, s8;
	[tilespmem:s9+$0x0] =	vst v4  }
0x1d7: {  	[tilespmem:s0+$0x0] =	vst v8  }
0x1d8: {  	v8 =	vld [tilespmem:$0x1FFC0]  }
0x1d9: {  	v47 =	vadd.s32 $0x1200, v2;
	_ =	sdelay $0x4  }
0x1da: {  	v4 =	vld.idx.msk [tilespmem:v47+s3+$0x0], $0xffff  }
0x1db: {  	v51 =	vadd.s32 $0x1280, v2  }
0x1dc: {  	v8 =	vld.idx.msk [tilespmem:v8+s3+$0x0], $0xffff  }
0x1dd: {  	s10 =	sadd.s32 $0x5600, s22  }
0x1de: {  	s11 =	sor.u32 s20, s10  }
0x1df: {  	[tilespmem:s11+$0x0] =	vst v4  }
0x1e0: {  	s0 =	sor.u32 s21, s10;
	v4 =	vld.idx.msk [tilespmem:v51+s3+$0x0], $0xffff  }
0x1e1: {  	v53 =	vadd.s32 $0x1300, v2;
	[tilespmem:s0+$0x0] =	vst v8  }
0x1e2: {  	v8 =	vld.idx.msk [tilespmem:v48+s3+$0x0], $0xffff  }
0x1e3: {  	s12 =	sadd.s32 $0x5680, s22  }
0x1e4: {  	s23 =	sor.u32 s20, s12  }
0x1e5: {  	[tilespmem:s23+$0x0] =	vst v4  }
0x1e6: {  	v4 =	vld.idx.msk [tilespmem:v53+s3+$0x0], $0xffff;
	s0 =	sor.u32 s21, s12  }
0x1e7: {  	v57 =	vadd.s32 $0x1380, v2;
	[tilespmem:s0+$0x0] =	vst v8  }
0x1e8: {  	v8 =	vld.idx.msk [tilespmem:v49+s3+$0x0], $0xffff  }
0x1e9: {  	s26 =	sadd.s32 $0x5700, s22  }
0x1ea: {  	s28 =	sor.u32 s20, s26  }
0x1eb: {  	[tilespmem:s28+$0x0] =	vst v4  }
0x1ec: {  	v4 =	vld.idx.msk [tilespmem:v57+s3+$0x0], $0xffff;
	s0 =	sor.u32 s21, s26  }
0x1ed: {  	v59 =	vadd.s32 $0x2000, v2;
	[tilespmem:s0+$0x0] =	vst v8  }
0x1ee: {  	v8 =	vld.idx.msk [tilespmem:v10+s3+$0x0], $0xffff  }
0x1ef: {  	s30 =	sadd.s32 $0x5780, s22  }
0x1f0: {  	s31 =	sor.u32 s20, s30;
	[tilespmem:s5+$0x0] =	vst v6  }
0x1f1: {  	v6 =	vld.idx.msk [tilespmem:v39+s3+$0x0], $0xffff;
	[tilespmem:s31+$0x0] =	vst v4  }
0x1f2: {  	v4 =	vld.idx.msk [tilespmem:v59+s3+$0x0], $0xffff;
	s0 =	sor.u32 s21, s30  }
0x1f3: {  	v60 =	vadd.s32 $0x2080, v2;
	s4 =	sadd.s32 $0x6400, s19;
	[tilespmem:s0+$0x0] =	vst v8  }
0x1f4: {  	s5 =	sor.u32 s18, s4;
	v8 =	vld.idx.msk [tilespmem:v52+s3+$0x0], $0xffff  }
0x1f5: {  	s2 =	sor.u32 s17, s4;
	s8 =	sadd.s32 $0x6400, s22;
	[tilespmem:s5+$0x0] =	vst v5  }
0x1f6: {  	s9 =	sor.u32 s20, s8;
	v3 =	vld.idx.msk [tilespmem:v3+s3+$0x0], $0xffff;
	[tilespmem:s2+$0x0] =	vst v6  }
0x1f7: {  	v62 =	vadd.s32 $0x2100, v1;
	v6 =	vld.idx.msk [tilespmem:v37+s3+$0x0], $0xffff;
	[tilespmem:s9+$0x0] =	vst v4  }
0x1f8: {  	v4 =	vld.idx.msk [tilespmem:v60+s3+$0x0], $0xffff;
	s0 =	sor.u32 s21, s8  }
0x1f9: {  	v63 =	vadd.s32 $0x2100, v2;
	s10 =	sadd.s32 $0x6480, s19;
	[tilespmem:s0+$0x0] =	vst v8  }
0x1fa: {  	s11 =	sor.u32 s18, s10;
	v8 =	vld.idx.msk [tilespmem:v50+s3+$0x0], $0xffff  }
0x1fb: {  	s2 =	sor.u32 s17, s10;
	[tilespmem:s11+$0x0] =	vst v3;
	s12 =	sadd.s32 $0x6480, s22  }
0x1fc: {  	v3 =	vld.idx.msk [tilespmem:v62+s3+$0x0], $0xffff;
	[tilespmem:s2+$0x0] =	vst v6;
	s23 =	sor.u32 s20, s12  }
0x1fd: {  	v6 =	vld.idx.msk [tilespmem:v33+s3+$0x0], $0xffff;
	[tilespmem:s23+$0x0] =	vst v4  }
0x1fe: {  	v4 =	vld.idx.msk [tilespmem:v63+s3+$0x0], $0xffff;
	s0 =	sor.u32 s21, s12  }
0x1ff: {  	s26 =	sadd.s32 $0x6500, s19;
	[tilespmem:s0+$0x0] =	vst v8  }
0x200: {  	s28 =	sor.u32 s18, s26;
	v8 =	vld.idx.msk [tilespmem:v44+s3+$0x0], $0xffff  }
0x201: {  	s2 =	sor.u32 s17, s26;
	[tilespmem:s28+$0x0] =	vst v3;
	s30 =	sadd.s32 $0x6500, s22  }
0x202: {  	[tilespmem:s2+$0x0] =	vst v6;
	s31 =	sor.u32 s20, s30  }
0x203: {  	[tilespmem:s31+$0x0] =	vst v4  }
0x204: {  	s0 =	sor.u32 s21, s30;
	v6 =	vld [tilespmem:$0x1FF80]  }
0x205: {  	v26 =	vadd.s32 $0x2180, v1;
	[tilespmem:s0+$0x0] =	vst v8  }
0x206: {  	v37 =	vadd.s32 $0x2180, v2;
	v8 =	vld [tilespmem:$0x1FFD0];
	_ =	sdelay $0x3  }
0x207: {  	v3 =	vld.idx.msk [tilespmem:v26+s3+$0x0], $0xffff  }
0x208: {  	v4 =	vld.idx.msk [tilespmem:v37+s3+$0x0], $0xffff  }
0x209: {  	v6 =	vld.idx.msk [tilespmem:v6+s3+$0x0], $0xffff  }
0x20a: {  	s5 =	sadd.s32 $0x6580, s19  }
0x20b: {  	s9 =	sadd.s32 $0x6580, s22;
	s8 =	sor.u32 s18, s5;
	v8 =	vld.idx.msk [tilespmem:v8+s3+$0x0], $0xffff  }
0x20c: {  	s10 =	sor.u32 s20, s9;
	[tilespmem:s8+$0x0] =	vst v3  }
0x20d: {  	s2 =	sor.u32 s17, s5;
	[tilespmem:s10+$0x0] =	vst v4  }
0x20e: {  	[tilespmem:s2+$0x0] =	vst v6  }
0x20f: {  	s0 =	sor.u32 s21, s9;
	v6 =	vld [tilespmem:$0x1FF90]  }
0x210: {  	v39 =	vadd.s32 $0x2200, v1;
	[tilespmem:s0+$0x0] =	vst v8  }
0x211: {  	v44 =	vadd.s32 $0x2200, v2;
	v8 =	vld [tilespmem:$0x1FFE0];
	_ =	sdelay $0x3  }
0x212: {  	v3 =	vld.idx.msk [tilespmem:v39+s3+$0x0], $0xffff  }
0x213: {  	v45 =	vadd.s32 $0x2280, v1;
	v4 =	vld.idx.msk [tilespmem:v44+s3+$0x0], $0xffff  }
0x214: {  	v46 =	vadd.s32 $0x2280, v2;
	v6 =	vld.idx.msk [tilespmem:v6+s3+$0x0], $0xffff  }
0x215: {  	s11 =	sadd.s32 $0x6600, s19  }
0x216: {  	s23 =	sadd.s32 $0x6600, s22;
	s12 =	sor.u32 s18, s11;
	v8 =	vld.idx.msk [tilespmem:v8+s3+$0x0], $0xffff  }
0x217: {  	s26 =	sor.u32 s20, s23;
	[tilespmem:s12+$0x0] =	vst v3  }
0x218: {  	s2 =	sor.u32 s17, s11;
	[tilespmem:s26+$0x0] =	vst v4;
	v3 =	vld.idx.msk [tilespmem:v45+s3+$0x0], $0xffff  }
0x219: {  	v47 =	vadd.s32 $0x2300, v1;
	v4 =	vld.idx.msk [tilespmem:v46+s3+$0x0], $0xffff;
	[tilespmem:s2+$0x0] =	vst v6  }
0x21a: {  	v48 =	vadd.s32 $0x2300, v2;
	s0 =	sor.u32 s21, s23;
	v6 =	vld.idx.msk [tilespmem:v41+s3+$0x0], $0xffff  }
0x21b: {  	s28 =	sadd.s32 $0x6680, s19;
	[tilespmem:s0+$0x0] =	vst v8  }
0x21c: {  	s31 =	sadd.s32 $0x6680, s22;
	s30 =	sor.u32 s18, s28;
	v8 =	vld.idx.msk [tilespmem:v43+s3+$0x0], $0xffff  }
0x21d: {  	s5 =	sor.u32 s20, s31;
	[tilespmem:s30+$0x0] =	vst v3  }
0x21e: {  	[tilespmem:s5+$0x0] =	vst v4;
	v3 =	vld.idx.msk [tilespmem:v47+s3+$0x0], $0xffff;
	s2 =	sor.u32 s17, s28  }
0x21f: {  	v49 =	vadd.s32 $0x2380, v1;
	v50 =	vld.idx.msk [tilespmem:v48+s3+$0x0], $0xffff;
	[tilespmem:s2+$0x0] =	vst v6  }
0x220: {  	v51 =	vadd.s32 $0x2380, v2;
	s0 =	sor.u32 s21, s31;
	v6 =	vld.idx.msk [tilespmem:v36+s3+$0x0], $0xffff  }
0x221: {  	s8 =	sadd.s32 $0x6700, s19;
	[tilespmem:s0+$0x0] =	vst v8  }
0x222: {  	s10 =	sadd.s32 $0x6700, s22;
	s9 =	sor.u32 s18, s8;
	[tilespmem:s7+$0x0] =	vst v56;
	v8 =	vld.idx.msk [tilespmem:v38+s3+$0x0], $0xffff  }
0x223: {  	s11 =	sor.u32 s20, s10;
	[tilespmem:s9+$0x0] =	vst v3  }
0x224: {  	[tilespmem:s11+$0x0] =	vst v50;
	v3 =	vld.idx.msk [tilespmem:v49+s3+$0x0], $0xffff;
	s2 =	sor.u32 s17, s8  }
0x225: {  	v52 =	vadd.s32 $0x3000, v1;
	v5 =	vld.idx.msk [tilespmem:v51+s3+$0x0], $0xffff;
	[tilespmem:s2+$0x0] =	vst v6  }
0x226: {  	v53 =	vadd.s32 $0x3000, v2;
	[tilespmem:s25+$0x0] =	vst v54;
	s0 =	sor.u32 s21, s10;
	v6 =	vld.idx.msk [tilespmem:v34+s3+$0x0], $0xffff  }
0x227: {  	s12 =	sadd.s32 $0x6780, s19;
	[tilespmem:s0+$0x0] =	vst v8  }
0x228: {  	s25 =	sadd.s32 $0x6780, s22;
	[tilespmem:s6+$0x0] =	vst v55;
	s23 =	sor.u32 s18, s12;
	v8 =	vld.idx.msk [tilespmem:v32+s3+$0x0], $0xffff  }
0x229: {  	v9 =	vld.idx.msk [tilespmem:v58+s3+$0x0], $0xffff;
	s26 =	sor.u32 s20, s25;
	[tilespmem:s23+$0x0] =	vst v3  }
0x22a: {  	v54 =	vadd.s32 $0x3180, v0;
	[tilespmem:s26+$0x0] =	vst v5;
	v4 =	vld.idx.msk [tilespmem:v52+s3+$0x0], $0xffff;
	s0 =	sor.u32 s17, s12  }
0x22b: {  	v56 =	vadd.s32 $0x3080, v1;
	v5 =	vld.idx.msk [tilespmem:v53+s3+$0x0], $0xffff;
	[tilespmem:s0+$0x0] =	vst v6  }
0x22c: {  	s4 =	sadd.s32 $0x7500, s16;
	v57 =	vadd.s32 $0x3080, v2;
	[tilespmem:s13+$0x0] =	vst v42;
	s28 =	sor.u32 s21, s25;
	v6 =	vld.idx.msk [tilespmem:v31+s3+$0x0], $0xffff  }
0x22d: {  	v58 =	vld.idx.msk [tilespmem:v27+s3+$0x0], $0xffff;
	s30 =	sor.u32 s15, s4;
	s31 =	sadd.s32 $0x7400, s19;
	[tilespmem:s28+$0x0] =	vst v8  }
0x22e: {  	s6 =	sadd.s32 $0x7400, s22;
	[tilespmem:s30+$0x0] =	vst v9;
	s5 =	sor.u32 s18, s31;
	v8 =	vld.idx.msk [tilespmem:v30+s3+$0x0], $0xffff  }
0x22f: {  	s7 =	sor.u32 s20, s6;
	v3 =	vld.idx.msk [tilespmem:v54+s3+$0x0], $0xffff;
	[tilespmem:s5+$0x0] =	vst v4  }
0x230: {  	[tilespmem:s7+$0x0] =	vst v5;
	v4 =	vld.idx.msk [tilespmem:v56+s3+$0x0], $0xffff;
	s0 =	sor.u32 s17, s31  }
0x231: {  	v5 =	vld.idx.msk [tilespmem:v57+s3+$0x0], $0xffff;
	[tilespmem:s0+$0x0] =	vst v6  }
0x232: {  	[tilespmem:s1+$0x0] =	vst v58;
	s8 =	sor.u32 s21, s6;
	s5 =	sadd.s32 $0x7580, s16;
	v6 =	vld.idx.msk [tilespmem:v29+s3+$0x0], $0xffff  }
0x233: {  	v63 =	vld.idx.msk [tilespmem:v11+s3+$0x0], $0xffff;
	s10 =	sadd.s32 $0x7480, s19;
	s9 =	sor.u32 s15, s5;
	[tilespmem:s8+$0x0] =	vst v8  }
0x234: {  	s11 =	sor.u32 s18, s10;
	s12 =	sadd.s32 $0x7480, s22;
	[tilespmem:s9+$0x0] =	vst v3;
	v62 =	vld.idx.msk [tilespmem:v40+s3+$0x0], $0xffff  }
0x235: {  	s13 =	sor.u32 s20, s12;
	[tilespmem:s11+$0x0] =	vst v4  }
0x236: {  	[tilespmem:s13+$0x0] =	vst v5;
	s0 =	sor.u32 s17, s10  }
0x237: {  	v5 =	vld [tilespmem:$0x1FF70];
	[tilespmem:s0+$0x0] =	vst v6  }
0x238: {  	s23 =	sor.u32 s21, s12;
	[tilespmem:s29+$0x0] =	vst v63  }
0x239: {  	v59 =	vadd.s32 $0x3100, v1;
	[tilespmem:s23+$0x0] =	vst v62  }
0x23a: {  	v60 =	vadd.s32 $0x3100, v2;
	v8 =	vld [tilespmem:$0x1FFF0];
	_ =	sdelay $0x3  }
0x23b: {  	v26 =	vadd.s32 $0x3200, v0;
	v27 =	vld.idx.msk [tilespmem:v59+s3+$0x0], $0xffff  }
0x23c: {  	v30 =	vld.idx.msk [tilespmem:v60+s3+$0x0], $0xffff;
	v29 =	vadd.s32 $0x3180, v1  }
0x23d: {  	v32 =	vadd.s32 $0x3180, v2;
	v5 =	vld.idx.msk [tilespmem:v5+s3+$0x0], $0xffff  }
0x23e: {  	s25 =	sadd.s32 $0x7500, s19;
	v31 =	vld.idx.msk [tilespmem:v35+s3+$0x0], $0xffff  }
0x23f: {  	s26 =	sor.u32 s18, s25;
	s29 =	sadd.s32 $0x7500, s22;
	v8 =	vld.idx.msk [tilespmem:v8+s3+$0x0], $0xffff  }
0x240: {  	v4 =	vld.idx.msk [tilespmem:v26+s3+$0x0], $0xffff;
	s30 =	sor.u32 s20, s29;
	[tilespmem:s26+$0x0] =	vst v27  }
0x241: {  	v33 =	vadd.s32 $0x3280, v0;
	s28 =	sor.u32 s14, s4;
	[tilespmem:s30+$0x0] =	vst v30;
	v34 =	vld.idx.msk [tilespmem:v29+s3+$0x0], $0xffff  }
0x242: {  	v36 =	vadd.s32 $0x3200, v1;
	s0 =	sor.u32 s17, s25;
	v37 =	vld.idx.msk [tilespmem:v32+s3+$0x0], $0xffff;
	[tilespmem:s28+$0x0] =	vst v5  }
0x243: {  	v39 =	vadd.s32 $0x3200, v2;
	s31 =	sadd.s32 $0x7600, s16;
	s1 =	sor.u32 s21, s29;
	[tilespmem:s0+$0x0] =	vst v31;
	v35 =	vld.idx.msk [tilespmem:v61+s3+$0x0], $0xffff  }
0x244: {  	s6 =	sadd.s32 $0x7580, s19;
	s4 =	sor.u32 s15, s31;
	v38 =	vld.idx.msk [tilespmem:v24+s3+$0x0], $0xffff;
	[tilespmem:s1+$0x0] =	vst v8  }
0x245: {  	s7 =	sor.u32 s18, s6;
	s9 =	sadd.s32 $0x7580, s22;
	[tilespmem:s4+$0x0] =	vst v4;
	v40 =	vld.idx.msk [tilespmem:v23+s3+$0x0], $0xffff  }
0x246: {  	s10 =	sor.u32 s20, s9;
	v41 =	vld.idx.msk [tilespmem:v33+s3+$0x0], $0xffff;
	[tilespmem:s7+$0x0] =	vst v34  }
0x247: {  	v42 =	vadd.s32 $0x3300, v0;
	s8 =	sor.u32 s14, s5;
	[tilespmem:s10+$0x0] =	vst v37;
	v43 =	vld.idx.msk [tilespmem:v36+s3+$0x0], $0xffff  }
0x248: {  	v44 =	vadd.s32 $0x3280, v1;
	s0 =	sor.u32 s17, s6;
	v3 =	vld.idx.msk [tilespmem:v39+s3+$0x0], $0xffff;
	[tilespmem:s8+$0x0] =	vst v35  }
0x249: {  	v46 =	vadd.s32 $0x3280, v2;
	s12 =	sor.u32 s21, s9;
	s11 =	sadd.s32 $0x7680, s16;
	[tilespmem:s0+$0x0] =	vst v38;
	v10 =	vld.idx.msk [tilespmem:v28+s3+$0x0], $0xffff  }
0x24a: {  	s13 =	sor.u32 s15, s11;
	s23 =	sadd.s32 $0x7600, s19;
	v45 =	vld.idx.msk [tilespmem:v20+s3+$0x0], $0xffff;
	[tilespmem:s12+$0x0] =	vst v40  }
0x24b: {  	s25 =	sor.u32 s18, s23;
	s26 =	sadd.s32 $0x7600, s22;
	[tilespmem:s13+$0x0] =	vst v41;
	v47 =	vld.idx.msk [tilespmem:v21+s3+$0x0], $0xffff  }
0x24c: {  	v5 =	vld.idx.msk [tilespmem:v42+s3+$0x0], $0xffff;
	s28 =	sor.u32 s20, s26;
	[tilespmem:s25+$0x0] =	vst v43  }
0x24d: {  	s2 =	sor.u32 s14, s31;
	[tilespmem:s28+$0x0] =	vst v3;
	v49 =	vld.idx.msk [tilespmem:v44+s3+$0x0], $0xffff  }
0x24e: {  	v51 =	vadd.s32 $0x3300, v1;
	s0 =	sor.u32 s17, s23;
	v3 =	vld.idx.msk [tilespmem:v46+s3+$0x0], $0xffff;
	[tilespmem:s2+$0x0] =	vst v10  }
0x24f: {  	v52 =	vadd.s32 $0x3300, v2;
	s29 =	sadd.s32 $0x7700, s16;
	s30 =	sor.u32 s21, s26;
	[tilespmem:s0+$0x0] =	vst v45;
	v50 =	vld.idx.msk [tilespmem:v14+s3+$0x0], $0xffff  }
0x250: {  	s5 =	sadd.s32 $0x7680, s19;
	s31 =	sor.u32 s15, s29;
	v4 =	vld.idx.msk [tilespmem:v18+s3+$0x0], $0xffff;
	[tilespmem:s30+$0x0] =	vst v47  }
0x251: {  	s6 =	sor.u32 s18, s5;
	s7 =	sadd.s32 $0x7680, s22;
	[tilespmem:s31+$0x0] =	vst v5;
	v53 =	vld.idx.msk [tilespmem:v19+s3+$0x0], $0xffff  }
0x252: {  	v61 =	vld.idx.msk [tilespmem:v17+s3+$0x0], $0xffff;
	s8 =	sor.u32 s20, s7;
	[tilespmem:s6+$0x0] =	vst v49  }
0x253: {  	v48 =	vadd.s32 $0x3380, v0;
	s4 =	sor.u32 s14, s11;
	[tilespmem:s8+$0x0] =	vst v3;
	v54 =	vld.idx.msk [tilespmem:v51+s3+$0x0], $0xffff  }
0x254: {  	v56 =	vadd.s32 $0x3380, v1;
	s0 =	sor.u32 s17, s5;
	v57 =	vld.idx.msk [tilespmem:v52+s3+$0x0], $0xffff;
	[tilespmem:s4+$0x0] =	vst v50  }
0x255: {  	v59 =	vadd.s32 $0x3380, v2;
	s1 =	sor.u32 s21, s7;
	[tilespmem:s0+$0x0] =	vst v4;
	v55 =	vld.idx.msk [tilespmem:v12+s3+$0x0], $0xffff  }
0x256: {  	s11 =	sadd.s32 $0x7700, s19;
	v58 =	vld.idx.msk [tilespmem:v13+s3+$0x0], $0xffff;
	[tilespmem:s1+$0x0] =	vst v53  }
0x257: {  	s9 =	sadd.s32 $0x7780, s16;
	s13 =	sadd.s32 $0x7700, s22;
	[tilespmem:s24+$0x0] =	vst v61;
	s12 =	sor.u32 s18, s11;
	v60 =	vld.idx.msk [tilespmem:v25+s3+$0x0], $0xffff  }
0x258: {  	s10 =	sor.u32 s15, s9;
	s15 =	sor.u32 s20, s13;
	v0 =	vld.idx.msk [tilespmem:v48+s3+$0x0], $0xffff;
	[tilespmem:s12+$0x0] =	vst v54  }
0x259: {  	s2 =	sor.u32 s14, s29;
	[tilespmem:s15+$0x0] =	vst v57;
	v1 =	vld.idx.msk [tilespmem:v56+s3+$0x0], $0xffff  }
0x25a: {  	v2 =	vld.idx.msk [tilespmem:v59+s3+$0x0], $0xffff;
	[tilespmem:s2+$0x0] =	vst v55;
	s1 =	sor.u32 s17, s11  }
0x25b: {  	s16 =	sor.u32 s21, s13;
	v3 =	vld.idx.msk [tilespmem:v22+s3+$0x0], $0xffff;
	[tilespmem:s1+$0x0] =	vst v58  }
0x25c: {  	s23 =	sadd.s32 $0x7780, s19;
	v62 =	vld.idx.msk [tilespmem:v16+s3+$0x0], $0xffff;
	[tilespmem:s16+$0x0] =	vst v60  }
0x25d: {  	s25 =	sadd.s32 $0x7780, s22;
	s24 =	sor.u32 s18, s23;
	[tilespmem:s10+$0x0] =	vst v0;
	v63 =	vld.idx.msk [tilespmem:v15+s3+$0x0], $0xffff  }
0x25e: {  	s26 =	sor.u32 s20, s25;
	[tilespmem:s24+$0x0] =	vst v1  }
0x25f: {  	s0 =	sor.u32 s14, s9;
	[tilespmem:s26+$0x0] =	vst v2  }
0x260: {  	s1 =	sor.u32 s17, s23;
	[tilespmem:s0+$0x0] =	vst v3  }
0x261: {  	s28 =	sor.u32 s21, s25;
	[tilespmem:s1+$0x0] =	vst v62  }
0x262: {  	[tilespmem:s28+$0x0] =	vst v63  }
0x263: {  	s0 =	rddreg [dreg:$0x9]  }
0x264: {  	s31 =	simm.s32 $0x4400;
	s1 =	rddreg [dreg:$0xc]  }
0x265: {  	s29 =	simm.s32 $0x1000;
	s30 =	simm.s32 $0x100000;
	s0 =	sadd.s32 s1, s0  }
0x266: {  	[hbm4b:s0+s29] =	stream.strided.scatter [tilespmem:s31], [sflag:$0x1], $0x4000, s30, s29, $0x38;
	[tilespmem:$0x8400] =	vst v63  }
.Ltmp1:
0x267: {  	_ = 	snop;
	(pc) =	sbr.rel @p1 .LBB2_2-.Ltmp1, $4  }
0x268: {  	s0 =	simm.s32 $0x1  }
0x269: {  	_ =	swait.ge [sflag:s0], $0x4000  }
0x26a: {  	[sflag:s0] =	ssyncset.done $0x0  }
0x26b: {  	p0 =	por $0x0, $0x0;
	[sflag:s0] =	ssyncadd.s32 $0xFFFFC000  }
0x26c: {  	s1 =	rddreg [dreg:$0xb]  }
0x26d: {  	s0 =	rddreg [dreg:$0xa];
	s1 =	sadd.s32 $0x1, s1  }
0x26e: {  	p0 =	sne.s32 s1, s0  }
.Ltmp2:
0x26f: {  	_ = 	snop;
	(pc) =	sbr.rel @p0 .LBB2_1-.Ltmp2, $1  }
0x270: {  	_ =	sdelay $0x3  }
0x271: {  	_ =	sfence.sel $0x180000  }
0x272: {  	[bflag:$0x0] =	sbarrier.arrive $0xFFFF  }
0x273: {  	_ =	strace $0x9000004A  }
0x274: {  	s0 =	stileid.u32;
	[bflag:$0x2] =	sbarrier.arrive $0xFFFF  }
0x275: {  	p0 =	sne.s32 s0, $0x0;
	s0 =	rddreg [dreg:$0x3]  }
0x276: {  	s0 =	sadd.s32 @!p0 $0x100000, s0  }
0x277: {  	[sflag:s0] =	ssyncadd.tile.s32 @!p0 $0x1;
	_ =	shalt  }
.Lfunc_end2:
_tile_overlayer_lowered:
.L_overlay_start_2:
0x278: {  	(tag) =	ssettag $0x2  }
0x279: {  	s0 =	rddreg [dreg:$0x0];
	s2 =	stileid.u32  }
0x27a: {  	s1 =	rddreg [dreg:$0x1];
	p0 =	sne.s32 s2, $0x0  }
0x27b: {  	s3 =	rddreg [dreg:$0x2];
	[bflag:$0x3] =	sbarrier.arrive $0xFFFF;
	s2 =	simm.s32 @!p0 $0x1C01  }
0x27c: {  	[timem:s3], [sflag:s2] =	dma.local @!p0 [hbm:s0], s1  }
0x27d: {  	s0 =	simm.s32 @!p0 $0x1  }
0x27e: {  	_ =	swait.ge @!p0 [sflag:s0], s1  }
0x27f: {  	s1 =	ssub.s32 @!p0 $0x0, s1;
	[sflag:s0] =	ssyncset.done @!p0 $0x0  }
0x280: {  	[sflag:s0] =	ssyncadd.s32 @!p0 s1  }
0x281: {  	[bflag:$0x3] =	sbarrier.arrive $0xFFFF  }
0x282: {  	_ =	shalt  }

// kernel: kernel.14.cloned.1.call-start
scs
__scs_entry_jumppad:
0x0: {  	(pc) =	sbr.rel $0x88, $3  }
0x1: {  	(tag) =	ssettag $0x0;
	lr =	simm.s32 $0x1  }
0x2: {  	[smem:$0x3F9F] =	sst lr;
	_ =	strace $0xD0000000  }
0x3: {  	_ = 	snop  }
0x4: {  	_ = 	snop  }
0x5: {  	_ = 	snop  }
0x6: {  	_ = 	snop  }
0x7: {  	_ = 	snop  }
__scs_overlays_trampoline_lowered:
0x8: {  	[smem:$0x3FAE] =	sst s0  }
0x9: {  	[smem:$0x3FAF] =	sst s1  }
0xa: {  	[smem:$0x3FB0] =	sst s2  }
0xb: {  	[smem:$0x3FB1] =	sst s3  }
0xc: {  	[smem:$0x3FB2] =	sst s4  }
0xd: {  	[smem:$0x3FB3] =	sst s5  }
0xe: {  	[smem:$0x3FB4] =	sst s6  }
0xf: {  	[smem:$0x3FB5] =	sst s7  }
0x10: {  	[smem:$0x3FB6] =	sst s8  }
0x11: {  	[smem:$0x3FB7] =	sst s9;
	s0 =	simm.s32 @!p0 $0x0  }
0x12: {  	s1 =	sld [smem:$0x3F9D];
	s0 =	simm.s32 @p0 $0x1  }
0x13: {  	[smem:$0x3FB8] =	sst s0;
	s0 =	simm.s32 @!p1 $0x0  }
0x14: {  	s2 =	sld [smem:$0x3F9C];
	s0 =	simm.s32 @p1 $0x1  }
0x15: {  	[smem:$0x3FB9] =	sst s0;
	s0 =	simm.s32 @!p2 $0x0  }
0x16: {  	s3 =	sld [smem:$0x3FDB];
	s0 =	simm.s32 @p2 $0x1  }
0x17: {  	s4 =	simm.s32 $0x1BF5;
	[smem:$0x3FBB] =	sst s0  }
0x18: {  	s0 =	sld [smem:$0x3F9E];
	_ =	swait.ge [sflag:s4], $0x0  }
0x19: {  	s7 =	sld [smem:$0x3F9F]  }
0x1a: {  	s8 =	sadd.s32 $0xFFFFE003, lr  }
0x1b: {  	s9 =	sadd.s32 $0xFFFFFEF7, lr;
	s5 =	simm.s32 $0xFFFFFFFF;
	p2 =	slt.u32 s8, $0xFFFFF086  }
0x1c: {  	p1 =	slt.u32 s9, $0xF7A;
	s5 =	simm.s32 @!p2 $0x0  }
0x1d: {  	s5 =	simm.s32 @p1 $0x1;
	p0 =	seq.s32 s7, s2  }
0x1e: {  	s7 =	smul.u32 @!p0 $0xF7A, s2;
	p2 =	seq.s32 @!p0 s5, $0x0  }
0x1f: {  	s9 =	smul.u32 $0xF7A, s1;
	s8 =	simm.s32 @!p0 $0x1BF5;
	p2 =	por !p2, p0  }
0x20: {  	[sflag:s8] =	ssyncset.s32 @!p0 $0xFFFFF086;
	s6 =	sadd.s32 @!p0 s3, s7;
	s7 =	simm.s32 @!p0 $0x108  }
0x21: {  	s3 =	sadd.s32 s3, s9;
	s6 =	sadd.s32 @!p0 $0x88, s6;
	s7 =	simm.s32 @p2 $0x1082  }
0x22: {  	[simem:s7], [sflag:s8] =	dma.local @!p0 [hbm:s6], $0xF7A  }
0x23: {  	s9 =	sor.u32 $0xD0000000, s2;
	s6 =	simm.s32 $0x108;
	_ =	swait.ge @!p0 [sflag:s8], $0x0  }
0x24: {  	s3 =	sadd.s32 $0x88, s3;
	s6 =	simm.s32 @!p1 $0x1082;
	[sflag:s4] =	ssyncset.s32 $0xFFFFF086  }
0x25: {  	[simem:s6], [sflag:s4] =	dma.local [hbm:s3], $0xF7A  }
0x26: {  	[smem:$0x3F9F] =	sst s1;
	(tag) =	ssettag s2;
	_ =	strace s9  }
0x27: {  	s1 =	sld [smem:$0x3FAF]  }
0x28: {  	s2 =	sld [smem:$0x3FB0]  }
0x29: {  	s4 =	sld [smem:$0x3FB2]  }
0x2a: {  	p0 =	seq.s32 s5, $0x0;
	s5 =	sld [smem:$0x3FB3]  }
0x2b: {  	s6 =	sld [smem:$0x3FB4]  }
0x2c: {  	s7 =	sld [smem:$0x3FB5]  }
0x2d: {  	s3 =	simm.s32 $0x108;
	s8 =	sld [smem:$0x3FB6]  }
0x2e: {  	s3 =	simm.s32 @!p0 $0x1082;
	s9 =	sld [smem:$0x3FB7]  }
0x2f: {  	lr =	sadd.s32 s0, s3;
	s0 =	sld [smem:$0x3FAE]  }
0x30: {  	s3 =	sld [smem:$0x3FB1]  }
0x31: {  	[smem:$0x3FBA] =	sst s10  }
0x32: {  	s10 =	sld [smem:$0x3FB8];
	_ =	sdelay $0x3  }
0x33: {  	p0 =	seq.s32 s10, $0x1;
	s10 =	sld [smem:$0x3FBA];
	_ =	sdelay $0x3  }
0x34: {  	[smem:$0x3FBA] =	sst s10  }
0x35: {  	s10 =	sld [smem:$0x3FB9];
	_ =	sdelay $0x3  }
0x36: {  	p1 =	seq.s32 s10, $0x1;
	s10 =	sld [smem:$0x3FBA];
	_ =	sdelay $0x3  }
0x37: {  	[smem:$0x3FBA] =	sst s10  }
0x38: {  	s10 =	sld [smem:$0x3FBB]  }
0x39: {  	_ = 	snop;
	(pc) =	sbr.ind lr, $3  }
0x3a: {  	_ = 	snop  }
0x3b: {  	_ = 	snop  }
0x3c: {  	p2 =	seq.s32 s10, $0x1;
	s10 =	sld [smem:$0x3FBA]  }
0x3d: {  	_ =	shalt  }
0x3e: {  	_ =	shalt  }
0x3f: {  	_ =	shalt  }
0x40: {  	_ =	shalt  }
0x41: {  	_ =	shalt  }
0x42: {  	_ =	shalt  }
0x43: {  	_ =	shalt  }
0x44: {  	_ =	shalt  }
0x45: {  	_ =	shalt  }
0x46: {  	_ =	shalt  }
0x47: {  	_ =	shalt  }
0x48: {  	_ =	shalt  }
0x49: {  	_ =	shalt  }
0x4a: {  	_ =	shalt  }
0x4b: {  	_ =	shalt  }
0x4c: {  	_ =	shalt  }
0x4d: {  	_ =	shalt  }
0x4e: {  	_ =	shalt  }
0x4f: {  	_ =	shalt  }
0x50: {  	_ =	shalt  }
0x51: {  	_ =	shalt  }
0x52: {  	_ =	shalt  }
0x53: {  	_ =	shalt  }
0x54: {  	_ =	shalt  }
0x55: {  	_ =	shalt  }
0x56: {  	_ =	shalt  }
0x57: {  	_ =	shalt  }
0x58: {  	_ =	shalt  }
0x59: {  	_ =	shalt  }
0x5a: {  	_ =	shalt  }
0x5b: {  	_ =	shalt  }
0x5c: {  	_ =	shalt  }
0x5d: {  	_ =	shalt  }
0x5e: {  	_ =	shalt  }
0x5f: {  	_ =	shalt  }
0x60: {  	_ =	shalt  }
0x61: {  	_ =	shalt  }
0x62: {  	_ =	shalt  }
0x63: {  	_ =	shalt  }
0x64: {  	_ =	shalt  }
0x65: {  	_ =	shalt  }
0x66: {  	_ =	shalt  }
0x67: {  	_ =	shalt  }
0x68: {  	_ =	shalt  }
0x69: {  	_ =	shalt  }
0x6a: {  	_ =	shalt  }
0x6b: {  	_ =	shalt  }
0x6c: {  	_ =	shalt  }
0x6d: {  	_ =	shalt  }
0x6e: {  	_ =	shalt  }
0x6f: {  	_ =	shalt  }
0x70: {  	_ =	shalt  }
0x71: {  	_ =	shalt  }
0x72: {  	_ =	shalt  }
0x73: {  	_ =	shalt  }
0x74: {  	_ =	shalt  }
0x75: {  	_ =	shalt  }
0x76: {  	_ =	shalt  }
0x77: {  	_ =	shalt  }
0x78: {  	_ =	shalt  }
0x79: {  	_ =	shalt  }
0x7a: {  	_ =	shalt  }
0x7b: {  	_ =	shalt  }
0x7c: {  	_ =	shalt  }
0x7d: {  	_ =	shalt  }
0x7e: {  	_ =	shalt  }
0x7f: {  	_ =	shalt  }
0x80: {  	_ =	shalt  }
0x81: {  	_ =	shalt  }
0x82: {  	_ =	shalt  }
0x83: {  	_ =	shalt  }
0x84: {  	_ =	shalt  }
0x85: {  	_ =	shalt  }
0x86: {  	_ =	shalt  }
0x87: {  	_ =	shalt  }
.Lfunc_end0:
.L_simem_size_0:
called_computation.2_lowered:
.L_overlay_start_0:
0x88: {  	s2 =	sld [smem:$0x3FD9]  }
0x89: {  	s3 =	sld [smem:$0x3FFE];
	_ =	sdelay $0x1  }
0x8a: {  	s1 =	srdreg.scid  }
0x8b: {  	s0 =	sand.u32 $0x1, s1  }
0x8c: {  	s17 =	sshll.u32 s0, $0xA;
	s2 =	sadd.s32 s3, s2  }
0x8d: {  	s2 =	sadd.s32 s2, s17  }
0x8e: {  	[smem:$0x3FC6] =	sst s2  }
0x8f: {  	_ = 	snop  }
0x90: {  	s2 =	sld [smem:$0x3FC8]  }
0x91: {  	s18 =	sld [smem:$0x3FD0];
	(tm) =	ssettm $0x1  }
0x92: {  	s4 =	sld [smem:$0x3FFB];
	_ =	sdelay $0x3  }
0x93: {  	_ =	strace s4  }
0x94: {  	s4 =	sld [smem:$0x3FFC];
	_ =	sdelay $0x3  }
0x95: {  	_ =	strace s4  }
0x96: {  	s4 =	sld [smem:$0x3FFD];
	_ =	sdelay $0x3  }
0x97: {  	_ =	strace s4  }
0x98: {  	_ =	strace $0x8FFFFFFF  }
0x99: {  	s19 =	sld [smem:$0x3FDB];
	_ =	sdelay $0x1  }
0x9a: {  	s5 =	simm.s32 $_scs_section_size  }
0x9b: {  	s6 =	simm.s32 $_size__tile_overlayer_lowered;
	s7 =	simm.s32 $_tile_overlayer_lowered  }
0x9c: {  	s22 =	simm.s32 $0x1BFF;
	s21 =	sshll.u32 s7, $0x1;
	s4 =	sadd.s32 s5, s19  }
0x9d: {  	s8 =	simm.s32 $0x0;
	s20 =	sshll.u32 s6, $0x1;
	s6 =	sadd.s32 s21, s4  }
0x9e: {  	[timem:s8], [sflag:s22] =	dma.local [hbm:s6], s20  }
0x9f: {  	_ =	swait.ge [sflag:s22], s20  }
0xa0: {  	s5 =	ssub.s32 $0x0, s20;
	[sflag:s22] =	ssyncset.done $0x0  }
0xa1: {  	[sflag:s22] =	ssyncadd.s32 s5;
	_ =	sdelay $0x1  }
0xa2: {  	s23 =	simm.s32 $0x1B8B  }
0xa3: {  	_ =	swait.ge [sflag:s23], $0x1  }
0xa4: {  	[sflag:s23] =	ssyncset.done $0x0  }
0xa5: {  	s25 =	simm.s32 $0x1B8E;
	s24 =	sld [smem:$0x3FFE];
	[sflag:s23] =	ssyncadd.s32 $0xFFFFFFFF  }
0xa6: {  	s26 =	simm.s32 $execute0_lowered;
	[smem:$0x3FD2] =	sst s25  }
0xa7: {  	s6 =	sshll.u32 s26, $0x1;
	_ =	strace $0x8000004C;
	[dreg:$0x1] =	wrdreg $0xFFFFFFFF  }
0xa8: {  	s28 =	simm.s32 $_size_execute0_lowered;
	s4 =	sadd.s32 s4, s6;
	[dreg:$0x0] =	wrdreg $0x0  }
0xa9: {  	s6 =	sshll.u32 s28, $0x1;
	[dreg:$0x2] =	wrdreg s4  }
0xaa: {  	[dreg:$0x3] =	wrdreg s6  }
0xab: {  	[dreg:$0x4] =	wrdreg $0xC0  }
0xac: {  	_ =	task [dreg:s8], $0x5FFFF  }
0xad: {  	[dreg:$0x1] =	wrdreg $0xFFFFFFFF  }
0xae: {  	[dreg:$0x0] =	wrdreg $0x60  }
0xaf: {  	[dreg:$0x2] =	wrdreg s2  }
0xb0: {  	[dreg:$0x3] =	wrdreg s24  }
0xb1: {  	[dreg:$0x4] =	wrdreg s18  }
0xb2: {  	[dreg:$0x5] =	wrdreg $0x9  }
0xb3: {  	_ =	task.clear_ibuf [dreg:s8], $0x6FFFF;
	_ =	strace $0x9000004C  }
0xb4: {  	s29 =	simm.s32 $0x9;
	_ =	strace $0x8000004E  }
0xb5: {  	_ =	swait.ge [sflag:s29], $0x1  }
0xb6: {  	[sflag:s29] =	ssyncadd.s32 $0xFFFFFFFF  }
0xb7: {  	_ =	strace $0x9000004E  }
0xb8: {  	_ =	sfence  }
0xb9: {  	s30 =	sld [smem:$0x0];
	_ =	sdelay $0x2  }
0xba: {  	s31 =	sshll.u32 s1, $0xD;
	s1 =	sshrl.u32 s1, $0x2  }
0xbb: {  	s3 =	sand.u32 $0x4000, s31;
	s1 =	sadd.s32 s1, s30  }
0xbc: {  	s0 =	sor.u32 s3, s0;
	s1 =	sshll.u32 s1, $0x11  }
0xbd: {  	s0 =	sor.u32 s1, s0  }
0xbe: {  	s0 =	sadd.s32 $0x8F2B, s0  }
0xbf: {  	[sflag:s0] =	ssyncadd.remote.s32 $0x1  }
0xc0: {  	_ =	sfence.sel $0xFFFF  }
0xc1: {  	[dreg:$0x0] =	wrdreg $0xFFFFFFFF;
	(pc) =	sbr.abs _section_cstart, $3  }
0xc2: {  	[dreg:$0x1] =	wrdreg $0xFFFFFFFF  }
0xc3: {  	_ =	task.clear_ibuf [dreg:s8], $0x2FFFF;
	_ =	strace $0x9FFFFFFF  }
0xc4: {  	(tm) =	ssettm $0x7FFFFFFF  }
0xc5: {  	_ =	shalt  }
tec
execute0_lowered:
.L_overlay_start_1:
0x0: {  	(tag) =	ssettag $0x1  }
0x1: {  	s0 =	rddreg [dreg:$0x1];
	s2 =	srdreg.scid  }
0x2: {  	s1 =	rddreg [dreg:$0x2];
	s4 =	stileid.u32;
	s2 =	sand.u32 $0x1, s2  }
0x3: {  	s3 =	simm.s32 $0x0;
	s4 =	sshll.u32 s4, $0xA;
	s5 =	sshll.u32 s2, $0x9  }
0x4: {  	s7 =	simm.s32 $0x1;
	s11 =	simm.s32 $0x0;
	s4 =	sor.u32 s5, s4  }
0x5: {  	[smem:$0x7FF] =	sst s3;
	s2 =	ssub.s32 $0x2, s2;
	s5 =	sshrl.u32 s4, $0x3  }
0x6: {  	_ =	strace $0x8000004D;
	s31 =	sshrl.u32 s2, $0x1;
	s0 =	sadd.s32 s5, s0  }
0x7: {  	s1 =	sadd.s32 s4, s1;
	s2 =	ssub.s32 s2, s31;
	s0 =	sadd.s32 $0x1A00, s0  }
0x8: {  	s5 =	sadd.s32 $0x1C000, s1;
	s6 =	smax.u32 s2, $0x1;
	[dreg:$0x4] =	wrdreg s0  }
.LBB2_1:
0x9: {  	s0 =	rddreg [dreg:$0x0]  }
0xa: {  	[tilespmem:s3], [sflag:$0x1] =	stream.linear.gather [hbm4b:s0+s3], $0x4000, $0x38;
	[tilespmem:$0x8200] =	vst v63  }
0xb: {  	_ =	swait.ge [sflag:s7], $0x4000  }
0xc: {  	[sflag:s7] =	ssyncset.done $0x0  }
0xd: {  	s25 =	simm.s32 $0x4000;
	s1 =	rddreg [dreg:$0x4];
	[sflag:s7] =	ssyncadd.s32 $0xFFFFC000  }
0xe: {  	[tilespmem:s25], [sflag:$0x1] =	stream.linear.gather [hbm4b:s1+s3], $0x200, $0x38;
	[tilespmem:$0x8200] =	vst v63  }
0xf: {  	s21 =	sand.u32 $0x60, s3;
	_ =	swait.ge [sflag:s7], $0x200  }
0x10: {  	s26 =	sand.u32 $0x180, s3;
	s22 =	sor.u32 $0x10, s21;
	[sflag:s7] =	ssyncset.done $0x0  }
0x11: {  	s1 =	sor.u32 s22, s26;
	[sflag:s7] =	ssyncadd.s32 $0xFFFFFE00  }
0x12: {  	v0 =	vld [tilespmem:s1+$0x4000];
	_ =	sdelay $0x1  }
0x13: {  	v1 =	vld [tilespmem:s25+$0x0];
	_ =	sdelay $0x2  }
0x14: {  	v2 =	vshll.u32 v0, $0x3  }
0x15: {  	v0 =	vand.u32 $0x7F, v0;
	v2 =	vand.u32 $0xFFFFFC00, v2  }
0x16: {  	v3 =	vshll.u32 v1, $0x3;
	v7 =	vor.u32 v0, v2  }
0x17: {  	v0 =	vand.u32 $0x7F, v1;
	v1 =	vand.u32 $0xFFFFFC00, v3  }
0x18: {  	v2 =	vor.u32 v0, v1;
	_ =	sdelay $0x2  }
0x19: {  	v0 =	vld.idx.msk [tilespmem:v7+s3+$0x0], $0xffff  }
0x1a: {  	v1 =	vor.u32 $0x80, v7  }
0x1b: {  	s23 =	sand.u32 $0xC00, s3;
	v3 =	vld.idx.msk [tilespmem:v2+s3+$0x0], $0xffff  }
0x1c: {  	s1 =	sor.u32 $0x4200, s23;
	v4 =	vor.u32 $0x80, v2  }
0x1d: {  	s2 =	sor.u32 s22, s1  }
0x1e: {  	[tilespmem:s2+$0x0] =	vst v0  }
0x1f: {  	s0 =	sor.u32 s21, s1;
	v0 =	vld.idx.msk [tilespmem:v1+s3+$0x0], $0xffff  }
0x20: {  	[tilespmem:s0+$0x0] =	vst v3;
	v1 =	vor.u32 $0x100, v7  }
0x21: {  	v3 =	vld.idx.msk [tilespmem:v4+s3+$0x0], $0xffff  }
0x22: {  	v4 =	vor.u32 $0x100, v2;
	_ =	sdelay $0x1  }
0x23: {  	[tilespmem:s2+$0x80] =	vst v0  }
0x24: {  	v0 =	vld.idx.msk [tilespmem:v1+s3+$0x0], $0xffff  }
0x25: {  	[tilespmem:s0+$0x80] =	vst v3;
	v1 =	vor.u32 $0x180, v7  }
0x26: {  	v3 =	vld.idx.msk [tilespmem:v4+s3+$0x0], $0xffff  }
0x27: {  	v4 =	vor.u32 $0x180, v2;
	_ =	sdelay $0x1  }
0x28: {  	[tilespmem:s2+$0x100] =	vst v0  }
0x29: {  	v0 =	vld.idx.msk [tilespmem:v1+s3+$0x0], $0xffff  }
0x2a: {  	[tilespmem:s0+$0x100] =	vst v3;
	v1 =	vor.u32 $0x200, v7  }
0x2b: {  	v3 =	vld.idx.msk [tilespmem:v4+s3+$0x0], $0xffff  }
0x2c: {  	v4 =	vor.u32 $0x200, v2;
	_ =	sdelay $0x1  }
0x2d: {  	[tilespmem:s2+$0x180] =	vst v0  }
0x2e: {  	v0 =	vld.idx.msk [tilespmem:v1+s3+$0x0], $0xffff  }
0x2f: {  	[tilespmem:s0+$0x180] =	vst v3;
	v1 =	vor.u32 $0x280, v7  }
0x30: {  	v3 =	vld.idx.msk [tilespmem:v4+s3+$0x0], $0xffff  }
0x31: {  	v4 =	vor.u32 $0x280, v2;
	_ =	sdelay $0x1  }
0x32: {  	[tilespmem:s2+$0x200] =	vst v0  }
0x33: {  	v0 =	vld.idx.msk [tilespmem:v1+s3+$0x0], $0xffff  }
0x34: {  	[tilespmem:s0+$0x200] =	vst v3;
	v1 =	vor.u32 $0x300, v7  }
0x35: {  	v3 =	vld.idx.msk [tilespmem:v4+s3+$0x0], $0xffff  }
0x36: {  	v4 =	vor.u32 $0x300, v2;
	_ =	sdelay $0x1  }
0x37: {  	[tilespmem:s2+$0x280] =	vst v0  }
0x38: {  	s4 =	sand.u32 $0x3, s3;
	v0 =	vld.idx.msk [tilespmem:v1+s3+$0x0], $0xffff  }
0x39: {  	s8 =	sshll.u32 s4, $0x5;
	[tilespmem:s0+$0x280] =	vst v3;
	v1 =	vor.u32 $0x380, v7  }
0x3a: {  	s0 =	sadd.s32 $0x0, s8;
	v3 =	vld.idx.msk [tilespmem:v4+s3+$0x0], $0xffff  }
0x3b: {  	v4 =	vor.u32 $0x380, v2;
	s2 =	sadd.s32 $0x10, s0  }
0x3c: {  	s9 =	sor.u32 $0x300, s2  }
0x3d: {  	s1 =	simm.s32 $0x20;
	[tilespmem:s9+$0x4200] =	vst v0  }
0x3e: {  	s12 =	sand.u32 $0x60, s1;
	s0 =	sor.u32 $0x300, s0;
	v0 =	vld.idx.msk [tilespmem:v1+s3+$0x0], $0xffff  }
0x3f: {  	s10 =	sand.u32 $0x180, s1;
	s13 =	sor.u32 $0x10, s12;
	[tilespmem:s0+$0x4200] =	vst v3;
	v3 =	vadd.s32 $0x1000, v7  }
0x40: {  	s0 =	sor.u32 s13, s10;
	v4 =	vld.idx.msk [tilespmem:v4+s3+$0x0], $0xffff  }
0x41: {  	v5 =	vadd.s32 $0x1000, v2;
	s8 =	simm.s32 $0x4020;
	v6 =	vld [tilespmem:s0+$0x4000]  }
0x42: {  	s14 =	sor.u32 $0x380, s2;
	v1 =	vld [tilespmem:s8+$0x0]  }
0x43: {  	s15 =	sor.u32 s3, s3;
	[tilespmem:s14+$0x4200] =	vst v0  }
0x44: {  	s16 =	sor.u32 $0x380, s15;
	v3 =	vld.idx.msk [tilespmem:v3+s3+$0x0], $0xffff  }
0x45: {  	[tilespmem:s16+$0x4200] =	vst v4;
	v4 =	vadd.s32 $0x1080, v7  }
0x46: {  	v9 =	vadd.s32 $0x1080, v2;
	v8 =	vshll.u32 v6, $0x3;
	v5 =	vld.idx.msk [tilespmem:v5+s3+$0x0], $0xffff  }
0x47: {  	s17 =	sor.u32 $0x5200, s23;
	v0 =	vshll.u32 v1, $0x3;
	v6 =	vand.u32 $0x7F, v6;
	v8 =	vand.u32 $0xFFFFFC00, v8  }
0x48: {  	s18 =	sor.u32 s22, s17;
	v10 =	vand.u32 $0x7F, v1;
	v0 =	vand.u32 $0xFFFFFC00, v0;
	v1 =	vor.u32 v6, v8  }
0x49: {  	v0 =	vor.u32 v10, v0;
	[tilespmem:s18+$0x0] =	vst v3  }
0x4a: {  	s0 =	sor.u32 s21, s17;
	v3 =	vld.idx.msk [tilespmem:v4+s3+$0x0], $0xffff  }
0x4b: {  	[tilespmem:s0+$0x0] =	vst v5;
	v4 =	vadd.s32 $0x1100, v7  }
0x4c: {  	v5 =	vld.idx.msk [tilespmem:v9+s3+$0x0], $0xffff  }
0x4d: {  	s19 =	sor.u32 $0x5280, s23;
	v8 =	vadd.s32 $0x1100, v2;
	v6 =	vld.idx.msk [tilespmem:v1+s3+$0x0], $0xffff  }
0x4e: {  	s20 =	sor.u32 s22, s19;
	s2 =	simm.s32 $0x100;
	v10 =	vor.u32 $0x80, v1;
	v9 =	vld.idx.msk [tilespmem:v0+s3+$0x0], $0xffff  }
0x4f: {  	s14 =	sand.u32 $0xC00, s2;
	[tilespmem:s20+$0x0] =	vst v3;
	v3 =	vor.u32 $0x80, v0  }
0x50: {  	s9 =	sor.u32 $0x4200, s14;
	s0 =	sor.u32 s21, s19;
	v4 =	vld.idx.msk [tilespmem:v4+s3+$0x0], $0xffff  }
0x51: {  	s24 =	sor.u32 s13, s9;
	[tilespmem:s0+$0x0] =	vst v5;
	v5 =	vadd.s32 $0x1180, v7  }
0x52: {  	s0 =	sor.u32 s12, s9;
	[tilespmem:s24+$0x0] =	vst v6;
	v6 =	vld.idx.msk [tilespmem:v8+s3+$0x0], $0xffff  }
0x53: {  	s25 =	sor.u32 $0x5300, s23;
	v8 =	vld.idx.msk [tilespmem:v10+s3+$0x0], $0xffff;
	[tilespmem:s0+$0x0] =	vst v9;
	v9 =	vadd.s32 $0x1180, v2  }
0x54: {  	s10 =	sor.u32 s22, s25;
	v10 =	vor.u32 $0x100, v1;
	v3 =	vld.idx.msk [tilespmem:v3+s3+$0x0], $0xffff  }
0x55: {  	[tilespmem:s10+$0x0] =	vst v4;
	v4 =	vor.u32 $0x100, v0  }
0x56: {  	s9 =	sor.u32 s21, s25;
	v5 =	vld.idx.msk [tilespmem:v5+s3+$0x0], $0xffff  }
0x57: {  	[tilespmem:s9+$0x0] =	vst v6;
	v6 =	vadd.s32 $0x1200, v7  }
0x58: {  	[tilespmem:s24+$0x80] =	vst v8;
	v8 =	vld.idx.msk [tilespmem:v9+s3+$0x0], $0xffff  }
0x59: {  	s26 =	sor.u32 $0x5380, s23;
	v9 =	vld.idx.msk [tilespmem:v10+s3+$0x0], $0xffff;
	[tilespmem:s0+$0x80] =	vst v3;
	v3 =	vadd.s32 $0x1200, v2  }
0x5a: {  	s4 =	sor.u32 s22, s26;
	v10 =	vor.u32 $0x180, v1;
	v4 =	vld.idx.msk [tilespmem:v4+s3+$0x0], $0xffff  }
0x5b: {  	[tilespmem:s4+$0x0] =	vst v5;
	v5 =	vor.u32 $0x180, v0  }
0x5c: {  	s9 =	sor.u32 s21, s26;
	v6 =	vld.idx.msk [tilespmem:v6+s3+$0x0], $0xffff  }
0x5d: {  	[tilespmem:s9+$0x0] =	vst v8;
	v8 =	vadd.s32 $0x1280, v7  }
0x5e: {  	[tilespmem:s24+$0x100] =	vst v9;
	v3 =	vld.idx.msk [tilespmem:v3+s3+$0x0], $0xffff  }
0x5f: {  	s15 =	sadd.s32 $0x5400, s23;
	v9 =	vld.idx.msk [tilespmem:v10+s3+$0x0], $0xffff;
	[tilespmem:s0+$0x100] =	vst v4;
	v4 =	vadd.s32 $0x1280, v2  }
0x60: {  	s16 =	sor.u32 s22, s15;
	v10 =	vor.u32 $0x200, v1;
	v5 =	vld.idx.msk [tilespmem:v5+s3+$0x0], $0xffff  }
0x61: {  	[tilespmem:s16+$0x0] =	vst v6;
	v6 =	vor.u32 $0x200, v0  }
0x62: {  	s9 =	sor.u32 s21, s15;
	v8 =	vld.idx.msk [tilespmem:v8+s3+$0x0], $0xffff  }
0x63: {  	[tilespmem:s9+$0x0] =	vst v3;
	v3 =	vadd.s32 $0x1300, v7  }
0x64: {  	[tilespmem:s24+$0x180] =	vst v9;
	v4 =	vld.idx.msk [tilespmem:v4+s3+$0x0], $0xffff  }
0x65: {  	s17 =	sadd.s32 $0x5480, s23;
	v9 =	vld.idx.msk [tilespmem:v10+s3+$0x0], $0xffff;
	[tilespmem:s0+$0x180] =	vst v5;
	v5 =	vadd.s32 $0x1300, v2  }
0x66: {  	s18 =	sor.u32 s22, s17;
	v10 =	vor.u32 $0x280, v1;
	v6 =	vld.idx.msk [tilespmem:v6+s3+$0x0], $0xffff  }
0x67: {  	[tilespmem:s18+$0x0] =	vst v8;
	v8 =	vor.u32 $0x280, v0  }
0x68: {  	s9 =	sor.u32 s21, s17;
	v3 =	vld.idx.msk [tilespmem:v3+s3+$0x0], $0xffff  }
0x69: {  	[tilespmem:s9+$0x0] =	vst v4;
	v4 =	vadd.s32 $0x1380, v7  }
0x6a: {  	[tilespmem:s24+$0x200] =	vst v9;
	v5 =	vld.idx.msk [tilespmem:v5+s3+$0x0], $0xffff  }
0x6b: {  	s19 =	sadd.s32 $0x5500, s23;
	v9 =	vld.idx.msk [tilespmem:v10+s3+$0x0], $0xffff;
	[tilespmem:s0+$0x200] =	vst v6;
	v6 =	vadd.s32 $0x1380, v2  }
0x6c: {  	s20 =	sor.u32 s22, s19;
	v10 =	vor.u32 $0x300, v1;
	v8 =	vld.idx.msk [tilespmem:v8+s3+$0x0], $0xffff  }
0x6d: {  	[tilespmem:s20+$0x0] =	vst v3;
	v3 =	vor.u32 $0x300, v0  }
0x6e: {  	s9 =	sor.u32 s21, s19;
	v4 =	vld.idx.msk [tilespmem:v4+s3+$0x0], $0xffff  }
0x6f: {  	[tilespmem:s9+$0x0] =	vst v5;
	v5 =	vadd.s32 $0x2000, v7  }
0x70: {  	[tilespmem:s24+$0x280] =	vst v9;
	s24 =	simm.s32 $0x1;
	v6 =	vld.idx.msk [tilespmem:v6+s3+$0x0], $0xffff  }
0x71: {  	s25 =	sadd.s32 $0x5580, s23;
	v9 =	vld.idx.msk [tilespmem:v10+s3+$0x0], $0xffff;
	s8 =	sand.u32 $0x3, s24;
	[tilespmem:s0+$0x280] =	vst v8;
	v8 =	vadd.s32 $0x2000, v2  }
0x72: {  	s26 =	sor.u32 s22, s25;
	v10 =	vor.u32 $0x380, v1;
	s8 =	sshll.u32 s8, $0x5;
	v3 =	vld.idx.msk [tilespmem:v3+s3+$0x0], $0xffff  }
0x73: {  	s8 =	sadd.s32 $0x100, s8;
	[tilespmem:s26+$0x0] =	vst v4;
	v4 =	vor.u32 $0x380, v0  }
0x74: {  	s0 =	sor.u32 s21, s25;
	s4 =	sadd.s32 $0x10, s8;
	v5 =	vld.idx.msk [tilespmem:v5+s3+$0x0], $0xffff  }
0x75: {  	s18 =	sor.u32 $0x300, s4;
	[tilespmem:s0+$0x0] =	vst v6;
	v6 =	vadd.s32 $0x2080, v7;
	s0 =	simm.s32 $0x40  }
0x76: {  	s8 =	sor.u32 $0x300, s8;
	[tilespmem:s18+$0x4200] =	vst v9;
	v8 =	vld.idx.msk [tilespmem:v8+s3+$0x0], $0xffff;
	s15 =	sand.u32 $0x60, s0  }
0x77: {  	s19 =	sor.u32 $0x6200, s23;
	v9 =	vld.idx.msk [tilespmem:v10+s3+$0x0], $0xffff;
	s20 =	sand.u32 $0x180, s0;
	[tilespmem:s8+$0x4200] =	vst v3;
	v3 =	vadd.s32 $0x2080, v2;
	s16 =	sor.u32 $0x10, s15  }
0x78: {  	s17 =	sor.u32 s22, s19;
	v10 =	vadd.s32 $0x1000, v1;
	v4 =	vld.idx.msk [tilespmem:v4+s3+$0x0], $0xffff;
	s10 =	sor.u32 s16, s20  }
0x79: {  	[tilespmem:s17+$0x0] =	vst v5;
	v5 =	vadd.s32 $0x1000, v0;
	v11 =	vld [tilespmem:s10+$0x4000]  }
0x7a: {  	s24 =	simm.s32 $0x4040;
	s8 =	sor.u32 s21, s19;
	v6 =	vld.idx.msk [tilespmem:v6+s3+$0x0], $0xffff  }
0x7b: {  	s1 =	sor.u32 s2, s1;
	v12 =	vld [tilespmem:s24+$0x0];
	s25 =	sor.u32 $0x380, s4;
	[tilespmem:s8+$0x0] =	vst v8;
	v8 =	vadd.s32 $0x2100, v7  }
0x7c: {  	s1 =	sor.u32 $0x380, s1;
	[tilespmem:s25+$0x4200] =	vst v9;
	v9 =	vld.idx.msk [tilespmem:v3+s3+$0x0], $0xffff  }
0x7d: {  	v13 =	vadd.s32 $0x2100, v2;
	s26 =	sor.u32 $0x6280, s23;
	v10 =	vld.idx.msk [tilespmem:v10+s3+$0x0], $0xffff;
	[tilespmem:s1+$0x4200] =	vst v4  }
0x7e: {  	v14 =	vadd.s32 $0x1080, v1;
	s4 =	sor.u32 s22, s26;
	v5 =	vld.idx.msk [tilespmem:v5+s3+$0x0], $0xffff;
	v3 =	vshll.u32 v11, $0x3  }
0x7f: {  	v4 =	vand.u32 $0x7F, v11;
	[tilespmem:s4+$0x0] =	vst v6;
	v3 =	vand.u32 $0xFFFFFC00, v3;
	v6 =	vadd.s32 $0x1080, v0  }
0x80: {  	s8 =	sor.u32 $0x5200, s14;
	s1 =	sor.u32 s21, s26;
	v11 =	vshll.u32 v12, $0x3;
	v8 =	vld.idx.msk [tilespmem:v8+s3+$0x0], $0xffff;
	v3 =	vor.u32 v4, v3  }
0x81: {  	s9 =	sor.u32 s13, s8;
	v11 =	vand.u32 $0xFFFFFC00, v11;
	v4 =	vand.u32 $0x7F, v12;
	[tilespmem:s1+$0x0] =	vst v9;
	v9 =	vadd.s32 $0x2180, v7  }
0x82: {  	s10 =	sor.u32 s12, s8;
	[tilespmem:s9+$0x0] =	vst v10;
	v4 =	vor.u32 v4, v11;
	v10 =	vld.idx.msk [tilespmem:v13+s3+$0x0], $0xffff  }
0x83: {  	s17 =	sor.u32 $0x6300, s23;
	v11 =	vld.idx.msk [tilespmem:v14+s3+$0x0], $0xffff;
	[tilespmem:s10+$0x0] =	vst v5;
	v5 =	vadd.s32 $0x2180, v2  }
0x84: {  	s18 =	sor.u32 s22, s17;
	v12 =	vadd.s32 $0x1100, v1;
	v6 =	vld.idx.msk [tilespmem:v6+s3+$0x0], $0xffff  }
0x85: {  	v13 =	vld.idx.msk [tilespmem:v3+s3+$0x0], $0xffff;
	[tilespmem:s18+$0x0] =	vst v8;
	v8 =	vadd.s32 $0x1100, v0  }
0x86: {  	s20 =	sor.u32 $0x5280, s14;
	s19 =	sor.u32 s21, s17;
	v14 =	vor.u32 $0x80, v3;
	s1 =	simm.s32 $0x200;
	v9 =	vld.idx.msk [tilespmem:v9+s3+$0x0], $0xffff  }
0x87: {  	s24 =	sor.u32 s13, s20;
	s17 =	sand.u32 $0xC00, s1;
	v15 =	vld.idx.msk [tilespmem:v4+s3+$0x0], $0xffff;
	[tilespmem:s19+$0x0] =	vst v10;
	v10 =	vadd.s32 $0x2200, v7  }
0x88: {  	s26 =	sor.u32 s12, s20;
	s25 =	sor.u32 $0x4200, s17;
	[tilespmem:s24+$0x0] =	vst v11;
	v11 =	vor.u32 $0x80, v4;
	v5 =	vld.idx.msk [tilespmem:v5+s3+$0x0], $0xffff  }
0x89: {  	s4 =	sor.u32 $0x6380, s23;
	s8 =	sor.u32 s16, s25;
	v12 =	vld.idx.msk [tilespmem:v12+s3+$0x0], $0xffff;
	[tilespmem:s26+$0x0] =	vst v6;
	v6 =	vadd.s32 $0x2200, v2  }
0x8a: {  	s18 =	sor.u32 s22, s4;
	[tilespmem:s8+$0x0] =	vst v13;
	v8 =	vld.idx.msk [tilespmem:v8+s3+$0x0], $0xffff;
	v13 =	vadd.s32 $0x1180, v1  }
0x8b: {  	s2 =	sor.u32 s15, s25;
	v14 =	vld.idx.msk [tilespmem:v14+s3+$0x0], $0xffff;
	[tilespmem:s18+$0x0] =	vst v9;
	v9 =	vadd.s32 $0x1180, v0  }
0x8c: {  	s9 =	sor.u32 s21, s4;
	s19 =	sor.u32 $0x5300, s14;
	[tilespmem:s2+$0x0] =	vst v15;
	v15 =	vor.u32 $0x100, v3;
	v10 =	vld.idx.msk [tilespmem:v10+s3+$0x0], $0xffff  }
0x8d: {  	s18 =	sor.u32 s13, s19;
	v11 =	vld.idx.msk [tilespmem:v11+s3+$0x0], $0xffff;
	[tilespmem:s9+$0x0] =	vst v5;
	v5 =	vadd.s32 $0x2280, v7  }
0x8e: {  	s20 =	sor.u32 s12, s19;
	[tilespmem:s18+$0x0] =	vst v12;
	v12 =	vor.u32 $0x100, v4;
	v6 =	vld.idx.msk [tilespmem:v6+s3+$0x0], $0xffff  }
0x8f: {  	s24 =	sadd.s32 $0x6400, s23;
	v13 =	vld.idx.msk [tilespmem:v13+s3+$0x0], $0xffff;
	[tilespmem:s20+$0x0] =	vst v8;
	v8 =	vadd.s32 $0x2280, v2  }
0x90: {  	s25 =	sor.u32 s22, s24;
	[tilespmem:s8+$0x80] =	vst v14;
	v9 =	vld.idx.msk [tilespmem:v9+s3+$0x0], $0xffff;
	v14 =	vadd.s32 $0x1200, v1  }
0x91: {  	v15 =	vld.idx.msk [tilespmem:v15+s3+$0x0], $0xffff;
	[tilespmem:s25+$0x0] =	vst v10;
	v10 =	vadd.s32 $0x1200, v0  }
0x92: {  	s26 =	sor.u32 $0x5380, s14;
	s9 =	sor.u32 s21, s24;
	[tilespmem:s2+$0x80] =	vst v11;
	v11 =	vor.u32 $0x180, v3;
	v5 =	vld.idx.msk [tilespmem:v5+s3+$0x0], $0xffff  }
0x93: {  	s4 =	sor.u32 s13, s26;
	v12 =	vld.idx.msk [tilespmem:v12+s3+$0x0], $0xffff;
	[tilespmem:s9+$0x0] =	vst v6;
	v6 =	vadd.s32 $0x2300, v7  }
0x94: {  	s19 =	sor.u32 s12, s26;
	[tilespmem:s4+$0x0] =	vst v13;
	v8 =	vld.idx.msk [tilespmem:v8+s3+$0x0], $0xffff;
	v13 =	vor.u32 $0x180, v4  }
0x95: {  	s20 =	sadd.s32 $0x6480, s23;
	v14 =	vld.idx.msk [tilespmem:v14+s3+$0x0], $0xffff;
	[tilespmem:s19+$0x0] =	vst v9;
	v9 =	vadd.s32 $0x2300, v2  }
0x96: {  	s24 =	sor.u32 s22, s20;
	[tilespmem:s8+$0x100] =	vst v15;
	v10 =	vld.idx.msk [tilespmem:v10+s3+$0x0], $0xffff  }
0x97: {  	v15 =	vadd.s32 $0x1280, v1;
	v11 =	vld.idx.msk [tilespmem:v11+s3+$0x0], $0xffff;
	[tilespmem:s24+$0x0] =	vst v5  }
0x98: {  	s9 =	sor.u32 s21, s20;
	[tilespmem:s2+$0x100] =	vst v12;
	v5 =	vadd.s32 $0x1280, v0;
	v6 =	vld.idx.msk [tilespmem:v6+s3+$0x0], $0xffff  }
0x99: {  	s25 =	sadd.s32 $0x5400, s14;
	v12 =	vld.idx.msk [tilespmem:v13+s3+$0x0], $0xffff;
	v13 =	vor.u32 $0x200, v3;
	[tilespmem:s9+$0x0] =	vst v8  }
0x9a: {  	s18 =	simm.s32 $0x4060;
	s26 =	sor.u32 s13, s25;
	v8 =	vld.idx.msk [tilespmem:v9+s3+$0x0], $0xffff;
	v9 =	vadd.s32 $0x2380, v7  }
0x9b: {  	v16 =	vld [tilespmem:s18+$0x0];
	s4 =	sor.u32 s12, s25;
	[tilespmem:s26+$0x0] =	vst v14;
	v14 =	vor.u32 $0x200, v4  }
0x9c: {  	s19 =	sadd.s32 $0x6500, s23;
	v15 =	vld.idx.msk [tilespmem:v15+s3+$0x0], $0xffff;
	[tilespmem:s4+$0x0] =	vst v10;
	v10 =	vadd.s32 $0x2380, v2  }
0x9d: {  	s20 =	sor.u32 s22, s19;
	[tilespmem:s8+$0x180] =	vst v11;
	v5 =	vld.idx.msk [tilespmem:v5+s3+$0x0], $0xffff;
	v11 =	vadd.s32 $0x1300, v1  }
0x9e: {  	[tilespmem:s20+$0x0] =	vst v6;
	v6 =	vadd.s32 $0x1300, v0;
	v13 =	vld.idx.msk [tilespmem:v13+s3+$0x0], $0xffff  }
0x9f: {  	s24 =	sadd.s32 $0x5480, s14;
	s9 =	sor.u32 s21, s19;
	[tilespmem:s2+$0x180] =	vst v12;
	v12 =	vor.u32 $0x280, v3;
	v9 =	vld.idx.msk [tilespmem:v9+s3+$0x0], $0xffff  }
0xa0: {  	s25 =	sor.u32 s13, s24;
	v14 =	vld.idx.msk [tilespmem:v14+s3+$0x0], $0xffff;
	[tilespmem:s9+$0x0] =	vst v8;
	v8 =	vadd.s32 $0x3000, v7  }
0xa1: {  	s26 =	sor.u32 s12, s24;
	[tilespmem:s25+$0x0] =	vst v15;
	v10 =	vld.idx.msk [tilespmem:v10+s3+$0x0], $0xffff;
	v15 =	vor.u32 $0x280, v4  }
0xa2: {  	s4 =	sadd.s32 $0x6580, s23;
	v11 =	vld.idx.msk [tilespmem:v11+s3+$0x0], $0xffff;
	[tilespmem:s26+$0x0] =	vst v5;
	v5 =	vadd.s32 $0x3000, v2  }
0xa3: {  	s18 =	sor.u32 s22, s4;
	v6 =	vld.idx.msk [tilespmem:v6+s3+$0x0], $0xffff;
	[tilespmem:s8+$0x200] =	vst v13;
	v13 =	vadd.s32 $0x1380, v1  }
0xa4: {  	v12 =	vld.idx.msk [tilespmem:v12+s3+$0x0], $0xffff;
	[tilespmem:s18+$0x0] =	vst v9;
	v9 =	vadd.s32 $0x1380, v0  }
0xa5: {  	s19 =	sadd.s32 $0x5500, s14;
	s9 =	sor.u32 s21, s4;
	[tilespmem:s2+$0x200] =	vst v14;
	v14 =	vor.u32 $0x300, v3;
	v8 =	vld.idx.msk [tilespmem:v8+s3+$0x0], $0xffff  }
0xa6: {  	s20 =	sor.u32 s13, s19;
	v15 =	vld.idx.msk [tilespmem:v15+s3+$0x0], $0xffff;
	[tilespmem:s9+$0x0] =	vst v10;
	v10 =	vadd.s32 $0x3080, v7  }
0xa7: {  	s24 =	sor.u32 s12, s19;
	[tilespmem:s20+$0x0] =	vst v11;
	v5 =	vld.idx.msk [tilespmem:v5+s3+$0x0], $0xffff;
	v11 =	vor.u32 $0x300, v4  }
0xa8: {  	s25 =	sor.u32 $0x7200, s23;
	[tilespmem:s24+$0x0] =	vst v6;
	v6 =	vadd.s32 $0x3080, v2;
	v13 =	vld.idx.msk [tilespmem:v13+s3+$0x0], $0xffff  }
0xa9: {  	s26 =	sor.u32 s22, s25;
	s24 =	simm.s32 $0x2;
	[tilespmem:s8+$0x280] =	vst v12;
	v9 =	vld.idx.msk [tilespmem:v9+s3+$0x0], $0xffff;
	v12 =	vadd.s32 $0x2000, v1  }
0xaa: {  	s4 =	sand.u32 $0x3, s24;
	v14 =	vld.idx.msk [tilespmem:v14+s3+$0x0], $0xffff;
	[tilespmem:s26+$0x0] =	vst v8;
	v8 =	vadd.s32 $0x2000, v0  }
0xab: {  	s10 =	sadd.s32 $0x5580, s14;
	s9 =	sor.u32 s21, s25;
	s8 =	sshll.u32 s4, $0x5;
	[tilespmem:s2+$0x280] =	vst v15;
	v15 =	vor.u32 $0x380, v3;
	v10 =	vld.idx.msk [tilespmem:v10+s3+$0x0], $0xffff  }
0xac: {  	s18 =	sor.u32 s13, s10;
	s8 =	sadd.s32 $0x200, s8;
	v11 =	vld.idx.msk [tilespmem:v11+s3+$0x0], $0xffff;
	[tilespmem:s9+$0x0] =	vst v5;
	v5 =	vadd.s32 $0x3100, v7  }
0xad: {  	s2 =	sor.u32 s12, s10;
	s9 =	sadd.s32 $0x10, s8;
	v6 =	vld.idx.msk [tilespmem:v6+s3+$0x0], $0xffff;
	[tilespmem:s18+$0x0] =	vst v13;
	v13 =	vor.u32 $0x380, v4  }
0xae: {  	s20 =	sor.u32 $0x7280, s23;
	s19 =	sor.u32 $0x300, s9;
	v12 =	vld.idx.msk [tilespmem:v12+s3+$0x0], $0xffff;
	[tilespmem:s2+$0x0] =	vst v9;
	v9 =	vadd.s32 $0x3100, v2  }
0xaf: {  	s25 =	sor.u32 s22, s20;
	[tilespmem:s19+$0x4200] =	vst v14;
	v8 =	vld.idx.msk [tilespmem:v8+s3+$0x0], $0xffff;
	v14 =	vadd.s32 $0x2080, v1  }
0xb0: {  	s8 =	sor.u32 $0x300, s8;
	v15 =	vld.idx.msk [tilespmem:v15+s3+$0x0], $0xffff;
	[tilespmem:s25+$0x0] =	vst v10  }
0xb1: {  	s26 =	sor.u32 $0x6200, s14;
	s2 =	sor.u32 s21, s20;
	[tilespmem:s8+$0x4200] =	vst v11;
	s25 =	simm.s32 $0x60;
	v10 =	vadd.s32 $0x2080, v0;
	v5 =	vld.idx.msk [tilespmem:v5+s3+$0x0], $0xffff  }
0xb2: {  	s4 =	sor.u32 s13, s26;
	s18 =	sand.u32 $0x60, s25;
	[tilespmem:s2+$0x0] =	vst v6;
	v11 =	vld.idx.msk [tilespmem:v13+s3+$0x0], $0xffff;
	v13 =	vadd.s32 $0x1000, v3  }
0xb3: {  	s20 =	sand.u32 $0x180, s25;
	v6 =	vshll.u32 v16, $0x3;
	s19 =	sor.u32 $0x10, s18;
	[tilespmem:s4+$0x0] =	vst v12;
	v9 =	vld.idx.msk [tilespmem:v9+s3+$0x0], $0xffff;
	v12 =	vadd.s32 $0x3180, v7  }
0xb4: {  	v17 =	vadd.s32 $0x1000, v4;
	s8 =	sor.u32 s12, s26;
	v16 =	vand.u32 $0x7F, v16;
	v6 =	vand.u32 $0xFFFFFC00, v6;
	s2 =	sor.u32 s19, s20;
	v14 =	vld.idx.msk [tilespmem:v14+s3+$0x0], $0xffff  }
0xb5: {  	s26 =	sor.u32 $0x380, s9;
	s4 =	sor.u32 $0x7300, s23;
	v6 =	vor.u32 v16, v6;
	v18 =	vld [tilespmem:s2+$0x4000];
	[tilespmem:s8+$0x0] =	vst v8  }
0xb6: {  	s0 =	sor.u32 s1, s0;
	v8 =	vadd.s32 $0x3180, v2;
	s9 =	sor.u32 s22, s4;
	[tilespmem:s26+$0x4200] =	vst v15;
	v10 =	vld.idx.msk [tilespmem:v10+s3+$0x0], $0xffff  }
0xb7: {  	s0 =	sor.u32 $0x380, s0;
	v15 =	vadd.s32 $0x2100, v1;
	[tilespmem:s9+$0x0] =	vst v5;
	v13 =	vld.idx.msk [tilespmem:v13+s3+$0x0], $0xffff  }
0xb8: {  	[tilespmem:s0+$0x4200] =	vst v11;
	v11 =	vadd.s32 $0x2100, v0;
	v12 =	vld.idx.msk [tilespmem:v12+s3+$0x0], $0xffff  }
0xb9: {  	s20 =	sor.u32 $0x6280, s14;
	s10 =	sor.u32 s21, s4;
	v16 =	vld.idx.msk [tilespmem:v17+s3+$0x0], $0xffff;
	v17 =	vadd.s32 $0x1080, v3  }
0xba: {  	s26 =	sor.u32 s13, s20;
	[tilespmem:s10+$0x0] =	vst v9;
	v9 =	vadd.s32 $0x3200, v7;
	v19 =	vld.idx.msk [tilespmem:v6+s3+$0x0], $0xffff;
	v5 =	vshll.u32 v18, $0x3  }
0xbb: {  	s4 =	sor.u32 $0x5200, s17;
	s0 =	sor.u32 s12, s20;
	[tilespmem:s26+$0x0] =	vst v14;
	v8 =	vld.idx.msk [tilespmem:v8+s3+$0x0], $0xffff;
	v14 =	vand.u32 $0x7F, v18;
	v18 =	vadd.s32 $0x1080, v4;
	v5 =	vand.u32 $0xFFFFFC00, v5  }
0xbc: {  	s8 =	sor.u32 s16, s4;
	s9 =	sor.u32 $0x7380, s23;
	v15 =	vld.idx.msk [tilespmem:v15+s3+$0x0], $0xffff;
	[tilespmem:s0+$0x0] =	vst v10;
	v5 =	vor.u32 v14, v5  }
0xbd: {  	s10 =	sor.u32 s22, s9;
	v14 =	vadd.s32 $0x3200, v2;
	[tilespmem:s8+$0x0] =	vst v13;
	v10 =	vld.idx.msk [tilespmem:v11+s3+$0x0], $0xffff  }
0xbe: {  	s1 =	sor.u32 s15, s4;
	v11 =	vadd.s32 $0x2180, v1;
	v13 =	vld.idx.msk [tilespmem:v17+s3+$0x0], $0xffff;
	[tilespmem:s10+$0x0] =	vst v12  }
0xbf: {  	s20 =	sor.u32 $0x6300, s14;
	s0 =	sor.u32 s21, s9;
	[tilespmem:s1+$0x0] =	vst v16;
	v12 =	vadd.s32 $0x2180, v0;
	v9 =	vld.idx.msk [tilespmem:v9+s3+$0x0], $0xffff  }
0xc0: {  	s26 =	sor.u32 s13, s20;
	v17 =	vadd.s32 $0x1100, v3;
	v16 =	vld.idx.msk [tilespmem:v18+s3+$0x0], $0xffff;
	[tilespmem:s0+$0x0] =	vst v8  }
0xc1: {  	s2 =	sor.u32 $0x5280, s17;
	s1 =	sor.u32 s12, s20;
	[tilespmem:s26+$0x0] =	vst v15;
	v15 =	vadd.s32 $0x3280, v7;
	v18 =	vld.idx.msk [tilespmem:v5+s3+$0x0], $0xffff  }
0xc2: {  	v20 =	vadd.s32 $0x1100, v4;
	s4 =	sor.u32 s16, s2;
	s0 =	sadd.s32 $0x7400, s23;
	s26 =	simm.s32 $0x300;
	v8 =	vld.idx.msk [tilespmem:v14+s3+$0x0], $0xffff;
	[tilespmem:s1+$0x0] =	vst v10  }
0xc3: {  	v21 =	vor.u32 $0x80, v5;
	s9 =	sor.u32 s22, s0;
	s20 =	sand.u32 $0xC00, s26;
	v11 =	vld.idx.msk [tilespmem:v11+s3+$0x0], $0xffff;
	[tilespmem:s4+$0x0] =	vst v13  }
0xc4: {  	s2 =	sor.u32 s15, s2;
	s10 =	sor.u32 $0x4200, s20;
	v10 =	vld.idx.msk [tilespmem:v12+s3+$0x0], $0xffff;
	v12 =	vadd.s32 $0x2200, v1;
	[tilespmem:s9+$0x0] =	vst v9  }
0xc5: {  	v13 =	vor.u32 $0x80, v6;
	s1 =	sor.u32 s18, s10;
	v14 =	vld.idx.msk [tilespmem:v17+s3+$0x0], $0xffff;
	[tilespmem:s2+$0x0] =	vst v16  }
0xc6: {  	s8 =	sor.u32 s19, s10;
	s2 =	sor.u32 $0x6380, s14;
	v9 =	vadd.s32 $0x2200, v0;
	[tilespmem:s1+$0x0] =	vst v19;
	v15 =	vld.idx.msk [tilespmem:v15+s3+$0x0], $0xffff  }
0xc7: {  	v17 =	vadd.s32 $0x1180, v3;
	v16 =	vld.idx.msk [tilespmem:v20+s3+$0x0], $0xffff;
	s4 =	sor.u32 s13, s2;
	[tilespmem:s8+$0x0] =	vst v18  }
0xc8: {  	v19 =	vadd.s32 $0x1180, v4;
	v18 =	vld.idx.msk [tilespmem:v21+s3+$0x0], $0xffff;
	[tilespmem:s4+$0x0] =	vst v11  }
0xc9: {  	s9 =	sor.u32 $0x5300, s17;
	s2 =	sor.u32 s12, s2;
	v11 =	vadd.s32 $0x3300, v7;
	v12 =	vld.idx.msk [tilespmem:v12+s3+$0x0], $0xffff  }
0xca: {  	v20 =	vor.u32 $0x100, v5;
	s4 =	sor.u32 s16, s9;
	v13 =	vld.idx.msk [tilespmem:v13+s3+$0x0], $0xffff;
	[tilespmem:s2+$0x0] =	vst v10  }
0xcb: {  	s9 =	sor.u32 s15, s9;
	s2 =	sadd.s32 $0x7480, s23;
	v10 =	vadd.s32 $0x2280, v1;
	[tilespmem:s4+$0x0] =	vst v14;
	v9 =	vld.idx.msk [tilespmem:v9+s3+$0x0], $0xffff  }
0xcc: {  	s4 =	sor.u32 s22, s2;
	v14 =	vor.u32 $0x100, v6;
	v17 =	vld.idx.msk [tilespmem:v17+s3+$0x0], $0xffff;
	[tilespmem:s9+$0x0] =	vst v16  }
0xcd: {  	[tilespmem:s4+$0x0] =	vst v15;
	s9 =	sadd.s32 $0x6400, s14;
	v15 =	vadd.s32 $0x2280, v0;
	v16 =	vld.idx.msk [tilespmem:v19+s3+$0x0], $0xffff  }
0xce: {  	s4 =	sor.u32 s13, s9;
	v11 =	vld.idx.msk [tilespmem:v11+s3+$0x0], $0xffff;
	[tilespmem:s8+$0x80] =	vst v18;
	v18 =	vadd.s32 $0x1200, v3  }
0xcf: {  	v7 =	vadd.s32 $0x3380, v7;
	v19 =	vld.idx.msk [tilespmem:v20+s3+$0x0], $0xffff;
	[tilespmem:s4+$0x0] =	vst v12  }
0xd0: {  	s9 =	sor.u32 s12, s9;
	[tilespmem:s1+$0x80] =	vst v13;
	s4 =	sor.u32 $0x5380, s17;
	v12 =	vadd.s32 $0x1200, v4;
	v10 =	vld.idx.msk [tilespmem:v10+s3+$0x0], $0xffff  }
0xd1: {  	v13 =	vld.idx.msk [tilespmem:v14+s3+$0x0], $0xffff;
	v14 =	vor.u32 $0x180, v5;
	s28 =	sor.u32 s16, s4;
	[tilespmem:s9+$0x0] =	vst v9;
	s9 =	sadd.s32 $0x7500, s23  }
0xd2: {  	[tilespmem:s28+$0x0] =	vst v17;
	v9 =	vld.idx.msk [tilespmem:v15+s3+$0x0], $0xffff;
	v17 =	vadd.s32 $0x2300, v1;
	s28 =	sor.u32 s22, s9  }
0xd3: {  	v20 =	vor.u32 $0x180, v6;
	s10 =	sor.u32 s15, s4;
	v18 =	vld.idx.msk [tilespmem:v18+s3+$0x0], $0xffff;
	[tilespmem:s28+$0x0] =	vst v11  }
0xd4: {  	s4 =	sadd.s32 $0x6480, s14;
	[tilespmem:s10+$0x0] =	vst v16;
	v11 =	vadd.s32 $0x2300, v0;
	v63 =	vld.idx.msk [tilespmem:v7+s3+$0x0], $0xffff  }
0xd5: {  	s28 =	sor.u32 s13, s4;
	[tilespmem:s8+$0x100] =	vst v19;
	v12 =	vld.idx.msk [tilespmem:v12+s3+$0x0], $0xffff;
	v19 =	vadd.s32 $0x1280, v3  }
0xd6: {  	s31 =	simm.s32 $0x6;
	s29 =	sor.u32 s21, s2;
	v15 =	vld.idx.msk [tilespmem:v14+s3+$0x0], $0xffff;
	[tilespmem:s28+$0x0] =	vst v10  }
0xd7: {  	s2 =	sor.u32 s12, s4;
	s10 =	sadd.s32 $0x7580, s23;
	s4 =	sadd.s32 $0x5400, s17;
	[tilespmem:s1+$0x100] =	vst v13;
	v14 =	vadd.s32 $0x1280, v4;
	v7 =	vld.idx.msk [tilespmem:v17+s3+$0x0], $0xffff  }
0xd8: {  	s23 =	sor.u32 s26, s25;
	s28 =	sor.u32 s21, s9;
	s9 =	sor.u32 s16, s4;
	v16 =	vld.idx.msk [tilespmem:v20+s3+$0x0], $0xffff;
	[tilespmem:s2+$0x0] =	vst v9;
	v17 =	vor.u32 $0x200, v5  }
0xd9: {  	s30 =	sor.u32 s21, s0;
	s0 =	sor.u32 $0x380, s23;
	v10 =	vadd.s32 $0x2380, v1;
	[tilespmem:s9+$0x0] =	vst v18;
	s9 =	sor.u32 s22, s10;
	v9 =	vld.idx.msk [tilespmem:v11+s3+$0x0], $0xffff  }
0xda: {  	s21 =	sor.u32 s21, s10;
	s10 =	sor.u32 s15, s4;
	v18 =	vor.u32 $0x200, v6;
	s22 =	simm.s32 $0x4080;
	[tilespmem:s9+$0x0] =	vst v63;
	v13 =	vld.idx.msk [tilespmem:v19+s3+$0x0], $0xffff  }
.LBB2_2:
0xdb: {  	v11 =	vld [tilespmem:s22+$0x0];
	[tilespmem:s10+$0x0] =	vst v12;
	s2 =	sadd.s32 $0x6500, s14;
	v12 =	vadd.s32 $0x2380, v0;
	s23 =	smov.u32 s13;
	s13 =	smov.u32 s16  }
0xdc: {  	s16 =	smov.u32 s19;
	[tilespmem:s8+$0x180] =	vst v15;
	v14 =	vld.idx.msk [tilespmem:v14+s3+$0x0], $0xffff;
	v15 =	vadd.s32 $0x1300, v3;
	s9 =	sor.u32 s12, s2;
	s2 =	sor.u32 s23, s2  }
0xdd: {  	v17 =	vld.idx.msk [tilespmem:v17+s3+$0x0], $0xffff;
	[tilespmem:s2+$0x0] =	vst v7;
	v7 =	vadd.s32 $0x3280, v2;
	s2 =	smov.u32 s14;
	s14 =	smov.u32 s17;
	s17 =	smov.u32 s20  }
0xde: {  	[tilespmem:s1+$0x180] =	vst v16;
	s10 =	sadd.s32 $0x5480, s14;
	v16 =	vadd.s32 $0x1300, v4;
	v10 =	vld.idx.msk [tilespmem:v10+s3+$0x0], $0xffff  }
0xdf: {  	v19 =	vor.u32 $0x280, v5;
	v18 =	vld.idx.msk [tilespmem:v18+s3+$0x0], $0xffff;
	s19 =	sor.u32 s15, s10;
	s10 =	sor.u32 s13, s10;
	[tilespmem:s9+$0x0] =	vst v9  }
0xe0: {  	[tilespmem:s10+$0x0] =	vst v13;
	v9 =	vld.idx.msk [tilespmem:v12+s3+$0x0], $0xffff;
	v12 =	vadd.s32 $0x3000, v1  }
0xe1: {  	v13 =	vor.u32 $0x280, v6;
	v15 =	vld.idx.msk [tilespmem:v15+s3+$0x0], $0xffff;
	[tilespmem:s30+$0x0] =	vst v8  }
0xe2: {  	s9 =	sadd.s32 $0x6580, s2;
	v8 =	vadd.s32 $0x3000, v0;
	[tilespmem:s19+$0x0] =	vst v14;
	v7 =	vld.idx.msk [tilespmem:v7+s3+$0x0], $0xffff  }
0xe3: {  	s10 =	sor.u32 s12, s9;
	s9 =	sor.u32 s23, s9;
	[tilespmem:s8+$0x200] =	vst v17;
	v14 =	vld.idx.msk [tilespmem:v16+s3+$0x0], $0xffff;
	v16 =	vadd.s32 $0x1380, v3  }
0xe4: {  	v17 =	vld.idx.msk [tilespmem:v19+s3+$0x0], $0xffff;
	[tilespmem:s9+$0x0] =	vst v10;
	v10 =	vadd.s32 $0x3300, v2  }
0xe5: {  	s9 =	sadd.s32 $0x5500, s14;
	[tilespmem:s1+$0x200] =	vst v18;
	v18 =	vadd.s32 $0x1380, v4;
	v12 =	vld.idx.msk [tilespmem:v12+s3+$0x0], $0xffff  }
0xe6: {  	v19 =	vor.u32 $0x300, v5;
	s19 =	sor.u32 s15, s9;
	s9 =	sor.u32 s13, s9;
	v13 =	vld.idx.msk [tilespmem:v13+s3+$0x0], $0xffff;
	[tilespmem:s10+$0x0] =	vst v9  }
0xe7: {  	v9 =	vadd.s32 $0x3080, v1;
	[tilespmem:s9+$0x0] =	vst v15;
	v8 =	vld.idx.msk [tilespmem:v8+s3+$0x0], $0xffff  }
0xe8: {  	v15 =	vor.u32 $0x300, v6;
	v16 =	vld.idx.msk [tilespmem:v16+s3+$0x0], $0xffff;
	[tilespmem:s29+$0x0] =	vst v7  }
0xe9: {  	s9 =	sor.u32 $0x7200, s2;
	v7 =	vadd.s32 $0x3080, v0;
	[tilespmem:s19+$0x0] =	vst v14;
	v10 =	vld.idx.msk [tilespmem:v10+s3+$0x0], $0xffff  }
0xea: {  	[tilespmem:s8+$0x280] =	vst v17;
	v14 =	vld.idx.msk [tilespmem:v18+s3+$0x0], $0xffff;
	v17 =	vadd.s32 $0x2000, v3;
	s8 =	sor.u32 s12, s9;
	s9 =	sor.u32 s23, s9  }
0xeb: {  	s24 =	sadd.s32 $0x1, s24;
	v18 =	vld.idx.msk [tilespmem:v19+s3+$0x0], $0xffff;
	[tilespmem:s9+$0x0] =	vst v12;
	v12 =	vadd.s32 $0x3380, v2;
	v2 =	vmovc v0;
	v0 =	vmov v4;
	v4 =	vmov v6  }
0xec: {  	s9 =	sand.u32 $0x3, s24;
	[tilespmem:s1+$0x280] =	vst v13;
	s1 =	sadd.s32 $0x5580, s14;
	v6 =	vadd.s32 $0x2000, v0;
	v9 =	vld.idx.msk [tilespmem:v9+s3+$0x0], $0xffff  }
0xed: {  	s9 =	sshll.u32 s9, $0x5;
	v13 =	vld.idx.msk [tilespmem:v15+s3+$0x0], $0xffff;
	v15 =	vor.u32 $0x380, v5;
	s10 =	sor.u32 s15, s1;
	s1 =	sor.u32 s13, s1;
	[tilespmem:s8+$0x0] =	vst v8  }
0xee: {  	s8 =	sadd.s32 s9, s26;
	v8 =	vadd.s32 $0x3100, v1;
	[tilespmem:s1+$0x0] =	vst v16;
	v7 =	vld.idx.msk [tilespmem:v7+s3+$0x0], $0xffff  }
0xef: {  	s1 =	sor.u32 $0x300, s8;
	v16 =	vor.u32 $0x380, v4;
	s8 =	sadd.s32 $0x10, s8;
	v17 =	vld.idx.msk [tilespmem:v17+s3+$0x0], $0xffff;
	[tilespmem:s28+$0x0] =	vst v10  }
0xf0: {  	s9 =	sor.u32 $0x300, s8;
	v10 =	vadd.s32 $0x3100, v2;
	[tilespmem:s10+$0x0] =	vst v14;
	s10 =	sor.u32 $0x7280, s2;
	v12 =	vld.idx.msk [tilespmem:v12+s3+$0x0], $0xffff  }
0xf1: {  	v14 =	vadd.s32 $0x2080, v3;
	[tilespmem:s9+$0x4200] =	vst v18;
	v6 =	vld.idx.msk [tilespmem:v6+s3+$0x0], $0xffff;
	s19 =	sor.u32 s12, s10;
	s9 =	sor.u32 s23, s10  }
0xf2: {  	v15 =	vld.idx.msk [tilespmem:v15+s3+$0x0], $0xffff;
	[tilespmem:s9+$0x0] =	vst v9  }
0xf3: {  	s25 =	sadd.s32 $0x20, s25;
	v9 =	vadd.s32 $0x2080, v0;
	[tilespmem:s1+$0x4200] =	vst v13;
	s1 =	sor.u32 $0x6200, s14;
	v8 =	vld.idx.msk [tilespmem:v8+s3+$0x0], $0xffff  }
0xf4: {  	s31 =	sadd.s32 $0x2, s31;
	s9 =	sand.u32 $0x60, s25;
	v13 =	vld.idx.msk [tilespmem:v16+s3+$0x0], $0xffff;
	v16 =	vadd.s32 $0x1000, v5;
	s10 =	sor.u32 s13, s1;
	[tilespmem:s19+$0x0] =	vst v7  }
0xf5: {  	p0 =	slt.u32 s31, $0x1E;
	s20 =	sand.u32 $0x180, s25;
	s19 =	sor.u32 $0x10, s9;
	[tilespmem:s10+$0x0] =	vst v17;
	v7 =	vld.idx.msk [tilespmem:v10+s3+$0x0], $0xffff;
	v10 =	vadd.s32 $0x3180, v1  }
0xf6: {  	s1 =	sor.u32 s15, s1;
	s10 =	sor.u32 s19, s20;
	v17 =	vadd.s32 $0x1000, v4;
	v14 =	vld.idx.msk [tilespmem:v14+s3+$0x0], $0xffff;
	[tilespmem:s21+$0x0] =	vst v12  }
0xf7: {  	v19 =	vadd.s32 $0x3180, v2;
	s8 =	sor.u32 $0x380, s8;
	v12 =	vshll.u32 v11, $0x3;
	v18 =	vld [tilespmem:s10+$0x4000];
	[tilespmem:s1+$0x0] =	vst v6;
	s1 =	sor.u32 $0x7300, s2  }
0xf8: {  	v6 =	vand.u32 $0x7F, v11;
	v11 =	vand.u32 $0xFFFFFC00, v12;
	v12 =	vadd.s32 $0x2100, v3;
	[tilespmem:s8+$0x4200] =	vst v15;
	v9 =	vld.idx.msk [tilespmem:v9+s3+$0x0], $0xffff;
	s8 =	sor.u32 s12, s1;
	s1 =	sor.u32 s23, s1  }
0xf9: {  	v6 =	vor.u32 v6, v11;
	v11 =	vld.idx.msk [tilespmem:v16+s3+$0x0], $0xffff;
	[tilespmem:s1+$0x0] =	vst v8  }
0xfa: {  	v8 =	vadd.s32 $0x2100, v0;
	[tilespmem:s0+$0x4200] =	vst v13;
	s0 =	sor.u32 $0x6280, s14;
	v10 =	vld.idx.msk [tilespmem:v10+s3+$0x0], $0xffff  }
0xfb: {  	v15 =	vadd.s32 $0x1080, v5;
	v13 =	vld.idx.msk [tilespmem:v17+s3+$0x0], $0xffff;
	s1 =	sor.u32 s15, s0;
	s0 =	sor.u32 s13, s0;
	[tilespmem:s8+$0x0] =	vst v7  }
0xfc: {  	v16 =	vadd.s32 $0x3200, v1;
	v7 =	vshll.u32 v18, $0x3;
	[tilespmem:s0+$0x0] =	vst v14;
	v14 =	vld.idx.msk [tilespmem:v19+s3+$0x0], $0xffff  }
0xfd: {  	v17 =	vand.u32 $0x7F, v18;
	s0 =	sor.u32 $0x5200, s17;
	v18 =	vadd.s32 $0x1080, v4;
	v7 =	vand.u32 $0xFFFFFC00, v7;
	v12 =	vld.idx.msk [tilespmem:v12+s3+$0x0], $0xffff  }
0xfe: {  	s8 =	sor.u32 s18, s0;
	s0 =	sor.u32 s16, s0;
	v19 =	vld.idx.msk [tilespmem:v6+s3+$0x0], $0xffff;
	v7 =	vor.u32 v17, v7;
	[tilespmem:s1+$0x0] =	vst v9;
	s1 =	sor.u32 $0x7380, s2  }
0xff: {  	v9 =	vadd.s32 $0x2180, v3;
	[tilespmem:s0+$0x0] =	vst v11;
	v8 =	vld.idx.msk [tilespmem:v8+s3+$0x0], $0xffff;
	s0 =	sor.u32 s12, s1;
	s1 =	sor.u32 s23, s1  }
0x100: {  	v11 =	vld.idx.msk [tilespmem:v15+s3+$0x0], $0xffff;
	v15 =	vadd.s32 $0x3200, v2;
	[tilespmem:s1+$0x0] =	vst v10  }
0x101: {  	s1 =	sor.u32 $0x6300, s14;
	v10 =	vadd.s32 $0x2180, v0;
	[tilespmem:s8+$0x0] =	vst v13;
	v13 =	vld.idx.msk [tilespmem:v16+s3+$0x0], $0xffff  }
0x102: {  	v17 =	vadd.s32 $0x1100, v5;
	s8 =	sor.u32 s15, s1;
	s1 =	sor.u32 s13, s1;
	v16 =	vld.idx.msk [tilespmem:v18+s3+$0x0], $0xffff;
	[tilespmem:s0+$0x0] =	vst v14  }
0x103: {  	v14 =	vld.idx.msk [tilespmem:v7+s3+$0x0], $0xffff;
	[tilespmem:s1+$0x0] =	vst v12;
	v12 =	vadd.s32 $0x3280, v1  }
0x104: {  	v18 =	vadd.s32 $0x1100, v4;
	s1 =	sor.u32 $0x5280, s17;
	v9 =	vld.idx.msk [tilespmem:v9+s3+$0x0], $0xffff  }
0x105: {  	s26 =	sadd.s32 $0x100, s26;
	s10 =	sadd.s32 $0x7400, s2;
	v20 =	vor.u32 $0x80, v7;
	s0 =	sor.u32 s16, s1;
	[tilespmem:s8+$0x0] =	vst v8;
	v8 =	vld.idx.msk [tilespmem:v15+s3+$0x0], $0xffff  }
0x106: {  	s20 =	sand.u32 $0xC00, s26;
	s21 =	sor.u32 s23, s10;
	s8 =	sor.u32 s26, s25;
	[tilespmem:s0+$0x0] =	vst v11;
	v10 =	vld.idx.msk [tilespmem:v10+s3+$0x0], $0xffff;
	v11 =	vadd.s32 $0x2200, v3  }
0x107: {  	s28 =	sor.u32 $0x4200, s20;
	s29 =	sor.u32 s18, s1;
	v15 =	vor.u32 $0x80, v6;
	s0 =	sor.u32 $0x380, s8;
	v17 =	vld.idx.msk [tilespmem:v17+s3+$0x0], $0xffff;
	[tilespmem:s21+$0x0] =	vst v13  }
0x108: {  	s1 =	sor.u32 s9, s28;
	s8 =	sor.u32 s19, s28;
	s21 =	sor.u32 $0x6380, s14;
	v13 =	vadd.s32 $0x2200, v0;
	[tilespmem:s29+$0x0] =	vst v16;
	v12 =	vld.idx.msk [tilespmem:v12+s3+$0x0], $0xffff  }
0x109: {  	s30 =	sor.u32 s12, s10;
	v16 =	vadd.s32 $0x1180, v5;
	s28 =	sor.u32 s15, s21;
	s21 =	sor.u32 s13, s21;
	[tilespmem:s8+$0x0] =	vst v14;
	v14 =	vld.idx.msk [tilespmem:v18+s3+$0x0], $0xffff  }
0x10a: {  	v18 =	vld.idx.msk [tilespmem:v20+s3+$0x0], $0xffff;
	[tilespmem:s21+$0x0] =	vst v9;
	v9 =	vadd.s32 $0x3300, v1  }
0x10b: {  	s10 =	sor.u32 $0x5300, s17;
	[tilespmem:s1+$0x0] =	vst v19;
	v19 =	vadd.s32 $0x1180, v4;
	v11 =	vld.idx.msk [tilespmem:v11+s3+$0x0], $0xffff  }
0x10c: {  	v20 =	vor.u32 $0x100, v7;
	s21 =	sor.u32 s18, s10;
	s10 =	sor.u32 s16, s10;
	v15 =	vld.idx.msk [tilespmem:v15+s3+$0x0], $0xffff;
	[tilespmem:s28+$0x0] =	vst v10;
	s28 =	sadd.s32 $0x7480, s2  }
0x10d: {  	[tilespmem:s10+$0x0] =	vst v17;
	v10 =	vld.idx.msk [tilespmem:v13+s3+$0x0], $0xffff;
	v13 =	vadd.s32 $0x2280, v3;
	s29 =	sor.u32 s12, s28;
	s10 =	sor.u32 s23, s28  }
0x10e: {  	v17 =	vor.u32 $0x100, v6;
	v16 =	vld.idx.msk [tilespmem:v16+s3+$0x0], $0xffff;
	[tilespmem:s10+$0x0] =	vst v12  }
0x10f: {  	s10 =	sadd.s32 $0x6400, s14;
	v12 =	vadd.s32 $0x2280, v0;
	[tilespmem:s21+$0x0] =	vst v14;
	v9 =	vld.idx.msk [tilespmem:v9+s3+$0x0], $0xffff  }
0x110: {  	s21 =	sor.u32 s15, s10;
	s10 =	sor.u32 s13, s10;
	[tilespmem:s8+$0x80] =	vst v18;
	v14 =	vld.idx.msk [tilespmem:v19+s3+$0x0], $0xffff;
	v18 =	vadd.s32 $0x1200, v5  }
0x111: {  	v19 =	vld.idx.msk [tilespmem:v20+s3+$0x0], $0xffff;
	[tilespmem:s10+$0x0] =	vst v11;
	v11 =	vadd.s32 $0x3380, v1;
	v1 =	vmovc v3;
	v3 =	vmov v5;
	v5 =	vmov v7  }
0x112: {  	s10 =	sor.u32 $0x5380, s17;
	v7 =	vadd.s32 $0x1200, v4;
	[tilespmem:s1+$0x80] =	vst v15;
	v13 =	vld.idx.msk [tilespmem:v13+s3+$0x0], $0xffff  }
0x113: {  	v15 =	vor.u32 $0x180, v5;
	s4 =	sor.u32 s18, s10;
	s10 =	sor.u32 s16, s10;
	v17 =	vld.idx.msk [tilespmem:v17+s3+$0x0], $0xffff;
	[tilespmem:s21+$0x0] =	vst v10;
	s21 =	sadd.s32 $0x7500, s2  }
0x114: {  	[tilespmem:s10+$0x0] =	vst v16;
	v10 =	vld.idx.msk [tilespmem:v12+s3+$0x0], $0xffff;
	v16 =	vadd.s32 $0x2300, v1;
	s28 =	sor.u32 s12, s21;
	s10 =	sor.u32 s23, s21  }
0x115: {  	v20 =	vor.u32 $0x180, v6;
	v18 =	vld.idx.msk [tilespmem:v18+s3+$0x0], $0xffff;
	[tilespmem:s10+$0x0] =	vst v9  }
0x116: {  	v9 =	vadd.s32 $0x2300, v0;
	[tilespmem:s4+$0x0] =	vst v14;
	s4 =	sadd.s32 $0x6480, s14;
	v11 =	vld.idx.msk [tilespmem:v11+s3+$0x0], $0xffff  }
0x117: {  	[tilespmem:s8+$0x100] =	vst v19;
	v12 =	vld.idx.msk [tilespmem:v7+s3+$0x0], $0xffff;
	v19 =	vadd.s32 $0x1280, v3;
	s21 =	sor.u32 s15, s4;
	s4 =	sor.u32 s13, s4  }
.Ltmp0:
0x118: {  	v15 =	vld.idx.msk [tilespmem:v15+s3+$0x0], $0xffff;
	[tilespmem:s4+$0x0] =	vst v13;
	(pc) =	sbr.rel @p0 .LBB2_2-.Ltmp0, $4  }
0x119: {  	v14 =	vadd.s32 $0x1280, v4;
	s4 =	sadd.s32 $0x5400, s17;
	[tilespmem:s1+$0x100] =	vst v17;
	v7 =	vld.idx.msk [tilespmem:v16+s3+$0x0], $0xffff  }
0x11a: {  	s2 =	sadd.s32 $0x7580, s2;
	v17 =	vor.u32 $0x200, v5;
	s10 =	sor.u32 s18, s4;
	s4 =	sor.u32 s16, s4;
	v16 =	vld.idx.msk [tilespmem:v20+s3+$0x0], $0xffff;
	[tilespmem:s21+$0x0] =	vst v10  }
0x11b: {  	v10 =	vadd.s32 $0x2380, v1;
	s21 =	sor.u32 s12, s2;
	s2 =	sor.u32 s23, s2;
	s12 =	smov.u32 s15;
	[tilespmem:s4+$0x0] =	vst v18;
	v9 =	vld.idx.msk [tilespmem:v9+s3+$0x0], $0xffff  }
0x11c: {  	s22 =	sadd.s32 $0x20, s22;
	s15 =	smov.u32 s18;
	s18 =	smov.u32 s9;
	v18 =	vor.u32 $0x200, v6;
	v13 =	vld.idx.msk [tilespmem:v19+s3+$0x0], $0xffff;
	[tilespmem:s2+$0x0] =	vst v11  }
0x11d: {  	_ =	sdelay $0x2  }
0x11e: {  	[tilespmem:s8+$0x180] =	vst v15  }
0x11f: {  	v11 =	vld.idx.msk [tilespmem:v17+s3+$0x0], $0xffff;
	[tilespmem:s1+$0x180] =	vst v16  }
0x120: {  	v24 =	vor.u32 $0x280, v5;
	v23 =	vld.idx.msk [tilespmem:v18+s3+$0x0], $0xffff  }
0x121: {  	v25 =	vor.u32 $0x280, v6;
	_ =	sdelay $0x2  }
0x122: {  	[tilespmem:s8+$0x200] =	vst v11  }
0x123: {  	v11 =	vld.idx.msk [tilespmem:v24+s3+$0x0], $0xffff;
	[tilespmem:s1+$0x200] =	vst v23  }
0x124: {  	v26 =	vor.u32 $0x300, v5;
	v15 =	vld.idx.msk [tilespmem:v25+s3+$0x0], $0xffff  }
0x125: {  	v27 =	vor.u32 $0x300, v6;
	_ =	sdelay $0x2  }
0x126: {  	s2 =	sadd.s32 $0x1, s24;
	[tilespmem:s8+$0x280] =	vst v11  }
0x127: {  	s2 =	sand.u32 $0x3, s2;
	v11 =	vld.idx.msk [tilespmem:v26+s3+$0x0], $0xffff;
	[tilespmem:s1+$0x280] =	vst v15  }
0x128: {  	v28 =	vor.u32 $0x380, v5;
	s25 =	sshll.u32 s2, $0x5;
	v15 =	vld.idx.msk [tilespmem:v27+s3+$0x0], $0xffff  }
0x129: {  	v29 =	vor.u32 $0x380, v6;
	s1 =	sadd.s32 s25, s26  }
0x12a: {  	s31 =	sadd.s32 $0x10, s1  }
0x12b: {  	s4 =	sor.u32 $0x300, s31  }
0x12c: {  	s1 =	sor.u32 $0x300, s1;
	[tilespmem:s4+$0x4200] =	vst v11  }
0x12d: {  	v11 =	vld.idx.msk [tilespmem:v28+s3+$0x0], $0xffff;
	[tilespmem:s1+$0x4200] =	vst v15  }
0x12e: {  	v30 =	vadd.s32 $0x1000, v5;
	v15 =	vld.idx.msk [tilespmem:v29+s3+$0x0], $0xffff  }
0x12f: {  	v31 =	vadd.s32 $0x1000, v6;
	_ =	sdelay $0x1  }
0x130: {  	s4 =	sor.u32 $0x380, s31  }
0x131: {  	[tilespmem:s4+$0x4200] =	vst v11  }
0x132: {  	v11 =	vld.idx.msk [tilespmem:v30+s3+$0x0], $0xffff;
	[tilespmem:s0+$0x4200] =	vst v15  }
0x133: {  	v32 =	vadd.s32 $0x1080, v5;
	v15 =	vld.idx.msk [tilespmem:v31+s3+$0x0], $0xffff  }
0x134: {  	v33 =	vadd.s32 $0x1080, v6  }
0x135: {  	s8 =	sor.u32 $0x5200, s20  }
0x136: {  	s9 =	sor.u32 s19, s8  }
0x137: {  	s0 =	sor.u32 s18, s8;
	[tilespmem:s9+$0x0] =	vst v11  }
0x138: {  	v11 =	vld.idx.msk [tilespmem:v32+s3+$0x0], $0xffff;
	[tilespmem:s0+$0x0] =	vst v15  }
0x139: {  	v34 =	vadd.s32 $0x1100, v5;
	v15 =	vld.idx.msk [tilespmem:v33+s3+$0x0], $0xffff  }
0x13a: {  	v35 =	vadd.s32 $0x1100, v6  }
0x13b: {  	s22 =	sor.u32 $0x5280, s20  }
0x13c: {  	s23 =	sor.u32 s19, s22  }
0x13d: {  	s0 =	sor.u32 s18, s22;
	[tilespmem:s23+$0x0] =	vst v11  }
0x13e: {  	v11 =	vld.idx.msk [tilespmem:v34+s3+$0x0], $0xffff;
	[tilespmem:s0+$0x0] =	vst v15  }
0x13f: {  	v36 =	vadd.s32 $0x1180, v5;
	v15 =	vld.idx.msk [tilespmem:v35+s3+$0x0], $0xffff  }
0x140: {  	v37 =	vadd.s32 $0x1180, v6  }
0x141: {  	s24 =	sor.u32 $0x5300, s20  }
0x142: {  	s25 =	sor.u32 s19, s24  }
0x143: {  	s0 =	sor.u32 s18, s24;
	[tilespmem:s25+$0x0] =	vst v11  }
0x144: {  	v11 =	vld.idx.msk [tilespmem:v36+s3+$0x0], $0xffff;
	[tilespmem:s0+$0x0] =	vst v15  }
0x145: {  	v38 =	vadd.s32 $0x1200, v5;
	v15 =	vld.idx.msk [tilespmem:v37+s3+$0x0], $0xffff  }
0x146: {  	v39 =	vadd.s32 $0x1200, v6  }
0x147: {  	s26 =	sor.u32 $0x5380, s20  }
0x148: {  	s31 =	sor.u32 s19, s26  }
0x149: {  	s0 =	sor.u32 s18, s26;
	[tilespmem:s31+$0x0] =	vst v11  }
0x14a: {  	v11 =	vld.idx.msk [tilespmem:v38+s3+$0x0], $0xffff;
	[tilespmem:s0+$0x0] =	vst v15  }
0x14b: {  	v40 =	vadd.s32 $0x1280, v5;
	v15 =	vld.idx.msk [tilespmem:v39+s3+$0x0], $0xffff  }
0x14c: {  	v41 =	vadd.s32 $0x1280, v6  }
0x14d: {  	s1 =	sadd.s32 $0x5400, s20  }
0x14e: {  	[tilespmem:s10+$0x0] =	vst v12;
	v42 =	vadd.s32 $0x1300, v3;
	s2 =	sor.u32 s19, s1  }
0x14f: {  	v12 =	vld.idx.msk [tilespmem:v14+s3+$0x0], $0xffff;
	s0 =	sor.u32 s18, s1;
	[tilespmem:s2+$0x0] =	vst v11  }
0x150: {  	v43 =	vadd.s32 $0x1300, v4;
	s4 =	sadd.s32 $0x5480, s17;
	v16 =	vld.idx.msk [tilespmem:v40+s3+$0x0], $0xffff;
	[tilespmem:s0+$0x0] =	vst v15  }
0x151: {  	v44 =	vadd.s32 $0x1300, v5;
	s8 =	sor.u32 s16, s4;
	v15 =	vld.idx.msk [tilespmem:v41+s3+$0x0], $0xffff  }
0x152: {  	v45 =	vadd.s32 $0x1300, v6;
	[tilespmem:s8+$0x0] =	vst v13  }
0x153: {  	v13 =	vld.idx.msk [tilespmem:v42+s3+$0x0], $0xffff;
	s9 =	sadd.s32 $0x5480, s20;
	s0 =	sor.u32 s15, s4  }
0x154: {  	v46 =	vadd.s32 $0x1380, v3;
	s10 =	sor.u32 s19, s9;
	[tilespmem:s0+$0x0] =	vst v12  }
0x155: {  	s1 =	sor.u32 s18, s9;
	v11 =	vld.idx.msk [tilespmem:v43+s3+$0x0], $0xffff;
	[tilespmem:s10+$0x0] =	vst v16  }
0x156: {  	v47 =	vadd.s32 $0x1380, v4;
	s22 =	sadd.s32 $0x5500, s17;
	v16 =	vld.idx.msk [tilespmem:v44+s3+$0x0], $0xffff;
	[tilespmem:s1+$0x0] =	vst v15  }
0x157: {  	v48 =	vadd.s32 $0x1380, v5;
	s23 =	sor.u32 s16, s22;
	v15 =	vld.idx.msk [tilespmem:v45+s3+$0x0], $0xffff  }
0x158: {  	v49 =	vadd.s32 $0x1380, v6;
	[tilespmem:s23+$0x0] =	vst v13  }
0x159: {  	s24 =	sadd.s32 $0x5500, s20;
	s0 =	sor.u32 s15, s22;
	v12 =	vld.idx.msk [tilespmem:v46+s3+$0x0], $0xffff  }
0x15a: {  	v50 =	vadd.s32 $0x2000, v3;
	s25 =	sor.u32 s19, s24;
	[tilespmem:s0+$0x0] =	vst v11  }
0x15b: {  	s1 =	sor.u32 s18, s24;
	v11 =	vld.idx.msk [tilespmem:v47+s3+$0x0], $0xffff;
	[tilespmem:s25+$0x0] =	vst v16  }
0x15c: {  	v51 =	vadd.s32 $0x2000, v4;
	s26 =	sadd.s32 $0x5580, s17;
	v16 =	vld.idx.msk [tilespmem:v48+s3+$0x0], $0xffff;
	[tilespmem:s1+$0x0] =	vst v15  }
0x15d: {  	v52 =	vadd.s32 $0x2000, v5;
	s31 =	sor.u32 s16, s26;
	v15 =	vld.idx.msk [tilespmem:v49+s3+$0x0], $0xffff  }
0x15e: {  	v53 =	vadd.s32 $0x2000, v6;
	[tilespmem:s31+$0x0] =	vst v12  }
0x15f: {  	s2 =	sadd.s32 $0x5580, s20;
	s0 =	sor.u32 s15, s26;
	v12 =	vld.idx.msk [tilespmem:v50+s3+$0x0], $0xffff  }
0x160: {  	v54 =	vadd.s32 $0x2080, v3;
	s4 =	sor.u32 s19, s2;
	[tilespmem:s0+$0x0] =	vst v11  }
0x161: {  	s1 =	sor.u32 s18, s2;
	v11 =	vld.idx.msk [tilespmem:v51+s3+$0x0], $0xffff;
	[tilespmem:s4+$0x0] =	vst v16  }
0x162: {  	v55 =	vadd.s32 $0x2080, v4;
	s8 =	sor.u32 $0x6200, s17;
	v16 =	vld.idx.msk [tilespmem:v52+s3+$0x0], $0xffff;
	[tilespmem:s1+$0x0] =	vst v15  }
0x163: {  	v56 =	vadd.s32 $0x2080, v5;
	s9 =	sor.u32 s16, s8;
	v15 =	vld.idx.msk [tilespmem:v53+s3+$0x0], $0xffff  }
0x164: {  	v57 =	vadd.s32 $0x2080, v6;
	[tilespmem:s9+$0x0] =	vst v12  }
0x165: {  	s10 =	sor.u32 $0x6200, s20;
	s0 =	sor.u32 s15, s8;
	v12 =	vld.idx.msk [tilespmem:v54+s3+$0x0], $0xffff  }
0x166: {  	v58 =	vadd.s32 $0x2100, v3;
	s22 =	sor.u32 s19, s10;
	[tilespmem:s0+$0x0] =	vst v11  }
0x167: {  	s23 =	sor.u32 s18, s10;
	v11 =	vld.idx.msk [tilespmem:v55+s3+$0x0], $0xffff;
	[tilespmem:s22+$0x0] =	vst v16  }
0x168: {  	v59 =	vadd.s32 $0x2100, v4;
	s24 =	sor.u32 $0x6280, s17;
	v16 =	vld.idx.msk [tilespmem:v56+s3+$0x0], $0xffff;
	[tilespmem:s23+$0x0] =	vst v15  }
0x169: {  	v60 =	vadd.s32 $0x2100, v5;
	s25 =	sor.u32 s16, s24;
	v15 =	vld.idx.msk [tilespmem:v57+s3+$0x0], $0xffff  }
0x16a: {  	v61 =	vadd.s32 $0x2100, v6;
	[tilespmem:s25+$0x0] =	vst v12  }
0x16b: {  	s26 =	sor.u32 $0x6280, s20;
	s0 =	sor.u32 s15, s24;
	v12 =	vld.idx.msk [tilespmem:v58+s3+$0x0], $0xffff  }
0x16c: {  	v62 =	vadd.s32 $0x2180, v3;
	s31 =	sor.u32 s19, s26;
	[tilespmem:s0+$0x0] =	vst v11  }
0x16d: {  	s1 =	sor.u32 s18, s26;
	v11 =	vld.idx.msk [tilespmem:v59+s3+$0x0], $0xffff;
	[tilespmem:s31+$0x0] =	vst v16  }
0x16e: {  	v63 =	vadd.s32 $0x2180, v4;
	s2 =	sor.u32 $0x6300, s17;
	v16 =	vld.idx.msk [tilespmem:v60+s3+$0x0], $0xffff;
	[tilespmem:s1+$0x0] =	vst v15  }
0x16f: {  	v21 =	vadd.s32 $0x2180, v5;
	s4 =	sor.u32 s16, s2;
	v15 =	vld.idx.msk [tilespmem:v61+s3+$0x0], $0xffff  }
0x170: {  	v22 =	vadd.s32 $0x2180, v6;
	[tilespmem:s4+$0x0] =	vst v12  }
0x171: {  	s8 =	sor.u32 $0x6300, s20;
	s0 =	sor.u32 s15, s2;
	v12 =	vld.idx.msk [tilespmem:v62+s3+$0x0], $0xffff  }
0x172: {  	v23 =	vadd.s32 $0x2200, v3;
	s9 =	sor.u32 s19, s8;
	[tilespmem:s0+$0x0] =	vst v11  }
0x173: {  	s1 =	sor.u32 s18, s8;
	v11 =	vld.idx.msk [tilespmem:v63+s3+$0x0], $0xffff;
	[tilespmem:s9+$0x0] =	vst v16  }
0x174: {  	v24 =	vadd.s32 $0x2200, v4;
	s10 =	sor.u32 $0x6380, s17;
	v16 =	vld.idx.msk [tilespmem:v21+s3+$0x0], $0xffff;
	[tilespmem:s1+$0x0] =	vst v15  }
0x175: {  	v25 =	vadd.s32 $0x2200, v5;
	s22 =	sor.u32 s16, s10;
	v15 =	vld.idx.msk [tilespmem:v22+s3+$0x0], $0xffff  }
0x176: {  	v26 =	vadd.s32 $0x2200, v6;
	[tilespmem:s22+$0x0] =	vst v12  }
0x177: {  	s23 =	sor.u32 $0x6380, s20;
	s0 =	sor.u32 s15, s10;
	v12 =	vld.idx.msk [tilespmem:v23+s3+$0x0], $0xffff  }
0x178: {  	v27 =	vadd.s32 $0x2280, v3;
	s24 =	sor.u32 s19, s23;
	[tilespmem:s0+$0x0] =	vst v11  }
0x179: {  	s25 =	sadd.s32 $0x6500, s14;
	s1 =	sor.u32 s18, s23;
	v11 =	vld.idx.msk [tilespmem:v24+s3+$0x0], $0xffff;
	[tilespmem:s24+$0x0] =	vst v16  }
0x17a: {  	v28 =	vadd.s32 $0x2280, v4;
	s26 =	sor.u32 s13, s25;
	s31 =	sadd.s32 $0x6400, s17;
	v29 =	vld.idx.msk [tilespmem:v25+s3+$0x0], $0xffff;
	[tilespmem:s1+$0x0] =	vst v15  }
0x17b: {  	v31 =	vadd.s32 $0x2280, v5;
	[tilespmem:s26+$0x0] =	vst v7;
	s2 =	sor.u32 s16, s31;
	v30 =	vld.idx.msk [tilespmem:v26+s3+$0x0], $0xffff  }
0x17c: {  	v32 =	vadd.s32 $0x2280, v6;
	[tilespmem:s2+$0x0] =	vst v12;
	s0 =	sor.u32 s12, s25  }
0x17d: {  	v34 =	vadd.s32 $0x3280, v2;
	s4 =	sadd.s32 $0x6400, s20;
	v13 =	vld.idx.msk [tilespmem:v27+s3+$0x0], $0xffff;
	[tilespmem:s0+$0x0] =	vst v9;
	s1 =	sor.u32 s15, s31  }
0x17e: {  	v35 =	vadd.s32 $0x2300, v3;
	v10 =	vld.idx.msk [tilespmem:v10+s3+$0x0], $0xffff;
	s8 =	sor.u32 s19, s4;
	[tilespmem:s1+$0x0] =	vst v11  }
0x17f: {  	v33 =	vadd.s32 $0x2380, v0;
	s0 =	sor.u32 s18, s4;
	v11 =	vld.idx.msk [tilespmem:v28+s3+$0x0], $0xffff;
	[tilespmem:s8+$0x0] =	vst v29  }
0x180: {  	v36 =	vadd.s32 $0x2300, v4;
	s22 =	sadd.s32 $0x6480, s17;
	v16 =	vld.idx.msk [tilespmem:v31+s3+$0x0], $0xffff;
	[tilespmem:s0+$0x0] =	vst v30  }
0x181: {  	[tilespmem:s30+$0x0] =	vst v8;
	v37 =	vadd.s32 $0x2300, v5;
	s9 =	sadd.s32 $0x6580, s14;
	s23 =	sor.u32 s16, s22;
	v7 =	vld.idx.msk [tilespmem:v32+s3+$0x0], $0xffff  }
0x182: {  	v39 =	vadd.s32 $0x2300, v6;
	s10 =	sor.u32 s13, s9;
	v12 =	vld.idx.msk [tilespmem:v34+s3+$0x0], $0xffff;
	[tilespmem:s23+$0x0] =	vst v13  }
0x183: {  	v48 =	vadd.s32 $0x3300, v2;
	[tilespmem:s10+$0x0] =	vst v10;
	s2 =	sor.u32 s15, s22;
	s24 =	sadd.s32 $0x6480, s20;
	v14 =	vld.idx.msk [tilespmem:v35+s3+$0x0], $0xffff  }
0x184: {  	v42 =	vadd.s32 $0x2380, v3;
	v38 =	vld.idx.msk [tilespmem:v33+s3+$0x0], $0xffff;
	s25 =	sor.u32 s19, s24;
	[tilespmem:s2+$0x0] =	vst v11  }
0x185: {  	v41 =	vadd.s32 $0x3000, v0;
	s0 =	sor.u32 s18, s24;
	v11 =	vld.idx.msk [tilespmem:v36+s3+$0x0], $0xffff;
	[tilespmem:s25+$0x0] =	vst v16  }
0x186: {  	s30 =	sadd.s32 $0x6500, s17;
	v43 =	vadd.s32 $0x2380, v4;
	v8 =	vld.idx.msk [tilespmem:v37+s3+$0x0], $0xffff;
	[tilespmem:s0+$0x0] =	vst v7  }
0x187: {  	v45 =	vadd.s32 $0x2380, v5;
	[tilespmem:s29+$0x0] =	vst v12;
	s31 =	sor.u32 s16, s30;
	v44 =	vld.idx.msk [tilespmem:v39+s3+$0x0], $0xffff  }
0x188: {  	v47 =	vadd.s32 $0x2380, v6;
	s26 =	sor.u32 s12, s9;
	v54 =	vld.idx.msk [tilespmem:v48+s3+$0x0], $0xffff;
	[tilespmem:s31+$0x0] =	vst v14  }
0x189: {  	v40 =	vadd.s32 $0x3000, v1;
	[tilespmem:s26+$0x0] =	vst v38;
	s2 =	sadd.s32 $0x6500, s20;
	v15 =	vld.idx.msk [tilespmem:v42+s3+$0x0], $0xffff;
	s0 =	sor.u32 s15, s30  }
0x18a: {  	v57 =	vadd.s32 $0x3380, v2;
	v13 =	vld.idx.msk [tilespmem:v41+s3+$0x0], $0xffff;
	s4 =	sor.u32 s19, s2;
	[tilespmem:s0+$0x0] =	vst v11  }
0x18b: {  	v50 =	vadd.s32 $0x3000, v3;
	s1 =	sor.u32 s18, s2;
	v7 =	vld.idx.msk [tilespmem:v43+s3+$0x0], $0xffff;
	[tilespmem:s4+$0x0] =	vst v8  }
0x18c: {  	v51 =	vadd.s32 $0x3000, v4;
	s10 =	sadd.s32 $0x6580, s17;
	v10 =	vld.idx.msk [tilespmem:v45+s3+$0x0], $0xffff;
	[tilespmem:s1+$0x0] =	vst v44  }
0x18d: {  	v53 =	vadd.s32 $0x3000, v5;
	s22 =	sor.u32 s16, s10;
	s8 =	sor.u32 $0x7200, s14;
	[tilespmem:s28+$0x0] =	vst v54;
	v52 =	vld.idx.msk [tilespmem:v47+s3+$0x0], $0xffff  }
0x18e: {  	v55 =	vadd.s32 $0x3000, v6;
	v46 =	vld.idx.msk [tilespmem:v40+s3+$0x0], $0xffff;
	[tilespmem:s22+$0x0] =	vst v15;
	s0 =	sor.u32 s12, s8  }
0x18f: {  	v49 =	vadd.s32 $0x3080, v1;
	s23 =	sadd.s32 $0x6580, s20;
	v2 =	vld.idx.msk [tilespmem:v57+s3+$0x0], $0xffff;
	[tilespmem:s0+$0x0] =	vst v13;
	s1 =	sor.u32 s15, s10  }
0x190: {  	v56 =	vadd.s32 $0x3080, v0;
	s24 =	sor.u32 s19, s23;
	v8 =	vld.idx.msk [tilespmem:v50+s3+$0x0], $0xffff;
	[tilespmem:s1+$0x0] =	vst v7  }
0x191: {  	v58 =	vadd.s32 $0x3080, v3;
	s0 =	sor.u32 s18, s23;
	v7 =	vld.idx.msk [tilespmem:v51+s3+$0x0], $0xffff;
	[tilespmem:s24+$0x0] =	vst v10  }
0x192: {  	v59 =	vadd.s32 $0x3080, v4;
	s9 =	sor.u32 s13, s8;
	v12 =	vld.idx.msk [tilespmem:v53+s3+$0x0], $0xffff;
	[tilespmem:s0+$0x0] =	vst v52  }
0x193: {  	v60 =	vadd.s32 $0x3080, v5;
	s28 =	sor.u32 $0x7200, s17;
	[tilespmem:s9+$0x0] =	vst v46;
	v11 =	vld.idx.msk [tilespmem:v55+s3+$0x0], $0xffff  }
0x194: {  	v62 =	vadd.s32 $0x3080, v6;
	s29 =	sor.u32 s16, s28;
	v14 =	vld.idx.msk [tilespmem:v49+s3+$0x0], $0xffff;
	[tilespmem:s21+$0x0] =	vst v2  }
0x195: {  	v63 =	vadd.s32 $0x3100, v1;
	s2 =	sor.u32 s15, s28;
	s30 =	sor.u32 $0x7200, s20;
	v61 =	vld.idx.msk [tilespmem:v56+s3+$0x0], $0xffff;
	[tilespmem:s29+$0x0] =	vst v8  }
0x196: {  	v20 =	vadd.s32 $0x3100, v0;
	s31 =	sor.u32 s19, s30;
	v9 =	vld.idx.msk [tilespmem:v58+s3+$0x0], $0xffff;
	[tilespmem:s2+$0x0] =	vst v7  }
0x197: {  	v21 =	vadd.s32 $0x3100, v3;
	s25 =	sor.u32 $0x7280, s14;
	s0 =	sor.u32 s18, s30;
	v7 =	vld.idx.msk [tilespmem:v59+s3+$0x0], $0xffff;
	[tilespmem:s31+$0x0] =	vst v12  }
0x198: {  	v22 =	vadd.s32 $0x3100, v4;
	s26 =	sor.u32 s13, s25;
	v12 =	vld.idx.msk [tilespmem:v60+s3+$0x0], $0xffff;
	[tilespmem:s0+$0x0] =	vst v11  }
0x199: {  	v24 =	vadd.s32 $0x3100, v5;
	[tilespmem:s26+$0x0] =	vst v14;
	s4 =	sor.u32 $0x7280, s17;
	s2 =	sor.u32 s12, s25;
	v23 =	vld.idx.msk [tilespmem:v62+s3+$0x0], $0xffff  }
0x19a: {  	v26 =	vadd.s32 $0x3100, v6;
	v25 =	vld.idx.msk [tilespmem:v63+s3+$0x0], $0xffff;
	s8 =	sor.u32 s16, s4;
	[tilespmem:s2+$0x0] =	vst v61  }
0x19b: {  	v27 =	vadd.s32 $0x3180, v1;
	s9 =	sor.u32 $0x7280, s20;
	v8 =	vld.idx.msk [tilespmem:v20+s3+$0x0], $0xffff;
	[tilespmem:s8+$0x0] =	vst v9;
	s0 =	sor.u32 s15, s4  }
0x19c: {  	v28 =	vadd.s32 $0x3180, v0;
	s10 =	sor.u32 s19, s9;
	v10 =	vld.idx.msk [tilespmem:v21+s3+$0x0], $0xffff;
	[tilespmem:s0+$0x0] =	vst v7  }
0x19d: {  	v29 =	vadd.s32 $0x3180, v3;
	s21 =	sor.u32 $0x7300, s14;
	s1 =	sor.u32 s18, s9;
	v7 =	vld.idx.msk [tilespmem:v22+s3+$0x0], $0xffff;
	[tilespmem:s10+$0x0] =	vst v12  }
0x19e: {  	v30 =	vadd.s32 $0x3180, v4;
	s22 =	sor.u32 s13, s21;
	v31 =	vld.idx.msk [tilespmem:v24+s3+$0x0], $0xffff;
	[tilespmem:s1+$0x0] =	vst v23  }
0x19f: {  	v32 =	vadd.s32 $0x3180, v5;
	s23 =	sor.u32 $0x7300, s17;
	[tilespmem:s22+$0x0] =	vst v25;
	s0 =	sor.u32 s12, s21;
	v2 =	vld.idx.msk [tilespmem:v26+s3+$0x0], $0xffff  }
0x1a0: {  	v33 =	vadd.s32 $0x3180, v6;
	v15 =	vld.idx.msk [tilespmem:v27+s3+$0x0], $0xffff;
	s24 =	sor.u32 s16, s23;
	[tilespmem:s0+$0x0] =	vst v8  }
0x1a1: {  	v34 =	vadd.s32 $0x3200, v1;
	s25 =	sor.u32 $0x7300, s20;
	v9 =	vld.idx.msk [tilespmem:v28+s3+$0x0], $0xffff;
	[tilespmem:s24+$0x0] =	vst v10;
	s1 =	sor.u32 s15, s23  }
0x1a2: {  	v35 =	vadd.s32 $0x3200, v0;
	s26 =	sor.u32 s19, s25;
	v11 =	vld.idx.msk [tilespmem:v29+s3+$0x0], $0xffff;
	[tilespmem:s1+$0x0] =	vst v7  }
0x1a3: {  	s28 =	sor.u32 $0x7380, s14;
	v36 =	vadd.s32 $0x3200, v3;
	s0 =	sor.u32 s18, s25;
	v7 =	vld.idx.msk [tilespmem:v30+s3+$0x0], $0xffff;
	[tilespmem:s26+$0x0] =	vst v31  }
0x1a4: {  	v37 =	vadd.s32 $0x3200, v4;
	s29 =	sor.u32 s13, s28;
	v13 =	vld.idx.msk [tilespmem:v32+s3+$0x0], $0xffff;
	[tilespmem:s0+$0x0] =	vst v2  }
0x1a5: {  	v38 =	vadd.s32 $0x3200, v5;
	[tilespmem:s29+$0x0] =	vst v15;
	s30 =	sor.u32 $0x7380, s17;
	s1 =	sor.u32 s12, s28;
	v8 =	vld.idx.msk [tilespmem:v33+s3+$0x0], $0xffff  }
0x1a6: {  	v39 =	vadd.s32 $0x3200, v6;
	v15 =	vld.idx.msk [tilespmem:v34+s3+$0x0], $0xffff;
	s31 =	sor.u32 s16, s30;
	[tilespmem:s1+$0x0] =	vst v9  }
0x1a7: {  	v40 =	vadd.s32 $0x3280, v1;
	s2 =	sor.u32 $0x7380, s20;
	v10 =	vld.idx.msk [tilespmem:v35+s3+$0x0], $0xffff;
	[tilespmem:s31+$0x0] =	vst v11;
	s0 =	sor.u32 s15, s30  }
0x1a8: {  	v41 =	vadd.s32 $0x3280, v0;
	s4 =	sor.u32 s19, s2;
	v12 =	vld.idx.msk [tilespmem:v36+s3+$0x0], $0xffff;
	[tilespmem:s0+$0x0] =	vst v7  }
0x1a9: {  	v42 =	vadd.s32 $0x3280, v3;
	s8 =	sadd.s32 $0x7400, s14;
	s1 =	sor.u32 s18, s2;
	v2 =	vld.idx.msk [tilespmem:v37+s3+$0x0], $0xffff;
	[tilespmem:s4+$0x0] =	vst v13  }
0x1aa: {  	v43 =	vadd.s32 $0x3280, v4;
	s9 =	sor.u32 s13, s8;
	v13 =	vld.idx.msk [tilespmem:v38+s3+$0x0], $0xffff;
	[tilespmem:s1+$0x0] =	vst v8  }
0x1ab: {  	v44 =	vadd.s32 $0x3280, v5;
	[tilespmem:s9+$0x0] =	vst v15;
	s10 =	sadd.s32 $0x7400, s17;
	s0 =	sor.u32 s12, s8;
	v9 =	vld.idx.msk [tilespmem:v39+s3+$0x0], $0xffff  }
0x1ac: {  	v45 =	vadd.s32 $0x3280, v6;
	v15 =	vld.idx.msk [tilespmem:v40+s3+$0x0], $0xffff;
	s21 =	sor.u32 s16, s10;
	[tilespmem:s0+$0x0] =	vst v10  }
0x1ad: {  	v46 =	vadd.s32 $0x3300, v1;
	s22 =	sor.u32 s15, s10;
	s23 =	sadd.s32 $0x7400, s20;
	v11 =	vld.idx.msk [tilespmem:v41+s3+$0x0], $0xffff;
	[tilespmem:s21+$0x0] =	vst v12  }
0x1ae: {  	v47 =	vadd.s32 $0x3300, v0;
	s24 =	sor.u32 s19, s23;
	v7 =	vld.idx.msk [tilespmem:v42+s3+$0x0], $0xffff;
	[tilespmem:s22+$0x0] =	vst v2  }
0x1af: {  	v48 =	vadd.s32 $0x3300, v3;
	s25 =	sadd.s32 $0x7480, s14;
	s1 =	sor.u32 s18, s23;
	v8 =	vld.idx.msk [tilespmem:v43+s3+$0x0], $0xffff;
	[tilespmem:s24+$0x0] =	vst v13  }
0x1b0: {  	v49 =	vadd.s32 $0x3300, v4;
	s26 =	sor.u32 s13, s25;
	v13 =	vld.idx.msk [tilespmem:v44+s3+$0x0], $0xffff;
	[tilespmem:s1+$0x0] =	vst v9  }
0x1b1: {  	v50 =	vadd.s32 $0x3300, v5;
	s28 =	sadd.s32 $0x7480, s17;
	[tilespmem:s26+$0x0] =	vst v15;
	s0 =	sor.u32 s12, s25;
	v10 =	vld.idx.msk [tilespmem:v45+s3+$0x0], $0xffff  }
0x1b2: {  	v51 =	vadd.s32 $0x3300, v6;
	s29 =	sor.u32 s16, s28;
	v15 =	vld.idx.msk [tilespmem:v46+s3+$0x0], $0xffff;
	[tilespmem:s0+$0x0] =	vst v11  }
0x1b3: {  	v52 =	vadd.s32 $0x3380, v1;
	s30 =	sadd.s32 $0x7480, s20;
	v12 =	vld.idx.msk [tilespmem:v47+s3+$0x0], $0xffff;
	[tilespmem:s29+$0x0] =	vst v7;
	s1 =	sor.u32 s15, s28  }
0x1b4: {  	v53 =	vadd.s32 $0x3380, v0;
	s31 =	sor.u32 s19, s30;
	v2 =	vld.idx.msk [tilespmem:v48+s3+$0x0], $0xffff;
	[tilespmem:s1+$0x0] =	vst v8  }
0x1b5: {  	v54 =	vadd.s32 $0x3380, v3;
	s2 =	sadd.s32 $0x7500, s14;
	s0 =	sor.u32 s18, s30;
	v55 =	vld.idx.msk [tilespmem:v49+s3+$0x0], $0xffff;
	[tilespmem:s31+$0x0] =	vst v13  }
0x1b6: {  	v56 =	vadd.s32 $0x3380, v4;
	s4 =	sor.u32 s13, s2;
	v57 =	vld.idx.msk [tilespmem:v50+s3+$0x0], $0xffff;
	[tilespmem:s0+$0x0] =	vst v10  }
0x1b7: {  	v58 =	vadd.s32 $0x3380, v5;
	s8 =	sadd.s32 $0x7500, s17;
	[tilespmem:s4+$0x0] =	vst v15;
	s1 =	sor.u32 s12, s2;
	v59 =	vld.idx.msk [tilespmem:v51+s3+$0x0], $0xffff  }
0x1b8: {  	v60 =	vadd.s32 $0x3380, v6;
	s9 =	sor.u32 s16, s8;
	v1 =	vld.idx.msk [tilespmem:v52+s3+$0x0], $0xffff;
	[tilespmem:s1+$0x0] =	vst v12  }
0x1b9: {  	s10 =	sadd.s32 $0x7500, s20;
	v0 =	vld.idx.msk [tilespmem:v53+s3+$0x0], $0xffff;
	[tilespmem:s9+$0x0] =	vst v2;
	s0 =	sor.u32 s15, s8  }
0x1ba: {  	s21 =	sor.u32 s19, s10;
	v2 =	vld.idx.msk [tilespmem:v54+s3+$0x0], $0xffff;
	[tilespmem:s0+$0x0] =	vst v55  }
0x1bb: {  	s22 =	sadd.s32 $0x7580, s14;
	s1 =	sor.u32 s18, s10;
	v61 =	vld.idx.msk [tilespmem:v56+s3+$0x0], $0xffff;
	[tilespmem:s21+$0x0] =	vst v57  }
0x1bc: {  	s23 =	sor.u32 s13, s22;
	v62 =	vld.idx.msk [tilespmem:v58+s3+$0x0], $0xffff;
	[tilespmem:s1+$0x0] =	vst v59  }
0x1bd: {  	s24 =	sadd.s32 $0x7580, s17;
	[tilespmem:s23+$0x0] =	vst v1;
	s0 =	sor.u32 s12, s22;
	v63 =	vld.idx.msk [tilespmem:v60+s3+$0x0], $0xffff  }
0x1be: {  	s25 =	sor.u32 s16, s24;
	[tilespmem:s0+$0x0] =	vst v0  }
0x1bf: {  	s26 =	sadd.s32 $0x7580, s20;
	[tilespmem:s25+$0x0] =	vst v2;
	s1 =	sor.u32 s15, s24  }
0x1c0: {  	s11 =	sadd.s32 $0x1, s11;
	s28 =	sor.u32 s19, s26;
	[tilespmem:s1+$0x0] =	vst v61  }
0x1c1: {  	p0 =	sne.s32 s11, s6;
	s30 =	simm.s32 $0x100000;
	s0 =	sor.u32 s18, s26;
	[tilespmem:s28+$0x0] =	vst v62  }
.Ltmp1:
0x1c2: {  	s29 =	simm.s32 $0x1000;
	s31 =	simm.s32 $0x4200;
	[tilespmem:s0+$0x0] =	vst v63;
	(pc) =	sbr.rel @p0 .LBB2_1-.Ltmp1, $4  }
0x1c3: {  	[hbm4b:s5+s29] =	stream.strided.scatter [tilespmem:s31], [sflag:$0x1], $0x4000, s30, s29, $0x38;
	[tilespmem:$0x8200] =	vst v63  }
0x1c4: {  	_ =	swait.ge [sflag:s7], $0x4000  }
0x1c5: {  	[sflag:s7] =	ssyncset.done $0x0  }
0x1c6: {  	[sflag:s7] =	ssyncadd.s32 $0xFFFFC000  }
0x1c7: {  	_ =	sfence.sel $0x180000  }
0x1c8: {  	[bflag:$0x0] =	sbarrier.arrive $0xFFFF  }
0x1c9: {  	_ =	strace $0x9000004D  }
0x1ca: {  	s0 =	stileid.u32;
	[bflag:$0x2] =	sbarrier.arrive $0xFFFF  }
0x1cb: {  	p0 =	sne.s32 s0, $0x0;
	s0 =	rddreg [dreg:$0x3]  }
0x1cc: {  	s0 =	sadd.s32 @!p0 $0x100000, s0  }
0x1cd: {  	[sflag:s0] =	ssyncadd.tile.s32 @!p0 $0x1;
	_ =	shalt  }
.Lfunc_end2:
_tile_overlayer_lowered:
.L_overlay_start_2:
0x1ce: {  	(tag) =	ssettag $0x2  }
0x1cf: {  	s0 =	rddreg [dreg:$0x0];
	s2 =	stileid.u32  }
0x1d0: {  	s1 =	rddreg [dreg:$0x1];
	p0 =	sne.s32 s2, $0x0  }
0x1d1: {  	s3 =	rddreg [dreg:$0x2];
	[bflag:$0x3] =	sbarrier.arrive $0xFFFF;
	s2 =	simm.s32 @!p0 $0x1C01  }
0x1d2: {  	[timem:s3], [sflag:s2] =	dma.local @!p0 [hbm:s0], s1  }
0x1d3: {  	s0 =	simm.s32 @!p0 $0x1  }
0x1d4: {  	_ =	swait.ge @!p0 [sflag:s0], s1  }
0x1d5: {  	s1 =	ssub.s32 @!p0 $0x0, s1;
	[sflag:s0] =	ssyncset.done @!p0 $0x0  }
0x1d6: {  	[sflag:s0] =	ssyncadd.s32 @!p0 s1  }
0x1d7: {  	[bflag:$0x3] =	sbarrier.arrive $0xFFFF  }
0x1d8: {  	_ =	shalt  }

// kernel: kernel.8.cloned.1.call-start
scs
__scs_entry_jumppad:
0x0: {  	(pc) =	sbr.rel $0x88, $3  }
0x1: {  	(tag) =	ssettag $0x0;
	lr =	simm.s32 $0x1  }
0x2: {  	[smem:$0x3F9F] =	sst lr;
	_ =	strace $0xD0000000  }
0x3: {  	_ = 	snop  }
0x4: {  	_ = 	snop  }
0x5: {  	_ = 	snop  }
0x6: {  	_ = 	snop  }
0x7: {  	_ = 	snop  }
__scs_overlays_trampoline_lowered:
0x8: {  	[smem:$0x3FAE] =	sst s0  }
0x9: {  	[smem:$0x3FAF] =	sst s1  }
0xa: {  	[smem:$0x3FB0] =	sst s2  }
0xb: {  	[smem:$0x3FB1] =	sst s3  }
0xc: {  	[smem:$0x3FB2] =	sst s4  }
0xd: {  	[smem:$0x3FB3] =	sst s5  }
0xe: {  	[smem:$0x3FB4] =	sst s6  }
0xf: {  	[smem:$0x3FB5] =	sst s7  }
0x10: {  	[smem:$0x3FB6] =	sst s8  }
0x11: {  	[smem:$0x3FB7] =	sst s9;
	s0 =	simm.s32 @!p0 $0x0  }
0x12: {  	s1 =	sld [smem:$0x3F9D];
	s0 =	simm.s32 @p0 $0x1  }
0x13: {  	[smem:$0x3FB8] =	sst s0;
	s0 =	simm.s32 @!p1 $0x0  }
0x14: {  	s2 =	sld [smem:$0x3F9C];
	s0 =	simm.s32 @p1 $0x1  }
0x15: {  	[smem:$0x3FB9] =	sst s0;
	s0 =	simm.s32 @!p2 $0x0  }
0x16: {  	s3 =	sld [smem:$0x3FDB];
	s0 =	simm.s32 @p2 $0x1  }
0x17: {  	s4 =	simm.s32 $0x1BF5;
	[smem:$0x3FBB] =	sst s0  }
0x18: {  	s0 =	sld [smem:$0x3F9E];
	_ =	swait.ge [sflag:s4], $0x0  }
0x19: {  	s7 =	sld [smem:$0x3F9F]  }
0x1a: {  	s8 =	sadd.s32 $0xFFFFE003, lr  }
0x1b: {  	s9 =	sadd.s32 $0xFFFFFEF7, lr;
	s5 =	simm.s32 $0xFFFFFFFF;
	p2 =	slt.u32 s8, $0xFFFFF086  }
0x1c: {  	p1 =	slt.u32 s9, $0xF7A;
	s5 =	simm.s32 @!p2 $0x0  }
0x1d: {  	s5 =	simm.s32 @p1 $0x1;
	p0 =	seq.s32 s7, s2  }
0x1e: {  	s7 =	smul.u32 @!p0 $0xF7A, s2;
	p2 =	seq.s32 @!p0 s5, $0x0  }
0x1f: {  	s9 =	smul.u32 $0xF7A, s1;
	s8 =	simm.s32 @!p0 $0x1BF5;
	p2 =	por !p2, p0  }
0x20: {  	[sflag:s8] =	ssyncset.s32 @!p0 $0xFFFFF086;
	s6 =	sadd.s32 @!p0 s3, s7;
	s7 =	simm.s32 @!p0 $0x108  }
0x21: {  	s3 =	sadd.s32 s3, s9;
	s6 =	sadd.s32 @!p0 $0x88, s6;
	s7 =	simm.s32 @p2 $0x1082  }
0x22: {  	[simem:s7], [sflag:s8] =	dma.local @!p0 [hbm:s6], $0xF7A  }
0x23: {  	s9 =	sor.u32 $0xD0000000, s2;
	s6 =	simm.s32 $0x108;
	_ =	swait.ge @!p0 [sflag:s8], $0x0  }
0x24: {  	s3 =	sadd.s32 $0x88, s3;
	s6 =	simm.s32 @!p1 $0x1082;
	[sflag:s4] =	ssyncset.s32 $0xFFFFF086  }
0x25: {  	[simem:s6], [sflag:s4] =	dma.local [hbm:s3], $0xF7A  }
0x26: {  	[smem:$0x3F9F] =	sst s1;
	(tag) =	ssettag s2;
	_ =	strace s9  }
0x27: {  	s1 =	sld [smem:$0x3FAF]  }
0x28: {  	s2 =	sld [smem:$0x3FB0]  }
0x29: {  	s4 =	sld [smem:$0x3FB2]  }
0x2a: {  	p0 =	seq.s32 s5, $0x0;
	s5 =	sld [smem:$0x3FB3]  }
0x2b: {  	s6 =	sld [smem:$0x3FB4]  }
0x2c: {  	s7 =	sld [smem:$0x3FB5]  }
0x2d: {  	s3 =	simm.s32 $0x108;
	s8 =	sld [smem:$0x3FB6]  }
0x2e: {  	s3 =	simm.s32 @!p0 $0x1082;
	s9 =	sld [smem:$0x3FB7]  }
0x2f: {  	lr =	sadd.s32 s0, s3;
	s0 =	sld [smem:$0x3FAE]  }
0x30: {  	s3 =	sld [smem:$0x3FB1]  }
0x31: {  	[smem:$0x3FBA] =	sst s10  }
0x32: {  	s10 =	sld [smem:$0x3FB8];
	_ =	sdelay $0x3  }
0x33: {  	p0 =	seq.s32 s10, $0x1;
	s10 =	sld [smem:$0x3FBA];
	_ =	sdelay $0x3  }
0x34: {  	[smem:$0x3FBA] =	sst s10  }
0x35: {  	s10 =	sld [smem:$0x3FB9];
	_ =	sdelay $0x3  }
0x36: {  	p1 =	seq.s32 s10, $0x1;
	s10 =	sld [smem:$0x3FBA];
	_ =	sdelay $0x3  }
0x37: {  	[smem:$0x3FBA] =	sst s10  }
0x38: {  	s10 =	sld [smem:$0x3FBB]  }
0x39: {  	_ = 	snop;
	(pc) =	sbr.ind lr, $3  }
0x3a: {  	_ = 	snop  }
0x3b: {  	_ = 	snop  }
0x3c: {  	p2 =	seq.s32 s10, $0x1;
	s10 =	sld [smem:$0x3FBA]  }
0x3d: {  	_ =	shalt  }
0x3e: {  	_ =	shalt  }
0x3f: {  	_ =	shalt  }
0x40: {  	_ =	shalt  }
0x41: {  	_ =	shalt  }
0x42: {  	_ =	shalt  }
0x43: {  	_ =	shalt  }
0x44: {  	_ =	shalt  }
0x45: {  	_ =	shalt  }
0x46: {  	_ =	shalt  }
0x47: {  	_ =	shalt  }
0x48: {  	_ =	shalt  }
0x49: {  	_ =	shalt  }
0x4a: {  	_ =	shalt  }
0x4b: {  	_ =	shalt  }
0x4c: {  	_ =	shalt  }
0x4d: {  	_ =	shalt  }
0x4e: {  	_ =	shalt  }
0x4f: {  	_ =	shalt  }
0x50: {  	_ =	shalt  }
0x51: {  	_ =	shalt  }
0x52: {  	_ =	shalt  }
0x53: {  	_ =	shalt  }
0x54: {  	_ =	shalt  }
0x55: {  	_ =	shalt  }
0x56: {  	_ =	shalt  }
0x57: {  	_ =	shalt  }
0x58: {  	_ =	shalt  }
0x59: {  	_ =	shalt  }
0x5a: {  	_ =	shalt  }
0x5b: {  	_ =	shalt  }
0x5c: {  	_ =	shalt  }
0x5d: {  	_ =	shalt  }
0x5e: {  	_ =	shalt  }
0x5f: {  	_ =	shalt  }
0x60: {  	_ =	shalt  }
0x61: {  	_ =	shalt  }
0x62: {  	_ =	shalt  }
0x63: {  	_ =	shalt  }
0x64: {  	_ =	shalt  }
0x65: {  	_ =	shalt  }
0x66: {  	_ =	shalt  }
0x67: {  	_ =	shalt  }
0x68: {  	_ =	shalt  }
0x69: {  	_ =	shalt  }
0x6a: {  	_ =	shalt  }
0x6b: {  	_ =	shalt  }
0x6c: {  	_ =	shalt  }
0x6d: {  	_ =	shalt  }
0x6e: {  	_ =	shalt  }
0x6f: {  	_ =	shalt  }
0x70: {  	_ =	shalt  }
0x71: {  	_ =	shalt  }
0x72: {  	_ =	shalt  }
0x73: {  	_ =	shalt  }
0x74: {  	_ =	shalt  }
0x75: {  	_ =	shalt  }
0x76: {  	_ =	shalt  }
0x77: {  	_ =	shalt  }
0x78: {  	_ =	shalt  }
0x79: {  	_ =	shalt  }
0x7a: {  	_ =	shalt  }
0x7b: {  	_ =	shalt  }
0x7c: {  	_ =	shalt  }
0x7d: {  	_ =	shalt  }
0x7e: {  	_ =	shalt  }
0x7f: {  	_ =	shalt  }
0x80: {  	_ =	shalt  }
0x81: {  	_ =	shalt  }
0x82: {  	_ =	shalt  }
0x83: {  	_ =	shalt  }
0x84: {  	_ =	shalt  }
0x85: {  	_ =	shalt  }
0x86: {  	_ =	shalt  }
0x87: {  	_ =	shalt  }
.Lfunc_end0:
.L_simem_size_0:
called_computation_lowered:
.L_overlay_start_0:
0x88: {  	s2 =	sld [smem:$0x3FD9]  }
0x89: {  	s3 =	sld [smem:$0x3FFE];
	_ =	sdelay $0x1  }
0x8a: {  	s1 =	srdreg.scid  }
0x8b: {  	s0 =	sand.u32 $0x1, s1  }
0x8c: {  	s17 =	sshll.u32 s0, $0xA;
	s2 =	sadd.s32 s3, s2  }
0x8d: {  	s2 =	sadd.s32 s2, s17  }
0x8e: {  	[smem:$0x3FC6] =	sst s2  }
0x8f: {  	_ = 	snop  }
0x90: {  	s2 =	sld [smem:$0x3FC8]  }
0x91: {  	s18 =	sld [smem:$0x3FD0];
	(tm) =	ssettm $0x1  }
0x92: {  	s4 =	sld [smem:$0x3FFB];
	_ =	sdelay $0x3  }
0x93: {  	_ =	strace s4  }
0x94: {  	s4 =	sld [smem:$0x3FFC];
	_ =	sdelay $0x3  }
0x95: {  	_ =	strace s4  }
0x96: {  	s4 =	sld [smem:$0x3FFD];
	_ =	sdelay $0x3  }
0x97: {  	_ =	strace s4  }
0x98: {  	_ =	strace $0x8FFFFFFF  }
0x99: {  	s19 =	sld [smem:$0x3FDB];
	_ =	sdelay $0x1  }
0x9a: {  	s5 =	simm.s32 $_scs_section_size  }
0x9b: {  	s6 =	simm.s32 $_size__tile_overlayer_lowered;
	s7 =	simm.s32 $_tile_overlayer_lowered  }
0x9c: {  	s22 =	simm.s32 $0x1BFF;
	s21 =	sshll.u32 s7, $0x1;
	s4 =	sadd.s32 s5, s19  }
0x9d: {  	s8 =	simm.s32 $0x0;
	s20 =	sshll.u32 s6, $0x1;
	s6 =	sadd.s32 s21, s4  }
0x9e: {  	[timem:s8], [sflag:s22] =	dma.local [hbm:s6], s20  }
0x9f: {  	_ =	swait.ge [sflag:s22], s20  }
0xa0: {  	s5 =	ssub.s32 $0x0, s20;
	[sflag:s22] =	ssyncset.done $0x0  }
0xa1: {  	[sflag:s22] =	ssyncadd.s32 s5;
	_ =	sdelay $0x1  }
0xa2: {  	s23 =	simm.s32 $0x1B8B  }
0xa3: {  	_ =	swait.ge [sflag:s23], $0x1  }
0xa4: {  	[sflag:s23] =	ssyncset.done $0x0  }
0xa5: {  	s25 =	simm.s32 $0x1B8E;
	s24 =	sld [smem:$0x3FFE];
	[sflag:s23] =	ssyncadd.s32 $0xFFFFFFFF  }
0xa6: {  	s26 =	simm.s32 $execute0_lowered;
	[smem:$0x3FD2] =	sst s25  }
0xa7: {  	s6 =	sshll.u32 s26, $0x1;
	_ =	strace $0x80000046;
	[dreg:$0x1] =	wrdreg $0xFFFFFFFF  }
0xa8: {  	s28 =	simm.s32 $_size_execute0_lowered;
	s4 =	sadd.s32 s4, s6;
	[dreg:$0x0] =	wrdreg $0x0  }
0xa9: {  	s6 =	sshll.u32 s28, $0x1;
	[dreg:$0x2] =	wrdreg s4  }
0xaa: {  	[dreg:$0x3] =	wrdreg s6  }
0xab: {  	[dreg:$0x4] =	wrdreg $0xC0  }
0xac: {  	_ =	task [dreg:s8], $0x5FFFF  }
0xad: {  	[dreg:$0x1] =	wrdreg $0xFFFFFFFF  }
0xae: {  	[dreg:$0x0] =	wrdreg $0x60  }
0xaf: {  	[dreg:$0x2] =	wrdreg s2  }
0xb0: {  	[dreg:$0x3] =	wrdreg s24  }
0xb1: {  	[dreg:$0x4] =	wrdreg s18  }
0xb2: {  	[dreg:$0x5] =	wrdreg $0x9  }
0xb3: {  	_ =	task.clear_ibuf [dreg:s8], $0x6FFFF;
	_ =	strace $0x90000046  }
0xb4: {  	s29 =	simm.s32 $0x9;
	_ =	strace $0x80000048  }
0xb5: {  	_ =	swait.ge [sflag:s29], $0x1  }
0xb6: {  	[sflag:s29] =	ssyncadd.s32 $0xFFFFFFFF  }
0xb7: {  	_ =	strace $0x90000048  }
0xb8: {  	_ =	sfence  }
0xb9: {  	s30 =	sld [smem:$0x0];
	_ =	sdelay $0x2  }
0xba: {  	s31 =	sshll.u32 s1, $0xD;
	s1 =	sshrl.u32 s1, $0x2  }
0xbb: {  	s3 =	sand.u32 $0x4000, s31;
	s1 =	sadd.s32 s1, s30  }
0xbc: {  	s0 =	sor.u32 s3, s0;
	s1 =	sshll.u32 s1, $0x11  }
0xbd: {  	s0 =	sor.u32 s1, s0  }
0xbe: {  	s0 =	sadd.s32 $0x8F2B, s0  }
0xbf: {  	[sflag:s0] =	ssyncadd.remote.s32 $0x1  }
0xc0: {  	_ =	sfence.sel $0xFFFF  }
0xc1: {  	[dreg:$0x0] =	wrdreg $0xFFFFFFFF;
	(pc) =	sbr.abs _section_cstart, $3  }
0xc2: {  	[dreg:$0x1] =	wrdreg $0xFFFFFFFF  }
0xc3: {  	_ =	task.clear_ibuf [dreg:s8], $0x2FFFF;
	_ =	strace $0x9FFFFFFF  }
0xc4: {  	(tm) =	ssettm $0x7FFFFFFF  }
0xc5: {  	_ =	shalt  }
tec
execute0_lowered:
.L_overlay_start_1:
0x0: {  	(tag) =	ssettag $0x1  }
0x1: {  	s1 =	srdreg.scid;
	s2 =	stileid.u32  }
0x2: {  	s1 =	sand.u32 $0x1, s1;
	s2 =	sshll.u32 s2, $0x1  }
0x3: {  	s2 =	sor.u32 s1, s2  }
0x4: {  	s4 =	simm.s32 $0x0;
	s1 =	ssub.s32 $0x2, s1;
	s3 =	smul.u32 $0x140, s2  }
0x5: {  	[smem:$0x7FF] =	sst s4;
	s5 =	sshrl.u32 s1, $0x1;
	s30 =	smul.u32 $0x5, s2  }
0x6: {  	s0 =	rddreg [dreg:$0x1];
	_ =	strace $0x80000047;
	s1 =	ssub.s32 s1, s5  }
0x7: {  	s0 =	sadd.s32 s3, s0;
	[dreg:$0xa] =	wrdreg s30;
	s31 =	smax.u32 s1, $0x1  }
0x8: {  	s0 =	sadd.s32 $0x1A00, s0;
	[dreg:$0xb] =	wrdreg s31  }
0x9: {  	s1 =	simm.s32 $0x0;
	[dreg:$0x9] =	wrdreg s0  }
.LBB2_1:
0xa: {  	[dreg:$0xc] =	wrdreg s1  }
0xb: {  	s0 =	rddreg [dreg:$0x0];
	s30 =	simm.s32 $0x1  }
0xc: {  	[tilespmem:s4], [sflag:$0x1] =	stream.linear.gather [hbm4b:s0+s4], $0x4000, $0x38;
	[tilespmem:$0x8A00] =	vst v63  }
0xd: {  	_ =	swait.ge [sflag:s30], $0x4000  }
0xe: {  	[sflag:s30] =	ssyncset.done $0x0  }
0xf: {  	s2 =	simm.s32 $0x4000;
	s31 =	rddreg [dreg:$0x9];
	[sflag:s30] =	ssyncadd.s32 $0xFFFFC000  }
0x10: {  	[tilespmem:s2], [sflag:$0x1] =	stream.linear.gather [hbm4b:s31+s4], $0xA00, $0x38;
	[tilespmem:$0x8A00] =	vst v63  }
0x11: {  	_ =	swait.ge [sflag:s30], $0xA00  }
0x12: {  	[sflag:s30] =	ssyncset.done $0x0  }
0x13: {  	s5 =	simm.s32 $0x0;
	[sflag:s30] =	ssyncadd.s32 $0xFFFFF600  }
.LBB2_2:
0x14: {  	s0 =	sshll.u32 s5, $0x9  }
0x15: {  	s0 =	sand.u32 $0x3FFFFE00, s0  }
0x16: {  	s0 =	sadd.s32 $0x4000, s0  }
0x17: {  	s2 =	simm.s32 $0x0;
	[dreg:$0x4] =	wrdreg s0  }
0x18: {  	s3 =	simm.s32 $0x10;
	s1 =	sand.u32 $0x180, s2;
	s0 =	rddreg [dreg:$0x4]  }
0x19: {  	s23 =	sand.u32 $0x70, s3;
	s0 =	sadd.s32 s1, s0  }
0x1a: {  	[dreg:$0xd] =	wrdreg s5;
	s1 =	sadd.s32 s23, s0  }
0x1b: {  	v0 =	vld [tilespmem:s1+$0x0];
	_ =	sdelay $0x4  }
0x1c: {  	v1 =	vshll.u32 v0, $0x3  }
0x1d: {  	v0 =	vand.u32 $0x7F, v0;
	v1 =	vand.u32 $0xFFFFFC00, v1  }
0x1e: {  	v2 =	vor.u32 v0, v1  }
0x1f: {  	s24 =	sand.u32 $0x60, s2  }
0x20: {  	s0 =	sadd.s32 s24, s0  }
0x21: {  	v0 =	vld [tilespmem:s0+$0x0];
	_ =	sdelay $0x1  }
0x22: {  	v1 =	vld.idx.msk [tilespmem:v2+s4+$0x0], $0xffff  }
0x23: {  	v4 =	vor.u32 $0x80, v2  }
0x24: {  	s29 =	sand.u32 $0xC00, s2  }
0x25: {  	s14 =	sadd.s32 $0x4A00, s29;
	v3 =	vshll.u32 v0, $0x3  }
0x26: {  	s15 =	sor.u32 s23, s14;
	v0 =	vand.u32 $0x7F, v0;
	v3 =	vand.u32 $0xFFFFFC00, v3  }
0x27: {  	v3 =	vor.u32 v0, v3;
	[tilespmem:s15+$0x0] =	vst v1  }
0x28: {  	v0 =	vld.idx.msk [tilespmem:v4+s4+$0x0], $0xffff  }
0x29: {  	v1 =	vor.u32 $0x100, v2;
	_ =	sdelay $0x2  }
0x2a: {  	v4 =	vld.idx.msk [tilespmem:v3+s4+$0x0], $0xffff  }
0x2b: {  	v5 =	vor.u32 $0x80, v3;
	[tilespmem:s15+$0x80] =	vst v0  }
0x2c: {  	v0 =	vld.idx.msk [tilespmem:v1+s4+$0x0], $0xffff  }
0x2d: {  	v1 =	vor.u32 $0x180, v2  }
0x2e: {  	s16 =	sor.u32 s24, s14  }
0x2f: {  	[tilespmem:s16+$0x0] =	vst v4  }
0x30: {  	v4 =	vld.idx.msk [tilespmem:v5+s4+$0x0], $0xffff  }
0x31: {  	v5 =	vor.u32 $0x100, v3;
	[tilespmem:s15+$0x100] =	vst v0  }
0x32: {  	v0 =	vld.idx.msk [tilespmem:v1+s4+$0x0], $0xffff  }
0x33: {  	v1 =	vor.u32 $0x200, v2;
	_ =	sdelay $0x1  }
0x34: {  	[tilespmem:s16+$0x80] =	vst v4  }
0x35: {  	v4 =	vld.idx.msk [tilespmem:v5+s4+$0x0], $0xffff  }
0x36: {  	v5 =	vor.u32 $0x180, v3;
	[tilespmem:s15+$0x180] =	vst v0  }
0x37: {  	v0 =	vld.idx.msk [tilespmem:v1+s4+$0x0], $0xffff  }
0x38: {  	v1 =	vor.u32 $0x280, v2;
	_ =	sdelay $0x1  }
0x39: {  	[tilespmem:s16+$0x100] =	vst v4  }
0x3a: {  	v4 =	vld.idx.msk [tilespmem:v5+s4+$0x0], $0xffff  }
0x3b: {  	v5 =	vor.u32 $0x200, v3;
	[tilespmem:s15+$0x200] =	vst v0  }
0x3c: {  	v0 =	vld.idx.msk [tilespmem:v1+s4+$0x0], $0xffff  }
0x3d: {  	v1 =	vor.u32 $0x300, v2;
	_ =	sdelay $0x1  }
0x3e: {  	[tilespmem:s16+$0x180] =	vst v4  }
0x3f: {  	v4 =	vld.idx.msk [tilespmem:v5+s4+$0x0], $0xffff  }
0x40: {  	v5 =	vor.u32 $0x280, v3;
	[tilespmem:s15+$0x280] =	vst v0  }
0x41: {  	s17 =	sand.u32 $0x7, s2;
	v0 =	vld.idx.msk [tilespmem:v1+s4+$0x0], $0xffff  }
0x42: {  	s0 =	sshll.u32 s17, $0x4;
	v1 =	vor.u32 $0x380, v2  }
0x43: {  	s0 =	sadd.s32 $0x0, s0  }
0x44: {  	s0 =	sadd.s32 $0x10, s0;
	[tilespmem:s16+$0x200] =	vst v4  }
0x45: {  	s0 =	sor.u32 $0x300, s0;
	v4 =	vld.idx.msk [tilespmem:v5+s4+$0x0], $0xffff  }
0x46: {  	v5 =	vor.u32 $0x300, v3;
	[tilespmem:s0+$0x4A00] =	vst v0;
	s0 =	simm.s32 $0x20  }
0x47: {  	s6 =	rddreg [dreg:$0x4];
	s1 =	simm.s32 $0x30;
	v0 =	vld.idx.msk [tilespmem:v1+s4+$0x0], $0xffff;
	s7 =	sand.u32 $0x180, s0  }
0x48: {  	s26 =	sand.u32 $0x70, s1;
	v1 =	vadd.s32 $0x1000, v2;
	s6 =	sadd.s32 s7, s6  }
0x49: {  	s7 =	sadd.s32 s26, s6  }
0x4a: {  	s3 =	sor.u32 s3, s2;
	[tilespmem:s16+$0x280] =	vst v4;
	v4 =	vld [tilespmem:s7+$0x0]  }
0x4b: {  	s3 =	sor.u32 $0x380, s3;
	v5 =	vld.idx.msk [tilespmem:v5+s4+$0x0], $0xffff  }
0x4c: {  	s18 =	sand.u32 $0x3, s2;
	v6 =	vor.u32 $0x380, v3;
	[tilespmem:s3+$0x4A00] =	vst v0  }
0x4d: {  	s19 =	sshll.u32 s18, $0x5;
	s25 =	sand.u32 $0x60, s0;
	v0 =	vld.idx.msk [tilespmem:v1+s4+$0x0], $0xffff  }
0x4e: {  	s20 =	sadd.s32 s25, s6;
	s3 =	sadd.s32 $0x0, s19;
	v1 =	vadd.s32 $0x1080, v2  }
0x4f: {  	v7 =	vld [tilespmem:s20+$0x0];
	s3 =	sor.u32 $0x300, s3;
	v8 =	vshll.u32 v4, $0x3  }
0x50: {  	s21 =	sadd.s32 $0x5A00, s29;
	[tilespmem:s3+$0x4A00] =	vst v5;
	v4 =	vand.u32 $0x7F, v4;
	v5 =	vand.u32 $0xFFFFFC00, v8  }
0x51: {  	s22 =	sor.u32 s23, s21;
	v6 =	vld.idx.msk [tilespmem:v6+s4+$0x0], $0xffff;
	v5 =	vor.u32 v4, v5  }
0x52: {  	v8 =	vadd.s32 $0x1000, v3;
	[tilespmem:s22+$0x0] =	vst v0  }
0x53: {  	v0 =	vld.idx.msk [tilespmem:v1+s4+$0x0], $0xffff  }
0x54: {  	s2 =	sor.u32 s2, s2;
	v9 =	vadd.s32 $0x1100, v2;
	v1 =	vshll.u32 v7, $0x3  }
0x55: {  	s2 =	sor.u32 $0x380, s2;
	v4 =	vand.u32 $0x7F, v7;
	v1 =	vand.u32 $0xFFFFFC00, v1  }
0x56: {  	s30 =	sadd.s32 $0x5A80, s29;
	[tilespmem:s2+$0x4A00] =	vst v6;
	v4 =	vor.u32 v4, v1;
	v1 =	vld.idx.msk [tilespmem:v5+s4+$0x0], $0xffff  }
0x57: {  	s5 =	simm.s32 $0x100;
	s31 =	sor.u32 s23, s30;
	v7 =	vor.u32 $0x80, v5;
	v6 =	vld.idx.msk [tilespmem:v8+s4+$0x0], $0xffff  }
0x58: {  	s28 =	sand.u32 $0xC00, s5;
	v8 =	vadd.s32 $0x1080, v3;
	[tilespmem:s31+$0x0] =	vst v0  }
0x59: {  	s3 =	sadd.s32 $0x4A00, s28;
	v0 =	vld.idx.msk [tilespmem:v9+s4+$0x0], $0xffff  }
0x5a: {  	s9 =	sor.u32 s26, s3;
	v9 =	vadd.s32 $0x1180, v2  }
0x5b: {  	s6 =	sor.u32 s24, s21;
	v10 =	vld.idx.msk [tilespmem:v4+s4+$0x0], $0xffff;
	[tilespmem:s9+$0x0] =	vst v1  }
0x5c: {  	s10 =	sadd.s32 $0x5B00, s29;
	[tilespmem:s6+$0x0] =	vst v6;
	v1 =	vor.u32 $0x80, v4;
	v6 =	vld.idx.msk [tilespmem:v7+s4+$0x0], $0xffff  }
0x5d: {  	s8 =	sor.u32 s23, s10;
	v7 =	vld.idx.msk [tilespmem:v8+s4+$0x0], $0xffff;
	v8 =	vor.u32 $0x100, v5  }
0x5e: {  	v11 =	vadd.s32 $0x1100, v3;
	[tilespmem:s8+$0x0] =	vst v0  }
0x5f: {  	s2 =	sor.u32 s25, s3;
	v0 =	vld.idx.msk [tilespmem:v9+s4+$0x0], $0xffff  }
0x60: {  	[tilespmem:s2+$0x0] =	vst v10;
	v9 =	vadd.s32 $0x1200, v2  }
0x61: {  	s7 =	sor.u32 s24, s30;
	v1 =	vld.idx.msk [tilespmem:v1+s4+$0x0], $0xffff;
	[tilespmem:s9+$0x80] =	vst v6  }
0x62: {  	s11 =	sadd.s32 $0x5B80, s29;
	v6 =	vor.u32 $0x100, v4;
	[tilespmem:s7+$0x0] =	vst v7;
	v7 =	vld.idx.msk [tilespmem:v8+s4+$0x0], $0xffff  }
0x63: {  	s12 =	sor.u32 s23, s11;
	v10 =	vor.u32 $0x180, v5;
	v8 =	vld.idx.msk [tilespmem:v11+s4+$0x0], $0xffff  }
0x64: {  	v11 =	vadd.s32 $0x1180, v3;
	[tilespmem:s12+$0x0] =	vst v0  }
0x65: {  	v0 =	vld.idx.msk [tilespmem:v9+s4+$0x0], $0xffff  }
0x66: {  	[tilespmem:s2+$0x80] =	vst v1;
	v1 =	vadd.s32 $0x1280, v2  }
0x67: {  	s6 =	sor.u32 s24, s10;
	v6 =	vld.idx.msk [tilespmem:v6+s4+$0x0], $0xffff;
	[tilespmem:s9+$0x100] =	vst v7  }
0x68: {  	s13 =	sadd.s32 $0x5C00, s29;
	v7 =	vor.u32 $0x180, v4;
	[tilespmem:s6+$0x0] =	vst v8;
	v8 =	vld.idx.msk [tilespmem:v10+s4+$0x0], $0xffff  }
0x69: {  	s14 =	sor.u32 s23, s13;
	v9 =	vld.idx.msk [tilespmem:v11+s4+$0x0], $0xffff;
	v10 =	vor.u32 $0x200, v5  }
0x6a: {  	v11 =	vadd.s32 $0x1200, v3;
	[tilespmem:s14+$0x0] =	vst v0  }
0x6b: {  	v0 =	vld.idx.msk [tilespmem:v1+s4+$0x0], $0xffff  }
0x6c: {  	[tilespmem:s2+$0x100] =	vst v6;
	v1 =	vadd.s32 $0x1300, v2  }
0x6d: {  	s7 =	sor.u32 s24, s11;
	v6 =	vld.idx.msk [tilespmem:v7+s4+$0x0], $0xffff;
	[tilespmem:s9+$0x180] =	vst v8  }
0x6e: {  	s15 =	sadd.s32 $0x5C80, s29;
	v7 =	vor.u32 $0x200, v4;
	[tilespmem:s7+$0x0] =	vst v9;
	v8 =	vld.idx.msk [tilespmem:v10+s4+$0x0], $0xffff  }
0x6f: {  	s16 =	sor.u32 s23, s15;
	v9 =	vld.idx.msk [tilespmem:v11+s4+$0x0], $0xffff;
	v10 =	vor.u32 $0x280, v5  }
0x70: {  	v11 =	vadd.s32 $0x1280, v3;
	[tilespmem:s16+$0x0] =	vst v0  }
0x71: {  	v0 =	vld.idx.msk [tilespmem:v1+s4+$0x0], $0xffff  }
0x72: {  	[tilespmem:s2+$0x180] =	vst v6;
	v1 =	vadd.s32 $0x1380, v2  }
0x73: {  	s6 =	sor.u32 s24, s13;
	v6 =	vld.idx.msk [tilespmem:v7+s4+$0x0], $0xffff;
	[tilespmem:s9+$0x200] =	vst v8  }
0x74: {  	s17 =	sadd.s32 $0x5D00, s29;
	v7 =	vor.u32 $0x280, v4;
	[tilespmem:s6+$0x0] =	vst v9;
	v8 =	vld.idx.msk [tilespmem:v10+s4+$0x0], $0xffff  }
0x75: {  	s18 =	sor.u32 s23, s17;
	v9 =	vld.idx.msk [tilespmem:v11+s4+$0x0], $0xffff;
	v10 =	vor.u32 $0x300, v5  }
0x76: {  	v11 =	vadd.s32 $0x1300, v3;
	[tilespmem:s18+$0x0] =	vst v0  }
0x77: {  	v0 =	vld.idx.msk [tilespmem:v1+s4+$0x0], $0xffff  }
0x78: {  	[tilespmem:s2+$0x200] =	vst v6;
	v1 =	vadd.s32 $0x2000, v2  }
0x79: {  	s19 =	simm.s32 $0x2;
	s7 =	sor.u32 s24, s15;
	v6 =	vld.idx.msk [tilespmem:v7+s4+$0x0], $0xffff;
	[tilespmem:s9+$0x280] =	vst v8  }
0x7a: {  	s20 =	sadd.s32 $0x5D80, s29;
	s3 =	sand.u32 $0x7, s19;
	v7 =	vor.u32 $0x300, v4;
	[tilespmem:s7+$0x0] =	vst v9;
	v8 =	vld.idx.msk [tilespmem:v10+s4+$0x0], $0xffff  }
0x7b: {  	s21 =	sor.u32 s23, s20;
	s3 =	sshll.u32 s3, $0x4;
	v9 =	vld.idx.msk [tilespmem:v11+s4+$0x0], $0xffff;
	v10 =	vor.u32 $0x380, v5  }
0x7c: {  	s3 =	sadd.s32 $0x100, s3;
	v11 =	vadd.s32 $0x1380, v3;
	[tilespmem:s21+$0x0] =	vst v0  }
0x7d: {  	s30 =	sadd.s32 $0x6A00, s29;
	s22 =	simm.s32 $0x1;
	s3 =	sadd.s32 $0x10, s3;
	v0 =	vld.idx.msk [tilespmem:v1+s4+$0x0], $0xffff  }
0x7e: {  	s3 =	sor.u32 $0x300, s3;
	s6 =	sor.u32 s24, s17;
	[tilespmem:s2+$0x280] =	vst v6;
	v1 =	vadd.s32 $0x2080, v2;
	s2 =	simm.s32 $0x40  }
0x7f: {  	s9 =	rddreg [dreg:$0x4];
	v6 =	vld.idx.msk [tilespmem:v7+s4+$0x0], $0xffff;
	s10 =	sand.u32 $0x180, s2;
	[tilespmem:s3+$0x4A00] =	vst v8;
	s3 =	simm.s32 $0x50  }
0x80: {  	s8 =	sand.u32 $0x3, s22;
	v7 =	vor.u32 $0x380, v4;
	[tilespmem:s6+$0x0] =	vst v9;
	s9 =	sadd.s32 s10, s9;
	v8 =	vld.idx.msk [tilespmem:v10+s4+$0x0], $0xffff;
	s16 =	sand.u32 $0x70, s3  }
0x81: {  	s31 =	sor.u32 s23, s30;
	s8 =	sshll.u32 s8, $0x5;
	v9 =	vld.idx.msk [tilespmem:v11+s4+$0x0], $0xffff;
	v10 =	vadd.s32 $0x1000, v5;
	s11 =	sadd.s32 s16, s9  }
0x82: {  	s8 =	sadd.s32 $0x100, s8;
	s15 =	sand.u32 $0x60, s2;
	v11 =	vadd.s32 $0x2000, v3;
	[tilespmem:s31+$0x0] =	vst v0;
	v0 =	vld [tilespmem:s11+$0x0]  }
0x83: {  	s1 =	sor.u32 s1, s5;
	s8 =	sor.u32 $0x300, s8;
	s9 =	sadd.s32 s15, s9;
	v1 =	vld.idx.msk [tilespmem:v1+s4+$0x0], $0xffff  }
0x84: {  	s1 =	sor.u32 $0x380, s1;
	v12 =	vadd.s32 $0x2100, v2;
	[tilespmem:s8+$0x4A00] =	vst v6;
	v6 =	vld [tilespmem:s9+$0x0]  }
0x85: {  	s7 =	sor.u32 s24, s20;
	v7 =	vld.idx.msk [tilespmem:v7+s4+$0x0], $0xffff;
	[tilespmem:s1+$0x4A00] =	vst v8  }
0x86: {  	s10 =	sadd.s32 $0x6A80, s29;
	v8 =	vadd.s32 $0x1000, v4;
	[tilespmem:s7+$0x0] =	vst v9;
	v9 =	vld.idx.msk [tilespmem:v10+s4+$0x0], $0xffff  }
0x87: {  	s11 =	sor.u32 s23, s10;
	v10 =	vld.idx.msk [tilespmem:v11+s4+$0x0], $0xffff;
	v11 =	vadd.s32 $0x1080, v5;
	v13 =	vshll.u32 v0, $0x3  }
0x88: {  	v14 =	vadd.s32 $0x2080, v3;
	s0 =	sor.u32 s0, s5;
	v0 =	vand.u32 $0x7F, v0;
	[tilespmem:s11+$0x0] =	vst v1;
	v1 =	vand.u32 $0xFFFFFC00, v13  }
0x89: {  	s0 =	sor.u32 $0x380, s0;
	s12 =	sadd.s32 $0x5A00, s28;
	v13 =	vshll.u32 v6, $0x3;
	v12 =	vld.idx.msk [tilespmem:v12+s4+$0x0], $0xffff;
	v0 =	vor.u32 v0, v1  }
0x8a: {  	s13 =	sor.u32 s26, s12;
	[tilespmem:s0+$0x4A00] =	vst v7;
	v1 =	vand.u32 $0x7F, v6;
	v6 =	vand.u32 $0xFFFFFC00, v13;
	v7 =	vadd.s32 $0x2180, v2  }
0x8b: {  	s6 =	sor.u32 s24, s30;
	v8 =	vld.idx.msk [tilespmem:v8+s4+$0x0], $0xffff;
	v6 =	vor.u32 v1, v6;
	[tilespmem:s13+$0x0] =	vst v9  }
0x8c: {  	s14 =	sadd.s32 $0x6B00, s29;
	v1 =	vadd.s32 $0x1080, v4;
	[tilespmem:s6+$0x0] =	vst v10;
	v9 =	vld.idx.msk [tilespmem:v11+s4+$0x0], $0xffff  }
0x8d: {  	s18 =	sor.u32 s23, s14;
	v10 =	vld.idx.msk [tilespmem:v14+s4+$0x0], $0xffff;
	v11 =	vadd.s32 $0x1100, v5  }
0x8e: {  	v13 =	vadd.s32 $0x2100, v3;
	v14 =	vld.idx.msk [tilespmem:v0+s4+$0x0], $0xffff;
	[tilespmem:s18+$0x0] =	vst v12  }
0x8f: {  	s5 =	simm.s32 $0x200;
	s19 =	sor.u32 s25, s12;
	s20 =	sadd.s32 $0x5A80, s28;
	v12 =	vor.u32 $0x80, v0;
	v7 =	vld.idx.msk [tilespmem:v7+s4+$0x0], $0xffff  }
0x90: {  	v15 =	vadd.s32 $0x2200, v2;
	s17 =	sand.u32 $0xC00, s5;
	s21 =	sor.u32 s26, s20;
	[tilespmem:s19+$0x0] =	vst v8;
	v8 =	vld.idx.msk [tilespmem:v6+s4+$0x0], $0xffff  }
0x91: {  	s22 =	sadd.s32 $0x4A00, s17;
	s1 =	sor.u32 s24, s10;
	v16 =	vor.u32 $0x80, v6;
	v1 =	vld.idx.msk [tilespmem:v1+s4+$0x0], $0xffff;
	[tilespmem:s21+$0x0] =	vst v9  }
0x92: {  	s30 =	sadd.s32 $0x6B80, s29;
	v9 =	vadd.s32 $0x1100, v4;
	[tilespmem:s1+$0x0] =	vst v10;
	s1 =	sor.u32 s16, s22;
	v10 =	vld.idx.msk [tilespmem:v11+s4+$0x0], $0xffff  }
0x93: {  	s31 =	sor.u32 s23, s30;
	v11 =	vld.idx.msk [tilespmem:v13+s4+$0x0], $0xffff;
	v13 =	vadd.s32 $0x1180, v5;
	[tilespmem:s1+$0x0] =	vst v14  }
0x94: {  	s0 =	sor.u32 s15, s22;
	v14 =	vadd.s32 $0x2180, v3;
	v12 =	vld.idx.msk [tilespmem:v12+s4+$0x0], $0xffff;
	[tilespmem:s31+$0x0] =	vst v7  }
0x95: {  	s7 =	sor.u32 s25, s20;
	s10 =	sadd.s32 $0x5B00, s28;
	[tilespmem:s0+$0x0] =	vst v8;
	v8 =	vor.u32 $0x100, v0;
	v7 =	vld.idx.msk [tilespmem:v15+s4+$0x0], $0xffff  }
0x96: {  	s11 =	sor.u32 s26, s10;
	v15 =	vld.idx.msk [tilespmem:v16+s4+$0x0], $0xffff;
	[tilespmem:s7+$0x0] =	vst v1;
	v1 =	vadd.s32 $0x2280, v2  }
0x97: {  	s6 =	sor.u32 s24, s14;
	v16 =	vor.u32 $0x100, v6;
	v9 =	vld.idx.msk [tilespmem:v9+s4+$0x0], $0xffff;
	[tilespmem:s11+$0x0] =	vst v10  }
0x98: {  	s12 =	sadd.s32 $0x6C00, s29;
	v10 =	vadd.s32 $0x1180, v4;
	[tilespmem:s6+$0x0] =	vst v11;
	v13 =	vld.idx.msk [tilespmem:v13+s4+$0x0], $0xffff  }
0x99: {  	s13 =	sor.u32 s23, s12;
	v11 =	vadd.s32 $0x1200, v5;
	[tilespmem:s1+$0x80] =	vst v12;
	v12 =	vld.idx.msk [tilespmem:v14+s4+$0x0], $0xffff  }
0x9a: {  	v14 =	vadd.s32 $0x2200, v3;
	v8 =	vld.idx.msk [tilespmem:v8+s4+$0x0], $0xffff;
	[tilespmem:s13+$0x0] =	vst v7  }
0x9b: {  	s14 =	sor.u32 s25, s10;
	s18 =	sadd.s32 $0x5B80, s28;
	[tilespmem:s0+$0x80] =	vst v15;
	v7 =	vor.u32 $0x180, v0;
	v1 =	vld.idx.msk [tilespmem:v1+s4+$0x0], $0xffff  }
0x9c: {  	s19 =	sor.u32 s26, s18;
	v15 =	vld.idx.msk [tilespmem:v16+s4+$0x0], $0xffff;
	[tilespmem:s14+$0x0] =	vst v9;
	v9 =	vadd.s32 $0x2300, v2  }
0x9d: {  	s8 =	sor.u32 s24, s30;
	v16 =	vor.u32 $0x180, v6;
	v10 =	vld.idx.msk [tilespmem:v10+s4+$0x0], $0xffff;
	[tilespmem:s19+$0x0] =	vst v13  }
0x9e: {  	s20 =	sadd.s32 $0x6C80, s29;
	v13 =	vadd.s32 $0x1200, v4;
	v11 =	vld.idx.msk [tilespmem:v11+s4+$0x0], $0xffff;
	[tilespmem:s8+$0x0] =	vst v12  }
0x9f: {  	s21 =	sor.u32 s23, s20;
	[tilespmem:s1+$0x100] =	vst v8;
	v8 =	vadd.s32 $0x1280, v5;
	v12 =	vld.idx.msk [tilespmem:v14+s4+$0x0], $0xffff  }
0xa0: {  	v14 =	vadd.s32 $0x2280, v3;
	v7 =	vld.idx.msk [tilespmem:v7+s4+$0x0], $0xffff;
	[tilespmem:s21+$0x0] =	vst v1  }
0xa1: {  	s30 =	sadd.s32 $0x5C00, s28;
	s22 =	sor.u32 s25, s18;
	[tilespmem:s0+$0x100] =	vst v15;
	v1 =	vld.idx.msk [tilespmem:v9+s4+$0x0], $0xffff;
	v9 =	vor.u32 $0x200, v0  }
0xa2: {  	s31 =	sor.u32 s26, s30;
	v15 =	vld.idx.msk [tilespmem:v16+s4+$0x0], $0xffff;
	[tilespmem:s22+$0x0] =	vst v10;
	v10 =	vadd.s32 $0x2380, v2  }
0xa3: {  	s6 =	sor.u32 s24, s12;
	v16 =	vor.u32 $0x200, v6;
	v13 =	vld.idx.msk [tilespmem:v13+s4+$0x0], $0xffff;
	[tilespmem:s31+$0x0] =	vst v11  }
0xa4: {  	s10 =	sadd.s32 $0x6D00, s29;
	v11 =	vadd.s32 $0x1280, v4;
	v8 =	vld.idx.msk [tilespmem:v8+s4+$0x0], $0xffff;
	[tilespmem:s6+$0x0] =	vst v12  }
0xa5: {  	s11 =	sor.u32 s23, s10;
	[tilespmem:s1+$0x180] =	vst v7;
	v7 =	vadd.s32 $0x1300, v5;
	v12 =	vld.idx.msk [tilespmem:v14+s4+$0x0], $0xffff  }
0xa6: {  	v14 =	vadd.s32 $0x2300, v3;
	v9 =	vld.idx.msk [tilespmem:v9+s4+$0x0], $0xffff;
	[tilespmem:s11+$0x0] =	vst v1  }
0xa7: {  	s12 =	sor.u32 s25, s30;
	s13 =	sadd.s32 $0x5C80, s28;
	[tilespmem:s0+$0x180] =	vst v15;
	v1 =	vld.idx.msk [tilespmem:v10+s4+$0x0], $0xffff;
	v10 =	vor.u32 $0x280, v0  }
0xa8: {  	s14 =	sor.u32 s26, s13;
	v15 =	vld.idx.msk [tilespmem:v16+s4+$0x0], $0xffff;
	[tilespmem:s12+$0x0] =	vst v13;
	v13 =	vadd.s32 $0x3000, v2  }
0xa9: {  	s7 =	sor.u32 s24, s20;
	v16 =	vor.u32 $0x280, v6;
	v11 =	vld.idx.msk [tilespmem:v11+s4+$0x0], $0xffff;
	[tilespmem:s14+$0x0] =	vst v8  }
0xaa: {  	s18 =	sadd.s32 $0x6D80, s29;
	v8 =	vadd.s32 $0x1300, v4;
	v7 =	vld.idx.msk [tilespmem:v7+s4+$0x0], $0xffff;
	[tilespmem:s7+$0x0] =	vst v12  }
0xab: {  	s19 =	sor.u32 s23, s18;
	[tilespmem:s1+$0x200] =	vst v9;
	v9 =	vadd.s32 $0x1380, v5;
	v12 =	vld.idx.msk [tilespmem:v14+s4+$0x0], $0xffff  }
0xac: {  	v14 =	vadd.s32 $0x2380, v3;
	v10 =	vld.idx.msk [tilespmem:v10+s4+$0x0], $0xffff;
	[tilespmem:s19+$0x0] =	vst v1  }
0xad: {  	s20 =	sor.u32 s25, s13;
	s21 =	sadd.s32 $0x5D00, s28;
	[tilespmem:s0+$0x200] =	vst v15;
	v1 =	vld.idx.msk [tilespmem:v13+s4+$0x0], $0xffff;
	v13 =	vor.u32 $0x300, v0  }
0xae: {  	s22 =	sor.u32 s26, s21;
	v15 =	vld.idx.msk [tilespmem:v16+s4+$0x0], $0xffff;
	[tilespmem:s20+$0x0] =	vst v11;
	v11 =	vadd.s32 $0x3080, v2  }
0xaf: {  	s6 =	sor.u32 s24, s10;
	v16 =	vor.u32 $0x300, v6;
	v8 =	vld.idx.msk [tilespmem:v8+s4+$0x0], $0xffff;
	[tilespmem:s22+$0x0] =	vst v7  }
0xb0: {  	s7 =	sadd.s32 $0x7A00, s29;
	v7 =	vadd.s32 $0x1380, v4;
	v9 =	vld.idx.msk [tilespmem:v9+s4+$0x0], $0xffff;
	[tilespmem:s6+$0x0] =	vst v12  }
0xb1: {  	s31 =	simm.s32 $0x4;
	s30 =	sor.u32 s23, s7;
	[tilespmem:s1+$0x280] =	vst v10;
	v10 =	vadd.s32 $0x2000, v5;
	v12 =	vld.idx.msk [tilespmem:v14+s4+$0x0], $0xffff  }
0xb2: {  	s6 =	sand.u32 $0x7, s31;
	v14 =	vadd.s32 $0x3000, v3;
	v13 =	vld.idx.msk [tilespmem:v13+s4+$0x0], $0xffff;
	[tilespmem:s30+$0x0] =	vst v1  }
0xb3: {  	s10 =	sor.u32 s25, s21;
	s11 =	sadd.s32 $0x5D80, s28;
	s12 =	sshll.u32 s6, $0x4;
	[tilespmem:s0+$0x280] =	vst v15;
	v1 =	vld.idx.msk [tilespmem:v11+s4+$0x0], $0xffff;
	v11 =	vor.u32 $0x380, v0  }
0xb4: {  	s13 =	simm.s32 $0x2;
	s14 =	sor.u32 s26, s11;
	s0 =	sadd.s32 $0x200, s12;
	v15 =	vld.idx.msk [tilespmem:v16+s4+$0x0], $0xffff;
	[tilespmem:s10+$0x0] =	vst v8;
	v8 =	vadd.s32 $0x3100, v2  }
0xb5: {  	s8 =	sor.u32 s24, s18;
	s1 =	sand.u32 $0x3, s13;
	v16 =	vor.u32 $0x380, v6;
	s0 =	sadd.s32 $0x10, s0;
	v7 =	vld.idx.msk [tilespmem:v7+s4+$0x0], $0xffff;
	[tilespmem:s14+$0x0] =	vst v9  }
0xb6: {  	s9 =	sadd.s32 $0x7A80, s29;
	s1 =	sshll.u32 s1, $0x5;
	s0 =	sor.u32 $0x300, s0;
	v9 =	vadd.s32 $0x2000, v4;
	v10 =	vld.idx.msk [tilespmem:v10+s4+$0x0], $0xffff;
	[tilespmem:s8+$0x0] =	vst v12  }
0xb7: {  	s18 =	sor.u32 s23, s9;
	s1 =	sadd.s32 $0x200, s1;
	[tilespmem:s0+$0x4A00] =	vst v13;
	v12 =	vld.idx.msk [tilespmem:v14+s4+$0x0], $0xffff  }
0xb8: {  	s19 =	rddreg [dreg:$0x4];
	s1 =	sor.u32 $0x300, s1;
	v13 =	vadd.s32 $0x2080, v5;
	s0 =	simm.s32 $0x60;
	v11 =	vld.idx.msk [tilespmem:v11+s4+$0x0], $0xffff;
	[tilespmem:s18+$0x0] =	vst v1  }
0xb9: {  	s20 =	sor.u32 s25, s11;
	[tilespmem:s1+$0x4A00] =	vst v15;
	s21 =	sand.u32 $0x180, s0;
	s1 =	simm.s32 $0x70;
	v1 =	vld.idx.msk [tilespmem:v8+s4+$0x0], $0xffff  }
0xba: {  	s22 =	sadd.s32 $0x6A00, s28;
	v14 =	vadd.s32 $0x1000, v0;
	v8 =	vld.idx.msk [tilespmem:v16+s4+$0x0], $0xffff;
	[tilespmem:s20+$0x0] =	vst v7;
	s6 =	sadd.s32 s21, s19;
	s19 =	sand.u32 $0x70, s1  }
0xbb: {  	s30 =	sor.u32 s26, s22;
	v7 =	vld.idx.msk [tilespmem:v9+s4+$0x0], $0xffff;
	v9 =	vadd.s32 $0x3180, v2;
	s10 =	sadd.s32 s19, s6  }
0xbc: {  	s3 =	sor.u32 s3, s5;
	v15 =	vadd.s32 $0x1000, v6;
	s18 =	sand.u32 $0x60, s0;
	[tilespmem:s30+$0x0] =	vst v10;
	v10 =	vld [tilespmem:s10+$0x0]  }
0xbd: {  	s3 =	sor.u32 $0x380, s3;
	v16 =	vadd.s32 $0x2080, v4;
	s31 =	sadd.s32 s18, s6;
	s6 =	sadd.s32 $0x7B00, s29;
	v13 =	vld.idx.msk [tilespmem:v13+s4+$0x0], $0xffff  }
0xbe: {  	s2 =	sor.u32 s2, s5;
	v17 =	vld [tilespmem:s31+$0x0];
	s10 =	sor.u32 s23, s6;
	[tilespmem:s3+$0x4A00] =	vst v11;
	v11 =	vadd.s32 $0x2100, v5  }
0xbf: {  	v18 =	vadd.s32 $0x3080, v3;
	s2 =	sor.u32 $0x380, s2;
	v14 =	vld.idx.msk [tilespmem:v14+s4+$0x0], $0xffff;
	[tilespmem:s10+$0x0] =	vst v1  }
0xc0: {  	s11 =	sor.u32 s25, s22;
	s12 =	sadd.s32 $0x6A80, s28;
	[tilespmem:s2+$0x4A00] =	vst v8;
	v8 =	vld.idx.msk [tilespmem:v9+s4+$0x0], $0xffff;
	v9 =	vadd.s32 $0x1080, v0  }
0xc1: {  	s13 =	sor.u32 s26, s12;
	v19 =	vld.idx.msk [tilespmem:v15+s4+$0x0], $0xffff;
	[tilespmem:s11+$0x0] =	vst v7;
	v7 =	vadd.s32 $0x3200, v2;
	v1 =	vshll.u32 v10, $0x3  }
0xc2: {  	v20 =	vadd.s32 $0x1080, v6;
	s14 =	sor.u32 s24, s7;
	s20 =	sadd.s32 $0x5A00, s17;
	v16 =	vld.idx.msk [tilespmem:v16+s4+$0x0], $0xffff;
	v10 =	vand.u32 $0x7F, v10;
	[tilespmem:s13+$0x0] =	vst v13;
	v1 =	vand.u32 $0xFFFFFC00, v1  }
0xc3: {  	s8 =	sadd.s32 $0x7B80, s29;
	s21 =	sor.u32 s16, s20;
	[tilespmem:s14+$0x0] =	vst v12;
	v12 =	vshll.u32 v17, $0x3;
	v11 =	vld.idx.msk [tilespmem:v11+s4+$0x0], $0xffff;
	v1 =	vor.u32 v10, v1  }
0xc4: {  	s22 =	sor.u32 s23, s8;
	v12 =	vand.u32 $0xFFFFFC00, v12;
	v13 =	vld.idx.msk [tilespmem:v18+s4+$0x0], $0xffff;
	v10 =	vand.u32 $0x7F, v17;
	[tilespmem:s21+$0x0] =	vst v14;
	v14 =	vadd.s32 $0x2180, v5  }
0xc5: {  	s3 =	sor.u32 s15, s20;
	v15 =	vor.u32 v10, v12;
	v9 =	vld.idx.msk [tilespmem:v9+s4+$0x0], $0xffff;
	[tilespmem:s22+$0x0] =	vst v8  }
0xc6: {  	s11 =	sadd.s32 $0x6B00, s28;
	v8 =	vadd.s32 $0x2100, v4;
	[tilespmem:s3+$0x0] =	vst v19;
	v7 =	vld.idx.msk [tilespmem:v7+s4+$0x0], $0xffff  }
0xc7: {  	s30 =	sor.u32 s26, s11;
	v12 =	vadd.s32 $0x1100, v0;
	v10 =	vld.idx.msk [tilespmem:v20+s4+$0x0], $0xffff  }
0xc8: {  	v17 =	vld.idx.msk [tilespmem:v1+s4+$0x0], $0xffff;
	[tilespmem:s30+$0x0] =	vst v11;
	v11 =	vadd.s32 $0x3280, v2  }
0xc9: {  	s31 =	sadd.s32 $0x5A80, s17;
	s2 =	sor.u32 s25, s12;
	v18 =	vadd.s32 $0x3100, v3;
	v14 =	vld.idx.msk [tilespmem:v14+s4+$0x0], $0xffff  }
0xca: {  	s7 =	sadd.s32 $0x7C00, s29;
	s14 =	sor.u32 s16, s31;
	v19 =	vor.u32 $0x80, v1;
	s3 =	simm.s32 $0x300;
	[tilespmem:s2+$0x0] =	vst v16;
	v16 =	vld.idx.msk [tilespmem:v15+s4+$0x0], $0xffff  }
0xcb: {  	s21 =	sor.u32 s23, s7;
	s20 =	sand.u32 $0xC00, s3;
	[tilespmem:s14+$0x0] =	vst v9;
	v8 =	vld.idx.msk [tilespmem:v8+s4+$0x0], $0xffff;
	v9 =	vadd.s32 $0x2200, v5  }
0xcc: {  	s9 =	sor.u32 s24, s9;
	v20 =	vor.u32 $0x80, v15;
	s12 =	sadd.s32 $0x4A00, s20;
	v12 =	vld.idx.msk [tilespmem:v12+s4+$0x0], $0xffff;
	[tilespmem:s21+$0x0] =	vst v7  }
0xcd: {  	s13 =	sadd.s32 $0x6B80, s28;
	[tilespmem:s9+$0x0] =	vst v13;
	s10 =	sor.u32 s19, s12;
	v7 =	vadd.s32 $0x1100, v6;
	v11 =	vld.idx.msk [tilespmem:v11+s4+$0x0], $0xffff  }
0xce: {  	s22 =	sor.u32 s26, s13;
	v13 =	vadd.s32 $0x1180, v0;
	[tilespmem:s10+$0x0] =	vst v17;
	v17 =	vld.idx.msk [tilespmem:v18+s4+$0x0], $0xffff  }
0xcf: {  	s9 =	sor.u32 s18, s12;
	v18 =	vld.idx.msk [tilespmem:v19+s4+$0x0], $0xffff;
	[tilespmem:s22+$0x0] =	vst v14;
	v14 =	vadd.s32 $0x3300, v2  }
0xd0: {  	s30 =	sor.u32 s15, s31;
	s31 =	sadd.s32 $0x5B00, s17;
	v19 =	vadd.s32 $0x2180, v4;
	[tilespmem:s9+$0x0] =	vst v16;
	v9 =	vld.idx.msk [tilespmem:v9+s4+$0x0], $0xffff  }
0xd1: {  	s5 =	sadd.s32 $0x7C80, s29;
	s14 =	sor.u32 s16, s31;
	[tilespmem:s30+$0x0] =	vst v10;
	v16 =	vld.idx.msk [tilespmem:v20+s4+$0x0], $0xffff;
	v20 =	vor.u32 $0x100, v1  }
0xd2: {  	v10 =	vadd.s32 $0x2280, v5;
	s21 =	sor.u32 s23, s5;
	v7 =	vld.idx.msk [tilespmem:v7+s4+$0x0], $0xffff;
	[tilespmem:s14+$0x0] =	vst v12  }
0xd3: {  	s11 =	sor.u32 s25, s11;
	v12 =	vor.u32 $0x100, v15;
	v13 =	vld.idx.msk [tilespmem:v13+s4+$0x0], $0xffff;
	[tilespmem:s21+$0x0] =	vst v11  }
0xd4: {  	[tilespmem:s11+$0x0] =	vst v8;
	s11 =	sadd.s32 $0x6C00, s28;
	v11 =	vadd.s32 $0x1180, v6;
	v8 =	vld.idx.msk [tilespmem:v14+s4+$0x0], $0xffff  }
0xd5: {  	s22 =	sor.u32 s26, s11;
	[tilespmem:s10+$0x80] =	vst v18;
	v14 =	vadd.s32 $0x1200, v0;
	v18 =	vld.idx.msk [tilespmem:v19+s4+$0x0], $0xffff  }
0xd6: {  	v2 =	vadd.s32 $0x3380, v2;
	v19 =	vld.idx.msk [tilespmem:v20+s4+$0x0], $0xffff;
	[tilespmem:s22+$0x0] =	vst v9  }
0xd7: {  	s30 =	sor.u32 s15, s31;
	s31 =	sadd.s32 $0x5B80, s17;
	v9 =	vadd.s32 $0x2200, v4;
	[tilespmem:s9+$0x80] =	vst v16;
	v10 =	vld.idx.msk [tilespmem:v10+s4+$0x0], $0xffff  }
0xd8: {  	s2 =	sadd.s32 $0x7D00, s29;
	s14 =	sor.u32 s16, s31;
	v16 =	vor.u32 $0x180, v1;
	v12 =	vld.idx.msk [tilespmem:v12+s4+$0x0], $0xffff;
	[tilespmem:s30+$0x0] =	vst v7  }
0xd9: {  	s21 =	sor.u32 s23, s2;
	[tilespmem:s14+$0x0] =	vst v13;
	v13 =	vadd.s32 $0x2300, v5;
	v11 =	vld.idx.msk [tilespmem:v11+s4+$0x0], $0xffff  }
0xda: {  	s13 =	sor.u32 s25, s13;
	v20 =	vor.u32 $0x180, v15;
	v14 =	vld.idx.msk [tilespmem:v14+s4+$0x0], $0xffff;
	[tilespmem:s21+$0x0] =	vst v8  }
0xdb: {  	v8 =	vadd.s32 $0x1200, v6;
	[tilespmem:s13+$0x0] =	vst v18;
	s13 =	sadd.s32 $0x6C80, s28;
	v7 =	vld.idx.msk [tilespmem:v2+s4+$0x0], $0xffff  }
0xdc: {  	[tilespmem:s10+$0x100] =	vst v19;
	v2 =	vadd.s32 $0x1280, v0;
	v9 =	vld.idx.msk [tilespmem:v9+s4+$0x0], $0xffff;
	s22 =	sor.u32 s26, s13  }
0xdd: {  	v18 =	vadd.s32 $0x2280, v4;
	v16 =	vld.idx.msk [tilespmem:v16+s4+$0x0], $0xffff;
	[tilespmem:s22+$0x0] =	vst v10  }
0xde: {  	s12 =	sor.u32 s15, s31;
	s30 =	sadd.s32 $0x5C00, s17;
	[tilespmem:s9+$0x100] =	vst v12;
	v12 =	vor.u32 $0x200, v1;
	v10 =	vld.idx.msk [tilespmem:v13+s4+$0x0], $0xffff  }
0xdf: {  	s31 =	sor.u32 s16, s30;
	v13 =	vld.idx.msk [tilespmem:v20+s4+$0x0], $0xffff;
	[tilespmem:s12+$0x0] =	vst v11;
	v11 =	vadd.s32 $0x2380, v5  }
0xe0: {  	s11 =	sor.u32 s25, s11;
	v19 =	vor.u32 $0x200, v15;
	v8 =	vld.idx.msk [tilespmem:v8+s4+$0x0], $0xffff;
	[tilespmem:s31+$0x0] =	vst v14  }
0xe1: {  	v14 =	vadd.s32 $0x1280, v6;
	v2 =	vld.idx.msk [tilespmem:v2+s4+$0x0], $0xffff;
	[tilespmem:s11+$0x0] =	vst v9;
	s11 =	sadd.s32 $0x6D00, s28  }
0xe2: {  	v9 =	vadd.s32 $0x1300, v0;
	[tilespmem:s10+$0x180] =	vst v16;
	v16 =	vld.idx.msk [tilespmem:v18+s4+$0x0], $0xffff;
	s21 =	sor.u32 s26, s11  }
0xe3: {  	v18 =	vadd.s32 $0x3180, v3;
	v12 =	vld.idx.msk [tilespmem:v12+s4+$0x0], $0xffff;
	[tilespmem:s21+$0x0] =	vst v10  }
0xe4: {  	s22 =	sor.u32 s15, s30;
	s30 =	sadd.s32 $0x5C80, s17;
	v10 =	vadd.s32 $0x2300, v4;
	[tilespmem:s9+$0x180] =	vst v13;
	v11 =	vld.idx.msk [tilespmem:v11+s4+$0x0], $0xffff  }
0xe5: {  	s31 =	sor.u32 s16, s30;
	v13 =	vld.idx.msk [tilespmem:v19+s4+$0x0], $0xffff;
	v19 =	vor.u32 $0x280, v1;
	[tilespmem:s22+$0x0] =	vst v8  }
0xe6: {  	s6 =	sor.u32 s24, s6;
	v8 =	vld.idx.msk [tilespmem:v14+s4+$0x0], $0xffff;
	[tilespmem:s31+$0x0] =	vst v2;
	v2 =	vadd.s32 $0x3000, v5  }
0xe7: {  	[tilespmem:s6+$0x0] =	vst v17;
	s13 =	sor.u32 s25, s13;
	v14 =	vor.u32 $0x280, v15;
	v9 =	vld.idx.msk [tilespmem:v9+s4+$0x0], $0xffff  }
0xe8: {  	v17 =	vadd.s32 $0x1300, v6;
	s6 =	sadd.s32 $0x6D80, s28;
	[tilespmem:s13+$0x0] =	vst v16;
	v16 =	vld.idx.msk [tilespmem:v18+s4+$0x0], $0xffff  }
0xe9: {  	s21 =	sor.u32 s26, s6;
	[tilespmem:s10+$0x200] =	vst v12;
	v12 =	vadd.s32 $0x1380, v0;
	v10 =	vld.idx.msk [tilespmem:v10+s4+$0x0], $0xffff  }
0xea: {  	v18 =	vadd.s32 $0x3200, v3;
	v19 =	vld.idx.msk [tilespmem:v19+s4+$0x0], $0xffff;
	[tilespmem:s21+$0x0] =	vst v11  }
0xeb: {  	s22 =	sor.u32 s15, s30;
	s30 =	sadd.s32 $0x5D00, s17;
	v11 =	vadd.s32 $0x2380, v4;
	[tilespmem:s9+$0x200] =	vst v13;
	v2 =	vld.idx.msk [tilespmem:v2+s4+$0x0], $0xffff  }
0xec: {  	s31 =	sor.u32 s16, s30;
	v13 =	vld.idx.msk [tilespmem:v14+s4+$0x0], $0xffff;
	v14 =	vor.u32 $0x300, v1;
	[tilespmem:s22+$0x0] =	vst v8  }
0xed: {  	s8 =	sor.u32 s24, s8;
	v8 =	vld.idx.msk [tilespmem:v17+s4+$0x0], $0xffff;
	[tilespmem:s31+$0x0] =	vst v9;
	v9 =	vadd.s32 $0x3080, v5  }
0xee: {  	s11 =	sor.u32 s25, s11;
	v17 =	vor.u32 $0x300, v15;
	[tilespmem:s8+$0x0] =	vst v16;
	v12 =	vld.idx.msk [tilespmem:v12+s4+$0x0], $0xffff  }
0xef: {  	s8 =	sadd.s32 $0x7A00, s28;
	[tilespmem:s11+$0x0] =	vst v10;
	v10 =	vld.idx.msk [tilespmem:v18+s4+$0x0], $0xffff  }
0xf0: {  	v16 =	vadd.s32 $0x1380, v6;
	s12 =	sor.u32 s26, s8;
	[tilespmem:s10+$0x280] =	vst v19;
	v11 =	vld.idx.msk [tilespmem:v11+s4+$0x0], $0xffff  }
0xf1: {  	s14 =	simm.s32 $0x6;
	v18 =	vadd.s32 $0x2000, v0;
	v14 =	vld.idx.msk [tilespmem:v14+s4+$0x0], $0xffff;
	[tilespmem:s12+$0x0] =	vst v2  }
0xf2: {  	s21 =	sor.u32 s15, s30;
	s22 =	sadd.s32 $0x5D80, s17;
	s11 =	sand.u32 $0x7, s14;
	v19 =	vadd.s32 $0x3280, v3;
	[tilespmem:s9+$0x280] =	vst v13;
	v9 =	vld.idx.msk [tilespmem:v9+s4+$0x0], $0xffff  }
0xf3: {  	s30 =	sor.u32 s16, s22;
	s11 =	sshll.u32 s11, $0x4;
	v13 =	vld.idx.msk [tilespmem:v17+s4+$0x0], $0xffff;
	v17 =	vor.u32 $0x380, v1;
	[tilespmem:s21+$0x0] =	vst v8  }
0xf4: {  	s7 =	sor.u32 s24, s7;
	s31 =	simm.s32 $0x3;
	s11 =	sadd.s32 $0x300, s11;
	[tilespmem:s30+$0x0] =	vst v12;
	v12 =	vadd.s32 $0x3100, v5  }
0xf5: {  	s6 =	sor.u32 s25, s6;
	s12 =	sand.u32 $0x3, s31;
	s11 =	sadd.s32 $0x10, s11;
	v8 =	vld.idx.msk [tilespmem:v16+s4+$0x0], $0xffff;
	v16 =	vor.u32 $0x380, v15;
	[tilespmem:s7+$0x0] =	vst v10  }
0xf6: {  	s10 =	sshll.u32 s12, $0x5;
	s11 =	sor.u32 $0x300, s11;
	v10 =	vadd.s32 $0x2000, v6;
	s7 =	sadd.s32 $0x7A80, s28;
	v18 =	vld.idx.msk [tilespmem:v18+s4+$0x0], $0xffff;
	[tilespmem:s6+$0x0] =	vst v11  }
0xf7: {  	s13 =	sadd.s32 $0x300, s10;
	v11 =	vld.idx.msk [tilespmem:v19+s4+$0x0], $0xffff;
	s14 =	sor.u32 s26, s7;
	[tilespmem:s11+$0x4A00] =	vst v14  }
0xf8: {  	s30 =	simm.s32 $0x80;
	s6 =	sor.u32 $0x300, s13;
	v17 =	vld.idx.msk [tilespmem:v17+s4+$0x0], $0xffff;
	[tilespmem:s14+$0x0] =	vst v9  }
0xf9: {  	s9 =	sor.u32 s15, s22;
	s21 =	rddreg [dreg:$0x4];
	s22 =	sand.u32 $0x180, s30;
	v14 =	vadd.s32 $0x2080, v0;
	[tilespmem:s6+$0x4A00] =	vst v13;
	v9 =	vld.idx.msk [tilespmem:v12+s4+$0x0], $0xffff  }
0xfa: {  	v2 =	vadd.s32 $0x3000, v4;
	s14 =	simm.s32 $0x90;
	s6 =	sadd.s32 s22, s21;
	s22 =	sand.u32 $0x60, s30;
	v12 =	vld.idx.msk [tilespmem:v16+s4+$0x0], $0xffff;
	[tilespmem:s9+$0x0] =	vst v8  }
0xfb: {  	s10 =	sadd.s32 $0x6A00, s17;
	v13 =	vadd.s32 $0x1000, v1;
	s21 =	sand.u32 $0x70, s14;
	s11 =	sadd.s32 s22, s6;
	v8 =	vld.idx.msk [tilespmem:v10+s4+$0x0], $0xffff  }
0xfc: {  	s31 =	sor.u32 s16, s10;
	v10 =	vadd.s32 $0x3180, v5;
	s12 =	sadd.s32 s21, s6;
	v20 =	vld [tilespmem:s11+$0x0]  }
0xfd: {  	s1 =	sor.u32 s1, s3;
	v16 =	vadd.s32 $0x1000, v15;
	[tilespmem:s31+$0x0] =	vst v18;
	s31 =	sor.u32 s15, s10;
	s10 =	sor.u32 s24, s5;
	v19 =	vld [tilespmem:s12+$0x0]  }
0xfe: {  	s1 =	sor.u32 $0x380, s1;
	v18 =	vadd.s32 $0x2080, v6;
	s6 =	sadd.s32 $0x7B00, s28;
	[tilespmem:s10+$0x0] =	vst v11;
	v14 =	vld.idx.msk [tilespmem:v14+s4+$0x0], $0xffff  }
0xff: {  	s0 =	sor.u32 s0, s3;
	v2 =	vld.idx.msk [tilespmem:v2+s4+$0x0], $0xffff;
	s13 =	sor.u32 s26, s6;
	[tilespmem:s1+$0x4A00] =	vst v17;
	v17 =	vadd.s32 $0x2100, v0  }
0x100: {  	v21 =	vadd.s32 $0x3080, v4;
	s0 =	sor.u32 $0x380, s0;
	v13 =	vld.idx.msk [tilespmem:v13+s4+$0x0], $0xffff;
	[tilespmem:s13+$0x0] =	vst v9  }
0x101: {  	s3 =	sadd.s32 $0x6A80, s17;
	v9 =	vadd.s32 $0x3300, v3;
	[tilespmem:s0+$0x4A00] =	vst v12;
	v10 =	vld.idx.msk [tilespmem:v10+s4+$0x0], $0xffff  }
0x102: {  	s1 =	sor.u32 s16, s3;
	v12 =	vld.idx.msk [tilespmem:v16+s4+$0x0], $0xffff;
	v16 =	vadd.s32 $0x1080, v1;
	[tilespmem:s31+$0x0] =	vst v8  }
0x103: {  	v22 =	vadd.s32 $0x1080, v15;
	s9 =	sor.u32 s25, s8;
	s11 =	sadd.s32 $0x5A00, s20;
	v11 =	vshll.u32 v20, $0x3;
	v8 =	vshll.u32 v19, $0x3;
	v18 =	vld.idx.msk [tilespmem:v18+s4+$0x0], $0xffff;
	[tilespmem:s1+$0x0] =	vst v14  }
0x104: {  	s12 =	sor.u32 s19, s11;
	[tilespmem:s9+$0x0] =	vst v2;
	v2 =	vand.u32 $0x7F, v19;
	v14 =	vadd.s32 $0x3200, v5;
	v8 =	vand.u32 $0xFFFFFC00, v8;
	s1 =	sadd.s32 $0x7D80, s29;
	v17 =	vld.idx.msk [tilespmem:v17+s4+$0x0], $0xffff  }
0x105: {  	v19 =	vand.u32 $0x7F, v20;
	v11 =	vand.u32 $0xFFFFFC00, v11;
	v2 =	vor.u32 v2, v8;
	v8 =	vld.idx.msk [tilespmem:v21+s4+$0x0], $0xffff;
	s31 =	sor.u32 s23, s1;
	[tilespmem:s12+$0x0] =	vst v13  }
0x106: {  	s5 =	sor.u32 s18, s11;
	s0 =	sadd.s32 $0x7B80, s28;
	v54 =	vor.u32 v19, v11;
	v9 =	vld.idx.msk [tilespmem:v9+s4+$0x0], $0xffff;
	[tilespmem:s31+$0x0] =	vst v7  }
0x107: {  	s13 =	sor.u32 s26, s0;
	v13 =	vadd.s32 $0x2180, v0;
	v11 =	vld.idx.msk [tilespmem:v16+s4+$0x0], $0xffff;
	[tilespmem:s5+$0x0] =	vst v12  }
0x108: {  	s9 =	sadd.s32 $0x6B00, s17;
	s3 =	sor.u32 s15, s3;
	v19 =	vadd.s32 $0x3100, v4;
	[tilespmem:s13+$0x0] =	vst v10;
	v7 =	vld.idx.msk [tilespmem:v22+s4+$0x0], $0xffff  }
0x109: {  	s8 =	sor.u32 s16, s9;
	v10 =	vadd.s32 $0x2100, v6;
	[tilespmem:s3+$0x0] =	vst v18;
	v12 =	vld.idx.msk [tilespmem:v14+s4+$0x0], $0xffff  }
0x10a: {  	s10 =	sor.u32 s25, s7;
	v14 =	vadd.s32 $0x1100, v1;
	v16 =	vld.idx.msk [tilespmem:v2+s4+$0x0], $0xffff;
	[tilespmem:s8+$0x0] =	vst v17  }
0x10b: {  	s2 =	sor.u32 s24, s2;
	s29 =	simm.s32 $0x400;
	v17 =	vadd.s32 $0x3280, v5;
	s8 =	sadd.s32 $0x5A80, s20;
	[tilespmem:s10+$0x0] =	vst v8;
	v8 =	vld.idx.msk [tilespmem:v54+s4+$0x0], $0xffff  }
0x10c: {  	s23 =	sand.u32 $0xC00, s29;
	v18 =	vor.u32 $0x80, v2;
	s3 =	sadd.s32 $0x7C00, s28;
	v13 =	vld.idx.msk [tilespmem:v13+s4+$0x0], $0xffff;
	s11 =	sor.u32 s19, s8;
	[tilespmem:s2+$0x0] =	vst v9  }
0x10d: {  	s13 =	sadd.s32 $0x4A00, s23;
	s12 =	sor.u32 s26, s3;
	v19 =	vld.idx.msk [tilespmem:v19+s4+$0x0], $0xffff;
	[tilespmem:s11+$0x0] =	vst v11;
	v11 =	vadd.s32 $0x2200, v0  }
0x10e: {  	v20 =	vor.u32 $0x80, v54;
	s7 =	sor.u32 s21, s13;
	v10 =	vld.idx.msk [tilespmem:v10+s4+$0x0], $0xffff;
	[tilespmem:s12+$0x0] =	vst v12  }
0x10f: {  	s5 =	sor.u32 s22, s13;
	s11 =	sadd.s32 $0x6B80, s17;
	v14 =	vld.idx.msk [tilespmem:v14+s4+$0x0], $0xffff;
	v12 =	vadd.s32 $0x1100, v15;
	[tilespmem:s7+$0x0] =	vst v16  }
0x110: {  	s31 =	sor.u32 s16, s11;
	v9 =	vld.idx.msk [tilespmem:v17+s4+$0x0], $0xffff;
	v16 =	vadd.s32 $0x1180, v1;
	[tilespmem:s5+$0x0] =	vst v8  }
0x111: {  	s12 =	sor.u32 s18, s8;
	v17 =	vld.idx.msk [tilespmem:v18+s4+$0x0], $0xffff;
	[tilespmem:s31+$0x0] =	vst v13;
	v13 =	vadd.s32 $0x3300, v5  }
0x112: {  	s9 =	sor.u32 s15, s9;
	s8 =	sadd.s32 $0x5B00, s20;
	[tilespmem:s12+$0x0] =	vst v7;
	v18 =	vadd.s32 $0x2180, v6;
	v8 =	vld.idx.msk [tilespmem:v11+s4+$0x0], $0xffff  }
0x113: {  	s2 =	sadd.s32 $0x7C80, s28;
	s13 =	sor.u32 s19, s8;
	v11 =	vld.idx.msk [tilespmem:v20+s4+$0x0], $0xffff;
	v20 =	vor.u32 $0x100, v2;
	[tilespmem:s9+$0x0] =	vst v10  }
0x114: {  	s31 =	sor.u32 s26, s2;
	[tilespmem:s13+$0x0] =	vst v14;
	v7 =	vld.idx.msk [tilespmem:v12+s4+$0x0], $0xffff;
	v12 =	vadd.s32 $0x2280, v0  }
0x115: {  	s10 =	sadd.s32 $0x6C00, s17;
	[tilespmem:s31+$0x0] =	vst v9;
	v9 =	vor.u32 $0x100, v54;
	v14 =	vld.idx.msk [tilespmem:v16+s4+$0x0], $0xffff  }
0x116: {  	s12 =	sor.u32 s16, s10;
	v16 =	vadd.s32 $0x1180, v15;
	v10 =	vld.idx.msk [tilespmem:v13+s4+$0x0], $0xffff;
	[tilespmem:s7+$0x80] =	vst v17  }
0x117: {  	v13 =	vadd.s32 $0x1200, v1;
	v17 =	vld.idx.msk [tilespmem:v18+s4+$0x0], $0xffff;
	[tilespmem:s12+$0x0] =	vst v8  }
0x118: {  	s8 =	sor.u32 s18, s8;
	v5 =	vadd.s32 $0x3380, v5;
	s9 =	sadd.s32 $0x5B80, s20;
	v8 =	vld.idx.msk [tilespmem:v20+s4+$0x0], $0xffff;
	[tilespmem:s5+$0x80] =	vst v11  }
0x119: {  	s13 =	sor.u32 s19, s9;
	v18 =	vadd.s32 $0x2200, v6;
	v11 =	vld.idx.msk [tilespmem:v12+s4+$0x0], $0xffff;
	[tilespmem:s8+$0x0] =	vst v7;
	s8 =	sadd.s32 $0x7D00, s28  }
0x11a: {  	v7 =	vld.idx.msk [tilespmem:v9+s4+$0x0], $0xffff;
	v9 =	vor.u32 $0x180, v2;
	[tilespmem:s13+$0x0] =	vst v14;
	s31 =	sor.u32 s26, s8  }
0x11b: {  	s11 =	sor.u32 s15, s11;
	v12 =	vld.idx.msk [tilespmem:v16+s4+$0x0], $0xffff;
	v14 =	vadd.s32 $0x2300, v0;
	[tilespmem:s31+$0x0] =	vst v10  }
0x11c: {  	v10 =	vor.u32 $0x180, v54;
	v13 =	vld.idx.msk [tilespmem:v13+s4+$0x0], $0xffff;
	[tilespmem:s11+$0x0] =	vst v17;
	s11 =	sadd.s32 $0x6C80, s17  }
0x11d: {  	v16 =	vadd.s32 $0x1200, v15;
	v5 =	vld.idx.msk [tilespmem:v5+s4+$0x0], $0xffff;
	[tilespmem:s7+$0x100] =	vst v8;
	s13 =	sor.u32 s16, s11  }
0x11e: {  	v8 =	vadd.s32 $0x1280, v1;
	v17 =	vld.idx.msk [tilespmem:v18+s4+$0x0], $0xffff;
	[tilespmem:s13+$0x0] =	vst v11  }
0x11f: {  	s9 =	sor.u32 s18, s9;
	s12 =	sadd.s32 $0x5C00, s20;
	v18 =	vadd.s32 $0x2280, v6;
	v9 =	vld.idx.msk [tilespmem:v9+s4+$0x0], $0xffff;
	[tilespmem:s5+$0x100] =	vst v7  }
0x120: {  	s31 =	sor.u32 s19, s12;
	v11 =	vadd.s32 $0x3380, v3;
	v7 =	vld.idx.msk [tilespmem:v14+s4+$0x0], $0xffff;
	[tilespmem:s9+$0x0] =	vst v12;
	s9 =	sadd.s32 $0x7D80, s28  }
0x121: {  	v14 =	vor.u32 $0x200, v2;
	v10 =	vld.idx.msk [tilespmem:v10+s4+$0x0], $0xffff;
	[tilespmem:s31+$0x0] =	vst v13;
	s26 =	sor.u32 s26, s9  }
0x122: {  	s10 =	sor.u32 s15, s10;
	v13 =	vld.idx.msk [tilespmem:v16+s4+$0x0], $0xffff;
	[tilespmem:s26+$0x0] =	vst v5  }
0x123: {  	v16 =	vadd.s32 $0x2380, v0;
	v8 =	vld.idx.msk [tilespmem:v8+s4+$0x0], $0xffff;
	[tilespmem:s10+$0x0] =	vst v17;
	s10 =	sadd.s32 $0x6D00, s17  }
0x124: {  	v20 =	vor.u32 $0x200, v54;
	v18 =	vld.idx.msk [tilespmem:v18+s4+$0x0], $0xffff;
	s31 =	sor.u32 s16, s10;
	[tilespmem:s7+$0x180] =	vst v9  }
0x125: {  	v22 =	vadd.s32 $0x1280, v15;
	v42 =	vld.idx.msk [tilespmem:v11+s4+$0x0], $0xffff;
	v11 =	vadd.s32 $0x3100, v6;
	[tilespmem:s31+$0x0] =	vst v7  }
0x126: {  	v9 =	vadd.s32 $0x1300, v1;
	v24 =	vld.idx.msk [tilespmem:v14+s4+$0x0], $0xffff;
	[tilespmem:$0x1FF80] =	vst v11  }
0x127: {  	s12 =	sor.u32 s18, s12;
	s26 =	sadd.s32 $0x5C80, s20;
	[tilespmem:s5+$0x180] =	vst v10  }
0x128: {  	v28 =	vadd.s32 $0x3300, v4;
	v5 =	vadd.s32 $0x3180, v4;
	s31 =	sor.u32 s19, s26;
	v10 =	vld.idx.msk [tilespmem:v16+s4+$0x0], $0xffff;
	[tilespmem:s12+$0x0] =	vst v13  }
0x129: {  	v25 =	vadd.s32 $0x3000, v0;
	v23 =	vadd.s32 $0x2300, v6;
	v31 =	vadd.s32 $0x3080, v6;
	s6 =	sor.u32 s25, s6;
	[tilespmem:s31+$0x0] =	vst v8;
	v13 =	vld.idx.msk [tilespmem:v20+s4+$0x0], $0xffff  }
0x12a: {  	v29 =	vadd.s32 $0x3180, v6;
	v27 =	vadd.s32 $0x3200, v6;
	v11 =	vadd.s32 $0x2180, v15;
	[tilespmem:s6+$0x0] =	vst v19;
	v8 =	vld.idx.msk [tilespmem:v22+s4+$0x0], $0xffff  }
0x12b: {  	v21 =	vadd.s32 $0x3200, v4;
	v30 =	vor.u32 $0x280, v54;
	s11 =	sor.u32 s15, s11;
	v16 =	vor.u32 $0x280, v2;
	v9 =	vld.idx.msk [tilespmem:v9+s4+$0x0], $0xffff;
	[tilespmem:$0x1FF90] =	vst v11  }
0x12c: {  	v3 =	vadd.s32 $0x3280, v4;
	v12 =	vadd.s32 $0x3300, v6;
	v11 =	vadd.s32 $0x2200, v15;
	[tilespmem:s11+$0x0] =	vst v18  }
0x12d: {  	v17 =	vadd.s32 $0x3380, v4;
	v4 =	vadd.s32 $0x3000, v6;
	v7 =	vadd.s32 $0x2380, v6;
	s6 =	sadd.s32 $0x6D80, s17;
	v5 =	vld.idx.msk [tilespmem:v5+s4+$0x0], $0xffff;
	[tilespmem:$0x1FFA0] =	vst v11  }
0x12e: {  	v14 =	vadd.s32 $0x3280, v6;
	v20 =	vadd.s32 $0x3380, v6;
	v6 =	vadd.s32 $0x1300, v15;
	s12 =	sor.u32 s16, s6;
	[tilespmem:s7+$0x200] =	vst v24  }
0x12f: {  	v26 =	vadd.s32 $0x1380, v15;
	v19 =	vadd.s32 $0x1380, v1;
	v23 =	vld.idx.msk [tilespmem:v23+s4+$0x0], $0xffff;
	[tilespmem:s12+$0x0] =	vst v10  }
0x130: {  	v45 =	vadd.s32 $0x2000, v15;
	v39 =	vadd.s32 $0x2080, v15;
	v40 =	vadd.s32 $0x2100, v15;
	s26 =	sor.u32 s18, s26;
	[tilespmem:s5+$0x200] =	vst v13;
	s12 =	sadd.s32 $0x5D00, s20;
	v32 =	vld.idx.msk [tilespmem:v16+s4+$0x0], $0xffff  }
0x131: {  	v43 =	vadd.s32 $0x2280, v15;
	v37 =	vadd.s32 $0x2300, v15;
	v36 =	vadd.s32 $0x2380, v15;
	[tilespmem:s26+$0x0] =	vst v8;
	v25 =	vld.idx.msk [tilespmem:v25+s4+$0x0], $0xffff;
	s31 =	sor.u32 s19, s12  }
0x132: {  	v33 =	vadd.s32 $0x3000, v15;
	v35 =	vadd.s32 $0x3100, v15;
	s0 =	sor.u32 s25, s0;
	v22 =	vadd.s32 $0x3200, v15;
	v10 =	vld.idx.msk [tilespmem:v30+s4+$0x0], $0xffff;
	[tilespmem:s31+$0x0] =	vst v9  }
0x133: {  	v18 =	vadd.s32 $0x3280, v15;
	v11 =	vadd.s32 $0x3080, v15;
	v6 =	vld.idx.msk [tilespmem:v6+s4+$0x0], $0xffff;
	[tilespmem:s0+$0x0] =	vst v5;
	v5 =	vadd.s32 $0x1180, v54  }
0x134: {  	s10 =	sor.u32 s15, s10;
	v24 =	vadd.s32 $0x3180, v15;
	v13 =	vadd.s32 $0x3300, v15;
	v16 =	vadd.s32 $0x3380, v15;
	v15 =	vld.idx.msk [tilespmem:v19+s4+$0x0], $0xffff;
	[tilespmem:$0x1FFB0] =	vst v5  }
0x135: {  	v19 =	vadd.s32 $0x1200, v54;
	[tilespmem:s10+$0x0] =	vst v23  }
0x136: {  	v34 =	vor.u32 $0x300, v2;
	v5 =	vld.idx.msk [tilespmem:v21+s4+$0x0], $0xffff;
	[tilespmem:$0x1FFC0] =	vst v19;
	v19 =	vadd.s32 $0x1280, v54  }
0x137: {  	[tilespmem:$0x1FFD0] =	vst v19  }
0x138: {  	s8 =	sor.u32 s25, s8;
	v8 =	vadd.s32 $0x3080, v0;
	s10 =	sadd.s32 $0x7A00, s17;
	[tilespmem:s7+$0x280] =	vst v32  }
0x139: {  	s31 =	sor.u32 s16, s10;
	v55 =	vld.idx.msk [tilespmem:v7+s4+$0x0], $0xffff;
	[dreg:$0x6] =	wrdreg s8  }
0x13a: {  	v7 =	vadd.s32 $0x2180, v54;
	[tilespmem:s31+$0x0] =	vst v25  }
0x13b: {  	s24 =	sor.u32 s24, s1;
	s28 =	simm.s32 $0x4;
	v9 =	vor.u32 $0x300, v54;
	v57 =	vld.idx.msk [tilespmem:v34+s4+$0x0], $0xffff;
	[tilespmem:$0x1FFE0] =	vst v7  }
0x13c: {  	s3 =	sor.u32 s25, s3;
	s2 =	sor.u32 s25, s2;
	s13 =	sand.u32 $0x3, s28;
	v7 =	vadd.s32 $0x2200, v54;
	[tilespmem:s5+$0x280] =	vst v10  }
0x13d: {  	v53 =	vor.u32 $0x380, v54;
	v51 =	vadd.s32 $0x1000, v54;
	s25 =	sor.u32 s25, s9;
	s9 =	sadd.s32 $0x5D80, s20;
	s12 =	sor.u32 s18, s12;
	v19 =	vadd.s32 $0x2000, v1;
	v56 =	vld.idx.msk [tilespmem:v8+s4+$0x0], $0xffff;
	[tilespmem:$0x1FFF0] =	vst v7  }
0x13e: {  	v49 =	vadd.s32 $0x1080, v54;
	v48 =	vadd.s32 $0x1100, v54;
	v61 =	vadd.s32 $0x1300, v54;
	s1 =	simm.s32 $0x8;
	s26 =	sshll.u32 s13, $0x5;
	s31 =	sor.u32 s19, s9;
	[tilespmem:s12+$0x0] =	vst v6  }
0x13f: {  	v46 =	vadd.s32 $0x1380, v54;
	v52 =	vadd.s32 $0x2000, v54;
	v50 =	vadd.s32 $0x2080, v54;
	s13 =	sand.u32 $0x7, s1;
	s26 =	sadd.s32 $0x400, s26;
	[tilespmem:s31+$0x0] =	vst v15;
	s12 =	simm.s32 $0x80  }
0x140: {  	v47 =	vadd.s32 $0x2100, v54;
	v44 =	vadd.s32 $0x2280, v54;
	v38 =	vadd.s32 $0x2300, v54;
	s0 =	simm.s32 $0x8;
	s8 =	sshll.u32 s13, $0x4;
	v7 =	vld.idx.msk [tilespmem:v9+s4+$0x0], $0xffff;
	[dreg:$0x5] =	wrdreg s12  }
0x141: {  	v41 =	vadd.s32 $0x3100, v54;
	v30 =	vadd.s32 $0x3000, v54;
	v23 =	vadd.s32 $0x3180, v54;
	s7 =	sor.u32 $0x300, s26;
	s26 =	sor.u32 s15, s6;
	s8 =	sadd.s32 $0x400, s8;
	v6 =	vld.idx.msk [tilespmem:v26+s4+$0x0], $0xffff  }
0x142: {  	v21 =	vadd.s32 $0x3200, v54;
	v32 =	vadd.s32 $0x3080, v54;
	s6 =	sor.u32 s18, s9;
	s13 =	sor.u32 s30, s29;
	v34 =	vadd.s32 $0x2380, v54;
	s30 =	sadd.s32 $0x10, s8;
	[tilespmem:s3+$0x0] =	vst v5;
	v5 =	vld.idx.msk [tilespmem:v19+s4+$0x0], $0xffff  }
0x143: {  	v25 =	vadd.s32 $0x3300, v54;
	s5 =	sor.u32 $0x380, s13;
	s8 =	sor.u32 $0x300, s30;
	v15 =	vadd.s32 $0x3380, v54;
	s31 =	sadd.s32 $0x7A80, s17;
	v19 =	vadd.s32 $0x3280, v54;
	[tilespmem:s26+$0x0] =	vst v55;
	v54 =	vld.idx.msk [tilespmem:v3+s4+$0x0], $0xffff  }
0x144: {  	v58 =	vadd.s32 $0x3100, v0;
	s13 =	sor.u32 s15, s10;
	v8 =	vor.u32 $0x380, v2;
	s9 =	sor.u32 s15, s31;
	[tilespmem:s8+$0x4A00] =	vst v57;
	s3 =	sor.u32 s16, s31;
	v3 =	vadd.s32 $0x2080, v1;
	v55 =	vld.idx.msk [tilespmem:v4+s4+$0x0], $0xffff  }
.LBB2_3:
0x145: {  	_ = 	snop  }
0x146: {  	[tilespmem:$0x1FEB0] =	vst v61  }
0x147: {  	[tilespmem:$0x1FF60] =	vst v33  }
0x148: {  	[tilespmem:$0x1FF40] =	vst v14  }
0x149: {  	v4 =	vld.idx.msk [tilespmem:v8+s4+$0x0], $0xffff;
	[tilespmem:s3+$0x0] =	vst v56;
	s26 =	rddreg [dreg:$0x5];
	s3 =	sadd.s32 $0x6A00, s20  }
0x14a: {  	[tilespmem:s7+$0x4A00] =	vst v7;
	s26 =	sadd.s32 $0x20, s26;
	v7 =	vld.idx.msk [tilespmem:v58+s4+$0x0], $0xffff;
	s31 =	sor.u32 s19, s3  }
0x14b: {  	s8 =	rddreg [dreg:$0x4];
	v8 =	vld.idx.msk [tilespmem:v53+s4+$0x0], $0xffff;
	s30 =	sand.u32 $0x180, s26;
	s12 =	sadd.s32 $0x10, s26;
	[tilespmem:s31+$0x0] =	vst v5  }
0x14c: {  	v9 =	vadd.s32 $0x1000, v2;
	[tilespmem:s6+$0x0] =	vst v6;
	s11 =	sand.u32 $0x60, s26;
	s7 =	sadd.s32 s30, s8;
	s10 =	sand.u32 $0x70, s12;
	v3 =	vld.idx.msk [tilespmem:v3+s4+$0x0], $0xffff  }
0x14d: {  	v5 =	vadd.s32 $0x3180, v0;
	s31 =	sor.u32 s14, s29;
	v6 =	vld.idx.msk [tilespmem:v45+s4+$0x0], $0xffff;
	s30 =	sadd.s32 s11, s7;
	s7 =	sadd.s32 s10, s7;
	[tilespmem:s2+$0x0] =	vst v54  }
0x14e: {  	v58 =	vld [tilespmem:s7+$0x0];
	s7 =	sor.u32 $0x380, s31;
	[tilespmem:s13+$0x0] =	vst v55  }
0x14f: {  	s8 =	sadd.s32 $0x7B00, s17;
	v59 =	vld [tilespmem:s30+$0x0];
	[tilespmem:s7+$0x4A00] =	vst v4  }
0x150: {  	s14 =	sor.u32 s16, s8;
	v4 =	vadd.s32 $0x2100, v1;
	[tilespmem:s5+$0x4A00] =	vst v8;
	s30 =	sadd.s32 $0x6A80, s20  }
0x151: {  	v9 =	vld.idx.msk [tilespmem:v9+s4+$0x0], $0xffff;
	[tilespmem:s14+$0x0] =	vst v7;
	s2 =	sor.u32 s19, s30  }
0x152: {  	s3 =	sor.u32 s18, s3;
	v5 =	vld.idx.msk [tilespmem:v5+s4+$0x0], $0xffff;
	[tilespmem:s2+$0x0] =	vst v3  }
0x153: {  	v60 =	vadd.s32 $0x1080, v2;
	v8 =	vld.idx.msk [tilespmem:v51+s4+$0x0], $0xffff;
	v7 =	vmovc v50;
	v3 =	vadd.s32 $0x3200, v0;
	[tilespmem:s3+$0x0] =	vst v6;
	v6 =	vshll.u32 v58, $0x3  }
0x154: {  	[tilespmem:$0x1FED0] =	vst v7;
	v55 =	vld.idx.msk [tilespmem:v39+s4+$0x0], $0xffff;
	v61 =	vand.u32 $0x7F, v58;
	v7 =	vshll.u32 v59, $0x3;
	v6 =	vand.u32 $0xFFFFFC00, v6  }
0x155: {  	v10 =	vmov v52;
	s13 =	sor.u32 s15, s8;
	s8 =	sadd.s32 $0x5A00, s23;
	[tilespmem:s24+$0x0] =	vst v42;
	v4 =	vld.idx.msk [tilespmem:v4+s4+$0x0], $0xffff;
	v63 =	vand.u32 $0xFFFFFC00, v7;
	v7 =	vor.u32 v61, v6  }
0x156: {  	[tilespmem:$0x1FEA0] =	vst v10;
	[dreg:$0x7] =	wrdreg s13;
	s14 =	sadd.s32 $0x7B80, s17;
	s2 =	sor.u32 s21, s8;
	v45 =	vld.idx.msk [tilespmem:v28+s4+$0x0], $0xffff  }
0x157: {  	s13 =	smov.u32 s12;
	s3 =	smov.u32 s25;
	s25 =	sor.u32 s16, s14;
	v6 =	vld.idx.msk [tilespmem:v31+s4+$0x0], $0xffff;
	[tilespmem:s2+$0x0] =	vst v9  }
0x158: {  	v33 =	vadd.s32 $0x2180, v1;
	s12 =	sor.u32 s22, s8;
	s31 =	sor.u32 s18, s30;
	s30 =	sadd.s32 $0x6B00, s20;
	v57 =	vld.idx.msk [tilespmem:v60+s4+$0x0], $0xffff;
	[tilespmem:s25+$0x0] =	vst v5  }
0x159: {  	[tilespmem:s12+$0x0] =	vst v8;
	v8 =	vadd.s32 $0x1100, v2;
	s2 =	sor.u32 s19, s30;
	v3 =	vld.idx.msk [tilespmem:v3+s4+$0x0], $0xffff  }
0x15a: {  	s28 =	sadd.s32 $0x1, s28;
	v26 =	vld.idx.msk [tilespmem:v7+s4+$0x0], $0xffff;
	[tilespmem:s2+$0x0] =	vst v4;
	v4 =	vadd.s32 $0x3280, v0  }
0x15b: {  	v10 =	vmov v32;
	v14 =	vmov v11;
	v11 =	vmov v12;
	s12 =	sadd.s32 $0x5A80, s23;
	v12 =	vld.idx.msk [tilespmem:v49+s4+$0x0], $0xffff;
	[tilespmem:s31+$0x0] =	vst v55;
	s31 =	sand.u32 $0x3, s28  }
0x15c: {  	[tilespmem:$0x1FEF0] =	vst v10;
	s7 =	sor.u32 s21, s12;
	s5 =	sshll.u32 s31, $0x5;
	s31 =	sadd.s32 $0x7C00, s17  }
0x15d: {  	s24 =	sor.u32 s15, s14;
	v62 =	vand.u32 $0x7F, v59;
	s14 =	sor.u32 s16, s31;
	v59 =	vld.idx.msk [tilespmem:v33+s4+$0x0], $0xffff;
	[tilespmem:s7+$0x0] =	vst v57  }
0x15e: {  	v31 =	vmov v27;
	v27 =	vmov v20;
	v10 =	vor.u32 v62, v63;
	v20 =	vld.idx.msk [tilespmem:v8+s4+$0x0], $0xffff;
	[tilespmem:s14+$0x0] =	vst v3  }
0x15f: {  	v39 =	vmov v21;
	v21 =	vld.idx.msk [tilespmem:v4+s4+$0x0], $0xffff;
	v4 =	vadd.s32 $0x3000, v10  }
0x160: {  	[tilespmem:$0x1FF70] =	vst v4;
	v4 =	vld [tilespmem:$0x1FF80]  }
0x161: {  	s29 =	sadd.s32 $0x100, s29;
	[dreg:$0x5] =	wrdreg s26;
	v28 =	vmov v34;
	v34 =	vmov v15;
	v15 =	vor.u32 $0x80, v7  }
0x162: {  	v54 =	vmovc v46;
	v46 =	vmovc v44;
	v44 =	vmov v43;
	v43 =	vmov v17;
	v17 =	vadd.s32 $0x2200, v1;
	s8 =	sand.u32 $0xC00, s29;
	[dreg:$0x8] =	wrdreg s24;
	[tilespmem:s9+$0x0] =	vst v6  }
0x163: {  	s26 =	sor.u32 s26, s29;
	[tilespmem:$0x1FF30] =	vst v11;
	s24 =	sadd.s32 $0x4A00, s8;
	s9 =	rddreg [dreg:$0x6];
	v63 =	vld.idx.msk [tilespmem:v10+s4+$0x0], $0xffff  }
0x164: {  	s6 =	sor.u32 s10, s24;
	v11 =	vor.u32 $0x80, v10;
	s2 =	sadd.s32 s5, s29;
	s5 =	sadd.s32 $0x6B80, s20;
	[tilespmem:s9+$0x0] =	vst v45  }
0x165: {  	v33 =	vmov v29;
	v29 =	vmov v16;
	s7 =	sor.u32 $0x380, s26;
	s26 =	sor.u32 s19, s5;
	v16 =	vld.idx.msk [tilespmem:v40+s4+$0x0], $0xffff;
	[tilespmem:s6+$0x0] =	vst v26  }
0x166: {  	v6 =	vadd.s32 $0x1380, v10;
	v26 =	vmov v22;
	v22 =	vadd.s32 $0x1180, v2;
	v15 =	vld.idx.msk [tilespmem:v15+s4+$0x0], $0xffff;
	[tilespmem:s26+$0x0] =	vst v59  }
0x167: {  	[tilespmem:$0x1FF00] =	vst v6;
	s9 =	sor.u32 s11, s24;
	v17 =	vld.idx.msk [tilespmem:v17+s4+$0x0], $0xffff  }
0x168: {  	s24 =	sor.u32 s22, s12;
	v40 =	vmovc v37;
	v37 =	vmovc v41;
	s14 =	sor.u32 s18, s5;
	v41 =	vmov v36;
	v36 =	vmov v23;
	v23 =	vadd.s32 $0x3300, v0;
	s5 =	sadd.s32 $0x5B00, s23;
	v6 =	vld.idx.msk [tilespmem:v4+s4+$0x0], $0xffff;
	[tilespmem:s9+$0x0] =	vst v63  }
0x169: {  	s26 =	sor.u32 s21, s5;
	v11 =	vld.idx.msk [tilespmem:v11+s4+$0x0], $0xffff;
	[tilespmem:s24+$0x0] =	vst v12  }
0x16a: {  	v9 =	vmov v13;
	v13 =	vadd.s32 $0x1100, v10;
	s12 =	sor.u32 s15, s31;
	s31 =	sadd.s32 $0x7C80, s17;
	[tilespmem:s26+$0x0] =	vst v20;
	v12 =	vld.idx.msk [tilespmem:v48+s4+$0x0], $0xffff  }
0x16b: {  	s26 =	sor.u32 s16, s31;
	v48 =	vmov v13;
	v13 =	vld.idx.msk [tilespmem:v22+s4+$0x0], $0xffff  }
0x16c: {  	s25 =	sor.u32 s18, s30;
	[tilespmem:s26+$0x0] =	vst v21;
	v21 =	vld [tilespmem:$0x1FF90]  }
0x16d: {  	[tilespmem:s25+$0x0] =	vst v16;
	v16 =	vld.idx.msk [tilespmem:v23+s4+$0x0], $0xffff  }
0x16e: {  	v23 =	vld [tilespmem:$0x1FFE0];
	_ =	sdelay $0x2  }
0x16f: {  	v4 =	vmov v35;
	v35 =	vmov v24;
	v24 =	vor.u32 $0x100, v7  }
0x170: {  	[tilespmem:$0x1FF10] =	vst v9;
	v9 =	vor.u32 $0x100, v10  }
0x171: {  	[tilespmem:s6+$0x80] =	vst v15;
	v22 =	vmov v23  }
0x172: {  	v20 =	vadd.s32 $0x2280, v1;
	s26 =	sadd.s32 $0x6C00, s20;
	[tilespmem:$0x1FF90] =	vst v22  }
0x173: {  	v55 =	vmov v18;
	v18 =	vadd.s32 $0x2180, v10;
	v15 =	vadd.s32 $0x1200, v2;
	s25 =	sor.u32 s19, s26;
	v21 =	vld.idx.msk [tilespmem:v21+s4+$0x0], $0xffff;
	[tilespmem:s9+$0x80] =	vst v11  }
0x174: {  	s30 =	sor.u32 $0x300, s2;
	v22 =	vmov v18;
	v18 =	vld.idx.msk [tilespmem:v24+s4+$0x0], $0xffff;
	[tilespmem:s25+$0x0] =	vst v17;
	v17 =	vadd.s32 $0x3380, v0  }
0x175: {  	[tilespmem:$0x1FEC0] =	vst v14;
	s2 =	sadd.s32 $0x5B80, s23;
	s24 =	sor.u32 s22, s5;
	s5 =	sor.u32 s15, s31;
	v9 =	vld.idx.msk [tilespmem:v9+s4+$0x0], $0xffff  }
0x176: {  	s31 =	sor.u32 s18, s26;
	s26 =	sadd.s32 $0x7D00, s17;
	[tilespmem:s24+$0x0] =	vst v12;
	s25 =	sor.u32 s21, s2;
	v12 =	vld [tilespmem:$0x1FFB0]  }
0x177: {  	v14 =	vadd.s32 $0x1180, v10;
	v0 =	vmovc v1;
	v1 =	vmov v2;
	v2 =	vmov v7;
	v7 =	vld.idx.msk [tilespmem:v20+s4+$0x0], $0xffff;
	[tilespmem:s25+$0x0] =	vst v13;
	s25 =	sor.u32 s15, s26;
	s26 =	sor.u32 s16, s26  }
0x178: {  	v20 =	vmov v14;
	v14 =	vld.idx.msk [tilespmem:v15+s4+$0x0], $0xffff;
	[tilespmem:s26+$0x0] =	vst v16  }
0x179: {  	v15 =	vld.idx.msk [tilespmem:v17+s4+$0x0], $0xffff  }
0x17a: {  	v17 =	vld [tilespmem:$0x1FFA0];
	_ =	sdelay $0x3  }
0x17b: {  	v42 =	vor.u32 $0x180, v10  }
0x17c: {  	v12 =	vld.idx.msk [tilespmem:v12+s4+$0x0], $0xffff  }
0x17d: {  	[tilespmem:$0x1FFB0] =	vst v20;
	v20 =	vld [tilespmem:$0x1FFF0]  }
0x17e: {  	[tilespmem:s14+$0x0] =	vst v21  }
0x17f: {  	v17 =	vld.idx.msk [tilespmem:v17+s4+$0x0], $0xffff;
	[tilespmem:s9+$0x100] =	vst v9  }
0x180: {  	[tilespmem:$0x1FF50] =	vst v19;
	s24 =	sor.u32 s22, s2;
	v9 =	vld.idx.msk [tilespmem:v42+s4+$0x0], $0xffff  }
0x181: {  	v11 =	vor.u32 $0x180, v2;
	[tilespmem:s24+$0x0] =	vst v12;
	v12 =	vld [tilespmem:$0x1FFC0]  }
0x182: {  	v5 =	vmov v25;
	v13 =	vadd.s32 $0x2300, v0;
	[tilespmem:s6+$0x100] =	vst v18;
	v18 =	vmov v20  }
0x183: {  	[tilespmem:$0x1FF20] =	vst v5;
	v5 =	vor.u32 $0x300, v10;
	s2 =	smov.u32 s5;
	v16 =	vadd.s32 $0x1280, v1  }
0x184: {  	v19 =	vadd.s32 $0x2200, v10;
	[tilespmem:$0x1FEE0] =	vst v5;
	s5 =	smov.u32 s7;
	s7 =	smov.u32 s30;
	s30 =	sadd.s32 $0x6C80, s20  }
0x185: {  	[dreg:$0x6] =	wrdreg s25;
	s25 =	sor.u32 s19, s30;
	s26 =	sadd.s32 $0x5C00, s23;
	[tilespmem:$0x1FFA0] =	vst v18;
	v18 =	vmov v19  }
0x186: {  	v11 =	vld.idx.msk [tilespmem:v11+s4+$0x0], $0xffff;
	[tilespmem:s25+$0x0] =	vst v7;
	s25 =	sor.u32 s21, s26  }
0x187: {  	v5 =	vadd.s32 $0x1200, v10;
	v7 =	vld.idx.msk [tilespmem:v13+s4+$0x0], $0xffff;
	[tilespmem:s25+$0x0] =	vst v14;
	s14 =	sor.u32 s18, s30;
	s30 =	sadd.s32 $0x7D80, s17  }
0x188: {  	v61 =	vor.u32 $0x200, v10;
	s17 =	sor.u32 s16, s30;
	[tilespmem:$0x1FFF0] =	vst v18;
	v18 =	vmov v5;
	v5 =	vld.idx.msk [tilespmem:v16+s4+$0x0], $0xffff  }
0x189: {  	v56 =	vor.u32 $0x280, v10;
	v53 =	vor.u32 $0x380, v10;
	v51 =	vadd.s32 $0x1000, v10;
	[tilespmem:s17+$0x0] =	vst v15;
	v12 =	vld.idx.msk [tilespmem:v12+s4+$0x0], $0xffff  }
0x18a: {  	v49 =	vadd.s32 $0x1080, v10;
	v62 =	vadd.s32 $0x1280, v10;
	v58 =	vadd.s32 $0x1300, v10;
	[tilespmem:s31+$0x0] =	vst v17  }
0x18b: {  	v32 =	vmovc v30;
	v52 =	vadd.s32 $0x2000, v10;
	v50 =	vadd.s32 $0x2080, v10;
	v60 =	vadd.s32 $0x2380, v10;
	[tilespmem:s6+$0x180] =	vst v11;
	v42 =	vld.idx.msk [tilespmem:v43+s4+$0x0], $0xffff  }
0x18c: {  	v30 =	vadd.s32 $0x3100, v10;
	v25 =	vadd.s32 $0x3300, v10;
	v45 =	vmovc v38;
	v38 =	vmovc v47;
	v47 =	vadd.s32 $0x2100, v10;
	v11 =	vld.idx.msk [tilespmem:v44+s4+$0x0], $0xffff;
	[tilespmem:s9+$0x180] =	vst v9  }
0x18d: {  	v57 =	vadd.s32 $0x3080, v10;
	v8 =	vadd.s32 $0x2280, v10;
	v3 =	vadd.s32 $0x2300, v10;
	s24 =	sor.u32 s22, s26;
	v9 =	vld.idx.msk [tilespmem:v61+s4+$0x0], $0xffff  }
0x18e: {  	v59 =	vadd.s32 $0x3280, v10;
	v63 =	vadd.s32 $0x3200, v10;
	v13 =	vor.u32 $0x200, v2;
	[tilespmem:s24+$0x0] =	vst v12;
	v12 =	vld [tilespmem:$0x1FFD0]  }
0x18f: {  	[tilespmem:$0x1FF80] =	vst v4;
	v4 =	vadd.s32 $0x3180, v10;
	v10 =	vadd.s32 $0x3380, v10;
	v14 =	vadd.s32 $0x2380, v0;
	s25 =	sor.u32 s15, s30;
	s15 =	smov.u32 s18  }
0x190: {  	s18 =	smov.u32 s22;
	s16 =	smov.u32 s19;
	s19 =	smov.u32 s21;
	v15 =	vmov v10;
	v10 =	vadd.s32 $0x1300, v1  }
0x191: {  	s17 =	smov.u32 s20;
	s26 =	sadd.s32 $0x6D00, s20;
	s20 =	smov.u32 s23  }
0x192: {  	s22 =	smov.u32 s11;
	s11 =	sor.u32 s16, s26;
	s30 =	sadd.s32 $0x5C80, s20  }
0x193: {  	s23 =	smov.u32 s8;
	s8 =	sor.u32 s19, s30;
	v44 =	vmov v8;
	v8 =	vld.idx.msk [tilespmem:v13+s4+$0x0], $0xffff;
	[tilespmem:s11+$0x0] =	vst v7  }
0x194: {  	v13 =	vor.u32 $0x280, v2;
	v7 =	vld.idx.msk [tilespmem:v14+s4+$0x0], $0xffff;
	[tilespmem:s8+$0x0] =	vst v5  }
0x195: {  	s8 =	rddreg [dreg:$0x7];
	v10 =	vld.idx.msk [tilespmem:v10+s4+$0x0], $0xffff  }
0x196: {  	v12 =	vld.idx.msk [tilespmem:v12+s4+$0x0], $0xffff;
	[tilespmem:s8+$0x0] =	vst v6  }
0x197: {  	v5 =	vadd.s32 $0x3000, v0;
	[tilespmem:s14+$0x0] =	vst v11;
	v11 =	vld [tilespmem:$0x1FEB0]  }
0x198: {  	s21 =	smov.u32 s10;
	s10 =	sor.u32 s15, s26;
	s26 =	sadd.s32 $0x6D80, s17;
	[tilespmem:s6+$0x200] =	vst v8;
	v8 =	vld.idx.msk [tilespmem:v40+s4+$0x0], $0xffff  }
0x199: {  	v23 =	vmovc v4;
	v4 =	vadd.s32 $0x1380, v1;
	s14 =	smov.u32 s13;
	s13 =	sor.u32 s16, s26;
	v40 =	vmov v38;
	v38 =	vmov v3;
	v3 =	vld.idx.msk [tilespmem:v13+s4+$0x0], $0xffff  }
0x19a: {  	s31 =	sor.u32 s18, s30;
	s30 =	sadd.s32 $0x5D00, s20;
	v6 =	vld.idx.msk [tilespmem:v33+s4+$0x0], $0xffff;
	[tilespmem:s13+$0x0] =	vst v7  }
0x19b: {  	[tilespmem:s9+$0x200] =	vst v9;
	v9 =	vor.u32 $0x300, v2;
	s13 =	sor.u32 s19, s30  }
0x19c: {  	v5 =	vld.idx.msk [tilespmem:v5+s4+$0x0], $0xffff;
	[tilespmem:s13+$0x0] =	vst v10  }
0x19d: {  	v7 =	vld.idx.msk [tilespmem:v56+s4+$0x0], $0xffff;
	[tilespmem:s31+$0x0] =	vst v12  }
0x19e: {  	v4 =	vld.idx.msk [tilespmem:v4+s4+$0x0], $0xffff;
	s31 =	rddreg [dreg:$0x8];
	[tilespmem:s6+$0x280] =	vst v3  }
0x19f: {  	v10 =	vadd.s32 $0x3080, v0;
	v11 =	vld.idx.msk [tilespmem:v11+s4+$0x0], $0xffff;
	[tilespmem:s31+$0x0] =	vst v6  }
0x1a0: {  	v9 =	vld.idx.msk [tilespmem:v9+s4+$0x0], $0xffff;
	[tilespmem:s10+$0x0] =	vst v8  }
0x1a1: {  	s10 =	sadd.s32 $0x7A00, s17;
	v12 =	vld.idx.msk [tilespmem:v31+s4+$0x0], $0xffff  }
0x1a2: {  	s24 =	smov.u32 s3;
	v13 =	vld.idx.msk [tilespmem:v41+s4+$0x0], $0xffff;
	s3 =	sor.u32 s16, s10  }
0x1a3: {  	s11 =	sor.u32 s18, s30;
	s30 =	sadd.s32 $0x5D80, s20;
	[tilespmem:s3+$0x0] =	vst v5;
	v5 =	vld [tilespmem:$0x1FEE0]  }
0x1a4: {  	[tilespmem:s9+$0x280] =	vst v7;
	s9 =	sor.u32 s19, s30;
	v56 =	vld.idx.msk [tilespmem:v10+s4+$0x0], $0xffff  }
0x1a5: {  	[tilespmem:s9+$0x0] =	vst v4;
	v4 =	vld [tilespmem:$0x1FF00];
	_ =	sdelay $0x1  }
0x1a6: {  	v3 =	vadd.s32 $0x2000, v1;
	_ =	sdelay $0x2  }
0x1a7: {  	v43 =	vmov v46;
	v46 =	vmov v4;
	v4 =	vld [tilespmem:$0x1FF60]  }
0x1a8: {  	v7 =	vld.idx.msk [tilespmem:v5+s4+$0x0], $0xffff  }
0x1a9: {  	v5 =	vld.idx.msk [tilespmem:v3+s4+$0x0], $0xffff  }
0x1aa: {  	v3 =	vld [tilespmem:$0x1FF40];
	_ =	sdelay $0x1  }
0x1ab: {  	[tilespmem:$0x1FFE0] =	vst v22  }
0x1ac: {  	v24 =	vmov v36;
	v36 =	vmov v28;
	v28 =	vld [tilespmem:$0x1FF30];
	v14 =	vmov v62;
	[tilespmem:s11+$0x0] =	vst v11  }
0x1ad: {  	s8 =	sor.u32 s15, s26;
	v6 =	vld.idx.msk [tilespmem:v54+s4+$0x0], $0xffff;
	[tilespmem:s12+$0x0] =	vst v12  }
0x1ae: {  	v22 =	vmov v39;
	v39 =	vld [tilespmem:$0x1FED0];
	[tilespmem:s8+$0x0] =	vst v13  }
0x1af: {  	[tilespmem:$0x1FFD0] =	vst v14;
	v14 =	vmov v55;
	v55 =	vld.idx.msk [tilespmem:v4+s4+$0x0], $0xffff  }
0x1b0: {  	v4 =	vld [tilespmem:$0x1FF70]  }
0x1b1: {  	s0 =	sadd.s32 $0x2, s0;
	s1 =	sadd.s32 $0x2, s1;
	v54 =	vld.idx.msk [tilespmem:v3+s4+$0x0], $0xffff  }
0x1b2: {  	p0 =	slt.u32 s0, $0x1E;
	s26 =	sand.u32 $0x7, s1;
	v3 =	vld [tilespmem:$0x1FF50]  }
.Ltmp0:
0x1b3: {  	v20 =	vmovc v29;
	v29 =	vmov v35;
	v35 =	vmov v37;
	v37 =	vmov v45;
	v45 =	vld [tilespmem:$0x1FEA0];
	s3 =	sshll.u32 s26, $0x4;
	(pc) =	sbr.rel @p0 .LBB2_3-.Ltmp0, $4  }
0x1b4: {  	v31 =	vld [tilespmem:$0x1FEC0];
	s3 =	sadd.s32 s29, s3  }
0x1b5: {  	v21 =	vmovc v63;
	v19 =	vmovc v59;
	v16 =	vmov v34;
	v34 =	vmov v60;
	v17 =	vmov v27;
	s3 =	sadd.s32 $0x10, s3;
	v11 =	vld [tilespmem:$0x1FEF0]  }
0x1b6: {  	[tilespmem:$0x1FFC0] =	vst v18;
	v27 =	vmovc v26;
	v61 =	vmovc v58;
	v58 =	vadd.s32 $0x3100, v0;
	v33 =	vmov v32;
	v32 =	vmov v57;
	s6 =	sor.u32 s18, s30;
	s31 =	sadd.s32 $0x7A80, s17;
	s3 =	sor.u32 $0x300, s3;
	v12 =	vld [tilespmem:$0x1FF10]  }
0x1b7: {  	v8 =	vor.u32 $0x380, v2;
	v41 =	vmovc v30;
	s13 =	sor.u32 s15, s10;
	s9 =	sor.u32 s15, s31;
	[tilespmem:s3+$0x4A00] =	vst v9;
	s3 =	sor.u32 s16, s31;
	v13 =	vld [tilespmem:$0x1FF20];
	v30 =	vmovc v4;
	v18 =	vmov v3;
	v3 =	vadd.s32 $0x2080, v1  }
0x1b8: {  	_ =	sdelay $0x3  }
0x1b9: {  	v4 =	vld.idx.msk [tilespmem:v8+s4+$0x0], $0xffff;
	[tilespmem:s7+$0x4A00] =	vst v7  }
0x1ba: {  	v59 =	vadd.s32 $0x1000, v2;
	v60 =	vld.idx.msk [tilespmem:v53+s4+$0x0], $0xffff;
	_ =	sdelay $0x1  }
0x1bb: {  	s0 =	sor.u32 s14, s29  }
0x1bc: {  	s0 =	sor.u32 $0x380, s0  }
0x1bd: {  	[tilespmem:s0+$0x4A00] =	vst v4  }
0x1be: {  	v4 =	vld.idx.msk [tilespmem:v59+s4+$0x0], $0xffff;
	[tilespmem:s5+$0x4A00] =	vst v60  }
0x1bf: {  	v62 =	vadd.s32 $0x1080, v2;
	v8 =	vld.idx.msk [tilespmem:v51+s4+$0x0], $0xffff;
	_ =	sdelay $0x1  }
0x1c0: {  	s30 =	sadd.s32 $0x5A00, s23  }
0x1c1: {  	s1 =	sor.u32 s21, s30  }
0x1c2: {  	s0 =	sor.u32 s22, s30;
	[tilespmem:s1+$0x0] =	vst v4  }
0x1c3: {  	v4 =	vld.idx.msk [tilespmem:v62+s4+$0x0], $0xffff;
	[tilespmem:s0+$0x0] =	vst v8  }
0x1c4: {  	v63 =	vadd.s32 $0x1100, v2;
	v8 =	vld.idx.msk [tilespmem:v49+s4+$0x0], $0xffff;
	_ =	sdelay $0x1  }
0x1c5: {  	s31 =	sadd.s32 $0x5A80, s23  }
0x1c6: {  	s5 =	sor.u32 s21, s31  }
0x1c7: {  	s0 =	sor.u32 s22, s31;
	[tilespmem:s5+$0x0] =	vst v4  }
0x1c8: {  	v4 =	vld.idx.msk [tilespmem:v63+s4+$0x0], $0xffff;
	[tilespmem:s0+$0x0] =	vst v8  }
0x1c9: {  	v8 =	vld.idx.msk [tilespmem:v48+s4+$0x0], $0xffff;
	_ =	sdelay $0x1  }
0x1ca: {  	s7 =	sadd.s32 $0x5B00, s23  }
0x1cb: {  	s8 =	sor.u32 s21, s7  }
0x1cc: {  	s0 =	sor.u32 s22, s7;
	[tilespmem:s8+$0x0] =	vst v4  }
0x1cd: {  	[tilespmem:s0+$0x0] =	vst v8  }
0x1ce: {  	v8 =	vld [tilespmem:$0x1FFB0];
	_ =	sdelay $0x1  }
0x1cf: {  	v26 =	vadd.s32 $0x1180, v2;
	_ =	sdelay $0x4  }
0x1d0: {  	v4 =	vld.idx.msk [tilespmem:v26+s4+$0x0], $0xffff  }
0x1d1: {  	v8 =	vld.idx.msk [tilespmem:v8+s4+$0x0], $0xffff;
	_ =	sdelay $0x1  }
0x1d2: {  	s10 =	sadd.s32 $0x5B80, s23  }
0x1d3: {  	s11 =	sor.u32 s21, s10  }
0x1d4: {  	s0 =	sor.u32 s22, s10;
	[tilespmem:s11+$0x0] =	vst v4  }
0x1d5: {  	[tilespmem:s0+$0x0] =	vst v8  }
0x1d6: {  	v8 =	vld [tilespmem:$0x1FFC0];
	_ =	sdelay $0x1  }
0x1d7: {  	v49 =	vadd.s32 $0x1200, v2;
	_ =	sdelay $0x4  }
0x1d8: {  	v4 =	vld.idx.msk [tilespmem:v49+s4+$0x0], $0xffff  }
0x1d9: {  	v8 =	vld.idx.msk [tilespmem:v8+s4+$0x0], $0xffff;
	_ =	sdelay $0x1  }
0x1da: {  	s12 =	sadd.s32 $0x5C00, s23  }
0x1db: {  	s14 =	sor.u32 s21, s12  }
0x1dc: {  	s0 =	sor.u32 s22, s12;
	[tilespmem:s14+$0x0] =	vst v4  }
0x1dd: {  	[tilespmem:s0+$0x0] =	vst v8  }
0x1de: {  	v8 =	vld [tilespmem:$0x1FFD0];
	_ =	sdelay $0x1  }
0x1df: {  	v51 =	vadd.s32 $0x1280, v2;
	_ =	sdelay $0x4  }
0x1e0: {  	v4 =	vld.idx.msk [tilespmem:v51+s4+$0x0], $0xffff  }
0x1e1: {  	v53 =	vadd.s32 $0x1300, v2;
	v8 =	vld.idx.msk [tilespmem:v8+s4+$0x0], $0xffff;
	_ =	sdelay $0x1  }
0x1e2: {  	s26 =	sadd.s32 $0x5C80, s23  }
0x1e3: {  	s28 =	sor.u32 s21, s26  }
0x1e4: {  	s0 =	sor.u32 s22, s26;
	[tilespmem:s28+$0x0] =	vst v4  }
0x1e5: {  	v4 =	vld.idx.msk [tilespmem:v53+s4+$0x0], $0xffff;
	[tilespmem:s0+$0x0] =	vst v8  }
0x1e6: {  	v57 =	vadd.s32 $0x1380, v2;
	v8 =	vld.idx.msk [tilespmem:v61+s4+$0x0], $0xffff;
	_ =	sdelay $0x1  }
0x1e7: {  	s29 =	sadd.s32 $0x5D00, s23  }
0x1e8: {  	s30 =	sor.u32 s21, s29  }
0x1e9: {  	[tilespmem:s30+$0x0] =	vst v4;
	s0 =	sor.u32 s22, s29  }
0x1ea: {  	v4 =	vld.idx.msk [tilespmem:v57+s4+$0x0], $0xffff;
	[tilespmem:s0+$0x0] =	vst v8  }
0x1eb: {  	v59 =	vadd.s32 $0x2000, v2;
	v8 =	vld.idx.msk [tilespmem:v46+s4+$0x0], $0xffff;
	_ =	sdelay $0x1  }
0x1ec: {  	s31 =	sadd.s32 $0x5D80, s23;
	[tilespmem:s6+$0x0] =	vst v6  }
0x1ed: {  	s5 =	sor.u32 s21, s31;
	v6 =	vld.idx.msk [tilespmem:v45+s4+$0x0], $0xffff  }
0x1ee: {  	[tilespmem:s5+$0x0] =	vst v4;
	s0 =	sor.u32 s22, s31  }
0x1ef: {  	v4 =	vld.idx.msk [tilespmem:v59+s4+$0x0], $0xffff;
	[tilespmem:s0+$0x0] =	vst v8  }
0x1f0: {  	v60 =	vadd.s32 $0x2080, v2;
	s7 =	sadd.s32 $0x6A00, s20;
	v8 =	vld.idx.msk [tilespmem:v52+s4+$0x0], $0xffff  }
0x1f1: {  	s1 =	sor.u32 s18, s7  }
0x1f2: {  	s8 =	sor.u32 s19, s7;
	s10 =	sadd.s32 $0x6A00, s23;
	[tilespmem:s1+$0x0] =	vst v6  }
0x1f3: {  	s11 =	sor.u32 s21, s10;
	[tilespmem:s8+$0x0] =	vst v5;
	v6 =	vld.idx.msk [tilespmem:v39+s4+$0x0], $0xffff  }
0x1f4: {  	v3 =	vld.idx.msk [tilespmem:v3+s4+$0x0], $0xffff;
	[tilespmem:s11+$0x0] =	vst v4;
	s0 =	sor.u32 s22, s10  }
0x1f5: {  	v61 =	vadd.s32 $0x2100, v1;
	v4 =	vld.idx.msk [tilespmem:v60+s4+$0x0], $0xffff;
	[tilespmem:s0+$0x0] =	vst v8  }
0x1f6: {  	v62 =	vadd.s32 $0x2100, v2;
	s12 =	sadd.s32 $0x6A80, s20;
	v8 =	vld.idx.msk [tilespmem:v50+s4+$0x0], $0xffff  }
0x1f7: {  	s1 =	sor.u32 s18, s12  }
0x1f8: {  	s14 =	sor.u32 s19, s12;
	s26 =	sadd.s32 $0x6A80, s23;
	[tilespmem:s1+$0x0] =	vst v6  }
0x1f9: {  	s28 =	sor.u32 s21, s26;
	[tilespmem:s14+$0x0] =	vst v3;
	v6 =	vld.idx.msk [tilespmem:v40+s4+$0x0], $0xffff  }
0x1fa: {  	v3 =	vld.idx.msk [tilespmem:v61+s4+$0x0], $0xffff;
	[tilespmem:s28+$0x0] =	vst v4;
	s0 =	sor.u32 s22, s26  }
0x1fb: {  	v4 =	vld.idx.msk [tilespmem:v62+s4+$0x0], $0xffff;
	[tilespmem:s0+$0x0] =	vst v8  }
0x1fc: {  	s29 =	sadd.s32 $0x6B00, s20;
	v8 =	vld.idx.msk [tilespmem:v47+s4+$0x0], $0xffff  }
0x1fd: {  	s1 =	sor.u32 s18, s29  }
0x1fe: {  	s30 =	sor.u32 s19, s29;
	[tilespmem:s1+$0x0] =	vst v6;
	s31 =	sadd.s32 $0x6B00, s23  }
0x1ff: {  	s6 =	sor.u32 s21, s31;
	[tilespmem:s30+$0x0] =	vst v3  }
0x200: {  	[tilespmem:s6+$0x0] =	vst v4;
	s0 =	sor.u32 s22, s31  }
0x201: {  	v6 =	vld [tilespmem:$0x1FF90];
	[tilespmem:s0+$0x0] =	vst v8  }
0x202: {  	v63 =	vadd.s32 $0x2180, v1;
	v8 =	vld [tilespmem:$0x1FFE0]  }
0x203: {  	v26 =	vadd.s32 $0x2180, v2;
	_ =	sdelay $0x3  }
0x204: {  	v3 =	vld.idx.msk [tilespmem:v63+s4+$0x0], $0xffff  }
0x205: {  	v39 =	vadd.s32 $0x2200, v1;
	v4 =	vld.idx.msk [tilespmem:v26+s4+$0x0], $0xffff  }
0x206: {  	v40 =	vadd.s32 $0x2200, v2;
	v6 =	vld.idx.msk [tilespmem:v6+s4+$0x0], $0xffff  }
0x207: {  	s7 =	sadd.s32 $0x6B80, s20;
	v8 =	vld.idx.msk [tilespmem:v8+s4+$0x0], $0xffff  }
0x208: {  	s8 =	sor.u32 s19, s7;
	s10 =	sadd.s32 $0x6B80, s23  }
0x209: {  	s11 =	sor.u32 s21, s10;
	[tilespmem:s8+$0x0] =	vst v3  }
0x20a: {  	s1 =	sor.u32 s18, s7;
	[tilespmem:s11+$0x0] =	vst v4;
	v3 =	vld.idx.msk [tilespmem:v39+s4+$0x0], $0xffff  }
0x20b: {  	s0 =	sor.u32 s22, s10;
	v4 =	vld.idx.msk [tilespmem:v40+s4+$0x0], $0xffff;
	[tilespmem:s1+$0x0] =	vst v6  }
0x20c: {  	v6 =	vld [tilespmem:$0x1FFA0];
	[tilespmem:s0+$0x0] =	vst v8  }
0x20d: {  	v45 =	vadd.s32 $0x2280, v1;
	v8 =	vld [tilespmem:$0x1FFF0]  }
0x20e: {  	v46 =	vadd.s32 $0x2280, v2  }
0x20f: {  	s12 =	sadd.s32 $0x6C00, s20  }
0x210: {  	s14 =	sor.u32 s19, s12;
	s26 =	sadd.s32 $0x6C00, s23  }
0x211: {  	s28 =	sor.u32 s21, s26;
	[tilespmem:s14+$0x0] =	vst v3  }
0x212: {  	[tilespmem:s28+$0x0] =	vst v4;
	v3 =	vld.idx.msk [tilespmem:v45+s4+$0x0], $0xffff  }
0x213: {  	v47 =	vadd.s32 $0x2300, v1;
	v4 =	vld.idx.msk [tilespmem:v46+s4+$0x0], $0xffff  }
0x214: {  	v48 =	vadd.s32 $0x2300, v2;
	v6 =	vld.idx.msk [tilespmem:v6+s4+$0x0], $0xffff  }
0x215: {  	s29 =	sadd.s32 $0x6C80, s20;
	v8 =	vld.idx.msk [tilespmem:v8+s4+$0x0], $0xffff  }
0x216: {  	s30 =	sor.u32 s19, s29;
	s31 =	sadd.s32 $0x6C80, s23  }
0x217: {  	s6 =	sor.u32 s21, s31;
	[tilespmem:s30+$0x0] =	vst v3  }
0x218: {  	s1 =	sor.u32 s18, s12;
	[tilespmem:s6+$0x0] =	vst v4;
	v3 =	vld.idx.msk [tilespmem:v47+s4+$0x0], $0xffff  }
0x219: {  	v49 =	vadd.s32 $0x2380, v1;
	s0 =	sor.u32 s22, s26;
	[tilespmem:s1+$0x0] =	vst v6;
	v50 =	vld.idx.msk [tilespmem:v48+s4+$0x0], $0xffff  }
0x21a: {  	v51 =	vadd.s32 $0x2380, v2;
	v6 =	vld.idx.msk [tilespmem:v43+s4+$0x0], $0xffff;
	[tilespmem:s0+$0x0] =	vst v8  }
0x21b: {  	s7 =	sadd.s32 $0x6D00, s20;
	v8 =	vld.idx.msk [tilespmem:v44+s4+$0x0], $0xffff  }
0x21c: {  	s10 =	sadd.s32 $0x6D00, s23;
	s8 =	sor.u32 s19, s7;
	[tilespmem:s3+$0x0] =	vst v56  }
0x21d: {  	s11 =	sor.u32 s21, s10;
	[tilespmem:s8+$0x0] =	vst v3  }
0x21e: {  	s1 =	sor.u32 s18, s29;
	[tilespmem:s11+$0x0] =	vst v50;
	v3 =	vld.idx.msk [tilespmem:v49+s4+$0x0], $0xffff  }
0x21f: {  	v52 =	vadd.s32 $0x3000, v1;
	[tilespmem:s1+$0x0] =	vst v6;
	s0 =	sor.u32 s22, s31;
	v5 =	vld.idx.msk [tilespmem:v51+s4+$0x0], $0xffff  }
0x220: {  	v53 =	vadd.s32 $0x3000, v2;
	v6 =	vld.idx.msk [tilespmem:v37+s4+$0x0], $0xffff;
	[tilespmem:s0+$0x0] =	vst v8  }
0x221: {  	s12 =	sadd.s32 $0x6D80, s20;
	[tilespmem:s2+$0x0] =	vst v54;
	v8 =	vld.idx.msk [tilespmem:v38+s4+$0x0], $0xffff  }
0x222: {  	s26 =	sadd.s32 $0x6D80, s23;
	s14 =	sor.u32 s19, s12;
	[tilespmem:s13+$0x0] =	vst v55  }
0x223: {  	s28 =	sor.u32 s21, s26;
	v9 =	vld.idx.msk [tilespmem:v58+s4+$0x0], $0xffff;
	[tilespmem:s14+$0x0] =	vst v3  }
0x224: {  	v54 =	vadd.s32 $0x3180, v0;
	s1 =	sor.u32 s18, s7;
	[tilespmem:s28+$0x0] =	vst v5;
	v4 =	vld.idx.msk [tilespmem:v52+s4+$0x0], $0xffff  }
0x225: {  	v10 =	vadd.s32 $0x3080, v1;
	[tilespmem:s1+$0x0] =	vst v6;
	s0 =	sor.u32 s22, s10;
	v5 =	vld.idx.msk [tilespmem:v53+s4+$0x0], $0xffff  }
0x226: {  	s2 =	sadd.s32 $0x7B00, s17;
	v56 =	vadd.s32 $0x3080, v2;
	v6 =	vld.idx.msk [tilespmem:v36+s4+$0x0], $0xffff;
	[tilespmem:s0+$0x0] =	vst v8  }
0x227: {  	[tilespmem:s24+$0x0] =	vst v42;
	s30 =	sor.u32 s16, s2;
	s31 =	sadd.s32 $0x7A00, s20;
	v8 =	vld.idx.msk [tilespmem:v34+s4+$0x0], $0xffff  }
0x228: {  	s5 =	sadd.s32 $0x7A00, s23;
	v57 =	vld.idx.msk [tilespmem:v31+s4+$0x0], $0xffff;
	[tilespmem:s30+$0x0] =	vst v9;
	s3 =	sor.u32 s19, s31  }
0x229: {  	s6 =	sor.u32 s21, s5;
	v3 =	vld.idx.msk [tilespmem:v54+s4+$0x0], $0xffff;
	[tilespmem:s3+$0x0] =	vst v4  }
0x22a: {  	[tilespmem:s6+$0x0] =	vst v5;
	s0 =	sor.u32 s18, s12;
	v4 =	vld.idx.msk [tilespmem:v10+s4+$0x0], $0xffff  }
0x22b: {  	s29 =	sor.u32 s22, s26;
	v5 =	vld.idx.msk [tilespmem:v56+s4+$0x0], $0xffff;
	[tilespmem:s0+$0x0] =	vst v6  }
0x22c: {  	s3 =	sadd.s32 $0x7B80, s17;
	v6 =	vld.idx.msk [tilespmem:v33+s4+$0x0], $0xffff;
	[tilespmem:s29+$0x0] =	vst v8  }
0x22d: {  	[tilespmem:s9+$0x0] =	vst v57;
	s10 =	sadd.s32 $0x7A80, s20;
	s8 =	sor.u32 s16, s3;
	v8 =	vld.idx.msk [tilespmem:v30+s4+$0x0], $0xffff  }
0x22e: {  	s11 =	sor.u32 s19, s10;
	s12 =	sadd.s32 $0x7A80, s23;
	[tilespmem:s8+$0x0] =	vst v3  }
0x22f: {  	s13 =	sor.u32 s21, s12;
	[tilespmem:s11+$0x0] =	vst v4  }
0x230: {  	s0 =	sor.u32 s18, s31;
	[tilespmem:s13+$0x0] =	vst v5  }
0x231: {  	s7 =	sor.u32 s22, s5;
	[tilespmem:s0+$0x0] =	vst v6  }
0x232: {  	[tilespmem:s7+$0x0] =	vst v8  }
0x233: {  	v58 =	vadd.s32 $0x3100, v1;
	v5 =	vld [tilespmem:$0x1FF80]  }
0x234: {  	v59 =	vadd.s32 $0x3100, v2;
	v6 =	vld.idx.msk [tilespmem:v11+s4+$0x0], $0xffff;
	_ =	sdelay $0x1  }
0x235: {  	v61 =	vld.idx.msk [tilespmem:v28+s4+$0x0], $0xffff  }
0x236: {  	v62 =	vadd.s32 $0x3200, v0;
	v60 =	vld.idx.msk [tilespmem:v32+s4+$0x0], $0xffff  }
0x237: {  	v63 =	vld.idx.msk [tilespmem:v58+s4+$0x0], $0xffff;
	s0 =	sor.u32 s18, s10  }
0x238: {  	v28 =	vld.idx.msk [tilespmem:v59+s4+$0x0], $0xffff;
	[tilespmem:s0+$0x0] =	vst v6  }
0x239: {  	v26 =	vadd.s32 $0x3180, v1;
	v30 =	vld.idx.msk [tilespmem:v35+s4+$0x0], $0xffff  }
0x23a: {  	s24 =	sadd.s32 $0x7B00, s20;
	v31 =	vadd.s32 $0x3180, v2;
	s14 =	sor.u32 s22, s12;
	v5 =	vld.idx.msk [tilespmem:v5+s4+$0x0], $0xffff  }
0x23b: {  	s28 =	sor.u32 s19, s24;
	v4 =	vld.idx.msk [tilespmem:v62+s4+$0x0], $0xffff;
	s29 =	sadd.s32 $0x7B00, s23;
	[tilespmem:s14+$0x0] =	vst v60  }
0x23c: {  	s30 =	sor.u32 s21, s29;
	s26 =	rddreg [dreg:$0x6];
	[tilespmem:s28+$0x0] =	vst v63  }
0x23d: {  	v33 =	vadd.s32 $0x3280, v0;
	s0 =	sor.u32 s18, s24;
	v32 =	vld.idx.msk [tilespmem:v41+s4+$0x0], $0xffff;
	[tilespmem:s30+$0x0] =	vst v28  }
0x23e: {  	s2 =	sor.u32 s15, s2;
	s31 =	sadd.s32 $0x7C00, s17;
	[tilespmem:s0+$0x0] =	vst v30;
	v34 =	vld.idx.msk [tilespmem:v26+s4+$0x0], $0xffff  }
0x23f: {  	v36 =	vadd.s32 $0x3200, v1;
	s6 =	sor.u32 s16, s31;
	v37 =	vld.idx.msk [tilespmem:v31+s4+$0x0], $0xffff;
	[tilespmem:s2+$0x0] =	vst v5  }
0x240: {  	v39 =	vadd.s32 $0x3200, v2;
	[tilespmem:s6+$0x0] =	vst v4;
	v35 =	vld.idx.msk [tilespmem:v29+s4+$0x0], $0xffff  }
0x241: {  	s5 =	sor.u32 s22, s29;
	s7 =	sadd.s32 $0x7B80, s20;
	[tilespmem:s26+$0x0] =	vst v61;
	v38 =	vld.idx.msk [tilespmem:v24+s4+$0x0], $0xffff  }
0x242: {  	s9 =	sadd.s32 $0x7B80, s23;
	s8 =	sor.u32 s19, s7;
	v41 =	vld.idx.msk [tilespmem:v33+s4+$0x0], $0xffff;
	[tilespmem:s5+$0x0] =	vst v32  }
0x243: {  	s10 =	sor.u32 s21, s9;
	v40 =	vld.idx.msk [tilespmem:v23+s4+$0x0], $0xffff;
	[tilespmem:s8+$0x0] =	vst v34  }
0x244: {  	s3 =	sor.u32 s15, s3;
	[tilespmem:s10+$0x0] =	vst v37;
	v43 =	vld.idx.msk [tilespmem:v36+s4+$0x0], $0xffff  }
0x245: {  	v44 =	vadd.s32 $0x3280, v1;
	s11 =	sadd.s32 $0x7C80, s17;
	s0 =	sor.u32 s18, s7;
	v3 =	vld.idx.msk [tilespmem:v39+s4+$0x0], $0xffff;
	[tilespmem:s3+$0x0] =	vst v35  }
0x246: {  	v46 =	vadd.s32 $0x3280, v2;
	s13 =	sor.u32 s16, s11;
	[tilespmem:s0+$0x0] =	vst v38;
	v10 =	vld.idx.msk [tilespmem:v27+s4+$0x0], $0xffff  }
0x247: {  	s12 =	sor.u32 s22, s9;
	s14 =	sadd.s32 $0x7C00, s20;
	v61 =	vld.idx.msk [tilespmem:v17+s4+$0x0], $0xffff;
	[tilespmem:s13+$0x0] =	vst v41  }
0x248: {  	v42 =	vadd.s32 $0x3300, v0;
	s24 =	sor.u32 s19, s14;
	s26 =	sadd.s32 $0x7C00, s23;
	v45 =	vld.idx.msk [tilespmem:v22+s4+$0x0], $0xffff;
	[tilespmem:s12+$0x0] =	vst v40  }
0x249: {  	s28 =	sor.u32 s21, s26;
	v47 =	vld.idx.msk [tilespmem:v21+s4+$0x0], $0xffff;
	[tilespmem:s24+$0x0] =	vst v43  }
0x24a: {  	s2 =	sor.u32 s15, s31;
	[tilespmem:s28+$0x0] =	vst v3;
	v49 =	vld.idx.msk [tilespmem:v44+s4+$0x0], $0xffff  }
0x24b: {  	v51 =	vadd.s32 $0x3300, v1;
	v3 =	vld.idx.msk [tilespmem:v46+s4+$0x0], $0xffff;
	[tilespmem:s2+$0x0] =	vst v10  }
0x24c: {  	v52 =	vadd.s32 $0x3300, v2;
	s0 =	sor.u32 s18, s14;
	[tilespmem:s25+$0x0] =	vst v61;
	v50 =	vld.idx.msk [tilespmem:v14+s4+$0x0], $0xffff  }
0x24d: {  	s30 =	sor.u32 s22, s26;
	s5 =	sadd.s32 $0x7C80, s20;
	v5 =	vld.idx.msk [tilespmem:v42+s4+$0x0], $0xffff;
	[tilespmem:s0+$0x0] =	vst v45  }
0x24e: {  	v48 =	vadd.s32 $0x3380, v0;
	s7 =	sadd.s32 $0x7C80, s23;
	s6 =	sor.u32 s19, s5;
	v4 =	vld.idx.msk [tilespmem:v18+s4+$0x0], $0xffff;
	[tilespmem:s30+$0x0] =	vst v47  }
0x24f: {  	s8 =	sor.u32 s21, s7;
	v53 =	vld.idx.msk [tilespmem:v19+s4+$0x0], $0xffff;
	[tilespmem:s6+$0x0] =	vst v49  }
0x250: {  	s29 =	sadd.s32 $0x7D00, s17;
	s3 =	sor.u32 s15, s11;
	[tilespmem:s8+$0x0] =	vst v3;
	v54 =	vld.idx.msk [tilespmem:v51+s4+$0x0], $0xffff  }
0x251: {  	v56 =	vadd.s32 $0x3380, v1;
	s31 =	sor.u32 s16, s29;
	v57 =	vld.idx.msk [tilespmem:v52+s4+$0x0], $0xffff;
	[tilespmem:s3+$0x0] =	vst v50  }
0x252: {  	v59 =	vadd.s32 $0x3380, v2;
	[tilespmem:s31+$0x0] =	vst v5;
	s0 =	sor.u32 s18, s5;
	v55 =	vld.idx.msk [tilespmem:v12+s4+$0x0], $0xffff  }
0x253: {  	s1 =	sor.u32 s22, s7;
	v0 =	vld.idx.msk [tilespmem:v48+s4+$0x0], $0xffff;
	s11 =	sadd.s32 $0x7D00, s20;
	[tilespmem:s0+$0x0] =	vst v4  }
0x254: {  	s13 =	sadd.s32 $0x7D00, s23;
	s12 =	sor.u32 s19, s11;
	v58 =	vld.idx.msk [tilespmem:v13+s4+$0x0], $0xffff;
	[tilespmem:s1+$0x0] =	vst v53  }
0x255: {  	s14 =	sor.u32 s21, s13;
	v60 =	vld.idx.msk [tilespmem:v25+s4+$0x0], $0xffff;
	[tilespmem:s12+$0x0] =	vst v54  }
0x256: {  	s9 =	sadd.s32 $0x7D80, s17;
	s2 =	sor.u32 s15, s29;
	[tilespmem:s14+$0x0] =	vst v57;
	v1 =	vld.idx.msk [tilespmem:v56+s4+$0x0], $0xffff  }
0x257: {  	s10 =	sor.u32 s16, s9;
	v2 =	vld.idx.msk [tilespmem:v59+s4+$0x0], $0xffff;
	[tilespmem:s2+$0x0] =	vst v55  }
0x258: {  	[tilespmem:s10+$0x0] =	vst v0;
	s1 =	sor.u32 s18, s11;
	v3 =	vld.idx.msk [tilespmem:v20+s4+$0x0], $0xffff  }
0x259: {  	s17 =	sadd.s32 $0x7D80, s20;
	s16 =	sor.u32 s22, s13;
	[tilespmem:s1+$0x0] =	vst v58  }
0x25a: {  	s24 =	sadd.s32 $0x7D80, s23;
	s20 =	sor.u32 s19, s17;
	[tilespmem:s16+$0x0] =	vst v60  }
0x25b: {  	s25 =	sor.u32 s21, s24;
	[tilespmem:s20+$0x0] =	vst v1  }
0x25c: {  	s0 =	sor.u32 s15, s9;
	v62 =	vld.idx.msk [tilespmem:v16+s4+$0x0], $0xffff;
	[tilespmem:s25+$0x0] =	vst v2  }
0x25d: {  	s26 =	rddreg [dreg:$0x2];
	v63 =	vld.idx.msk [tilespmem:v15+s4+$0x0], $0xffff;
	[tilespmem:s0+$0x0] =	vst v3  }
0x25e: {  	s28 =	simm.s32 $0x1000;
	s0 =	rddreg [dreg:$0xa]  }
0x25f: {  	s31 =	simm.s32 $0x1;
	s30 =	simm.s32 $0x4A00;
	s5 =	rddreg [dreg:$0xd]  }
0x260: {  	s1 =	sor.u32 s18, s17;
	s0 =	sadd.s32 s0, s5;
	s5 =	sadd.s32 $0x1, s5  }
0x261: {  	s2 =	sor.u32 s22, s24;
	[tilespmem:s1+$0x0] =	vst v62;
	s0 =	sshll.u32 s0, $0x9;
	p0 =	sne.s32 s5, $0x5  }
.Ltmp1:
0x262: {  	s29 =	simm.s32 $0x100000;
	[tilespmem:s2+$0x0] =	vst v63;
	s0 =	sadd.s32 s26, s0;
	(pc) =	sbr.rel @p0 .LBB2_2-.Ltmp1, $4  }
0x263: {  	[hbm4b:s0+s28] =	stream.strided.scatter [tilespmem:s30], [sflag:$0x1], $0x4000, s29, s28, $0x38;
	[tilespmem:$0x8A00] =	vst v63  }
0x264: {  	_ =	swait.ge [sflag:s31], $0x4000  }
0x265: {  	[sflag:s31] =	ssyncset.done $0x0  }
0x266: {  	[sflag:s31] =	ssyncadd.s32 $0xFFFFC000  }
0x267: {  	s1 =	rddreg [dreg:$0xc]  }
0x268: {  	s0 =	rddreg [dreg:$0xb];
	s1 =	sadd.s32 $0x1, s1  }
0x269: {  	p0 =	sne.s32 s1, s0  }
.Ltmp2:
0x26a: {  	_ = 	snop;
	(pc) =	sbr.rel @p0 .LBB2_1-.Ltmp2, $1  }
0x26b: {  	_ =	sdelay $0x3  }
0x26c: {  	_ =	sfence.sel $0x180000  }
0x26d: {  	[bflag:$0x0] =	sbarrier.arrive $0xFFFF  }
0x26e: {  	_ =	strace $0x90000047  }
0x26f: {  	s0 =	stileid.u32;
	[bflag:$0x2] =	sbarrier.arrive $0xFFFF  }
0x270: {  	p0 =	sne.s32 s0, $0x0;
	s0 =	rddreg [dreg:$0x3]  }
0x271: {  	s0 =	sadd.s32 @!p0 $0x100000, s0  }
0x272: {  	[sflag:s0] =	ssyncadd.tile.s32 @!p0 $0x1;
	_ =	shalt  }
.Lfunc_end2:
_tile_overlayer_lowered:
.L_overlay_start_2:
0x273: {  	(tag) =	ssettag $0x2  }
0x274: {  	s0 =	rddreg [dreg:$0x0];
	s2 =	stileid.u32  }
0x275: {  	s1 =	rddreg [dreg:$0x1];
	p0 =	sne.s32 s2, $0x0  }
0x276: {  	s3 =	rddreg [dreg:$0x2];
	[bflag:$0x3] =	sbarrier.arrive $0xFFFF;
	s2 =	simm.s32 @!p0 $0x1C01  }
0x277: {  	[timem:s3], [sflag:s2] =	dma.local @!p0 [hbm:s0], s1  }
0x278: {  	s0 =	simm.s32 @!p0 $0x1  }
0x279: {  	_ =	swait.ge @!p0 [sflag:s0], s1  }
0x27a: {  	s1 =	ssub.s32 @!p0 $0x0, s1;
	[sflag:s0] =	ssyncset.done @!p0 $0x0  }
0x27b: {  	[sflag:s0] =	ssyncadd.s32 @!p0 s1  }
0x27c: {  	[bflag:$0x3] =	sbarrier.arrive $0xFFFF  }
0x27d: {  	_ =	shalt  }

</sc_bundles>
